<compile_context>
chip_gen: v7x
topology: tpu7x:2x2x1
jax: 0.10.2.dev20260603
libtpu: 0.0.44.dev20260713+nightly
codegen_flags: <defaults>
</compile_context>

<pallas_src>
import functools

import jax
import jax.numpy as jnp
from jax import lax
from jax.experimental import pallas as pl
from jax.experimental.pallas import tpu as pltpu
from jax.experimental.pallas import tpu_sc as plsc

B = 16384
D = 128
K = 5
L = 16
NC = 2
NS = 16
NW = NC * NS
BPW = B // NW
C = 64
NCHUNK = BPW // C
NV = D // L
SCORES = K + 1
SW = SCORES * L
SWP = SW + 1

_LOG1P = (2.2159764512252877e-07, 0.9999702572822571, -0.4993339478969574,
          0.327511727809906, -0.22396689653396606, 0.13198965787887573,
          -0.053267478942871094, 0.010243828408420086)


def _log_sigmoid(s):
    y = jnp.exp(-jnp.abs(s))
    p = _LOG1P[7] * y + _LOG1P[6]
    for c in _LOG1P[5::-1]:
        p = p * y + c
    return jnp.minimum(s, 0.0) - p


def _sc_loss_kernel(vi_hbm, vj_hbm, vn_hbm, emb_hbm, ctx_hbm, out_hbm,
                    idx_i, idx_j, idx_n,
                    rows_i0, rows_j0, rows_n0,
                    rows_i1, rows_j1, rows_n1,
                    acc, stage, gbuf, shared, sem0, sem1):
    cid = lax.axis_index("c")
    sid = lax.axis_index("s")
    wid = sid * NC + cid
    base = wid * BPW

    pltpu.sync_copy(vi_hbm.at[pl.ds(base, BPW)], idx_i)
    pltpu.sync_copy(vj_hbm.at[pl.ds(base, BPW)], idx_j)
    pltpu.sync_copy(vn_hbm.at[pl.ds(base * K, BPW * K)], idx_n)

    bufs = ((rows_i0, rows_j0, rows_n0, sem0),
            (rows_i1, rows_j1, rows_n1, sem1))

    def copies(ci, parity):
        ri, rj, rn, sem = bufs[parity]
        o = ci * C
        cps = [
            (emb_hbm.at[idx_i.at[pl.ds(o, C)]], ri, sem),
            (ctx_hbm.at[idx_j.at[pl.ds(o, C)]], rj, sem),
        ]
        for s, n in ((0, 128), (128, 128), (256, 64)):
            cps.append((ctx_hbm.at[idx_n.at[pl.ds(o * K + s, n)]],
                        rn.at[pl.ds(s, n), :], sem))
        return cps

    def fire(ci, parity):
        for src, dst, sem in copies(ci, parity):
            pltpu.async_copy(src, dst, sem)

    def drain(ci, parity):
        for src, dst, sem in copies(ci, parity):
            pltpu.make_async_copy(src, dst, sem).wait()

    iota16 = lax.iota(jnp.int32, L)
    zeros16 = iota16 * 0

    def compute(parity, tot):
        ri, rj, rn, _ = bufs[parity]

        def tree_dot(u, ref, row):
            ps = [u[l] * ref[row, pl.ds(L * l, L)] for l in range(NV)]
            while len(ps) > 1:
                ps = [a + b for a, b in zip(ps[::2], ps[1::2])]
            return ps[0]

        @plsc.parallel_loop(0, C, unroll=4)
        def _stage_a(e):
            u = [ri[e, pl.ds(L * l, L)] for l in range(NV)]
            acc[e, pl.ds(0, L)] = tree_dot(u, rj, e)
            for k in range(K):
                acc[e, pl.ds(L * (k + 1), L)] = tree_dot(u, rn, K * e + k)

        @plsc.parallel_loop(0, C // L, unroll=2, carry=tot)
        def tot(g, tot2):
            rowidx = iota16 + g * L
            for j in range(SCORES):
                gs = [plsc.load_gather(acc, [rowidx, zeros16 + (L * j + l)])
                      for l in range(L)]
                while len(gs) > 1:
                    gs = [a + b for a, b in zip(gs[::2], gs[1::2])]
                tot2 = tot2 + _log_sigmoid(gs[0] if j == 0 else -gs[0])
            return tot2
        return tot

    fire(0, 0)
    fire(1, 1)

    def pair_body(p, tot):
        ci = 2 * p
        drain(ci, 0)
        tot = compute(0, tot)

        @pl.when(ci + 2 < NCHUNK)
        def _prefetch0():
            fire(ci + 2, 0)

        drain(ci + 1, 1)
        tot = compute(1, tot)

        @pl.when(ci + 3 < NCHUNK)
        def _prefetch1():
            fire(ci + 3, 1)

        return tot

    tot = lax.fori_loop(0, NCHUNK // 2, pair_body,
                        jnp.zeros((L,), jnp.float32))

    stage[...] = tot * (-1.0 / B)
    pltpu.sync_copy(stage, shared.at[sid])
    plsc.subcore_barrier()

    @pl.when(sid == 0)
    def _reduce():
        pltpu.sync_copy(shared, gbuf)
        r = gbuf[0, :]
        for t in range(1, NS):
            r = r + gbuf[t, :]
        stage[...] = r
        pltpu.sync_copy(stage, out_hbm.at[cid])


@functools.cache
def _sc_loss():
    return pl.kernel(
        _sc_loss_kernel,
        out_type=jax.ShapeDtypeStruct((NC, L), jnp.float32),
        mesh=plsc.VectorSubcoreMesh(
            core_axis_name="c", subcore_axis_name="s",
            num_cores=NC, num_subcores=NS),
        compiler_params=pltpu.CompilerParams(
            needs_layout_passes=False, use_tc_tiling_on_sc=False),
        scratch_types=[
            pltpu.VMEM((BPW,), jnp.int32),
            pltpu.VMEM((BPW,), jnp.int32),
            pltpu.VMEM((BPW * K,), jnp.int32),
            pltpu.VMEM((C, D), jnp.float32),
            pltpu.VMEM((C, D), jnp.float32),
            pltpu.VMEM((C * K, D), jnp.float32),
            pltpu.VMEM((C, D), jnp.float32),
            pltpu.VMEM((C, D), jnp.float32),
            pltpu.VMEM((C * K, D), jnp.float32),
            pltpu.VMEM((C, SWP), jnp.float32),
            pltpu.VMEM((L,), jnp.float32),
            pltpu.VMEM((NS, L), jnp.float32),
            pltpu.VMEM_SHARED((NS, L), jnp.float32),
            pltpu.SemaphoreType.DMA,
            pltpu.SemaphoreType.DMA,
        ],
    )


def kernel(v_i, v_j, neg_samples, emb, ctx):
    vi = v_i.astype(jnp.int32)
    vj = v_j.astype(jnp.int32)
    vn = neg_samples.astype(jnp.int32).reshape(-1)
    partials = _sc_loss()(vi, vj, vn, emb, ctx)
    return jnp.sum(partials)

# --- scband reference (transcript-rebuilt; emitter-appended) ---
"""Pipeline reference for scband-line-62440234549613 (READ-ONLY COPY).

The authoritative reference and input builder live on the scoring server;
editing this copy changes nothing except your own understanding.
"""

import jax, jax.numpy as jnp
import numpy as np

SIZE = 1000000
LATENT_DIM = 128
BATCH = 16384
NEG = 5

def setup_inputs(seed: int = 0) -> dict:
    key = jax.random.key(seed)
    k1, k2, k3, k4, k5 = jax.random.split(key, 5)
    v_i = jax.random.randint(k1, (BATCH,), 0, SIZE, dtype=jnp.int64) if jax.config.read('jax_enable_x64') else jax.random.randint(k1, (BATCH,), 0, SIZE).astype(jnp.int32)
    v_j = jax.random.randint(k2, (BATCH,), 0, SIZE).astype(v_i.dtype)
    neg_samples = jax.random.randint(k3, (BATCH, NEG), 0, SIZE).astype(v_i.dtype)
    emb = (jax.random.uniform(k4, (SIZE, LATENT_DIM), dtype=jnp.float32, minval=-0.5, maxval=0.5) / LATENT_DIM)
    ctx = (jax.random.uniform(k5, (SIZE, LATENT_DIM), dtype=jnp.float32, minval=-0.5, maxval=0.5) / LATENT_DIM)
    return {"v_i": v_i, "v_j": v_j, "neg_samples": neg_samples, "emb": emb, "ctx": ctx}

def reference(v_i, v_j, neg_samples, emb, ctx):
    # order == 2: target embeddings from emb, context embeddings from ctx
    u_i = jnp.take(emb, v_i, axis=0)                      # [B, D]
    u_j = jnp.take(ctx, v_j, axis=0)                      # [B, D]
    negative = -jnp.take(ctx, neg_samples, axis=0)        # [B, K, D]
    stage1 = jax.nn.log_sigmoid(jnp.sum(u_i * u_j, axis=1))            # [B]
    stage2 = u_i[:, None, :] * negative                                # [B, K, D]
    stage3 = jnp.sum(jax.nn.log_sigmoid(jnp.sum(stage2, axis=2)), axis=1)  # [B]
    return -jnp.mean(stage1 + stage3)

if __name__ == "__main__":
    import jax
    _d = setup_inputs()
    print(jax.jit(kernel)(*tuple(_d.values())))

</pallas_src>

<mosaic_0001>
#map = affine_map<(d0, d1) -> (0)>
#map1 = affine_map<(d0, d1) -> (0, 0)>
module attributes {stable_mosaic.version = 14 : i64} {
  func.func @_sc_loss_kernel(%arg0: i32, %arg1: i32, %arg2: memref<16384xi32, #tpu.memory_space<hbm>>, %arg3: memref<16384xi32, #tpu.memory_space<hbm>>, %arg4: memref<81920xi32, #tpu.memory_space<hbm>>, %arg5: memref<1000000x128xf32, #tpu.memory_space<hbm>>, %arg6: memref<1000000x128xf32, #tpu.memory_space<hbm>>, %arg7: memref<2x16xf32, #tpu.memory_space<hbm>>, %arg8: memref<512xi32, #tpu.memory_space<vmem>>, %arg9: memref<512xi32, #tpu.memory_space<vmem>>, %arg10: memref<2560xi32, #tpu.memory_space<vmem>>, %arg11: memref<64x128xf32, #tpu.memory_space<vmem>>, %arg12: memref<64x128xf32, #tpu.memory_space<vmem>>, %arg13: memref<320x128xf32, #tpu.memory_space<vmem>>, %arg14: memref<64x128xf32, #tpu.memory_space<vmem>>, %arg15: memref<64x128xf32, #tpu.memory_space<vmem>>, %arg16: memref<320x128xf32, #tpu.memory_space<vmem>>, %arg17: memref<64x97xf32, #tpu.memory_space<vmem>>, %arg18: memref<16xf32, #tpu.memory_space<vmem>>, %arg19: memref<16x16xf32, #tpu.memory_space<vmem>>, %arg20: memref<16x16xf32, #tpu.memory_space<vmem_shared>>, %arg21: memref<!tpu.dma_semaphore, #tpu.memory_space<semaphore_mem>>, %arg22: memref<!tpu.dma_semaphore, #tpu.memory_space<semaphore_mem>>) attributes {dimension_semantics = [#tpu.dimension_semantics<core_parallel>, #tpu.dimension_semantics<subcore_parallel>], iteration_bounds = array<i64: 2, 16>, scalar_prefetch = 0 : i64, scratch_operands = 15 : i64, tpu.core_type = #tpu.core_type<sc_vector_subcore>, window_params = [{transform_indices = #map}, {transform_indices = #map}, {transform_indices = #map}, {transform_indices = #map1}, {transform_indices = #map1}, {transform_indices = #map1}]} {
    %mul3A = arith.constant 2 : i32
    %mul3A_0 = arith.muli %arg1, %mul3A : i32
    %add3A = arith.addi %mul3A_0, %arg0 : i32
    %mul3A_1 = arith.constant 512 : i32
    %mul3A_2 = arith.muli %add3A, %mul3A_1 : i32
    "tpu.region"() ({
      %run_scoped3A = tpu.sem_alloc : memref<!tpu.dma_semaphore, #tpu.memory_space<semaphore_mem>>
      %dma_start3A_87 = tpu.memref_slice %arg2[%mul3A_2] : memref<16384xi32, #tpu.memory_space<hbm>> -> memref<512xi32, #tpu.memory_space<hbm>>
      %dma_start3A_88 = tpu.memref_slice %arg2[%mul3A_2] : memref<16384xi32, #tpu.memory_space<hbm>> -> memref<512xi32, #tpu.memory_space<hbm>>
      tpu.enqueue_dma source(%dma_start3A_88 : memref<512xi32, #tpu.memory_space<hbm>>) target(%arg8 : memref<512xi32, #tpu.memory_space<vmem>>) target_semaphore(%run_scoped3A : memref<!tpu.dma_semaphore, #tpu.memory_space<semaphore_mem>>)
      %dma_wait3A = tpu.memref_slice %arg2[%mul3A_2] : memref<16384xi32, #tpu.memory_space<hbm>> -> memref<512xi32, #tpu.memory_space<hbm>>
      %dma_wait3A_89 = tpu.memref_slice %arg2[%mul3A_2] : memref<16384xi32, #tpu.memory_space<hbm>> -> memref<512xi32, #tpu.memory_space<hbm>>
      tpu.wait_dma2 semaphore(%run_scoped3A : memref<!tpu.dma_semaphore, #tpu.memory_space<semaphore_mem>>) src(%dma_wait3A_89 : memref<512xi32, #tpu.memory_space<hbm>>) dst(%arg8 : memref<512xi32, #tpu.memory_space<vmem>>)
      tpu.yield
    }) : () -> ()
    "tpu.region"() ({
      %run_scoped3A = tpu.sem_alloc : memref<!tpu.dma_semaphore, #tpu.memory_space<semaphore_mem>>
      %dma_start3A_87 = tpu.memref_slice %arg3[%mul3A_2] : memref<16384xi32, #tpu.memory_space<hbm>> -> memref<512xi32, #tpu.memory_space<hbm>>
      %dma_start3A_88 = tpu.memref_slice %arg3[%mul3A_2] : memref<16384xi32, #tpu.memory_space<hbm>> -> memref<512xi32, #tpu.memory_space<hbm>>
      tpu.enqueue_dma source(%dma_start3A_88 : memref<512xi32, #tpu.memory_space<hbm>>) target(%arg9 : memref<512xi32, #tpu.memory_space<vmem>>) target_semaphore(%run_scoped3A : memref<!tpu.dma_semaphore, #tpu.memory_space<semaphore_mem>>)
      %dma_wait3A = tpu.memref_slice %arg3[%mul3A_2] : memref<16384xi32, #tpu.memory_space<hbm>> -> memref<512xi32, #tpu.memory_space<hbm>>
      %dma_wait3A_89 = tpu.memref_slice %arg3[%mul3A_2] : memref<16384xi32, #tpu.memory_space<hbm>> -> memref<512xi32, #tpu.memory_space<hbm>>
      tpu.wait_dma2 semaphore(%run_scoped3A : memref<!tpu.dma_semaphore, #tpu.memory_space<semaphore_mem>>) src(%dma_wait3A_89 : memref<512xi32, #tpu.memory_space<hbm>>) dst(%arg9 : memref<512xi32, #tpu.memory_space<vmem>>)
      tpu.yield
    }) : () -> ()
    %mul3A_3 = arith.constant 5 : i32
    %mul3A_4 = arith.muli %mul3A_2, %mul3A_3 : i32
    "tpu.region"() ({
      %run_scoped3A = tpu.sem_alloc : memref<!tpu.dma_semaphore, #tpu.memory_space<semaphore_mem>>
      %dma_start3A_87 = tpu.memref_slice %arg4[%mul3A_4] : memref<81920xi32, #tpu.memory_space<hbm>> -> memref<2560xi32, #tpu.memory_space<hbm>>
      %dma_start3A_88 = tpu.memref_slice %arg4[%mul3A_4] : memref<81920xi32, #tpu.memory_space<hbm>> -> memref<2560xi32, #tpu.memory_space<hbm>>
      tpu.enqueue_dma source(%dma_start3A_88 : memref<2560xi32, #tpu.memory_space<hbm>>) target(%arg10 : memref<2560xi32, #tpu.memory_space<vmem>>) target_semaphore(%run_scoped3A : memref<!tpu.dma_semaphore, #tpu.memory_space<semaphore_mem>>)
      %dma_wait3A = tpu.memref_slice %arg4[%mul3A_4] : memref<81920xi32, #tpu.memory_space<hbm>> -> memref<2560xi32, #tpu.memory_space<hbm>>
      %dma_wait3A_89 = tpu.memref_slice %arg4[%mul3A_4] : memref<81920xi32, #tpu.memory_space<hbm>> -> memref<2560xi32, #tpu.memory_space<hbm>>
      tpu.wait_dma2 semaphore(%run_scoped3A : memref<!tpu.dma_semaphore, #tpu.memory_space<semaphore_mem>>) src(%dma_wait3A_89 : memref<2560xi32, #tpu.memory_space<hbm>>) dst(%arg10 : memref<2560xi32, #tpu.memory_space<vmem>>)
      tpu.yield
    }) : () -> ()
    %iota3A = tpu.iota {dimensions = array<i32: 0>} : vector<16xi32>
    %mul3A_5 = arith.constant 0 : i32
    %mul3A_6 = vector.broadcast %mul3A_5 : i32 to vector<16xi32>
    %mul3A_7 = arith.muli %iota3A, %mul3A_6 : vector<16xi32>
    %dma_start3A = arith.constant 0 : i32
    %dma_start3A_8 = tpu.memref_slice %arg8[%dma_start3A] : memref<512xi32, #tpu.memory_space<vmem>> -> memref<64xi32, #tpu.memory_space<vmem>>
    %dma_start3A_9 = arith.constant 0 : i32
    %dma_start3A_10 = arith.constant 0 : i32
    %dma_start3A_11 = tpu.memref_slice %arg5[%dma_start3A_9, %dma_start3A_10] : memref<1000000x128xf32, #tpu.memory_space<hbm>> -> memref<1000000x128xf32, #tpu.memory_space<hbm>>
    tpu.enqueue_indirect_dma source(%dma_start3A_11 : memref<1000000x128xf32, #tpu.memory_space<hbm>>) target(%arg11 : memref<64x128xf32, #tpu.memory_space<vmem>>) offsets(%dma_start3A_8 : memref<64xi32, #tpu.memory_space<vmem>>) semaphore(%arg21 : memref<!tpu.dma_semaphore, #tpu.memory_space<semaphore_mem>>)
    %dma_start3A_12 = arith.constant 0 : i32
    %dma_start3A_13 = tpu.memref_slice %arg9[%dma_start3A_12] : memref<512xi32, #tpu.memory_space<vmem>> -> memref<64xi32, #tpu.memory_space<vmem>>
    %dma_start3A_14 = arith.constant 0 : i32
    %dma_start3A_15 = arith.constant 0 : i32
    %dma_start3A_16 = tpu.memref_slice %arg6[%dma_start3A_14, %dma_start3A_15] : memref<1000000x128xf32, #tpu.memory_space<hbm>> -> memref<1000000x128xf32, #tpu.memory_space<hbm>>
    tpu.enqueue_indirect_dma source(%dma_start3A_16 : memref<1000000x128xf32, #tpu.memory_space<hbm>>) target(%arg12 : memref<64x128xf32, #tpu.memory_space<vmem>>) offsets(%dma_start3A_13 : memref<64xi32, #tpu.memory_space<vmem>>) semaphore(%arg21 : memref<!tpu.dma_semaphore, #tpu.memory_space<semaphore_mem>>)
    %dma_start3A_17 = arith.constant 0 : i32
    %dma_start3A_18 = arith.constant 0 : i32
    %dma_start3A_19 = tpu.memref_slice %arg13[%dma_start3A_17, %dma_start3A_18] : memref<320x128xf32, #tpu.memory_space<vmem>> -> memref<128x128xf32, #tpu.memory_space<vmem>>
    %dma_start3A_20 = arith.constant 0 : i32
    %dma_start3A_21 = tpu.memref_slice %arg10[%dma_start3A_20] : memref<2560xi32, #tpu.memory_space<vmem>> -> memref<128xi32, #tpu.memory_space<vmem>>
    %dma_start3A_22 = arith.constant 0 : i32
    %dma_start3A_23 = arith.constant 0 : i32
    %dma_start3A_24 = tpu.memref_slice %arg6[%dma_start3A_22, %dma_start3A_23] : memref<1000000x128xf32, #tpu.memory_space<hbm>> -> memref<1000000x128xf32, #tpu.memory_space<hbm>>
    tpu.enqueue_indirect_dma source(%dma_start3A_24 : memref<1000000x128xf32, #tpu.memory_space<hbm>>) target(%dma_start3A_19 : memref<128x128xf32, #tpu.memory_space<vmem>>) offsets(%dma_start3A_21 : memref<128xi32, #tpu.memory_space<vmem>>) semaphore(%arg21 : memref<!tpu.dma_semaphore, #tpu.memory_space<semaphore_mem>>)
    %dma_start3A_25 = arith.constant 128 : i32
    %dma_start3A_26 = arith.constant 0 : i32
    %dma_start3A_27 = tpu.memref_slice %arg13[%dma_start3A_25, %dma_start3A_26] : memref<320x128xf32, #tpu.memory_space<vmem>> -> memref<128x128xf32, #tpu.memory_space<vmem>>
    %dma_start3A_28 = arith.constant 128 : i32
    %dma_start3A_29 = tpu.memref_slice %arg10[%dma_start3A_28] : memref<2560xi32, #tpu.memory_space<vmem>> -> memref<128xi32, #tpu.memory_space<vmem>>
    %dma_start3A_30 = arith.constant 0 : i32
    %dma_start3A_31 = arith.constant 0 : i32
    %dma_start3A_32 = tpu.memref_slice %arg6[%dma_start3A_30, %dma_start3A_31] : memref<1000000x128xf32, #tpu.memory_space<hbm>> -> memref<1000000x128xf32, #tpu.memory_space<hbm>>
    tpu.enqueue_indirect_dma source(%dma_start3A_32 : memref<1000000x128xf32, #tpu.memory_space<hbm>>) target(%dma_start3A_27 : memref<128x128xf32, #tpu.memory_space<vmem>>) offsets(%dma_start3A_29 : memref<128xi32, #tpu.memory_space<vmem>>) semaphore(%arg21 : memref<!tpu.dma_semaphore, #tpu.memory_space<semaphore_mem>>)
    %dma_start3A_33 = arith.constant 256 : i32
    %dma_start3A_34 = arith.constant 0 : i32
    %dma_start3A_35 = tpu.memref_slice %arg13[%dma_start3A_33, %dma_start3A_34] : memref<320x128xf32, #tpu.memory_space<vmem>> -> memref<64x128xf32, #tpu.memory_space<vmem>>
    %dma_start3A_36 = arith.constant 256 : i32
    %dma_start3A_37 = tpu.memref_slice %arg10[%dma_start3A_36] : memref<2560xi32, #tpu.memory_space<vmem>> -> memref<64xi32, #tpu.memory_space<vmem>>
    %dma_start3A_38 = arith.constant 0 : i32
    %dma_start3A_39 = arith.constant 0 : i32
    %dma_start3A_40 = tpu.memref_slice %arg6[%dma_start3A_38, %dma_start3A_39] : memref<1000000x128xf32, #tpu.memory_space<hbm>> -> memref<1000000x128xf32, #tpu.memory_space<hbm>>
    tpu.enqueue_indirect_dma source(%dma_start3A_40 : memref<1000000x128xf32, #tpu.memory_space<hbm>>) target(%dma_start3A_35 : memref<64x128xf32, #tpu.memory_space<vmem>>) offsets(%dma_start3A_37 : memref<64xi32, #tpu.memory_space<vmem>>) semaphore(%arg21 : memref<!tpu.dma_semaphore, #tpu.memory_space<semaphore_mem>>)
    %dma_start3A_41 = arith.constant 64 : i32
    %dma_start3A_42 = tpu.memref_slice %arg8[%dma_start3A_41] : memref<512xi32, #tpu.memory_space<vmem>> -> memref<64xi32, #tpu.memory_space<vmem>>
    %dma_start3A_43 = arith.constant 0 : i32
    %dma_start3A_44 = arith.constant 0 : i32
    %dma_start3A_45 = tpu.memref_slice %arg5[%dma_start3A_43, %dma_start3A_44] : memref<1000000x128xf32, #tpu.memory_space<hbm>> -> memref<1000000x128xf32, #tpu.memory_space<hbm>>
    tpu.enqueue_indirect_dma source(%dma_start3A_45 : memref<1000000x128xf32, #tpu.memory_space<hbm>>) target(%arg14 : memref<64x128xf32, #tpu.memory_space<vmem>>) offsets(%dma_start3A_42 : memref<64xi32, #tpu.memory_space<vmem>>) semaphore(%arg22 : memref<!tpu.dma_semaphore, #tpu.memory_space<semaphore_mem>>)
    %dma_start3A_46 = arith.constant 64 : i32
    %dma_start3A_47 = tpu.memref_slice %arg9[%dma_start3A_46] : memref<512xi32, #tpu.memory_space<vmem>> -> memref<64xi32, #tpu.memory_space<vmem>>
    %dma_start3A_48 = arith.constant 0 : i32
    %dma_start3A_49 = arith.constant 0 : i32
    %dma_start3A_50 = tpu.memref_slice %arg6[%dma_start3A_48, %dma_start3A_49] : memref<1000000x128xf32, #tpu.memory_space<hbm>> -> memref<1000000x128xf32, #tpu.memory_space<hbm>>
    tpu.enqueue_indirect_dma source(%dma_start3A_50 : memref<1000000x128xf32, #tpu.memory_space<hbm>>) target(%arg15 : memref<64x128xf32, #tpu.memory_space<vmem>>) offsets(%dma_start3A_47 : memref<64xi32, #tpu.memory_space<vmem>>) semaphore(%arg22 : memref<!tpu.dma_semaphore, #tpu.memory_space<semaphore_mem>>)
    %dma_start3A_51 = arith.constant 0 : i32
    %dma_start3A_52 = arith.constant 0 : i32
    %dma_start3A_53 = tpu.memref_slice %arg16[%dma_start3A_51, %dma_start3A_52] : memref<320x128xf32, #tpu.memory_space<vmem>> -> memref<128x128xf32, #tpu.memory_space<vmem>>
    %dma_start3A_54 = arith.constant 320 : i32
    %dma_start3A_55 = tpu.memref_slice %arg10[%dma_start3A_54] : memref<2560xi32, #tpu.memory_space<vmem>> -> memref<128xi32, #tpu.memory_space<vmem>>
    %dma_start3A_56 = arith.constant 0 : i32
    %dma_start3A_57 = arith.constant 0 : i32
    %dma_start3A_58 = tpu.memref_slice %arg6[%dma_start3A_56, %dma_start3A_57] : memref<1000000x128xf32, #tpu.memory_space<hbm>> -> memref<1000000x128xf32, #tpu.memory_space<hbm>>
    tpu.enqueue_indirect_dma source(%dma_start3A_58 : memref<1000000x128xf32, #tpu.memory_space<hbm>>) target(%dma_start3A_53 : memref<128x128xf32, #tpu.memory_space<vmem>>) offsets(%dma_start3A_55 : memref<128xi32, #tpu.memory_space<vmem>>) semaphore(%arg22 : memref<!tpu.dma_semaphore, #tpu.memory_space<semaphore_mem>>)
    %dma_start3A_59 = arith.constant 128 : i32
    %dma_start3A_60 = arith.constant 0 : i32
    %dma_start3A_61 = tpu.memref_slice %arg16[%dma_start3A_59, %dma_start3A_60] : memref<320x128xf32, #tpu.memory_space<vmem>> -> memref<128x128xf32, #tpu.memory_space<vmem>>
    %dma_start3A_62 = arith.constant 448 : i32
    %dma_start3A_63 = tpu.memref_slice %arg10[%dma_start3A_62] : memref<2560xi32, #tpu.memory_space<vmem>> -> memref<128xi32, #tpu.memory_space<vmem>>
    %dma_start3A_64 = arith.constant 0 : i32
    %dma_start3A_65 = arith.constant 0 : i32
    %dma_start3A_66 = tpu.memref_slice %arg6[%dma_start3A_64, %dma_start3A_65] : memref<1000000x128xf32, #tpu.memory_space<hbm>> -> memref<1000000x128xf32, #tpu.memory_space<hbm>>
    tpu.enqueue_indirect_dma source(%dma_start3A_66 : memref<1000000x128xf32, #tpu.memory_space<hbm>>) target(%dma_start3A_61 : memref<128x128xf32, #tpu.memory_space<vmem>>) offsets(%dma_start3A_63 : memref<128xi32, #tpu.memory_space<vmem>>) semaphore(%arg22 : memref<!tpu.dma_semaphore, #tpu.memory_space<semaphore_mem>>)
    %dma_start3A_67 = arith.constant 256 : i32
    %dma_start3A_68 = arith.constant 0 : i32
    %dma_start3A_69 = tpu.memref_slice %arg16[%dma_start3A_67, %dma_start3A_68] : memref<320x128xf32, #tpu.memory_space<vmem>> -> memref<64x128xf32, #tpu.memory_space<vmem>>
    %dma_start3A_70 = arith.constant 576 : i32
    %dma_start3A_71 = tpu.memref_slice %arg10[%dma_start3A_70] : memref<2560xi32, #tpu.memory_space<vmem>> -> memref<64xi32, #tpu.memory_space<vmem>>
    %dma_start3A_72 = arith.constant 0 : i32
    %dma_start3A_73 = arith.constant 0 : i32
    %dma_start3A_74 = tpu.memref_slice %arg6[%dma_start3A_72, %dma_start3A_73] : memref<1000000x128xf32, #tpu.memory_space<hbm>> -> memref<1000000x128xf32, #tpu.memory_space<hbm>>
    tpu.enqueue_indirect_dma source(%dma_start3A_74 : memref<1000000x128xf32, #tpu.memory_space<hbm>>) target(%dma_start3A_69 : memref<64x128xf32, #tpu.memory_space<vmem>>) offsets(%dma_start3A_71 : memref<64xi32, #tpu.memory_space<vmem>>) semaphore(%arg22 : memref<!tpu.dma_semaphore, #tpu.memory_space<semaphore_mem>>)
    %broadcast_in_dim3A = arith.constant 0.000000e+00 : f32
    %broadcast_in_dim3A_75 = vector.broadcast %broadcast_in_dim3A : f32 to vector<16xf32>
    %scan3A = arith.constant 0 : i32
    %scan3A_76 = arith.constant 4 : i32
    %scan3A_77 = arith.addi %scan3A, %scan3A_76 : i32
    %scan3A_78 = arith.constant 1 : i32
    %scan3A_79 = scf.for %scan3A_87 = %scan3A to %scan3A_77 step %scan3A_78 iter_args(%scan3A_88 = %broadcast_in_dim3A_75) -> (vector<16xf32>)  : i32 {
      %mul3A_89 = arith.constant 2 : i32
      %mul3A_90 = arith.muli %mul3A_89, %scan3A_87 : i32
      %mul3A_91 = arith.constant 64 : i32
      %mul3A_92 = arith.muli %mul3A_90, %mul3A_91 : i32
      %mul3A_93 = arith.constant 5 : i32
      %mul3A_94 = arith.muli %mul3A_92, %mul3A_93 : i32
      %add3A_95 = arith.constant 0 : i32
      %add3A_96 = arith.addi %mul3A_94, %add3A_95 : i32
      %mul3A_97 = arith.constant 5 : i32
      %mul3A_98 = arith.muli %mul3A_92, %mul3A_97 : i32
      %add3A_99 = arith.constant 128 : i32
      %add3A_100 = arith.addi %mul3A_98, %add3A_99 : i32
      %mul3A_101 = arith.constant 5 : i32
      %mul3A_102 = arith.muli %mul3A_92, %mul3A_101 : i32
      %add3A_103 = arith.constant 256 : i32
      %add3A_104 = arith.addi %mul3A_102, %add3A_103 : i32
      %dma_wait3A = tpu.memref_slice %arg8[%mul3A_92] : memref<512xi32, #tpu.memory_space<vmem>> -> memref<64xi32, #tpu.memory_space<vmem>>
      %dma_wait3A_105 = arith.constant 0 : i32
      %dma_wait3A_106 = arith.constant 0 : i32
      %dma_wait3A_107 = tpu.memref_slice %arg5[%dma_wait3A_105, %dma_wait3A_106] : memref<1000000x128xf32, #tpu.memory_space<hbm>> -> memref<1000000x128xf32, #tpu.memory_space<hbm>>
      tpu.wait_indirect_dma semaphore(%arg21 : memref<!tpu.dma_semaphore, #tpu.memory_space<semaphore_mem>>) src(%dma_wait3A_107 : memref<1000000x128xf32, #tpu.memory_space<hbm>>) dst(%arg11 : memref<64x128xf32, #tpu.memory_space<vmem>>)
      %dma_wait3A_108 = tpu.memref_slice %arg9[%mul3A_92] : memref<512xi32, #tpu.memory_space<vmem>> -> memref<64xi32, #tpu.memory_space<vmem>>
      %dma_wait3A_109 = arith.constant 0 : i32
      %dma_wait3A_110 = arith.constant 0 : i32
      %dma_wait3A_111 = tpu.memref_slice %arg6[%dma_wait3A_109, %dma_wait3A_110] : memref<1000000x128xf32, #tpu.memory_space<hbm>> -> memref<1000000x128xf32, #tpu.memory_space<hbm>>
      tpu.wait_indirect_dma semaphore(%arg21 : memref<!tpu.dma_semaphore, #tpu.memory_space<semaphore_mem>>) src(%dma_wait3A_111 : memref<1000000x128xf32, #tpu.memory_space<hbm>>) dst(%arg12 : memref<64x128xf32, #tpu.memory_space<vmem>>)
      %dma_wait3A_112 = arith.constant 0 : i32
      %dma_wait3A_113 = arith.constant 0 : i32
      %dma_wait3A_114 = tpu.memref_slice %arg13[%dma_wait3A_112, %dma_wait3A_113] : memref<320x128xf32, #tpu.memory_space<vmem>> -> memref<128x128xf32, #tpu.memory_space<vmem>>
      %dma_wait3A_115 = tpu.memref_slice %arg10[%add3A_96] : memref<2560xi32, #tpu.memory_space<vmem>> -> memref<128xi32, #tpu.memory_space<vmem>>
      %dma_wait3A_116 = arith.constant 0 : i32
      %dma_wait3A_117 = arith.constant 0 : i32
      %dma_wait3A_118 = tpu.memref_slice %arg6[%dma_wait3A_116, %dma_wait3A_117] : memref<1000000x128xf32, #tpu.memory_space<hbm>> -> memref<1000000x128xf32, #tpu.memory_space<hbm>>
      tpu.wait_indirect_dma semaphore(%arg21 : memref<!tpu.dma_semaphore, #tpu.memory_space<semaphore_mem>>) src(%dma_wait3A_118 : memref<1000000x128xf32, #tpu.memory_space<hbm>>) dst(%dma_wait3A_114 : memref<128x128xf32, #tpu.memory_space<vmem>>)
      %dma_wait3A_119 = arith.constant 128 : i32
      %dma_wait3A_120 = arith.constant 0 : i32
      %dma_wait3A_121 = tpu.memref_slice %arg13[%dma_wait3A_119, %dma_wait3A_120] : memref<320x128xf32, #tpu.memory_space<vmem>> -> memref<128x128xf32, #tpu.memory_space<vmem>>
      %dma_wait3A_122 = tpu.memref_slice %arg10[%add3A_100] : memref<2560xi32, #tpu.memory_space<vmem>> -> memref<128xi32, #tpu.memory_space<vmem>>
      %dma_wait3A_123 = arith.constant 0 : i32
      %dma_wait3A_124 = arith.constant 0 : i32
      %dma_wait3A_125 = tpu.memref_slice %arg6[%dma_wait3A_123, %dma_wait3A_124] : memref<1000000x128xf32, #tpu.memory_space<hbm>> -> memref<1000000x128xf32, #tpu.memory_space<hbm>>
      tpu.wait_indirect_dma semaphore(%arg21 : memref<!tpu.dma_semaphore, #tpu.memory_space<semaphore_mem>>) src(%dma_wait3A_125 : memref<1000000x128xf32, #tpu.memory_space<hbm>>) dst(%dma_wait3A_121 : memref<128x128xf32, #tpu.memory_space<vmem>>)
      %dma_wait3A_126 = arith.constant 256 : i32
      %dma_wait3A_127 = arith.constant 0 : i32
      %dma_wait3A_128 = tpu.memref_slice %arg13[%dma_wait3A_126, %dma_wait3A_127] : memref<320x128xf32, #tpu.memory_space<vmem>> -> memref<64x128xf32, #tpu.memory_space<vmem>>
      %dma_wait3A_129 = tpu.memref_slice %arg10[%add3A_104] : memref<2560xi32, #tpu.memory_space<vmem>> -> memref<64xi32, #tpu.memory_space<vmem>>
      %dma_wait3A_130 = arith.constant 0 : i32
      %dma_wait3A_131 = arith.constant 0 : i32
      %dma_wait3A_132 = tpu.memref_slice %arg6[%dma_wait3A_130, %dma_wait3A_131] : memref<1000000x128xf32, #tpu.memory_space<hbm>> -> memref<1000000x128xf32, #tpu.memory_space<hbm>>
      tpu.wait_indirect_dma semaphore(%arg21 : memref<!tpu.dma_semaphore, #tpu.memory_space<semaphore_mem>>) src(%dma_wait3A_132 : memref<1000000x128xf32, #tpu.memory_space<hbm>>) dst(%dma_wait3A_128 : memref<64x128xf32, #tpu.memory_space<vmem>>)
      %parallel_loop3A = arith.constant 0 : i32
      %parallel_loop3A_133 = arith.constant 64 : i32
      %parallel_loop3A_134 = arith.constant 1 : i32
      scf.for %parallel_loop3A_204 = %parallel_loop3A to %parallel_loop3A_133 step %parallel_loop3A_134  : i32 {
        %parallel_loop3A_205 = arith.index_cast %parallel_loop3A_204 : i32 to index
        %parallel_loop3A_206 = arith.constant 0 : index
        %parallel_loop3A_207 = tpu.vector_load %arg11[%parallel_loop3A_205, %parallel_loop3A_206] {strides = array<i32>} : memref<64x128xf32, #tpu.memory_space<vmem>>, vector<16xf32>,
        %parallel_loop3A_208 = arith.index_cast %parallel_loop3A_204 : i32 to index
        %parallel_loop3A_209 = arith.constant 16 : index
        %parallel_loop3A_210 = tpu.vector_load %arg11[%parallel_loop3A_208, %parallel_loop3A_209] {strides = array<i32>} : memref<64x128xf32, #tpu.memory_space<vmem>>, vector<16xf32>,
        %parallel_loop3A_211 = arith.index_cast %parallel_loop3A_204 : i32 to index
        %parallel_loop3A_212 = arith.constant 32 : index
        %parallel_loop3A_213 = tpu.vector_load %arg11[%parallel_loop3A_211, %parallel_loop3A_212] {strides = array<i32>} : memref<64x128xf32, #tpu.memory_space<vmem>>, vector<16xf32>,
        %parallel_loop3A_214 = arith.index_cast %parallel_loop3A_204 : i32 to index
        %parallel_loop3A_215 = arith.constant 48 : index
        %parallel_loop3A_216 = tpu.vector_load %arg11[%parallel_loop3A_214, %parallel_loop3A_215] {strides = array<i32>} : memref<64x128xf32, #tpu.memory_space<vmem>>, vector<16xf32>,
        %parallel_loop3A_217 = arith.index_cast %parallel_loop3A_204 : i32 to index
        %parallel_loop3A_218 = arith.constant 64 : index
        %parallel_loop3A_219 = tpu.vector_load %arg11[%parallel_loop3A_217, %parallel_loop3A_218] {strides = array<i32>} : memref<64x128xf32, #tpu.memory_space<vmem>>, vector<16xf32>,
        %parallel_loop3A_220 = arith.index_cast %parallel_loop3A_204 : i32 to index
        %parallel_loop3A_221 = arith.constant 80 : index
        %parallel_loop3A_222 = tpu.vector_load %arg11[%parallel_loop3A_220, %parallel_loop3A_221] {strides = array<i32>} : memref<64x128xf32, #tpu.memory_space<vmem>>, vector<16xf32>,
        %parallel_loop3A_223 = arith.index_cast %parallel_loop3A_204 : i32 to index
        %parallel_loop3A_224 = arith.constant 96 : index
        %parallel_loop3A_225 = tpu.vector_load %arg11[%parallel_loop3A_223, %parallel_loop3A_224] {strides = array<i32>} : memref<64x128xf32, #tpu.memory_space<vmem>>, vector<16xf32>,
        %parallel_loop3A_226 = arith.index_cast %parallel_loop3A_204 : i32 to index
        %parallel_loop3A_227 = arith.constant 112 : index
        %parallel_loop3A_228 = tpu.vector_load %arg11[%parallel_loop3A_226, %parallel_loop3A_227] {strides = array<i32>} : memref<64x128xf32, #tpu.memory_space<vmem>>, vector<16xf32>,
        %parallel_loop3A_229 = arith.index_cast %parallel_loop3A_204 : i32 to index
        %parallel_loop3A_230 = arith.constant 0 : index
        %parallel_loop3A_231 = tpu.vector_load %arg12[%parallel_loop3A_229, %parallel_loop3A_230] {strides = array<i32>} : memref<64x128xf32, #tpu.memory_space<vmem>>, vector<16xf32>,
        %parallel_loop3A_232 = arith.mulf %parallel_loop3A_207, %parallel_loop3A_231 : vector<16xf32>
        %parallel_loop3A_233 = arith.index_cast %parallel_loop3A_204 : i32 to index
        %parallel_loop3A_234 = arith.constant 16 : index
        %parallel_loop3A_235 = tpu.vector_load %arg12[%parallel_loop3A_233, %parallel_loop3A_234] {strides = array<i32>} : memref<64x128xf32, #tpu.memory_space<vmem>>, vector<16xf32>,
        %parallel_loop3A_236 = arith.mulf %parallel_loop3A_210, %parallel_loop3A_235 : vector<16xf32>
        %parallel_loop3A_237 = arith.index_cast %parallel_loop3A_204 : i32 to index
        %parallel_loop3A_238 = arith.constant 32 : index
        %parallel_loop3A_239 = tpu.vector_load %arg12[%parallel_loop3A_237, %parallel_loop3A_238] {strides = array<i32>} : memref<64x128xf32, #tpu.memory_space<vmem>>, vector<16xf32>,
        %parallel_loop3A_240 = arith.mulf %parallel_loop3A_213, %parallel_loop3A_239 : vector<16xf32>
        %parallel_loop3A_241 = arith.index_cast %parallel_loop3A_204 : i32 to index
        %parallel_loop3A_242 = arith.constant 48 : index
        %parallel_loop3A_243 = tpu.vector_load %arg12[%parallel_loop3A_241, %parallel_loop3A_242] {strides = array<i32>} : memref<64x128xf32, #tpu.memory_space<vmem>>, vector<16xf32>,
        %parallel_loop3A_244 = arith.mulf %parallel_loop3A_216, %parallel_loop3A_243 : vector<16xf32>
        %parallel_loop3A_245 = arith.index_cast %parallel_loop3A_204 : i32 to index
        %parallel_loop3A_246 = arith.constant 64 : index
        %parallel_loop3A_247 = tpu.vector_load %arg12[%parallel_loop3A_245, %parallel_loop3A_246] {strides = array<i32>} : memref<64x128xf32, #tpu.memory_space<vmem>>, vector<16xf32>,
        %parallel_loop3A_248 = arith.mulf %parallel_loop3A_219, %parallel_loop3A_247 : vector<16xf32>
        %parallel_loop3A_249 = arith.index_cast %parallel_loop3A_204 : i32 to index
        %parallel_loop3A_250 = arith.constant 80 : index
        %parallel_loop3A_251 = tpu.vector_load %arg12[%parallel_loop3A_249, %parallel_loop3A_250] {strides = array<i32>} : memref<64x128xf32, #tpu.memory_space<vmem>>, vector<16xf32>,
        %parallel_loop3A_252 = arith.mulf %parallel_loop3A_222, %parallel_loop3A_251 : vector<16xf32>
        %parallel_loop3A_253 = arith.index_cast %parallel_loop3A_204 : i32 to index
        %parallel_loop3A_254 = arith.constant 96 : index
        %parallel_loop3A_255 = tpu.vector_load %arg12[%parallel_loop3A_253, %parallel_loop3A_254] {strides = array<i32>} : memref<64x128xf32, #tpu.memory_space<vmem>>, vector<16xf32>,
        %parallel_loop3A_256 = arith.mulf %parallel_loop3A_225, %parallel_loop3A_255 : vector<16xf32>
        %parallel_loop3A_257 = arith.index_cast %parallel_loop3A_204 : i32 to index
        %parallel_loop3A_258 = arith.constant 112 : index
        %parallel_loop3A_259 = tpu.vector_load %arg12[%parallel_loop3A_257, %parallel_loop3A_258] {strides = array<i32>} : memref<64x128xf32, #tpu.memory_space<vmem>>, vector<16xf32>,
        %parallel_loop3A_260 = arith.mulf %parallel_loop3A_228, %parallel_loop3A_259 : vector<16xf32>
        %parallel_loop3A_261 = arith.addf %parallel_loop3A_232, %parallel_loop3A_236 : vector<16xf32>
        %parallel_loop3A_262 = arith.addf %parallel_loop3A_240, %parallel_loop3A_244 : vector<16xf32>
        %parallel_loop3A_263 = arith.addf %parallel_loop3A_248, %parallel_loop3A_252 : vector<16xf32>
        %parallel_loop3A_264 = arith.addf %parallel_loop3A_256, %parallel_loop3A_260 : vector<16xf32>
        %parallel_loop3A_265 = arith.addf %parallel_loop3A_261, %parallel_loop3A_262 : vector<16xf32>
        %parallel_loop3A_266 = arith.addf %parallel_loop3A_263, %parallel_loop3A_264 : vector<16xf32>
        %parallel_loop3A_267 = arith.addf %parallel_loop3A_265, %parallel_loop3A_266 : vector<16xf32>
        %parallel_loop3A_268 = arith.index_cast %parallel_loop3A_204 : i32 to index
        %parallel_loop3A_269 = arith.constant 0 : index
        %parallel_loop3A_270 = tpu.vector_load %arg17[%parallel_loop3A_268, %parallel_loop3A_269] {strides = array<i32>} : memref<64x97xf32, #tpu.memory_space<vmem>>, vector<16xf32>,
        tpu.vector_store %arg17[%parallel_loop3A_268, %parallel_loop3A_269], %parallel_loop3A_267 {strides = array<i32>} : memref<64x97xf32, #tpu.memory_space<vmem>>, vector<16xf32>,
        %parallel_loop3A_271 = arith.constant 5 : i32
        %parallel_loop3A_272 = arith.muli %parallel_loop3A_271, %parallel_loop3A_204 : i32
        %parallel_loop3A_273 = arith.constant 0 : i32
        %parallel_loop3A_274 = arith.addi %parallel_loop3A_272, %parallel_loop3A_273 : i32
        %parallel_loop3A_275 = arith.index_cast %parallel_loop3A_274 : i32 to index
        %parallel_loop3A_276 = arith.constant 0 : index
        %parallel_loop3A_277 = tpu.vector_load %arg13[%parallel_loop3A_275, %parallel_loop3A_276] {strides = array<i32>} : memref<320x128xf32, #tpu.memory_space<vmem>>, vector<16xf32>,
        %parallel_loop3A_278 = arith.mulf %parallel_loop3A_207, %parallel_loop3A_277 : vector<16xf32>
        %parallel_loop3A_279 = arith.index_cast %parallel_loop3A_274 : i32 to index
        %parallel_loop3A_280 = arith.constant 16 : index
        %parallel_loop3A_281 = tpu.vector_load %arg13[%parallel_loop3A_279, %parallel_loop3A_280] {strides = array<i32>} : memref<320x128xf32, #tpu.memory_space<vmem>>, vector<16xf32>,
        %parallel_loop3A_282 = arith.mulf %parallel_loop3A_210, %parallel_loop3A_281 : vector<16xf32>
        %parallel_loop3A_283 = arith.index_cast %parallel_loop3A_274 : i32 to index
        %parallel_loop3A_284 = arith.constant 32 : index
        %parallel_loop3A_285 = tpu.vector_load %arg13[%parallel_loop3A_283, %parallel_loop3A_284] {strides = array<i32>} : memref<320x128xf32, #tpu.memory_space<vmem>>, vector<16xf32>,
        %parallel_loop3A_286 = arith.mulf %parallel_loop3A_213, %parallel_loop3A_285 : vector<16xf32>
        %parallel_loop3A_287 = arith.index_cast %parallel_loop3A_274 : i32 to index
        %parallel_loop3A_288 = arith.constant 48 : index
        %parallel_loop3A_289 = tpu.vector_load %arg13[%parallel_loop3A_287, %parallel_loop3A_288] {strides = array<i32>} : memref<320x128xf32, #tpu.memory_space<vmem>>, vector<16xf32>,
        %parallel_loop3A_290 = arith.mulf %parallel_loop3A_216, %parallel_loop3A_289 : vector<16xf32>
        %parallel_loop3A_291 = arith.index_cast %parallel_loop3A_274 : i32 to index
        %parallel_loop3A_292 = arith.constant 64 : index
        %parallel_loop3A_293 = tpu.vector_load %arg13[%parallel_loop3A_291, %parallel_loop3A_292] {strides = array<i32>} : memref<320x128xf32, #tpu.memory_space<vmem>>, vector<16xf32>,
        %parallel_loop3A_294 = arith.mulf %parallel_loop3A_219, %parallel_loop3A_293 : vector<16xf32>
        %parallel_loop3A_295 = arith.index_cast %parallel_loop3A_274 : i32 to index
        %parallel_loop3A_296 = arith.constant 80 : index
        %parallel_loop3A_297 = tpu.vector_load %arg13[%parallel_loop3A_295, %parallel_loop3A_296] {strides = array<i32>} : memref<320x128xf32, #tpu.memory_space<vmem>>, vector<16xf32>,
        %parallel_loop3A_298 = arith.mulf %parallel_loop3A_222, %parallel_loop3A_297 : vector<16xf32>
        %parallel_loop3A_299 = arith.index_cast %parallel_loop3A_274 : i32 to index
        %parallel_loop3A_300 = arith.constant 96 : index
        %parallel_loop3A_301 = tpu.vector_load %arg13[%parallel_loop3A_299, %parallel_loop3A_300] {strides = array<i32>} : memref<320x128xf32, #tpu.memory_space<vmem>>, vector<16xf32>,
        %parallel_loop3A_302 = arith.mulf %parallel_loop3A_225, %parallel_loop3A_301 : vector<16xf32>
        %parallel_loop3A_303 = arith.index_cast %parallel_loop3A_274 : i32 to index
        %parallel_loop3A_304 = arith.constant 112 : index
        %parallel_loop3A_305 = tpu.vector_load %arg13[%parallel_loop3A_303, %parallel_loop3A_304] {strides = array<i32>} : memref<320x128xf32, #tpu.memory_space<vmem>>, vector<16xf32>,
        %parallel_loop3A_306 = arith.mulf %parallel_loop3A_228, %parallel_loop3A_305 : vector<16xf32>
        %parallel_loop3A_307 = arith.addf %parallel_loop3A_278, %parallel_loop3A_282 : vector<16xf32>
        %parallel_loop3A_308 = arith.addf %parallel_loop3A_286, %parallel_loop3A_290 : vector<16xf32>
        %parallel_loop3A_309 = arith.addf %parallel_loop3A_294, %parallel_loop3A_298 : vector<16xf32>
        %parallel_loop3A_310 = arith.addf %parallel_loop3A_302, %parallel_loop3A_306 : vector<16xf32>
        %parallel_loop3A_311 = arith.addf %parallel_loop3A_307, %parallel_loop3A_308 : vector<16xf32>
        %parallel_loop3A_312 = arith.addf %parallel_loop3A_309, %parallel_loop3A_310 : vector<16xf32>
        %parallel_loop3A_313 = arith.addf %parallel_loop3A_311, %parallel_loop3A_312 : vector<16xf32>
        %parallel_loop3A_314 = arith.index_cast %parallel_loop3A_204 : i32 to index
        %parallel_loop3A_315 = arith.constant 16 : index
        %parallel_loop3A_316 = tpu.vector_load %arg17[%parallel_loop3A_314, %parallel_loop3A_315] {strides = array<i32>} : memref<64x97xf32, #tpu.memory_space<vmem>>, vector<16xf32>,
        tpu.vector_store %arg17[%parallel_loop3A_314, %parallel_loop3A_315], %parallel_loop3A_313 {strides = array<i32>} : memref<64x97xf32, #tpu.memory_space<vmem>>, vector<16xf32>,
        %parallel_loop3A_317 = arith.constant 5 : i32
        %parallel_loop3A_318 = arith.muli %parallel_loop3A_317, %parallel_loop3A_204 : i32
        %parallel_loop3A_319 = arith.constant 1 : i32
        %parallel_loop3A_320 = arith.addi %parallel_loop3A_318, %parallel_loop3A_319 : i32
        %parallel_loop3A_321 = arith.index_cast %parallel_loop3A_320 : i32 to index
        %parallel_loop3A_322 = arith.constant 0 : index
        %parallel_loop3A_323 = tpu.vector_load %arg13[%parallel_loop3A_321, %parallel_loop3A_322] {strides = array<i32>} : memref<320x128xf32, #tpu.memory_space<vmem>>, vector<16xf32>,
        %parallel_loop3A_324 = arith.mulf %parallel_loop3A_207, %parallel_loop3A_323 : vector<16xf32>
        %parallel_loop3A_325 = arith.index_cast %parallel_loop3A_320 : i32 to index
        %parallel_loop3A_326 = arith.constant 16 : index
        %parallel_loop3A_327 = tpu.vector_load %arg13[%parallel_loop3A_325, %parallel_loop3A_326] {strides = array<i32>} : memref<320x128xf32, #tpu.memory_space<vmem>>, vector<16xf32>,
        %parallel_loop3A_328 = arith.mulf %parallel_loop3A_210, %parallel_loop3A_327 : vector<16xf32>
        %parallel_loop3A_329 = arith.index_cast %parallel_loop3A_320 : i32 to index
        %parallel_loop3A_330 = arith.constant 32 : index
        %parallel_loop3A_331 = tpu.vector_load %arg13[%parallel_loop3A_329, %parallel_loop3A_330] {strides = array<i32>} : memref<320x128xf32, #tpu.memory_space<vmem>>, vector<16xf32>,
        %parallel_loop3A_332 = arith.mulf %parallel_loop3A_213, %parallel_loop3A_331 : vector<16xf32>
        %parallel_loop3A_333 = arith.index_cast %parallel_loop3A_320 : i32 to index
        %parallel_loop3A_334 = arith.constant 48 : index
        %parallel_loop3A_335 = tpu.vector_load %arg13[%parallel_loop3A_333, %parallel_loop3A_334] {strides = array<i32>} : memref<320x128xf32, #tpu.memory_space<vmem>>, vector<16xf32>,
        %parallel_loop3A_336 = arith.mulf %parallel_loop3A_216, %parallel_loop3A_335 : vector<16xf32>
        %parallel_loop3A_337 = arith.index_cast %parallel_loop3A_320 : i32 to index
        %parallel_loop3A_338 = arith.constant 64 : index
        %parallel_loop3A_339 = tpu.vector_load %arg13[%parallel_loop3A_337, %parallel_loop3A_338] {strides = array<i32>} : memref<320x128xf32, #tpu.memory_space<vmem>>, vector<16xf32>,
        %parallel_loop3A_340 = arith.mulf %parallel_loop3A_219, %parallel_loop3A_339 : vector<16xf32>
        %parallel_loop3A_341 = arith.index_cast %parallel_loop3A_320 : i32 to index
        %parallel_loop3A_342 = arith.constant 80 : index
        %parallel_loop3A_343 = tpu.vector_load %arg13[%parallel_loop3A_341, %parallel_loop3A_342] {strides = array<i32>} : memref<320x128xf32, #tpu.memory_space<vmem>>, vector<16xf32>,
        %parallel_loop3A_344 = arith.mulf %parallel_loop3A_222, %parallel_loop3A_343 : vector<16xf32>
        %parallel_loop3A_345 = arith.index_cast %parallel_loop3A_320 : i32 to index
        %parallel_loop3A_346 = arith.constant 96 : index
        %parallel_loop3A_347 = tpu.vector_load %arg13[%parallel_loop3A_345, %parallel_loop3A_346] {strides = array<i32>} : memref<320x128xf32, #tpu.memory_space<vmem>>, vector<16xf32>,
        %parallel_loop3A_348 = arith.mulf %parallel_loop3A_225, %parallel_loop3A_347 : vector<16xf32>
        %parallel_loop3A_349 = arith.index_cast %parallel_loop3A_320 : i32 to index
        %parallel_loop3A_350 = arith.constant 112 : index
        %parallel_loop3A_351 = tpu.vector_load %arg13[%parallel_loop3A_349, %parallel_loop3A_350] {strides = array<i32>} : memref<320x128xf32, #tpu.memory_space<vmem>>, vector<16xf32>,
        %parallel_loop3A_352 = arith.mulf %parallel_loop3A_228, %parallel_loop3A_351 : vector<16xf32>
        %parallel_loop3A_353 = arith.addf %parallel_loop3A_324, %parallel_loop3A_328 : vector<16xf32>
        %parallel_loop3A_354 = arith.addf %parallel_loop3A_332, %parallel_loop3A_336 : vector<16xf32>
        %parallel_loop3A_355 = arith.addf %parallel_loop3A_340, %parallel_loop3A_344 : vector<16xf32>
        %parallel_loop3A_356 = arith.addf %parallel_loop3A_348, %parallel_loop3A_352 : vector<16xf32>
        %parallel_loop3A_357 = arith.addf %parallel_loop3A_353, %parallel_loop3A_354 : vector<16xf32>
        %parallel_loop3A_358 = arith.addf %parallel_loop3A_355, %parallel_loop3A_356 : vector<16xf32>
        %parallel_loop3A_359 = arith.addf %parallel_loop3A_357, %parallel_loop3A_358 : vector<16xf32>
        %parallel_loop3A_360 = arith.index_cast %parallel_loop3A_204 : i32 to index
        %parallel_loop3A_361 = arith.constant 32 : index
        %parallel_loop3A_362 = tpu.vector_load %arg17[%parallel_loop3A_360, %parallel_loop3A_361] {strides = array<i32>} : memref<64x97xf32, #tpu.memory_space<vmem>>, vector<16xf32>,
        tpu.vector_store %arg17[%parallel_loop3A_360, %parallel_loop3A_361], %parallel_loop3A_359 {strides = array<i32>} : memref<64x97xf32, #tpu.memory_space<vmem>>, vector<16xf32>,
        %parallel_loop3A_363 = arith.constant 5 : i32
        %parallel_loop3A_364 = arith.muli %parallel_loop3A_363, %parallel_loop3A_204 : i32
        %parallel_loop3A_365 = arith.constant 2 : i32
        %parallel_loop3A_366 = arith.addi %parallel_loop3A_364, %parallel_loop3A_365 : i32
        %parallel_loop3A_367 = arith.index_cast %parallel_loop3A_366 : i32 to index
        %parallel_loop3A_368 = arith.constant 0 : index
        %parallel_loop3A_369 = tpu.vector_load %arg13[%parallel_loop3A_367, %parallel_loop3A_368] {strides = array<i32>} : memref<320x128xf32, #tpu.memory_space<vmem>>, vector<16xf32>,
        %parallel_loop3A_370 = arith.mulf %parallel_loop3A_207, %parallel_loop3A_369 : vector<16xf32>
        %parallel_loop3A_371 = arith.index_cast %parallel_loop3A_366 : i32 to index
        %parallel_loop3A_372 = arith.constant 16 : index
        %parallel_loop3A_373 = tpu.vector_load %arg13[%parallel_loop3A_371, %parallel_loop3A_372] {strides = array<i32>} : memref<320x128xf32, #tpu.memory_space<vmem>>, vector<16xf32>,
        %parallel_loop3A_374 = arith.mulf %parallel_loop3A_210, %parallel_loop3A_373 : vector<16xf32>
        %parallel_loop3A_375 = arith.index_cast %parallel_loop3A_366 : i32 to index
        %parallel_loop3A_376 = arith.constant 32 : index
        %parallel_loop3A_377 = tpu.vector_load %arg13[%parallel_loop3A_375, %parallel_loop3A_376] {strides = array<i32>} : memref<320x128xf32, #tpu.memory_space<vmem>>, vector<16xf32>,
        %parallel_loop3A_378 = arith.mulf %parallel_loop3A_213, %parallel_loop3A_377 : vector<16xf32>
        %parallel_loop3A_379 = arith.index_cast %parallel_loop3A_366 : i32 to index
        %parallel_loop3A_380 = arith.constant 48 : index
        %parallel_loop3A_381 = tpu.vector_load %arg13[%parallel_loop3A_379, %parallel_loop3A_380] {strides = array<i32>} : memref<320x128xf32, #tpu.memory_space<vmem>>, vector<16xf32>,
        %parallel_loop3A_382 = arith.mulf %parallel_loop3A_216, %parallel_loop3A_381 : vector<16xf32>
        %parallel_loop3A_383 = arith.index_cast %parallel_loop3A_366 : i32 to index
        %parallel_loop3A_384 = arith.constant 64 : index
        %parallel_loop3A_385 = tpu.vector_load %arg13[%parallel_loop3A_383, %parallel_loop3A_384] {strides = array<i32>} : memref<320x128xf32, #tpu.memory_space<vmem>>, vector<16xf32>,
        %parallel_loop3A_386 = arith.mulf %parallel_loop3A_219, %parallel_loop3A_385 : vector<16xf32>
        %parallel_loop3A_387 = arith.index_cast %parallel_loop3A_366 : i32 to index
        %parallel_loop3A_388 = arith.constant 80 : index
        %parallel_loop3A_389 = tpu.vector_load %arg13[%parallel_loop3A_387, %parallel_loop3A_388] {strides = array<i32>} : memref<320x128xf32, #tpu.memory_space<vmem>>, vector<16xf32>,
        %parallel_loop3A_390 = arith.mulf %parallel_loop3A_222, %parallel_loop3A_389 : vector<16xf32>
        %parallel_loop3A_391 = arith.index_cast %parallel_loop3A_366 : i32 to index
        %parallel_loop3A_392 = arith.constant 96 : index
        %parallel_loop3A_393 = tpu.vector_load %arg13[%parallel_loop3A_391, %parallel_loop3A_392] {strides = array<i32>} : memref<320x128xf32, #tpu.memory_space<vmem>>, vector<16xf32>,
        %parallel_loop3A_394 = arith.mulf %parallel_loop3A_225, %parallel_loop3A_393 : vector<16xf32>
        %parallel_loop3A_395 = arith.index_cast %parallel_loop3A_366 : i32 to index
        %parallel_loop3A_396 = arith.constant 112 : index
        %parallel_loop3A_397 = tpu.vector_load %arg13[%parallel_loop3A_395, %parallel_loop3A_396] {strides = array<i32>} : memref<320x128xf32, #tpu.memory_space<vmem>>, vector<16xf32>,
        %parallel_loop3A_398 = arith.mulf %parallel_loop3A_228, %parallel_loop3A_397 : vector<16xf32>
        %parallel_loop3A_399 = arith.addf %parallel_loop3A_370, %parallel_loop3A_374 : vector<16xf32>
        %parallel_loop3A_400 = arith.addf %parallel_loop3A_378, %parallel_loop3A_382 : vector<16xf32>
        %parallel_loop3A_401 = arith.addf %parallel_loop3A_386, %parallel_loop3A_390 : vector<16xf32>
        %parallel_loop3A_402 = arith.addf %parallel_loop3A_394, %parallel_loop3A_398 : vector<16xf32>
        %parallel_loop3A_403 = arith.addf %parallel_loop3A_399, %parallel_loop3A_400 : vector<16xf32>
        %parallel_loop3A_404 = arith.addf %parallel_loop3A_401, %parallel_loop3A_402 : vector<16xf32>
        %parallel_loop3A_405 = arith.addf %parallel_loop3A_403, %parallel_loop3A_404 : vector<16xf32>
        %parallel_loop3A_406 = arith.index_cast %parallel_loop3A_204 : i32 to index
        %parallel_loop3A_407 = arith.constant 48 : index
        %parallel_loop3A_408 = tpu.vector_load %arg17[%parallel_loop3A_406, %parallel_loop3A_407] {strides = array<i32>} : memref<64x97xf32, #tpu.memory_space<vmem>>, vector<16xf32>,
        tpu.vector_store %arg17[%parallel_loop3A_406, %parallel_loop3A_407], %parallel_loop3A_405 {strides = array<i32>} : memref<64x97xf32, #tpu.memory_space<vmem>>, vector<16xf32>,
        %parallel_loop3A_409 = arith.constant 5 : i32
        %parallel_loop3A_410 = arith.muli %parallel_loop3A_409, %parallel_loop3A_204 : i32
        %parallel_loop3A_411 = arith.constant 3 : i32
        %parallel_loop3A_412 = arith.addi %parallel_loop3A_410, %parallel_loop3A_411 : i32
        %parallel_loop3A_413 = arith.index_cast %parallel_loop3A_412 : i32 to index
        %parallel_loop3A_414 = arith.constant 0 : index
        %parallel_loop3A_415 = tpu.vector_load %arg13[%parallel_loop3A_413, %parallel_loop3A_414] {strides = array<i32>} : memref<320x128xf32, #tpu.memory_space<vmem>>, vector<16xf32>,
        %parallel_loop3A_416 = arith.mulf %parallel_loop3A_207, %parallel_loop3A_415 : vector<16xf32>
        %parallel_loop3A_417 = arith.index_cast %parallel_loop3A_412 : i32 to index
        %parallel_loop3A_418 = arith.constant 16 : index
        %parallel_loop3A_419 = tpu.vector_load %arg13[%parallel_loop3A_417, %parallel_loop3A_418] {strides = array<i32>} : memref<320x128xf32, #tpu.memory_space<vmem>>, vector<16xf32>,
        %parallel_loop3A_420 = arith.mulf %parallel_loop3A_210, %parallel_loop3A_419 : vector<16xf32>
        %parallel_loop3A_421 = arith.index_cast %parallel_loop3A_412 : i32 to index
        %parallel_loop3A_422 = arith.constant 32 : index
        %parallel_loop3A_423 = tpu.vector_load %arg13[%parallel_loop3A_421, %parallel_loop3A_422] {strides = array<i32>} : memref<320x128xf32, #tpu.memory_space<vmem>>, vector<16xf32>,
        %parallel_loop3A_424 = arith.mulf %parallel_loop3A_213, %parallel_loop3A_423 : vector<16xf32>
        %parallel_loop3A_425 = arith.index_cast %parallel_loop3A_412 : i32 to index
        %parallel_loop3A_426 = arith.constant 48 : index
        %parallel_loop3A_427 = tpu.vector_load %arg13[%parallel_loop3A_425, %parallel_loop3A_426] {strides = array<i32>} : memref<320x128xf32, #tpu.memory_space<vmem>>, vector<16xf32>,
        %parallel_loop3A_428 = arith.mulf %parallel_loop3A_216, %parallel_loop3A_427 : vector<16xf32>
        %parallel_loop3A_429 = arith.index_cast %parallel_loop3A_412 : i32 to index
        %parallel_loop3A_430 = arith.constant 64 : index
        %parallel_loop3A_431 = tpu.vector_load %arg13[%parallel_loop3A_429, %parallel_loop3A_430] {strides = array<i32>} : memref<320x128xf32, #tpu.memory_space<vmem>>, vector<16xf32>,
        %parallel_loop3A_432 = arith.mulf %parallel_loop3A_219, %parallel_loop3A_431 : vector<16xf32>
        %parallel_loop3A_433 = arith.index_cast %parallel_loop3A_412 : i32 to index
        %parallel_loop3A_434 = arith.constant 80 : index
        %parallel_loop3A_435 = tpu.vector_load %arg13[%parallel_loop3A_433, %parallel_loop3A_434] {strides = array<i32>} : memref<320x128xf32, #tpu.memory_space<vmem>>, vector<16xf32>,
        %parallel_loop3A_436 = arith.mulf %parallel_loop3A_222, %parallel_loop3A_435 : vector<16xf32>
        %parallel_loop3A_437 = arith.index_cast %parallel_loop3A_412 : i32 to index
        %parallel_loop3A_438 = arith.constant 96 : index
        %parallel_loop3A_439 = tpu.vector_load %arg13[%parallel_loop3A_437, %parallel_loop3A_438] {strides = array<i32>} : memref<320x128xf32, #tpu.memory_space<vmem>>, vector<16xf32>,
        %parallel_loop3A_440 = arith.mulf %parallel_loop3A_225, %parallel_loop3A_439 : vector<16xf32>
        %parallel_loop3A_441 = arith.index_cast %parallel_loop3A_412 : i32 to index
        %parallel_loop3A_442 = arith.constant 112 : index
        %parallel_loop3A_443 = tpu.vector_load %arg13[%parallel_loop3A_441, %parallel_loop3A_442] {strides = array<i32>} : memref<320x128xf32, #tpu.memory_space<vmem>>, vector<16xf32>,
        %parallel_loop3A_444 = arith.mulf %parallel_loop3A_228, %parallel_loop3A_443 : vector<16xf32>
        %parallel_loop3A_445 = arith.addf %parallel_loop3A_416, %parallel_loop3A_420 : vector<16xf32>
        %parallel_loop3A_446 = arith.addf %parallel_loop3A_424, %parallel_loop3A_428 : vector<16xf32>
        %parallel_loop3A_447 = arith.addf %parallel_loop3A_432, %parallel_loop3A_436 : vector<16xf32>
        %parallel_loop3A_448 = arith.addf %parallel_loop3A_440, %parallel_loop3A_444 : vector<16xf32>
        %parallel_loop3A_449 = arith.addf %parallel_loop3A_445, %parallel_loop3A_446 : vector<16xf32>
        %parallel_loop3A_450 = arith.addf %parallel_loop3A_447, %parallel_loop3A_448 : vector<16xf32>
        %parallel_loop3A_451 = arith.addf %parallel_loop3A_449, %parallel_loop3A_450 : vector<16xf32>
        %parallel_loop3A_452 = arith.index_cast %parallel_loop3A_204 : i32 to index
        %parallel_loop3A_453 = arith.constant 64 : index
        %parallel_loop3A_454 = tpu.vector_load %arg17[%parallel_loop3A_452, %parallel_loop3A_453] {strides = array<i32>} : memref<64x97xf32, #tpu.memory_space<vmem>>, vector<16xf32>,
        tpu.vector_store %arg17[%parallel_loop3A_452, %parallel_loop3A_453], %parallel_loop3A_451 {strides = array<i32>} : memref<64x97xf32, #tpu.memory_space<vmem>>, vector<16xf32>,
        %parallel_loop3A_455 = arith.constant 5 : i32
        %parallel_loop3A_456 = arith.muli %parallel_loop3A_455, %parallel_loop3A_204 : i32
        %parallel_loop3A_457 = arith.constant 4 : i32
        %parallel_loop3A_458 = arith.addi %parallel_loop3A_456, %parallel_loop3A_457 : i32
        %parallel_loop3A_459 = arith.index_cast %parallel_loop3A_458 : i32 to index
        %parallel_loop3A_460 = arith.constant 0 : index
        %parallel_loop3A_461 = tpu.vector_load %arg13[%parallel_loop3A_459, %parallel_loop3A_460] {strides = array<i32>} : memref<320x128xf32, #tpu.memory_space<vmem>>, vector<16xf32>,
        %parallel_loop3A_462 = arith.mulf %parallel_loop3A_207, %parallel_loop3A_461 : vector<16xf32>
        %parallel_loop3A_463 = arith.index_cast %parallel_loop3A_458 : i32 to index
        %parallel_loop3A_464 = arith.constant 16 : index
        %parallel_loop3A_465 = tpu.vector_load %arg13[%parallel_loop3A_463, %parallel_loop3A_464] {strides = array<i32>} : memref<320x128xf32, #tpu.memory_space<vmem>>, vector<16xf32>,
        %parallel_loop3A_466 = arith.mulf %parallel_loop3A_210, %parallel_loop3A_465 : vector<16xf32>
        %parallel_loop3A_467 = arith.index_cast %parallel_loop3A_458 : i32 to index
        %parallel_loop3A_468 = arith.constant 32 : index
        %parallel_loop3A_469 = tpu.vector_load %arg13[%parallel_loop3A_467, %parallel_loop3A_468] {strides = array<i32>} : memref<320x128xf32, #tpu.memory_space<vmem>>, vector<16xf32>,
        %parallel_loop3A_470 = arith.mulf %parallel_loop3A_213, %parallel_loop3A_469 : vector<16xf32>
        %parallel_loop3A_471 = arith.index_cast %parallel_loop3A_458 : i32 to index
        %parallel_loop3A_472 = arith.constant 48 : index
        %parallel_loop3A_473 = tpu.vector_load %arg13[%parallel_loop3A_471, %parallel_loop3A_472] {strides = array<i32>} : memref<320x128xf32, #tpu.memory_space<vmem>>, vector<16xf32>,
        %parallel_loop3A_474 = arith.mulf %parallel_loop3A_216, %parallel_loop3A_473 : vector<16xf32>
        %parallel_loop3A_475 = arith.index_cast %parallel_loop3A_458 : i32 to index
        %parallel_loop3A_476 = arith.constant 64 : index
        %parallel_loop3A_477 = tpu.vector_load %arg13[%parallel_loop3A_475, %parallel_loop3A_476] {strides = array<i32>} : memref<320x128xf32, #tpu.memory_space<vmem>>, vector<16xf32>,
        %parallel_loop3A_478 = arith.mulf %parallel_loop3A_219, %parallel_loop3A_477 : vector<16xf32>
        %parallel_loop3A_479 = arith.index_cast %parallel_loop3A_458 : i32 to index
        %parallel_loop3A_480 = arith.constant 80 : index
        %parallel_loop3A_481 = tpu.vector_load %arg13[%parallel_loop3A_479, %parallel_loop3A_480] {strides = array<i32>} : memref<320x128xf32, #tpu.memory_space<vmem>>, vector<16xf32>,
        %parallel_loop3A_482 = arith.mulf %parallel_loop3A_222, %parallel_loop3A_481 : vector<16xf32>
        %parallel_loop3A_483 = arith.index_cast %parallel_loop3A_458 : i32 to index
        %parallel_loop3A_484 = arith.constant 96 : index
        %parallel_loop3A_485 = tpu.vector_load %arg13[%parallel_loop3A_483, %parallel_loop3A_484] {strides = array<i32>} : memref<320x128xf32, #tpu.memory_space<vmem>>, vector<16xf32>,
        %parallel_loop3A_486 = arith.mulf %parallel_loop3A_225, %parallel_loop3A_485 : vector<16xf32>
        %parallel_loop3A_487 = arith.index_cast %parallel_loop3A_458 : i32 to index
        %parallel_loop3A_488 = arith.constant 112 : index
        %parallel_loop3A_489 = tpu.vector_load %arg13[%parallel_loop3A_487, %parallel_loop3A_488] {strides = array<i32>} : memref<320x128xf32, #tpu.memory_space<vmem>>, vector<16xf32>,
        %parallel_loop3A_490 = arith.mulf %parallel_loop3A_228, %parallel_loop3A_489 : vector<16xf32>
        %parallel_loop3A_491 = arith.addf %parallel_loop3A_462, %parallel_loop3A_466 : vector<16xf32>
        %parallel_loop3A_492 = arith.addf %parallel_loop3A_470, %parallel_loop3A_474 : vector<16xf32>
        %parallel_loop3A_493 = arith.addf %parallel_loop3A_478, %parallel_loop3A_482 : vector<16xf32>
        %parallel_loop3A_494 = arith.addf %parallel_loop3A_486, %parallel_loop3A_490 : vector<16xf32>
        %parallel_loop3A_495 = arith.addf %parallel_loop3A_491, %parallel_loop3A_492 : vector<16xf32>
        %parallel_loop3A_496 = arith.addf %parallel_loop3A_493, %parallel_loop3A_494 : vector<16xf32>
        %parallel_loop3A_497 = arith.addf %parallel_loop3A_495, %parallel_loop3A_496 : vector<16xf32>
        %parallel_loop3A_498 = arith.index_cast %parallel_loop3A_204 : i32 to index
        %parallel_loop3A_499 = arith.constant 80 : index
        %parallel_loop3A_500 = tpu.vector_load %arg17[%parallel_loop3A_498, %parallel_loop3A_499] {strides = array<i32>} : memref<64x97xf32, #tpu.memory_space<vmem>>, vector<16xf32>,
        tpu.vector_store %arg17[%parallel_loop3A_498, %parallel_loop3A_499], %parallel_loop3A_497 {strides = array<i32>} : memref<64x97xf32, #tpu.memory_space<vmem>>, vector<16xf32>,
      } {sc.loop_unroll_factor = 4 : i64, sc.parallel_access}
      %parallel_loop3A_135 = arith.constant 0 : i32
      %parallel_loop3A_136 = arith.constant 4 : i32
      %parallel_loop3A_137 = arith.constant 1 : i32
      %parallel_loop3A_138 = scf.for %parallel_loop3A_204 = %parallel_loop3A_135 to %parallel_loop3A_136 step %parallel_loop3A_137 iter_args(%parallel_loop3A_205 = %scan3A_88) -> (vector<16xf32>)  : i32 {
        %parallel_loop3A_206 = arith.constant 16 : i32
        %parallel_loop3A_207 = arith.muli %parallel_loop3A_204, %parallel_loop3A_206 : i32
        %parallel_loop3A_208 = vector.broadcast %parallel_loop3A_207 : i32 to vector<16xi32>
        %parallel_loop3A_209 = arith.addi %iota3A, %parallel_loop3A_208 : vector<16xi32>
        %parallel_loop3A_210 = arith.constant 0 : i32
        %parallel_loop3A_211 = vector.broadcast %parallel_loop3A_210 : i32 to vector<16xi32>
        %parallel_loop3A_212 = arith.addi %mul3A_7, %parallel_loop3A_211 : vector<16xi32>
        %parallel_loop3A_213 = tpu.vector_load_idx %arg17[%parallel_loop3A_209, %parallel_loop3A_212] : memref<64x97xf32, #tpu.memory_space<vmem>>[vector<16xi32>, vector<16xi32>], vector<16xf32>,
        %parallel_loop3A_214 = arith.constant 1 : i32
        %parallel_loop3A_215 = vector.broadcast %parallel_loop3A_214 : i32 to vector<16xi32>
        %parallel_loop3A_216 = arith.addi %mul3A_7, %parallel_loop3A_215 : vector<16xi32>
        %parallel_loop3A_217 = tpu.vector_load_idx %arg17[%parallel_loop3A_209, %parallel_loop3A_216] : memref<64x97xf32, #tpu.memory_space<vmem>>[vector<16xi32>, vector<16xi32>], vector<16xf32>,
        %parallel_loop3A_218 = arith.constant 2 : i32
        %parallel_loop3A_219 = vector.broadcast %parallel_loop3A_218 : i32 to vector<16xi32>
        %parallel_loop3A_220 = arith.addi %mul3A_7, %parallel_loop3A_219 : vector<16xi32>
        %parallel_loop3A_221 = tpu.vector_load_idx %arg17[%parallel_loop3A_209, %parallel_loop3A_220] : memref<64x97xf32, #tpu.memory_space<vmem>>[vector<16xi32>, vector<16xi32>], vector<16xf32>,
        %parallel_loop3A_222 = arith.constant 3 : i32
        %parallel_loop3A_223 = vector.broadcast %parallel_loop3A_222 : i32 to vector<16xi32>
        %parallel_loop3A_224 = arith.addi %mul3A_7, %parallel_loop3A_223 : vector<16xi32>
        %parallel_loop3A_225 = tpu.vector_load_idx %arg17[%parallel_loop3A_209, %parallel_loop3A_224] : memref<64x97xf32, #tpu.memory_space<vmem>>[vector<16xi32>, vector<16xi32>], vector<16xf32>,
        %parallel_loop3A_226 = arith.constant 4 : i32
        %parallel_loop3A_227 = vector.broadcast %parallel_loop3A_226 : i32 to vector<16xi32>
        %parallel_loop3A_228 = arith.addi %mul3A_7, %parallel_loop3A_227 : vector<16xi32>
        %parallel_loop3A_229 = tpu.vector_load_idx %arg17[%parallel_loop3A_209, %parallel_loop3A_228] : memref<64x97xf32, #tpu.memory_space<vmem>>[vector<16xi32>, vector<16xi32>], vector<16xf32>,
        %parallel_loop3A_230 = arith.constant 5 : i32
        %parallel_loop3A_231 = vector.broadcast %parallel_loop3A_230 : i32 to vector<16xi32>
        %parallel_loop3A_232 = arith.addi %mul3A_7, %parallel_loop3A_231 : vector<16xi32>
        %parallel_loop3A_233 = tpu.vector_load_idx %arg17[%parallel_loop3A_209, %parallel_loop3A_232] : memref<64x97xf32, #tpu.memory_space<vmem>>[vector<16xi32>, vector<16xi32>], vector<16xf32>,
        %parallel_loop3A_234 = arith.constant 6 : i32
        %parallel_loop3A_235 = vector.broadcast %parallel_loop3A_234 : i32 to vector<16xi32>
        %parallel_loop3A_236 = arith.addi %mul3A_7, %parallel_loop3A_235 : vector<16xi32>
        %parallel_loop3A_237 = tpu.vector_load_idx %arg17[%parallel_loop3A_209, %parallel_loop3A_236] : memref<64x97xf32, #tpu.memory_space<vmem>>[vector<16xi32>, vector<16xi32>], vector<16xf32>,
        %parallel_loop3A_238 = arith.constant 7 : i32
        %parallel_loop3A_239 = vector.broadcast %parallel_loop3A_238 : i32 to vector<16xi32>
        %parallel_loop3A_240 = arith.addi %mul3A_7, %parallel_loop3A_239 : vector<16xi32>
        %parallel_loop3A_241 = tpu.vector_load_idx %arg17[%parallel_loop3A_209, %parallel_loop3A_240] : memref<64x97xf32, #tpu.memory_space<vmem>>[vector<16xi32>, vector<16xi32>], vector<16xf32>,
        %parallel_loop3A_242 = arith.constant 8 : i32
        %parallel_loop3A_243 = vector.broadcast %parallel_loop3A_242 : i32 to vector<16xi32>
        %parallel_loop3A_244 = arith.addi %mul3A_7, %parallel_loop3A_243 : vector<16xi32>
        %parallel_loop3A_245 = tpu.vector_load_idx %arg17[%parallel_loop3A_209, %parallel_loop3A_244] : memref<64x97xf32, #tpu.memory_space<vmem>>[vector<16xi32>, vector<16xi32>], vector<16xf32>,
        %parallel_loop3A_246 = arith.constant 9 : i32
        %parallel_loop3A_247 = vector.broadcast %parallel_loop3A_246 : i32 to vector<16xi32>
        %parallel_loop3A_248 = arith.addi %mul3A_7, %parallel_loop3A_247 : vector<16xi32>
        %parallel_loop3A_249 = tpu.vector_load_idx %arg17[%parallel_loop3A_209, %parallel_loop3A_248] : memref<64x97xf32, #tpu.memory_space<vmem>>[vector<16xi32>, vector<16xi32>], vector<16xf32>,
        %parallel_loop3A_250 = arith.constant 10 : i32
        %parallel_loop3A_251 = vector.broadcast %parallel_loop3A_250 : i32 to vector<16xi32>
        %parallel_loop3A_252 = arith.addi %mul3A_7, %parallel_loop3A_251 : vector<16xi32>
        %parallel_loop3A_253 = tpu.vector_load_idx %arg17[%parallel_loop3A_209, %parallel_loop3A_252] : memref<64x97xf32, #tpu.memory_space<vmem>>[vector<16xi32>, vector<16xi32>], vector<16xf32>,
        %parallel_loop3A_254 = arith.constant 11 : i32
        %parallel_loop3A_255 = vector.broadcast %parallel_loop3A_254 : i32 to vector<16xi32>
        %parallel_loop3A_256 = arith.addi %mul3A_7, %parallel_loop3A_255 : vector<16xi32>
        %parallel_loop3A_257 = tpu.vector_load_idx %arg17[%parallel_loop3A_209, %parallel_loop3A_256] : memref<64x97xf32, #tpu.memory_space<vmem>>[vector<16xi32>, vector<16xi32>], vector<16xf32>,
        %parallel_loop3A_258 = arith.constant 12 : i32
        %parallel_loop3A_259 = vector.broadcast %parallel_loop3A_258 : i32 to vector<16xi32>
        %parallel_loop3A_260 = arith.addi %mul3A_7, %parallel_loop3A_259 : vector<16xi32>
        %parallel_loop3A_261 = tpu.vector_load_idx %arg17[%parallel_loop3A_209, %parallel_loop3A_260] : memref<64x97xf32, #tpu.memory_space<vmem>>[vector<16xi32>, vector<16xi32>], vector<16xf32>,
        %parallel_loop3A_262 = arith.constant 13 : i32
        %parallel_loop3A_263 = vector.broadcast %parallel_loop3A_262 : i32 to vector<16xi32>
        %parallel_loop3A_264 = arith.addi %mul3A_7, %parallel_loop3A_263 : vector<16xi32>
        %parallel_loop3A_265 = tpu.vector_load_idx %arg17[%parallel_loop3A_209, %parallel_loop3A_264] : memref<64x97xf32, #tpu.memory_space<vmem>>[vector<16xi32>, vector<16xi32>], vector<16xf32>,
        %parallel_loop3A_266 = arith.constant 14 : i32
        %parallel_loop3A_267 = vector.broadcast %parallel_loop3A_266 : i32 to vector<16xi32>
        %parallel_loop3A_268 = arith.addi %mul3A_7, %parallel_loop3A_267 : vector<16xi32>
        %parallel_loop3A_269 = tpu.vector_load_idx %arg17[%parallel_loop3A_209, %parallel_loop3A_268] : memref<64x97xf32, #tpu.memory_space<vmem>>[vector<16xi32>, vector<16xi32>], vector<16xf32>,
        %parallel_loop3A_270 = arith.constant 15 : i32
        %parallel_loop3A_271 = vector.broadcast %parallel_loop3A_270 : i32 to vector<16xi32>
        %parallel_loop3A_272 = arith.addi %mul3A_7, %parallel_loop3A_271 : vector<16xi32>
        %parallel_loop3A_273 = tpu.vector_load_idx %arg17[%parallel_loop3A_209, %parallel_loop3A_272] : memref<64x97xf32, #tpu.memory_space<vmem>>[vector<16xi32>, vector<16xi32>], vector<16xf32>,
        %parallel_loop3A_274 = arith.addf %parallel_loop3A_213, %parallel_loop3A_217 : vector<16xf32>
        %parallel_loop3A_275 = arith.addf %parallel_loop3A_221, %parallel_loop3A_225 : vector<16xf32>
        %parallel_loop3A_276 = arith.addf %parallel_loop3A_229, %parallel_loop3A_233 : vector<16xf32>
        %parallel_loop3A_277 = arith.addf %parallel_loop3A_237, %parallel_loop3A_241 : vector<16xf32>
        %parallel_loop3A_278 = arith.addf %parallel_loop3A_245, %parallel_loop3A_249 : vector<16xf32>
        %parallel_loop3A_279 = arith.addf %parallel_loop3A_253, %parallel_loop3A_257 : vector<16xf32>
        %parallel_loop3A_280 = arith.addf %parallel_loop3A_261, %parallel_loop3A_265 : vector<16xf32>
        %parallel_loop3A_281 = arith.addf %parallel_loop3A_269, %parallel_loop3A_273 : vector<16xf32>
        %parallel_loop3A_282 = arith.addf %parallel_loop3A_274, %parallel_loop3A_275 : vector<16xf32>
        %parallel_loop3A_283 = arith.addf %parallel_loop3A_276, %parallel_loop3A_277 : vector<16xf32>
        %parallel_loop3A_284 = arith.addf %parallel_loop3A_278, %parallel_loop3A_279 : vector<16xf32>
        %parallel_loop3A_285 = arith.addf %parallel_loop3A_280, %parallel_loop3A_281 : vector<16xf32>
        %parallel_loop3A_286 = arith.addf %parallel_loop3A_282, %parallel_loop3A_283 : vector<16xf32>
        %parallel_loop3A_287 = arith.addf %parallel_loop3A_284, %parallel_loop3A_285 : vector<16xf32>
        %parallel_loop3A_288 = arith.addf %parallel_loop3A_286, %parallel_loop3A_287 : vector<16xf32>
        %parallel_loop3A_289 = math.absf %parallel_loop3A_288 : vector<16xf32>
        %parallel_loop3A_290 = arith.constant 0.000000e+00 : f32
        %parallel_loop3A_291 = vector.broadcast %parallel_loop3A_290 : f32 to vector<16xf32>
        %parallel_loop3A_292 = arith.subf %parallel_loop3A_291, %parallel_loop3A_289 : vector<16xf32>
        %parallel_loop3A_293 = math.exp %parallel_loop3A_292 : vector<16xf32>
        %parallel_loop3A_294 = arith.constant 0.0102438284 : f32
        %parallel_loop3A_295 = vector.broadcast %parallel_loop3A_294 : f32 to vector<16xf32>
        %parallel_loop3A_296 = arith.mulf %parallel_loop3A_295, %parallel_loop3A_293 : vector<16xf32>
        %parallel_loop3A_297 = arith.constant -0.0532674789 : f32
        %parallel_loop3A_298 = vector.broadcast %parallel_loop3A_297 : f32 to vector<16xf32>
        %parallel_loop3A_299 = arith.addf %parallel_loop3A_296, %parallel_loop3A_298 : vector<16xf32>
        %parallel_loop3A_300 = arith.mulf %parallel_loop3A_299, %parallel_loop3A_293 : vector<16xf32>
        %parallel_loop3A_301 = arith.constant 0.131989658 : f32
        %parallel_loop3A_302 = vector.broadcast %parallel_loop3A_301 : f32 to vector<16xf32>
        %parallel_loop3A_303 = arith.addf %parallel_loop3A_300, %parallel_loop3A_302 : vector<16xf32>
        %parallel_loop3A_304 = arith.mulf %parallel_loop3A_303, %parallel_loop3A_293 : vector<16xf32>
        %parallel_loop3A_305 = arith.constant -0.223966897 : f32
        %parallel_loop3A_306 = vector.broadcast %parallel_loop3A_305 : f32 to vector<16xf32>
        %parallel_loop3A_307 = arith.addf %parallel_loop3A_304, %parallel_loop3A_306 : vector<16xf32>
        %parallel_loop3A_308 = arith.mulf %parallel_loop3A_307, %parallel_loop3A_293 : vector<16xf32>
        %parallel_loop3A_309 = arith.constant 0.327511728 : f32
        %parallel_loop3A_310 = vector.broadcast %parallel_loop3A_309 : f32 to vector<16xf32>
        %parallel_loop3A_311 = arith.addf %parallel_loop3A_308, %parallel_loop3A_310 : vector<16xf32>
        %parallel_loop3A_312 = arith.mulf %parallel_loop3A_311, %parallel_loop3A_293 : vector<16xf32>
        %parallel_loop3A_313 = arith.constant -0.499333948 : f32
        %parallel_loop3A_314 = vector.broadcast %parallel_loop3A_313 : f32 to vector<16xf32>
        %parallel_loop3A_315 = arith.addf %parallel_loop3A_312, %parallel_loop3A_314 : vector<16xf32>
        %parallel_loop3A_316 = arith.mulf %parallel_loop3A_315, %parallel_loop3A_293 : vector<16xf32>
        %parallel_loop3A_317 = arith.constant 0.999970257 : f32
        %parallel_loop3A_318 = vector.broadcast %parallel_loop3A_317 : f32 to vector<16xf32>
        %parallel_loop3A_319 = arith.addf %parallel_loop3A_316, %parallel_loop3A_318 : vector<16xf32>
        %parallel_loop3A_320 = arith.mulf %parallel_loop3A_319, %parallel_loop3A_293 : vector<16xf32>
        %parallel_loop3A_321 = arith.constant 2.21597645E-7 : f32
        %parallel_loop3A_322 = vector.broadcast %parallel_loop3A_321 : f32 to vector<16xf32>
        %parallel_loop3A_323 = arith.addf %parallel_loop3A_320, %parallel_loop3A_322 : vector<16xf32>
        %parallel_loop3A_324 = arith.constant 0.000000e+00 : f32
        %parallel_loop3A_325 = vector.broadcast %parallel_loop3A_324 : f32 to vector<16xf32>
        %parallel_loop3A_326 = arith.minimumf %parallel_loop3A_288, %parallel_loop3A_325 : vector<16xf32>
        %parallel_loop3A_327 = arith.subf %parallel_loop3A_326, %parallel_loop3A_323 : vector<16xf32>
        %parallel_loop3A_328 = arith.addf %parallel_loop3A_205, %parallel_loop3A_327 : vector<16xf32>
        %parallel_loop3A_329 = arith.constant 16 : i32
        %parallel_loop3A_330 = vector.broadcast %parallel_loop3A_329 : i32 to vector<16xi32>
        %parallel_loop3A_331 = arith.addi %mul3A_7, %parallel_loop3A_330 : vector<16xi32>
        %parallel_loop3A_332 = tpu.vector_load_idx %arg17[%parallel_loop3A_209, %parallel_loop3A_331] : memref<64x97xf32, #tpu.memory_space<vmem>>[vector<16xi32>, vector<16xi32>], vector<16xf32>,
        %parallel_loop3A_333 = arith.constant 17 : i32
        %parallel_loop3A_334 = vector.broadcast %parallel_loop3A_333 : i32 to vector<16xi32>
        %parallel_loop3A_335 = arith.addi %mul3A_7, %parallel_loop3A_334 : vector<16xi32>
        %parallel_loop3A_336 = tpu.vector_load_idx %arg17[%parallel_loop3A_209, %parallel_loop3A_335] : memref<64x97xf32, #tpu.memory_space<vmem>>[vector<16xi32>, vector<16xi32>], vector<16xf32>,
        %parallel_loop3A_337 = arith.constant 18 : i32
        %parallel_loop3A_338 = vector.broadcast %parallel_loop3A_337 : i32 to vector<16xi32>
        %parallel_loop3A_339 = arith.addi %mul3A_7, %parallel_loop3A_338 : vector<16xi32>
        %parallel_loop3A_340 = tpu.vector_load_idx %arg17[%parallel_loop3A_209, %parallel_loop3A_339] : memref<64x97xf32, #tpu.memory_space<vmem>>[vector<16xi32>, vector<16xi32>], vector<16xf32>,
        %parallel_loop3A_341 = arith.constant 19 : i32
        %parallel_loop3A_342 = vector.broadcast %parallel_loop3A_341 : i32 to vector<16xi32>
        %parallel_loop3A_343 = arith.addi %mul3A_7, %parallel_loop3A_342 : vector<16xi32>
        %parallel_loop3A_344 = tpu.vector_load_idx %arg17[%parallel_loop3A_209, %parallel_loop3A_343] : memref<64x97xf32, #tpu.memory_space<vmem>>[vector<16xi32>, vector<16xi32>], vector<16xf32>,
        %parallel_loop3A_345 = arith.constant 20 : i32
        %parallel_loop3A_346 = vector.broadcast %parallel_loop3A_345 : i32 to vector<16xi32>
        %parallel_loop3A_347 = arith.addi %mul3A_7, %parallel_loop3A_346 : vector<16xi32>
        %parallel_loop3A_348 = tpu.vector_load_idx %arg17[%parallel_loop3A_209, %parallel_loop3A_347] : memref<64x97xf32, #tpu.memory_space<vmem>>[vector<16xi32>, vector<16xi32>], vector<16xf32>,
        %parallel_loop3A_349 = arith.constant 21 : i32
        %parallel_loop3A_350 = vector.broadcast %parallel_loop3A_349 : i32 to vector<16xi32>
        %parallel_loop3A_351 = arith.addi %mul3A_7, %parallel_loop3A_350 : vector<16xi32>
        %parallel_loop3A_352 = tpu.vector_load_idx %arg17[%parallel_loop3A_209, %parallel_loop3A_351] : memref<64x97xf32, #tpu.memory_space<vmem>>[vector<16xi32>, vector<16xi32>], vector<16xf32>,
        %parallel_loop3A_353 = arith.constant 22 : i32
        %parallel_loop3A_354 = vector.broadcast %parallel_loop3A_353 : i32 to vector<16xi32>
        %parallel_loop3A_355 = arith.addi %mul3A_7, %parallel_loop3A_354 : vector<16xi32>
        %parallel_loop3A_356 = tpu.vector_load_idx %arg17[%parallel_loop3A_209, %parallel_loop3A_355] : memref<64x97xf32, #tpu.memory_space<vmem>>[vector<16xi32>, vector<16xi32>], vector<16xf32>,
        %parallel_loop3A_357 = arith.constant 23 : i32
        %parallel_loop3A_358 = vector.broadcast %parallel_loop3A_357 : i32 to vector<16xi32>
        %parallel_loop3A_359 = arith.addi %mul3A_7, %parallel_loop3A_358 : vector<16xi32>
        %parallel_loop3A_360 = tpu.vector_load_idx %arg17[%parallel_loop3A_209, %parallel_loop3A_359] : memref<64x97xf32, #tpu.memory_space<vmem>>[vector<16xi32>, vector<16xi32>], vector<16xf32>,
        %parallel_loop3A_361 = arith.constant 24 : i32
        %parallel_loop3A_362 = vector.broadcast %parallel_loop3A_361 : i32 to vector<16xi32>
        %parallel_loop3A_363 = arith.addi %mul3A_7, %parallel_loop3A_362 : vector<16xi32>
        %parallel_loop3A_364 = tpu.vector_load_idx %arg17[%parallel_loop3A_209, %parallel_loop3A_363] : memref<64x97xf32, #tpu.memory_space<vmem>>[vector<16xi32>, vector<16xi32>], vector<16xf32>,
        %parallel_loop3A_365 = arith.constant 25 : i32
        %parallel_loop3A_366 = vector.broadcast %parallel_loop3A_365 : i32 to vector<16xi32>
        %parallel_loop3A_367 = arith.addi %mul3A_7, %parallel_loop3A_366 : vector<16xi32>
        %parallel_loop3A_368 = tpu.vector_load_idx %arg17[%parallel_loop3A_209, %parallel_loop3A_367] : memref<64x97xf32, #tpu.memory_space<vmem>>[vector<16xi32>, vector<16xi32>], vector<16xf32>,
        %parallel_loop3A_369 = arith.constant 26 : i32
        %parallel_loop3A_370 = vector.broadcast %parallel_loop3A_369 : i32 to vector<16xi32>
        %parallel_loop3A_371 = arith.addi %mul3A_7, %parallel_loop3A_370 : vector<16xi32>
        %parallel_loop3A_372 = tpu.vector_load_idx %arg17[%parallel_loop3A_209, %parallel_loop3A_371] : memref<64x97xf32, #tpu.memory_space<vmem>>[vector<16xi32>, vector<16xi32>], vector<16xf32>,
        %parallel_loop3A_373 = arith.constant 27 : i32
        %parallel_loop3A_374 = vector.broadcast %parallel_loop3A_373 : i32 to vector<16xi32>
        %parallel_loop3A_375 = arith.addi %mul3A_7, %parallel_loop3A_374 : vector<16xi32>
        %parallel_loop3A_376 = tpu.vector_load_idx %arg17[%parallel_loop3A_209, %parallel_loop3A_375] : memref<64x97xf32, #tpu.memory_space<vmem>>[vector<16xi32>, vector<16xi32>], vector<16xf32>,
        %parallel_loop3A_377 = arith.constant 28 : i32
        %parallel_loop3A_378 = vector.broadcast %parallel_loop3A_377 : i32 to vector<16xi32>
        %parallel_loop3A_379 = arith.addi %mul3A_7, %parallel_loop3A_378 : vector<16xi32>
        %parallel_loop3A_380 = tpu.vector_load_idx %arg17[%parallel_loop3A_209, %parallel_loop3A_379] : memref<64x97xf32, #tpu.memory_space<vmem>>[vector<16xi32>, vector<16xi32>], vector<16xf32>,
        %parallel_loop3A_381 = arith.constant 29 : i32
        %parallel_loop3A_382 = vector.broadcast %parallel_loop3A_381 : i32 to vector<16xi32>
        %parallel_loop3A_383 = arith.addi %mul3A_7, %parallel_loop3A_382 : vector<16xi32>
        %parallel_loop3A_384 = tpu.vector_load_idx %arg17[%parallel_loop3A_209, %parallel_loop3A_383] : memref<64x97xf32, #tpu.memory_space<vmem>>[vector<16xi32>, vector<16xi32>], vector<16xf32>,
        %parallel_loop3A_385 = arith.constant 30 : i32
        %parallel_loop3A_386 = vector.broadcast %parallel_loop3A_385 : i32 to vector<16xi32>
        %parallel_loop3A_387 = arith.addi %mul3A_7, %parallel_loop3A_386 : vector<16xi32>
        %parallel_loop3A_388 = tpu.vector_load_idx %arg17[%parallel_loop3A_209, %parallel_loop3A_387] : memref<64x97xf32, #tpu.memory_space<vmem>>[vector<16xi32>, vector<16xi32>], vector<16xf32>,
        %parallel_loop3A_389 = arith.constant 31 : i32
        %parallel_loop3A_390 = vector.broadcast %parallel_loop3A_389 : i32 to vector<16xi32>
        %parallel_loop3A_391 = arith.addi %mul3A_7, %parallel_loop3A_390 : vector<16xi32>
        %parallel_loop3A_392 = tpu.vector_load_idx %arg17[%parallel_loop3A_209, %parallel_loop3A_391] : memref<64x97xf32, #tpu.memory_space<vmem>>[vector<16xi32>, vector<16xi32>], vector<16xf32>,
        %parallel_loop3A_393 = arith.addf %parallel_loop3A_332, %parallel_loop3A_336 : vector<16xf32>
        %parallel_loop3A_394 = arith.addf %parallel_loop3A_340, %parallel_loop3A_344 : vector<16xf32>
        %parallel_loop3A_395 = arith.addf %parallel_loop3A_348, %parallel_loop3A_352 : vector<16xf32>
        %parallel_loop3A_396 = arith.addf %parallel_loop3A_356, %parallel_loop3A_360 : vector<16xf32>
        %parallel_loop3A_397 = arith.addf %parallel_loop3A_364, %parallel_loop3A_368 : vector<16xf32>
        %parallel_loop3A_398 = arith.addf %parallel_loop3A_372, %parallel_loop3A_376 : vector<16xf32>
        %parallel_loop3A_399 = arith.addf %parallel_loop3A_380, %parallel_loop3A_384 : vector<16xf32>
        %parallel_loop3A_400 = arith.addf %parallel_loop3A_388, %parallel_loop3A_392 : vector<16xf32>
        %parallel_loop3A_401 = arith.addf %parallel_loop3A_393, %parallel_loop3A_394 : vector<16xf32>
        %parallel_loop3A_402 = arith.addf %parallel_loop3A_395, %parallel_loop3A_396 : vector<16xf32>
        %parallel_loop3A_403 = arith.addf %parallel_loop3A_397, %parallel_loop3A_398 : vector<16xf32>
        %parallel_loop3A_404 = arith.addf %parallel_loop3A_399, %parallel_loop3A_400 : vector<16xf32>
        %parallel_loop3A_405 = arith.addf %parallel_loop3A_401, %parallel_loop3A_402 : vector<16xf32>
        %parallel_loop3A_406 = arith.addf %parallel_loop3A_403, %parallel_loop3A_404 : vector<16xf32>
        %parallel_loop3A_407 = arith.addf %parallel_loop3A_405, %parallel_loop3A_406 : vector<16xf32>
        %parallel_loop3A_408 = arith.constant 0.000000e+00 : f32
        %parallel_loop3A_409 = vector.broadcast %parallel_loop3A_408 : f32 to vector<16xf32>
        %parallel_loop3A_410 = arith.subf %parallel_loop3A_409, %parallel_loop3A_407 : vector<16xf32>
        %parallel_loop3A_411 = math.absf %parallel_loop3A_410 : vector<16xf32>
        %parallel_loop3A_412 = arith.constant 0.000000e+00 : f32
        %parallel_loop3A_413 = vector.broadcast %parallel_loop3A_412 : f32 to vector<16xf32>
        %parallel_loop3A_414 = arith.subf %parallel_loop3A_413, %parallel_loop3A_411 : vector<16xf32>
        %parallel_loop3A_415 = math.exp %parallel_loop3A_414 : vector<16xf32>
        %parallel_loop3A_416 = arith.constant 0.0102438284 : f32
        %parallel_loop3A_417 = vector.broadcast %parallel_loop3A_416 : f32 to vector<16xf32>
        %parallel_loop3A_418 = arith.mulf %parallel_loop3A_417, %parallel_loop3A_415 : vector<16xf32>
        %parallel_loop3A_419 = arith.constant -0.0532674789 : f32
        %parallel_loop3A_420 = vector.broadcast %parallel_loop3A_419 : f32 to vector<16xf32>
        %parallel_loop3A_421 = arith.addf %parallel_loop3A_418, %parallel_loop3A_420 : vector<16xf32>
        %parallel_loop3A_422 = arith.mulf %parallel_loop3A_421, %parallel_loop3A_415 : vector<16xf32>
        %parallel_loop3A_423 = arith.constant 0.131989658 : f32
        %parallel_loop3A_424 = vector.broadcast %parallel_loop3A_423 : f32 to vector<16xf32>
        %parallel_loop3A_425 = arith.addf %parallel_loop3A_422, %parallel_loop3A_424 : vector<16xf32>
        %parallel_loop3A_426 = arith.mulf %parallel_loop3A_425, %parallel_loop3A_415 : vector<16xf32>
        %parallel_loop3A_427 = arith.constant -0.223966897 : f32
        %parallel_loop3A_428 = vector.broadcast %parallel_loop3A_427 : f32 to vector<16xf32>
        %parallel_loop3A_429 = arith.addf %parallel_loop3A_426, %parallel_loop3A_428 : vector<16xf32>
        %parallel_loop3A_430 = arith.mulf %parallel_loop3A_429, %parallel_loop3A_415 : vector<16xf32>
        %parallel_loop3A_431 = arith.constant 0.327511728 : f32
        %parallel_loop3A_432 = vector.broadcast %parallel_loop3A_431 : f32 to vector<16xf32>
        %parallel_loop3A_433 = arith.addf %parallel_loop3A_430, %parallel_loop3A_432 : vector<16xf32>
        %parallel_loop3A_434 = arith.mulf %parallel_loop3A_433, %parallel_loop3A_415 : vector<16xf32>
        %parallel_loop3A_435 = arith.constant -0.499333948 : f32
        %parallel_loop3A_436 = vector.broadcast %parallel_loop3A_435 : f32 to vector<16xf32>
        %parallel_loop3A_437 = arith.addf %parallel_loop3A_434, %parallel_loop3A_436 : vector<16xf32>
        %parallel_loop3A_438 = arith.mulf %parallel_loop3A_437, %parallel_loop3A_415 : vector<16xf32>
        %parallel_loop3A_439 = arith.constant 0.999970257 : f32
        %parallel_loop3A_440 = vector.broadcast %parallel_loop3A_439 : f32 to vector<16xf32>
        %parallel_loop3A_441 = arith.addf %parallel_loop3A_438, %parallel_loop3A_440 : vector<16xf32>
        %parallel_loop3A_442 = arith.mulf %parallel_loop3A_441, %parallel_loop3A_415 : vector<16xf32>
        %parallel_loop3A_443 = arith.constant 2.21597645E-7 : f32
        %parallel_loop3A_444 = vector.broadcast %parallel_loop3A_443 : f32 to vector<16xf32>
        %parallel_loop3A_445 = arith.addf %parallel_loop3A_442, %parallel_loop3A_444 : vector<16xf32>
        %parallel_loop3A_446 = arith.constant 0.000000e+00 : f32
        %parallel_loop3A_447 = vector.broadcast %parallel_loop3A_446 : f32 to vector<16xf32>
        %parallel_loop3A_448 = arith.minimumf %parallel_loop3A_410, %parallel_loop3A_447 : vector<16xf32>
        %parallel_loop3A_449 = arith.subf %parallel_loop3A_448, %parallel_loop3A_445 : vector<16xf32>
        %parallel_loop3A_450 = arith.addf %parallel_loop3A_328, %parallel_loop3A_449 : vector<16xf32>
        %parallel_loop3A_451 = arith.constant 32 : i32
        %parallel_loop3A_452 = vector.broadcast %parallel_loop3A_451 : i32 to vector<16xi32>
        %parallel_loop3A_453 = arith.addi %mul3A_7, %parallel_loop3A_452 : vector<16xi32>
        %parallel_loop3A_454 = tpu.vector_load_idx %arg17[%parallel_loop3A_209, %parallel_loop3A_453] : memref<64x97xf32, #tpu.memory_space<vmem>>[vector<16xi32>, vector<16xi32>], vector<16xf32>,
        %parallel_loop3A_455 = arith.constant 33 : i32
        %parallel_loop3A_456 = vector.broadcast %parallel_loop3A_455 : i32 to vector<16xi32>
        %parallel_loop3A_457 = arith.addi %mul3A_7, %parallel_loop3A_456 : vector<16xi32>
        %parallel_loop3A_458 = tpu.vector_load_idx %arg17[%parallel_loop3A_209, %parallel_loop3A_457] : memref<64x97xf32, #tpu.memory_space<vmem>>[vector<16xi32>, vector<16xi32>], vector<16xf32>,
        %parallel_loop3A_459 = arith.constant 34 : i32
        %parallel_loop3A_460 = vector.broadcast %parallel_loop3A_459 : i32 to vector<16xi32>
        %parallel_loop3A_461 = arith.addi %mul3A_7, %parallel_loop3A_460 : vector<16xi32>
        %parallel_loop3A_462 = tpu.vector_load_idx %arg17[%parallel_loop3A_209, %parallel_loop3A_461] : memref<64x97xf32, #tpu.memory_space<vmem>>[vector<16xi32>, vector<16xi32>], vector<16xf32>,
        %parallel_loop3A_463 = arith.constant 35 : i32
        %parallel_loop3A_464 = vector.broadcast %parallel_loop3A_463 : i32 to vector<16xi32>
        %parallel_loop3A_465 = arith.addi %mul3A_7, %parallel_loop3A_464 : vector<16xi32>
        %parallel_loop3A_466 = tpu.vector_load_idx %arg17[%parallel_loop3A_209, %parallel_loop3A_465] : memref<64x97xf32, #tpu.memory_space<vmem>>[vector<16xi32>, vector<16xi32>], vector<16xf32>,
        %parallel_loop3A_467 = arith.constant 36 : i32
        %parallel_loop3A_468 = vector.broadcast %parallel_loop3A_467 : i32 to vector<16xi32>
        %parallel_loop3A_469 = arith.addi %mul3A_7, %parallel_loop3A_468 : vector<16xi32>
        %parallel_loop3A_470 = tpu.vector_load_idx %arg17[%parallel_loop3A_209, %parallel_loop3A_469] : memref<64x97xf32, #tpu.memory_space<vmem>>[vector<16xi32>, vector<16xi32>], vector<16xf32>,
        %parallel_loop3A_471 = arith.constant 37 : i32
        %parallel_loop3A_472 = vector.broadcast %parallel_loop3A_471 : i32 to vector<16xi32>
        %parallel_loop3A_473 = arith.addi %mul3A_7, %parallel_loop3A_472 : vector<16xi32>
        %parallel_loop3A_474 = tpu.vector_load_idx %arg17[%parallel_loop3A_209, %parallel_loop3A_473] : memref<64x97xf32, #tpu.memory_space<vmem>>[vector<16xi32>, vector<16xi32>], vector<16xf32>,
        %parallel_loop3A_475 = arith.constant 38 : i32
        %parallel_loop3A_476 = vector.broadcast %parallel_loop3A_475 : i32 to vector<16xi32>
        %parallel_loop3A_477 = arith.addi %mul3A_7, %parallel_loop3A_476 : vector<16xi32>
        %parallel_loop3A_478 = tpu.vector_load_idx %arg17[%parallel_loop3A_209, %parallel_loop3A_477] : memref<64x97xf32, #tpu.memory_space<vmem>>[vector<16xi32>, vector<16xi32>], vector<16xf32>,
        %parallel_loop3A_479 = arith.constant 39 : i32
        %parallel_loop3A_480 = vector.broadcast %parallel_loop3A_479 : i32 to vector<16xi32>
        %parallel_loop3A_481 = arith.addi %mul3A_7, %parallel_loop3A_480 : vector<16xi32>
        %parallel_loop3A_482 = tpu.vector_load_idx %arg17[%parallel_loop3A_209, %parallel_loop3A_481] : memref<64x97xf32, #tpu.memory_space<vmem>>[vector<16xi32>, vector<16xi32>], vector<16xf32>,
        %parallel_loop3A_483 = arith.constant 40 : i32
        %parallel_loop3A_484 = vector.broadcast %parallel_loop3A_483 : i32 to vector<16xi32>
        %parallel_loop3A_485 = arith.addi %mul3A_7, %parallel_loop3A_484 : vector<16xi32>
        %parallel_loop3A_486 = tpu.vector_load_idx %arg17[%parallel_loop3A_209, %parallel_loop3A_485] : memref<64x97xf32, #tpu.memory_space<vmem>>[vector<16xi32>, vector<16xi32>], vector<16xf32>,
        %parallel_loop3A_487 = arith.constant 41 : i32
        %parallel_loop3A_488 = vector.broadcast %parallel_loop3A_487 : i32 to vector<16xi32>
        %parallel_loop3A_489 = arith.addi %mul3A_7, %parallel_loop3A_488 : vector<16xi32>
        %parallel_loop3A_490 = tpu.vector_load_idx %arg17[%parallel_loop3A_209, %parallel_loop3A_489] : memref<64x97xf32, #tpu.memory_space<vmem>>[vector<16xi32>, vector<16xi32>], vector<16xf32>,
        %parallel_loop3A_491 = arith.constant 42 : i32
        %parallel_loop3A_492 = vector.broadcast %parallel_loop3A_491 : i32 to vector<16xi32>
        %parallel_loop3A_493 = arith.addi %mul3A_7, %parallel_loop3A_492 : vector<16xi32>
        %parallel_loop3A_494 = tpu.vector_load_idx %arg17[%parallel_loop3A_209, %parallel_loop3A_493] : memref<64x97xf32, #tpu.memory_space<vmem>>[vector<16xi32>, vector<16xi32>], vector<16xf32>,
        %parallel_loop3A_495 = arith.constant 43 : i32
        %parallel_loop3A_496 = vector.broadcast %parallel_loop3A_495 : i32 to vector<16xi32>
        %parallel_loop3A_497 = arith.addi %mul3A_7, %parallel_loop3A_496 : vector<16xi32>
        %parallel_loop3A_498 = tpu.vector_load_idx %arg17[%parallel_loop3A_209, %parallel_loop3A_497] : memref<64x97xf32, #tpu.memory_space<vmem>>[vector<16xi32>, vector<16xi32>], vector<16xf32>,
        %parallel_loop3A_499 = arith.constant 44 : i32
        %parallel_loop3A_500 = vector.broadcast %parallel_loop3A_499 : i32 to vector<16xi32>
        %parallel_loop3A_501 = arith.addi %mul3A_7, %parallel_loop3A_500 : vector<16xi32>
        %parallel_loop3A_502 = tpu.vector_load_idx %arg17[%parallel_loop3A_209, %parallel_loop3A_501] : memref<64x97xf32, #tpu.memory_space<vmem>>[vector<16xi32>, vector<16xi32>], vector<16xf32>,
        %parallel_loop3A_503 = arith.constant 45 : i32
        %parallel_loop3A_504 = vector.broadcast %parallel_loop3A_503 : i32 to vector<16xi32>
        %parallel_loop3A_505 = arith.addi %mul3A_7, %parallel_loop3A_504 : vector<16xi32>
        %parallel_loop3A_506 = tpu.vector_load_idx %arg17[%parallel_loop3A_209, %parallel_loop3A_505] : memref<64x97xf32, #tpu.memory_space<vmem>>[vector<16xi32>, vector<16xi32>], vector<16xf32>,
        %parallel_loop3A_507 = arith.constant 46 : i32
        %parallel_loop3A_508 = vector.broadcast %parallel_loop3A_507 : i32 to vector<16xi32>
        %parallel_loop3A_509 = arith.addi %mul3A_7, %parallel_loop3A_508 : vector<16xi32>
        %parallel_loop3A_510 = tpu.vector_load_idx %arg17[%parallel_loop3A_209, %parallel_loop3A_509] : memref<64x97xf32, #tpu.memory_space<vmem>>[vector<16xi32>, vector<16xi32>], vector<16xf32>,
        %parallel_loop3A_511 = arith.constant 47 : i32
        %parallel_loop3A_512 = vector.broadcast %parallel_loop3A_511 : i32 to vector<16xi32>
        %parallel_loop3A_513 = arith.addi %mul3A_7, %parallel_loop3A_512 : vector<16xi32>
        %parallel_loop3A_514 = tpu.vector_load_idx %arg17[%parallel_loop3A_209, %parallel_loop3A_513] : memref<64x97xf32, #tpu.memory_space<vmem>>[vector<16xi32>, vector<16xi32>], vector<16xf32>,
        %parallel_loop3A_515 = arith.addf %parallel_loop3A_454, %parallel_loop3A_458 : vector<16xf32>
        %parallel_loop3A_516 = arith.addf %parallel_loop3A_462, %parallel_loop3A_466 : vector<16xf32>
        %parallel_loop3A_517 = arith.addf %parallel_loop3A_470, %parallel_loop3A_474 : vector<16xf32>
        %parallel_loop3A_518 = arith.addf %parallel_loop3A_478, %parallel_loop3A_482 : vector<16xf32>
        %parallel_loop3A_519 = arith.addf %parallel_loop3A_486, %parallel_loop3A_490 : vector<16xf32>
        %parallel_loop3A_520 = arith.addf %parallel_loop3A_494, %parallel_loop3A_498 : vector<16xf32>
        %parallel_loop3A_521 = arith.addf %parallel_loop3A_502, %parallel_loop3A_506 : vector<16xf32>
        %parallel_loop3A_522 = arith.addf %parallel_loop3A_510, %parallel_loop3A_514 : vector<16xf32>
        %parallel_loop3A_523 = arith.addf %parallel_loop3A_515, %parallel_loop3A_516 : vector<16xf32>
        %parallel_loop3A_524 = arith.addf %parallel_loop3A_517, %parallel_loop3A_518 : vector<16xf32>
        %parallel_loop3A_525 = arith.addf %parallel_loop3A_519, %parallel_loop3A_520 : vector<16xf32>
        %parallel_loop3A_526 = arith.addf %parallel_loop3A_521, %parallel_loop3A_522 : vector<16xf32>
        %parallel_loop3A_527 = arith.addf %parallel_loop3A_523, %parallel_loop3A_524 : vector<16xf32>
        %parallel_loop3A_528 = arith.addf %parallel_loop3A_525, %parallel_loop3A_526 : vector<16xf32>
        %parallel_loop3A_529 = arith.addf %parallel_loop3A_527, %parallel_loop3A_528 : vector<16xf32>
        %parallel_loop3A_530 = arith.constant 0.000000e+00 : f32
        %parallel_loop3A_531 = vector.broadcast %parallel_loop3A_530 : f32 to vector<16xf32>
        %parallel_loop3A_532 = arith.subf %parallel_loop3A_531, %parallel_loop3A_529 : vector<16xf32>
        %parallel_loop3A_533 = math.absf %parallel_loop3A_532 : vector<16xf32>
        %parallel_loop3A_534 = arith.constant 0.000000e+00 : f32
        %parallel_loop3A_535 = vector.broadcast %parallel_loop3A_534 : f32 to vector<16xf32>
        %parallel_loop3A_536 = arith.subf %parallel_loop3A_535, %parallel_loop3A_533 : vector<16xf32>
        %parallel_loop3A_537 = math.exp %parallel_loop3A_536 : vector<16xf32>
        %parallel_loop3A_538 = arith.constant 0.0102438284 : f32
        %parallel_loop3A_539 = vector.broadcast %parallel_loop3A_538 : f32 to vector<16xf32>
        %parallel_loop3A_540 = arith.mulf %parallel_loop3A_539, %parallel_loop3A_537 : vector<16xf32>
        %parallel_loop3A_541 = arith.constant -0.0532674789 : f32
        %parallel_loop3A_542 = vector.broadcast %parallel_loop3A_541 : f32 to vector<16xf32>
        %parallel_loop3A_543 = arith.addf %parallel_loop3A_540, %parallel_loop3A_542 : vector<16xf32>
        %parallel_loop3A_544 = arith.mulf %parallel_loop3A_543, %parallel_loop3A_537 : vector<16xf32>
        %parallel_loop3A_545 = arith.constant 0.131989658 : f32
        %parallel_loop3A_546 = vector.broadcast %parallel_loop3A_545 : f32 to vector<16xf32>
        %parallel_loop3A_547 = arith.addf %parallel_loop3A_544, %parallel_loop3A_546 : vector<16xf32>
        %parallel_loop3A_548 = arith.mulf %parallel_loop3A_547, %parallel_loop3A_537 : vector<16xf32>
        %parallel_loop3A_549 = arith.constant -0.223966897 : f32
        %parallel_loop3A_550 = vector.broadcast %parallel_loop3A_549 : f32 to vector<16xf32>
        %parallel_loop3A_551 = arith.addf %parallel_loop3A_548, %parallel_loop3A_550 : vector<16xf32>
        %parallel_loop3A_552 = arith.mulf %parallel_loop3A_551, %parallel_loop3A_537 : vector<16xf32>
        %parallel_loop3A_553 = arith.constant 0.327511728 : f32
        %parallel_loop3A_554 = vector.broadcast %parallel_loop3A_553 : f32 to vector<16xf32>
        %parallel_loop3A_555 = arith.addf %parallel_loop3A_552, %parallel_loop3A_554 : vector<16xf32>
        %parallel_loop3A_556 = arith.mulf %parallel_loop3A_555, %parallel_loop3A_537 : vector<16xf32>
        %parallel_loop3A_557 = arith.constant -0.499333948 : f32
        %parallel_loop3A_558 = vector.broadcast %parallel_loop3A_557 : f32 to vector<16xf32>
        %parallel_loop3A_559 = arith.addf %parallel_loop3A_556, %parallel_loop3A_558 : vector<16xf32>
        %parallel_loop3A_560 = arith.mulf %parallel_loop3A_559, %parallel_loop3A_537 : vector<16xf32>
        %parallel_loop3A_561 = arith.constant 0.999970257 : f32
        %parallel_loop3A_562 = vector.broadcast %parallel_loop3A_561 : f32 to vector<16xf32>
        %parallel_loop3A_563 = arith.addf %parallel_loop3A_560, %parallel_loop3A_562 : vector<16xf32>
        %parallel_loop3A_564 = arith.mulf %parallel_loop3A_563, %parallel_loop3A_537 : vector<16xf32>
        %parallel_loop3A_565 = arith.constant 2.21597645E-7 : f32
        %parallel_loop3A_566 = vector.broadcast %parallel_loop3A_565 : f32 to vector<16xf32>
        %parallel_loop3A_567 = arith.addf %parallel_loop3A_564, %parallel_loop3A_566 : vector<16xf32>
        %parallel_loop3A_568 = arith.constant 0.000000e+00 : f32
        %parallel_loop3A_569 = vector.broadcast %parallel_loop3A_568 : f32 to vector<16xf32>
        %parallel_loop3A_570 = arith.minimumf %parallel_loop3A_532, %parallel_loop3A_569 : vector<16xf32>
        %parallel_loop3A_571 = arith.subf %parallel_loop3A_570, %parallel_loop3A_567 : vector<16xf32>
        %parallel_loop3A_572 = arith.addf %parallel_loop3A_450, %parallel_loop3A_571 : vector<16xf32>
        %parallel_loop3A_573 = arith.constant 48 : i32
        %parallel_loop3A_574 = vector.broadcast %parallel_loop3A_573 : i32 to vector<16xi32>
        %parallel_loop3A_575 = arith.addi %mul3A_7, %parallel_loop3A_574 : vector<16xi32>
        %parallel_loop3A_576 = tpu.vector_load_idx %arg17[%parallel_loop3A_209, %parallel_loop3A_575] : memref<64x97xf32, #tpu.memory_space<vmem>>[vector<16xi32>, vector<16xi32>], vector<16xf32>,
        %parallel_loop3A_577 = arith.constant 49 : i32
        %parallel_loop3A_578 = vector.broadcast %parallel_loop3A_577 : i32 to vector<16xi32>
        %parallel_loop3A_579 = arith.addi %mul3A_7, %parallel_loop3A_578 : vector<16xi32>
        %parallel_loop3A_580 = tpu.vector_load_idx %arg17[%parallel_loop3A_209, %parallel_loop3A_579] : memref<64x97xf32, #tpu.memory_space<vmem>>[vector<16xi32>, vector<16xi32>], vector<16xf32>,
        %parallel_loop3A_581 = arith.constant 50 : i32
        %parallel_loop3A_582 = vector.broadcast %parallel_loop3A_581 : i32 to vector<16xi32>
        %parallel_loop3A_583 = arith.addi %mul3A_7, %parallel_loop3A_582 : vector<16xi32>
        %parallel_loop3A_584 = tpu.vector_load_idx %arg17[%parallel_loop3A_209, %parallel_loop3A_583] : memref<64x97xf32, #tpu.memory_space<vmem>>[vector<16xi32>, vector<16xi32>], vector<16xf32>,
        %parallel_loop3A_585 = arith.constant 51 : i32
        %parallel_loop3A_586 = vector.broadcast %parallel_loop3A_585 : i32 to vector<16xi32>
        %parallel_loop3A_587 = arith.addi %mul3A_7, %parallel_loop3A_586 : vector<16xi32>
        %parallel_loop3A_588 = tpu.vector_load_idx %arg17[%parallel_loop3A_209, %parallel_loop3A_587] : memref<64x97xf32, #tpu.memory_space<vmem>>[vector<16xi32>, vector<16xi32>], vector<16xf32>,
        %parallel_loop3A_589 = arith.constant 52 : i32
        %parallel_loop3A_590 = vector.broadcast %parallel_loop3A_589 : i32 to vector<16xi32>
        %parallel_loop3A_591 = arith.addi %mul3A_7, %parallel_loop3A_590 : vector<16xi32>
        %parallel_loop3A_592 = tpu.vector_load_idx %arg17[%parallel_loop3A_209, %parallel_loop3A_591] : memref<64x97xf32, #tpu.memory_space<vmem>>[vector<16xi32>, vector<16xi32>], vector<16xf32>,
        %parallel_loop3A_593 = arith.constant 53 : i32
        %parallel_loop3A_594 = vector.broadcast %parallel_loop3A_593 : i32 to vector<16xi32>
        %parallel_loop3A_595 = arith.addi %mul3A_7, %parallel_loop3A_594 : vector<16xi32>
        %parallel_loop3A_596 = tpu.vector_load_idx %arg17[%parallel_loop3A_209, %parallel_loop3A_595] : memref<64x97xf32, #tpu.memory_space<vmem>>[vector<16xi32>, vector<16xi32>], vector<16xf32>,
        %parallel_loop3A_597 = arith.constant 54 : i32
        %parallel_loop3A_598 = vector.broadcast %parallel_loop3A_597 : i32 to vector<16xi32>
        %parallel_loop3A_599 = arith.addi %mul3A_7, %parallel_loop3A_598 : vector<16xi32>
        %parallel_loop3A_600 = tpu.vector_load_idx %arg17[%parallel_loop3A_209, %parallel_loop3A_599] : memref<64x97xf32, #tpu.memory_space<vmem>>[vector<16xi32>, vector<16xi32>], vector<16xf32>,
        %parallel_loop3A_601 = arith.constant 55 : i32
        %parallel_loop3A_602 = vector.broadcast %parallel_loop3A_601 : i32 to vector<16xi32>
        %parallel_loop3A_603 = arith.addi %mul3A_7, %parallel_loop3A_602 : vector<16xi32>
        %parallel_loop3A_604 = tpu.vector_load_idx %arg17[%parallel_loop3A_209, %parallel_loop3A_603] : memref<64x97xf32, #tpu.memory_space<vmem>>[vector<16xi32>, vector<16xi32>], vector<16xf32>,
        %parallel_loop3A_605 = arith.constant 56 : i32
        %parallel_loop3A_606 = vector.broadcast %parallel_loop3A_605 : i32 to vector<16xi32>
        %parallel_loop3A_607 = arith.addi %mul3A_7, %parallel_loop3A_606 : vector<16xi32>
        %parallel_loop3A_608 = tpu.vector_load_idx %arg17[%parallel_loop3A_209, %parallel_loop3A_607] : memref<64x97xf32, #tpu.memory_space<vmem>>[vector<16xi32>, vector<16xi32>], vector<16xf32>,
        %parallel_loop3A_609 = arith.constant 57 : i32
        %parallel_loop3A_610 = vector.broadcast %parallel_loop3A_609 : i32 to vector<16xi32>
        %parallel_loop3A_611 = arith.addi %mul3A_7, %parallel_loop3A_610 : vector<16xi32>
        %parallel_loop3A_612 = tpu.vector_load_idx %arg17[%parallel_loop3A_209, %parallel_loop3A_611] : memref<64x97xf32, #tpu.memory_space<vmem>>[vector<16xi32>, vector<16xi32>], vector<16xf32>,
        %parallel_loop3A_613 = arith.constant 58 : i32
        %parallel_loop3A_614 = vector.broadcast %parallel_loop3A_613 : i32 to vector<16xi32>
        %parallel_loop3A_615 = arith.addi %mul3A_7, %parallel_loop3A_614 : vector<16xi32>
        %parallel_loop3A_616 = tpu.vector_load_idx %arg17[%parallel_loop3A_209, %parallel_loop3A_615] : memref<64x97xf32, #tpu.memory_space<vmem>>[vector<16xi32>, vector<16xi32>], vector<16xf32>,
        %parallel_loop3A_617 = arith.constant 59 : i32
        %parallel_loop3A_618 = vector.broadcast %parallel_loop3A_617 : i32 to vector<16xi32>
        %parallel_loop3A_619 = arith.addi %mul3A_7, %parallel_loop3A_618 : vector<16xi32>
        %parallel_loop3A_620 = tpu.vector_load_idx %arg17[%parallel_loop3A_209, %parallel_loop3A_619] : memref<64x97xf32, #tpu.memory_space<vmem>>[vector<16xi32>, vector<16xi32>], vector<16xf32>,
        %parallel_loop3A_621 = arith.constant 60 : i32
        %parallel_loop3A_622 = vector.broadcast %parallel_loop3A_621 : i32 to vector<16xi32>
        %parallel_loop3A_623 = arith.addi %mul3A_7, %parallel_loop3A_622 : vector<16xi32>
        %parallel_loop3A_624 = tpu.vector_load_idx %arg17[%parallel_loop3A_209, %parallel_loop3A_623] : memref<64x97xf32, #tpu.memory_space<vmem>>[vector<16xi32>, vector<16xi32>], vector<16xf32>,
        %parallel_loop3A_625 = arith.constant 61 : i32
        %parallel_loop3A_626 = vector.broadcast %parallel_loop3A_625 : i32 to vector<16xi32>
        %parallel_loop3A_627 = arith.addi %mul3A_7, %parallel_loop3A_626 : vector<16xi32>
        %parallel_loop3A_628 = tpu.vector_load_idx %arg17[%parallel_loop3A_209, %parallel_loop3A_627] : memref<64x97xf32, #tpu.memory_space<vmem>>[vector<16xi32>, vector<16xi32>], vector<16xf32>,
        %parallel_loop3A_629 = arith.constant 62 : i32
        %parallel_loop3A_630 = vector.broadcast %parallel_loop3A_629 : i32 to vector<16xi32>
        %parallel_loop3A_631 = arith.addi %mul3A_7, %parallel_loop3A_630 : vector<16xi32>
        %parallel_loop3A_632 = tpu.vector_load_idx %arg17[%parallel_loop3A_209, %parallel_loop3A_631] : memref<64x97xf32, #tpu.memory_space<vmem>>[vector<16xi32>, vector<16xi32>], vector<16xf32>,
        %parallel_loop3A_633 = arith.constant 63 : i32
        %parallel_loop3A_634 = vector.broadcast %parallel_loop3A_633 : i32 to vector<16xi32>
        %parallel_loop3A_635 = arith.addi %mul3A_7, %parallel_loop3A_634 : vector<16xi32>
        %parallel_loop3A_636 = tpu.vector_load_idx %arg17[%parallel_loop3A_209, %parallel_loop3A_635] : memref<64x97xf32, #tpu.memory_space<vmem>>[vector<16xi32>, vector<16xi32>], vector<16xf32>,
        %parallel_loop3A_637 = arith.addf %parallel_loop3A_576, %parallel_loop3A_580 : vector<16xf32>
        %parallel_loop3A_638 = arith.addf %parallel_loop3A_584, %parallel_loop3A_588 : vector<16xf32>
        %parallel_loop3A_639 = arith.addf %parallel_loop3A_592, %parallel_loop3A_596 : vector<16xf32>
        %parallel_loop3A_640 = arith.addf %parallel_loop3A_600, %parallel_loop3A_604 : vector<16xf32>
        %parallel_loop3A_641 = arith.addf %parallel_loop3A_608, %parallel_loop3A_612 : vector<16xf32>
        %parallel_loop3A_642 = arith.addf %parallel_loop3A_616, %parallel_loop3A_620 : vector<16xf32>
        %parallel_loop3A_643 = arith.addf %parallel_loop3A_624, %parallel_loop3A_628 : vector<16xf32>
        %parallel_loop3A_644 = arith.addf %parallel_loop3A_632, %parallel_loop3A_636 : vector<16xf32>
        %parallel_loop3A_645 = arith.addf %parallel_loop3A_637, %parallel_loop3A_638 : vector<16xf32>
        %parallel_loop3A_646 = arith.addf %parallel_loop3A_639, %parallel_loop3A_640 : vector<16xf32>
        %parallel_loop3A_647 = arith.addf %parallel_loop3A_641, %parallel_loop3A_642 : vector<16xf32>
        %parallel_loop3A_648 = arith.addf %parallel_loop3A_643, %parallel_loop3A_644 : vector<16xf32>
        %parallel_loop3A_649 = arith.addf %parallel_loop3A_645, %parallel_loop3A_646 : vector<16xf32>
        %parallel_loop3A_650 = arith.addf %parallel_loop3A_647, %parallel_loop3A_648 : vector<16xf32>
        %parallel_loop3A_651 = arith.addf %parallel_loop3A_649, %parallel_loop3A_650 : vector<16xf32>
        %parallel_loop3A_652 = arith.constant 0.000000e+00 : f32
        %parallel_loop3A_653 = vector.broadcast %parallel_loop3A_652 : f32 to vector<16xf32>
        %parallel_loop3A_654 = arith.subf %parallel_loop3A_653, %parallel_loop3A_651 : vector<16xf32>
        %parallel_loop3A_655 = math.absf %parallel_loop3A_654 : vector<16xf32>
        %parallel_loop3A_656 = arith.constant 0.000000e+00 : f32
        %parallel_loop3A_657 = vector.broadcast %parallel_loop3A_656 : f32 to vector<16xf32>
        %parallel_loop3A_658 = arith.subf %parallel_loop3A_657, %parallel_loop3A_655 : vector<16xf32>
        %parallel_loop3A_659 = math.exp %parallel_loop3A_658 : vector<16xf32>
        %parallel_loop3A_660 = arith.constant 0.0102438284 : f32
        %parallel_loop3A_661 = vector.broadcast %parallel_loop3A_660 : f32 to vector<16xf32>
        %parallel_loop3A_662 = arith.mulf %parallel_loop3A_661, %parallel_loop3A_659 : vector<16xf32>
        %parallel_loop3A_663 = arith.constant -0.0532674789 : f32
        %parallel_loop3A_664 = vector.broadcast %parallel_loop3A_663 : f32 to vector<16xf32>
        %parallel_loop3A_665 = arith.addf %parallel_loop3A_662, %parallel_loop3A_664 : vector<16xf32>
        %parallel_loop3A_666 = arith.mulf %parallel_loop3A_665, %parallel_loop3A_659 : vector<16xf32>
        %parallel_loop3A_667 = arith.constant 0.131989658 : f32
        %parallel_loop3A_668 = vector.broadcast %parallel_loop3A_667 : f32 to vector<16xf32>
        %parallel_loop3A_669 = arith.addf %parallel_loop3A_666, %parallel_loop3A_668 : vector<16xf32>
        %parallel_loop3A_670 = arith.mulf %parallel_loop3A_669, %parallel_loop3A_659 : vector<16xf32>
        %parallel_loop3A_671 = arith.constant -0.223966897 : f32
        %parallel_loop3A_672 = vector.broadcast %parallel_loop3A_671 : f32 to vector<16xf32>
        %parallel_loop3A_673 = arith.addf %parallel_loop3A_670, %parallel_loop3A_672 : vector<16xf32>
        %parallel_loop3A_674 = arith.mulf %parallel_loop3A_673, %parallel_loop3A_659 : vector<16xf32>
        %parallel_loop3A_675 = arith.constant 0.327511728 : f32
        %parallel_loop3A_676 = vector.broadcast %parallel_loop3A_675 : f32 to vector<16xf32>
        %parallel_loop3A_677 = arith.addf %parallel_loop3A_674, %parallel_loop3A_676 : vector<16xf32>
        %parallel_loop3A_678 = arith.mulf %parallel_loop3A_677, %parallel_loop3A_659 : vector<16xf32>
        %parallel_loop3A_679 = arith.constant -0.499333948 : f32
        %parallel_loop3A_680 = vector.broadcast %parallel_loop3A_679 : f32 to vector<16xf32>
        %parallel_loop3A_681 = arith.addf %parallel_loop3A_678, %parallel_loop3A_680 : vector<16xf32>
        %parallel_loop3A_682 = arith.mulf %parallel_loop3A_681, %parallel_loop3A_659 : vector<16xf32>
        %parallel_loop3A_683 = arith.constant 0.999970257 : f32
        %parallel_loop3A_684 = vector.broadcast %parallel_loop3A_683 : f32 to vector<16xf32>
        %parallel_loop3A_685 = arith.addf %parallel_loop3A_682, %parallel_loop3A_684 : vector<16xf32>
        %parallel_loop3A_686 = arith.mulf %parallel_loop3A_685, %parallel_loop3A_659 : vector<16xf32>
        %parallel_loop3A_687 = arith.constant 2.21597645E-7 : f32
        %parallel_loop3A_688 = vector.broadcast %parallel_loop3A_687 : f32 to vector<16xf32>
        %parallel_loop3A_689 = arith.addf %parallel_loop3A_686, %parallel_loop3A_688 : vector<16xf32>
        %parallel_loop3A_690 = arith.constant 0.000000e+00 : f32
        %parallel_loop3A_691 = vector.broadcast %parallel_loop3A_690 : f32 to vector<16xf32>
        %parallel_loop3A_692 = arith.minimumf %parallel_loop3A_654, %parallel_loop3A_691 : vector<16xf32>
        %parallel_loop3A_693 = arith.subf %parallel_loop3A_692, %parallel_loop3A_689 : vector<16xf32>
        %parallel_loop3A_694 = arith.addf %parallel_loop3A_572, %parallel_loop3A_693 : vector<16xf32>
        %parallel_loop3A_695 = arith.constant 64 : i32
        %parallel_loop3A_696 = vector.broadcast %parallel_loop3A_695 : i32 to vector<16xi32>
        %parallel_loop3A_697 = arith.addi %mul3A_7, %parallel_loop3A_696 : vector<16xi32>
        %parallel_loop3A_698 = tpu.vector_load_idx %arg17[%parallel_loop3A_209, %parallel_loop3A_697] : memref<64x97xf32, #tpu.memory_space<vmem>>[vector<16xi32>, vector<16xi32>], vector<16xf32>,
        %parallel_loop3A_699 = arith.constant 65 : i32
        %parallel_loop3A_700 = vector.broadcast %parallel_loop3A_699 : i32 to vector<16xi32>
        %parallel_loop3A_701 = arith.addi %mul3A_7, %parallel_loop3A_700 : vector<16xi32>
        %parallel_loop3A_702 = tpu.vector_load_idx %arg17[%parallel_loop3A_209, %parallel_loop3A_701] : memref<64x97xf32, #tpu.memory_space<vmem>>[vector<16xi32>, vector<16xi32>], vector<16xf32>,
        %parallel_loop3A_703 = arith.constant 66 : i32
        %parallel_loop3A_704 = vector.broadcast %parallel_loop3A_703 : i32 to vector<16xi32>
        %parallel_loop3A_705 = arith.addi %mul3A_7, %parallel_loop3A_704 : vector<16xi32>
        %parallel_loop3A_706 = tpu.vector_load_idx %arg17[%parallel_loop3A_209, %parallel_loop3A_705] : memref<64x97xf32, #tpu.memory_space<vmem>>[vector<16xi32>, vector<16xi32>], vector<16xf32>,
        %parallel_loop3A_707 = arith.constant 67 : i32
        %parallel_loop3A_708 = vector.broadcast %parallel_loop3A_707 : i32 to vector<16xi32>
        %parallel_loop3A_709 = arith.addi %mul3A_7, %parallel_loop3A_708 : vector<16xi32>
        %parallel_loop3A_710 = tpu.vector_load_idx %arg17[%parallel_loop3A_209, %parallel_loop3A_709] : memref<64x97xf32, #tpu.memory_space<vmem>>[vector<16xi32>, vector<16xi32>], vector<16xf32>,
        %parallel_loop3A_711 = arith.constant 68 : i32
        %parallel_loop3A_712 = vector.broadcast %parallel_loop3A_711 : i32 to vector<16xi32>
        %parallel_loop3A_713 = arith.addi %mul3A_7, %parallel_loop3A_712 : vector<16xi32>
        %parallel_loop3A_714 = tpu.vector_load_idx %arg17[%parallel_loop3A_209, %parallel_loop3A_713] : memref<64x97xf32, #tpu.memory_space<vmem>>[vector<16xi32>, vector<16xi32>], vector<16xf32>,
        %parallel_loop3A_715 = arith.constant 69 : i32
        %parallel_loop3A_716 = vector.broadcast %parallel_loop3A_715 : i32 to vector<16xi32>
        %parallel_loop3A_717 = arith.addi %mul3A_7, %parallel_loop3A_716 : vector<16xi32>
        %parallel_loop3A_718 = tpu.vector_load_idx %arg17[%parallel_loop3A_209, %parallel_loop3A_717] : memref<64x97xf32, #tpu.memory_space<vmem>>[vector<16xi32>, vector<16xi32>], vector<16xf32>,
        %parallel_loop3A_719 = arith.constant 70 : i32
        %parallel_loop3A_720 = vector.broadcast %parallel_loop3A_719 : i32 to vector<16xi32>
        %parallel_loop3A_721 = arith.addi %mul3A_7, %parallel_loop3A_720 : vector<16xi32>
        %parallel_loop3A_722 = tpu.vector_load_idx %arg17[%parallel_loop3A_209, %parallel_loop3A_721] : memref<64x97xf32, #tpu.memory_space<vmem>>[vector<16xi32>, vector<16xi32>], vector<16xf32>,
        %parallel_loop3A_723 = arith.constant 71 : i32
        %parallel_loop3A_724 = vector.broadcast %parallel_loop3A_723 : i32 to vector<16xi32>
        %parallel_loop3A_725 = arith.addi %mul3A_7, %parallel_loop3A_724 : vector<16xi32>
        %parallel_loop3A_726 = tpu.vector_load_idx %arg17[%parallel_loop3A_209, %parallel_loop3A_725] : memref<64x97xf32, #tpu.memory_space<vmem>>[vector<16xi32>, vector<16xi32>], vector<16xf32>,
        %parallel_loop3A_727 = arith.constant 72 : i32
        %parallel_loop3A_728 = vector.broadcast %parallel_loop3A_727 : i32 to vector<16xi32>
        %parallel_loop3A_729 = arith.addi %mul3A_7, %parallel_loop3A_728 : vector<16xi32>
        %parallel_loop3A_730 = tpu.vector_load_idx %arg17[%parallel_loop3A_209, %parallel_loop3A_729] : memref<64x97xf32, #tpu.memory_space<vmem>>[vector<16xi32>, vector<16xi32>], vector<16xf32>,
        %parallel_loop3A_731 = arith.constant 73 : i32
        %parallel_loop3A_732 = vector.broadcast %parallel_loop3A_731 : i32 to vector<16xi32>
        %parallel_loop3A_733 = arith.addi %mul3A_7, %parallel_loop3A_732 : vector<16xi32>
        %parallel_loop3A_734 = tpu.vector_load_idx %arg17[%parallel_loop3A_209, %parallel_loop3A_733] : memref<64x97xf32, #tpu.memory_space<vmem>>[vector<16xi32>, vector<16xi32>], vector<16xf32>,
        %parallel_loop3A_735 = arith.constant 74 : i32
        %parallel_loop3A_736 = vector.broadcast %parallel_loop3A_735 : i32 to vector<16xi32>
        %parallel_loop3A_737 = arith.addi %mul3A_7, %parallel_loop3A_736 : vector<16xi32>
        %parallel_loop3A_738 = tpu.vector_load_idx %arg17[%parallel_loop3A_209, %parallel_loop3A_737] : memref<64x97xf32, #tpu.memory_space<vmem>>[vector<16xi32>, vector<16xi32>], vector<16xf32>,
        %parallel_loop3A_739 = arith.constant 75 : i32
        %parallel_loop3A_740 = vector.broadcast %parallel_loop3A_739 : i32 to vector<16xi32>
        %parallel_loop3A_741 = arith.addi %mul3A_7, %parallel_loop3A_740 : vector<16xi32>
        %parallel_loop3A_742 = tpu.vector_load_idx %arg17[%parallel_loop3A_209, %parallel_loop3A_741] : memref<64x97xf32, #tpu.memory_space<vmem>>[vector<16xi32>, vector<16xi32>], vector<16xf32>,
        %parallel_loop3A_743 = arith.constant 76 : i32
        %parallel_loop3A_744 = vector.broadcast %parallel_loop3A_743 : i32 to vector<16xi32>
        %parallel_loop3A_745 = arith.addi %mul3A_7, %parallel_loop3A_744 : vector<16xi32>
        %parallel_loop3A_746 = tpu.vector_load_idx %arg17[%parallel_loop3A_209, %parallel_loop3A_745] : memref<64x97xf32, #tpu.memory_space<vmem>>[vector<16xi32>, vector<16xi32>], vector<16xf32>,
        %parallel_loop3A_747 = arith.constant 77 : i32
        %parallel_loop3A_748 = vector.broadcast %parallel_loop3A_747 : i32 to vector<16xi32>
        %parallel_loop3A_749 = arith.addi %mul3A_7, %parallel_loop3A_748 : vector<16xi32>
        %parallel_loop3A_750 = tpu.vector_load_idx %arg17[%parallel_loop3A_209, %parallel_loop3A_749] : memref<64x97xf32, #tpu.memory_space<vmem>>[vector<16xi32>, vector<16xi32>], vector<16xf32>,
        %parallel_loop3A_751 = arith.constant 78 : i32
        %parallel_loop3A_752 = vector.broadcast %parallel_loop3A_751 : i32 to vector<16xi32>
        %parallel_loop3A_753 = arith.addi %mul3A_7, %parallel_loop3A_752 : vector<16xi32>
        %parallel_loop3A_754 = tpu.vector_load_idx %arg17[%parallel_loop3A_209, %parallel_loop3A_753] : memref<64x97xf32, #tpu.memory_space<vmem>>[vector<16xi32>, vector<16xi32>], vector<16xf32>,
        %parallel_loop3A_755 = arith.constant 79 : i32
        %parallel_loop3A_756 = vector.broadcast %parallel_loop3A_755 : i32 to vector<16xi32>
        %parallel_loop3A_757 = arith.addi %mul3A_7, %parallel_loop3A_756 : vector<16xi32>
        %parallel_loop3A_758 = tpu.vector_load_idx %arg17[%parallel_loop3A_209, %parallel_loop3A_757] : memref<64x97xf32, #tpu.memory_space<vmem>>[vector<16xi32>, vector<16xi32>], vector<16xf32>,
        %parallel_loop3A_759 = arith.addf %parallel_loop3A_698, %parallel_loop3A_702 : vector<16xf32>
        %parallel_loop3A_760 = arith.addf %parallel_loop3A_706, %parallel_loop3A_710 : vector<16xf32>
        %parallel_loop3A_761 = arith.addf %parallel_loop3A_714, %parallel_loop3A_718 : vector<16xf32>
        %parallel_loop3A_762 = arith.addf %parallel_loop3A_722, %parallel_loop3A_726 : vector<16xf32>
        %parallel_loop3A_763 = arith.addf %parallel_loop3A_730, %parallel_loop3A_734 : vector<16xf32>
        %parallel_loop3A_764 = arith.addf %parallel_loop3A_738, %parallel_loop3A_742 : vector<16xf32>
        %parallel_loop3A_765 = arith.addf %parallel_loop3A_746, %parallel_loop3A_750 : vector<16xf32>
        %parallel_loop3A_766 = arith.addf %parallel_loop3A_754, %parallel_loop3A_758 : vector<16xf32>
        %parallel_loop3A_767 = arith.addf %parallel_loop3A_759, %parallel_loop3A_760 : vector<16xf32>
        %parallel_loop3A_768 = arith.addf %parallel_loop3A_761, %parallel_loop3A_762 : vector<16xf32>
        %parallel_loop3A_769 = arith.addf %parallel_loop3A_763, %parallel_loop3A_764 : vector<16xf32>
        %parallel_loop3A_770 = arith.addf %parallel_loop3A_765, %parallel_loop3A_766 : vector<16xf32>
        %parallel_loop3A_771 = arith.addf %parallel_loop3A_767, %parallel_loop3A_768 : vector<16xf32>
        %parallel_loop3A_772 = arith.addf %parallel_loop3A_769, %parallel_loop3A_770 : vector<16xf32>
        %parallel_loop3A_773 = arith.addf %parallel_loop3A_771, %parallel_loop3A_772 : vector<16xf32>
        %parallel_loop3A_774 = arith.constant 0.000000e+00 : f32
        %parallel_loop3A_775 = vector.broadcast %parallel_loop3A_774 : f32 to vector<16xf32>
        %parallel_loop3A_776 = arith.subf %parallel_loop3A_775, %parallel_loop3A_773 : vector<16xf32>
        %parallel_loop3A_777 = math.absf %parallel_loop3A_776 : vector<16xf32>
        %parallel_loop3A_778 = arith.constant 0.000000e+00 : f32
        %parallel_loop3A_779 = vector.broadcast %parallel_loop3A_778 : f32 to vector<16xf32>
        %parallel_loop3A_780 = arith.subf %parallel_loop3A_779, %parallel_loop3A_777 : vector<16xf32>
        %parallel_loop3A_781 = math.exp %parallel_loop3A_780 : vector<16xf32>
        %parallel_loop3A_782 = arith.constant 0.0102438284 : f32
        %parallel_loop3A_783 = vector.broadcast %parallel_loop3A_782 : f32 to vector<16xf32>
        %parallel_loop3A_784 = arith.mulf %parallel_loop3A_783, %parallel_loop3A_781 : vector<16xf32>
        %parallel_loop3A_785 = arith.constant -0.0532674789 : f32
        %parallel_loop3A_786 = vector.broadcast %parallel_loop3A_785 : f32 to vector<16xf32>
        %parallel_loop3A_787 = arith.addf %parallel_loop3A_784, %parallel_loop3A_786 : vector<16xf32>
        %parallel_loop3A_788 = arith.mulf %parallel_loop3A_787, %parallel_loop3A_781 : vector<16xf32>
        %parallel_loop3A_789 = arith.constant 0.131989658 : f32
        %parallel_loop3A_790 = vector.broadcast %parallel_loop3A_789 : f32 to vector<16xf32>
        %parallel_loop3A_791 = arith.addf %parallel_loop3A_788, %parallel_loop3A_790 : vector<16xf32>
        %parallel_loop3A_792 = arith.mulf %parallel_loop3A_791, %parallel_loop3A_781 : vector<16xf32>
        %parallel_loop3A_793 = arith.constant -0.223966897 : f32
        %parallel_loop3A_794 = vector.broadcast %parallel_loop3A_793 : f32 to vector<16xf32>
        %parallel_loop3A_795 = arith.addf %parallel_loop3A_792, %parallel_loop3A_794 : vector<16xf32>
        %parallel_loop3A_796 = arith.mulf %parallel_loop3A_795, %parallel_loop3A_781 : vector<16xf32>
        %parallel_loop3A_797 = arith.constant 0.327511728 : f32
        %parallel_loop3A_798 = vector.broadcast %parallel_loop3A_797 : f32 to vector<16xf32>
        %parallel_loop3A_799 = arith.addf %parallel_loop3A_796, %parallel_loop3A_798 : vector<16xf32>
        %parallel_loop3A_800 = arith.mulf %parallel_loop3A_799, %parallel_loop3A_781 : vector<16xf32>
        %parallel_loop3A_801 = arith.constant -0.499333948 : f32
        %parallel_loop3A_802 = vector.broadcast %parallel_loop3A_801 : f32 to vector<16xf32>
        %parallel_loop3A_803 = arith.addf %parallel_loop3A_800, %parallel_loop3A_802 : vector<16xf32>
        %parallel_loop3A_804 = arith.mulf %parallel_loop3A_803, %parallel_loop3A_781 : vector<16xf32>
        %parallel_loop3A_805 = arith.constant 0.999970257 : f32
        %parallel_loop3A_806 = vector.broadcast %parallel_loop3A_805 : f32 to vector<16xf32>
        %parallel_loop3A_807 = arith.addf %parallel_loop3A_804, %parallel_loop3A_806 : vector<16xf32>
        %parallel_loop3A_808 = arith.mulf %parallel_loop3A_807, %parallel_loop3A_781 : vector<16xf32>
        %parallel_loop3A_809 = arith.constant 2.21597645E-7 : f32
        %parallel_loop3A_810 = vector.broadcast %parallel_loop3A_809 : f32 to vector<16xf32>
        %parallel_loop3A_811 = arith.addf %parallel_loop3A_808, %parallel_loop3A_810 : vector<16xf32>
        %parallel_loop3A_812 = arith.constant 0.000000e+00 : f32
        %parallel_loop3A_813 = vector.broadcast %parallel_loop3A_812 : f32 to vector<16xf32>
        %parallel_loop3A_814 = arith.minimumf %parallel_loop3A_776, %parallel_loop3A_813 : vector<16xf32>
        %parallel_loop3A_815 = arith.subf %parallel_loop3A_814, %parallel_loop3A_811 : vector<16xf32>
        %parallel_loop3A_816 = arith.addf %parallel_loop3A_694, %parallel_loop3A_815 : vector<16xf32>
        %parallel_loop3A_817 = arith.constant 80 : i32
        %parallel_loop3A_818 = vector.broadcast %parallel_loop3A_817 : i32 to vector<16xi32>
        %parallel_loop3A_819 = arith.addi %mul3A_7, %parallel_loop3A_818 : vector<16xi32>
        %parallel_loop3A_820 = tpu.vector_load_idx %arg17[%parallel_loop3A_209, %parallel_loop3A_819] : memref<64x97xf32, #tpu.memory_space<vmem>>[vector<16xi32>, vector<16xi32>], vector<16xf32>,
        %parallel_loop3A_821 = arith.constant 81 : i32
        %parallel_loop3A_822 = vector.broadcast %parallel_loop3A_821 : i32 to vector<16xi32>
        %parallel_loop3A_823 = arith.addi %mul3A_7, %parallel_loop3A_822 : vector<16xi32>
        %parallel_loop3A_824 = tpu.vector_load_idx %arg17[%parallel_loop3A_209, %parallel_loop3A_823] : memref<64x97xf32, #tpu.memory_space<vmem>>[vector<16xi32>, vector<16xi32>], vector<16xf32>,
        %parallel_loop3A_825 = arith.constant 82 : i32
        %parallel_loop3A_826 = vector.broadcast %parallel_loop3A_825 : i32 to vector<16xi32>
        %parallel_loop3A_827 = arith.addi %mul3A_7, %parallel_loop3A_826 : vector<16xi32>
        %parallel_loop3A_828 = tpu.vector_load_idx %arg17[%parallel_loop3A_209, %parallel_loop3A_827] : memref<64x97xf32, #tpu.memory_space<vmem>>[vector<16xi32>, vector<16xi32>], vector<16xf32>,
        %parallel_loop3A_829 = arith.constant 83 : i32
        %parallel_loop3A_830 = vector.broadcast %parallel_loop3A_829 : i32 to vector<16xi32>
        %parallel_loop3A_831 = arith.addi %mul3A_7, %parallel_loop3A_830 : vector<16xi32>
        %parallel_loop3A_832 = tpu.vector_load_idx %arg17[%parallel_loop3A_209, %parallel_loop3A_831] : memref<64x97xf32, #tpu.memory_space<vmem>>[vector<16xi32>, vector<16xi32>], vector<16xf32>,
        %parallel_loop3A_833 = arith.constant 84 : i32
        %parallel_loop3A_834 = vector.broadcast %parallel_loop3A_833 : i32 to vector<16xi32>
        %parallel_loop3A_835 = arith.addi %mul3A_7, %parallel_loop3A_834 : vector<16xi32>
        %parallel_loop3A_836 = tpu.vector_load_idx %arg17[%parallel_loop3A_209, %parallel_loop3A_835] : memref<64x97xf32, #tpu.memory_space<vmem>>[vector<16xi32>, vector<16xi32>], vector<16xf32>,
        %parallel_loop3A_837 = arith.constant 85 : i32
        %parallel_loop3A_838 = vector.broadcast %parallel_loop3A_837 : i32 to vector<16xi32>
        %parallel_loop3A_839 = arith.addi %mul3A_7, %parallel_loop3A_838 : vector<16xi32>
        %parallel_loop3A_840 = tpu.vector_load_idx %arg17[%parallel_loop3A_209, %parallel_loop3A_839] : memref<64x97xf32, #tpu.memory_space<vmem>>[vector<16xi32>, vector<16xi32>], vector<16xf32>,
        %parallel_loop3A_841 = arith.constant 86 : i32
        %parallel_loop3A_842 = vector.broadcast %parallel_loop3A_841 : i32 to vector<16xi32>
        %parallel_loop3A_843 = arith.addi %mul3A_7, %parallel_loop3A_842 : vector<16xi32>
        %parallel_loop3A_844 = tpu.vector_load_idx %arg17[%parallel_loop3A_209, %parallel_loop3A_843] : memref<64x97xf32, #tpu.memory_space<vmem>>[vector<16xi32>, vector<16xi32>], vector<16xf32>,
        %parallel_loop3A_845 = arith.constant 87 : i32
        %parallel_loop3A_846 = vector.broadcast %parallel_loop3A_845 : i32 to vector<16xi32>
        %parallel_loop3A_847 = arith.addi %mul3A_7, %parallel_loop3A_846 : vector<16xi32>
        %parallel_loop3A_848 = tpu.vector_load_idx %arg17[%parallel_loop3A_209, %parallel_loop3A_847] : memref<64x97xf32, #tpu.memory_space<vmem>>[vector<16xi32>, vector<16xi32>], vector<16xf32>,
        %parallel_loop3A_849 = arith.constant 88 : i32
        %parallel_loop3A_850 = vector.broadcast %parallel_loop3A_849 : i32 to vector<16xi32>
        %parallel_loop3A_851 = arith.addi %mul3A_7, %parallel_loop3A_850 : vector<16xi32>
        %parallel_loop3A_852 = tpu.vector_load_idx %arg17[%parallel_loop3A_209, %parallel_loop3A_851] : memref<64x97xf32, #tpu.memory_space<vmem>>[vector<16xi32>, vector<16xi32>], vector<16xf32>,
        %parallel_loop3A_853 = arith.constant 89 : i32
        %parallel_loop3A_854 = vector.broadcast %parallel_loop3A_853 : i32 to vector<16xi32>
        %parallel_loop3A_855 = arith.addi %mul3A_7, %parallel_loop3A_854 : vector<16xi32>
        %parallel_loop3A_856 = tpu.vector_load_idx %arg17[%parallel_loop3A_209, %parallel_loop3A_855] : memref<64x97xf32, #tpu.memory_space<vmem>>[vector<16xi32>, vector<16xi32>], vector<16xf32>,
        %parallel_loop3A_857 = arith.constant 90 : i32
        %parallel_loop3A_858 = vector.broadcast %parallel_loop3A_857 : i32 to vector<16xi32>
        %parallel_loop3A_859 = arith.addi %mul3A_7, %parallel_loop3A_858 : vector<16xi32>
        %parallel_loop3A_860 = tpu.vector_load_idx %arg17[%parallel_loop3A_209, %parallel_loop3A_859] : memref<64x97xf32, #tpu.memory_space<vmem>>[vector<16xi32>, vector<16xi32>], vector<16xf32>,
        %parallel_loop3A_861 = arith.constant 91 : i32
        %parallel_loop3A_862 = vector.broadcast %parallel_loop3A_861 : i32 to vector<16xi32>
        %parallel_loop3A_863 = arith.addi %mul3A_7, %parallel_loop3A_862 : vector<16xi32>
        %parallel_loop3A_864 = tpu.vector_load_idx %arg17[%parallel_loop3A_209, %parallel_loop3A_863] : memref<64x97xf32, #tpu.memory_space<vmem>>[vector<16xi32>, vector<16xi32>], vector<16xf32>,
        %parallel_loop3A_865 = arith.constant 92 : i32
        %parallel_loop3A_866 = vector.broadcast %parallel_loop3A_865 : i32 to vector<16xi32>
        %parallel_loop3A_867 = arith.addi %mul3A_7, %parallel_loop3A_866 : vector<16xi32>
        %parallel_loop3A_868 = tpu.vector_load_idx %arg17[%parallel_loop3A_209, %parallel_loop3A_867] : memref<64x97xf32, #tpu.memory_space<vmem>>[vector<16xi32>, vector<16xi32>], vector<16xf32>,
        %parallel_loop3A_869 = arith.constant 93 : i32
        %parallel_loop3A_870 = vector.broadcast %parallel_loop3A_869 : i32 to vector<16xi32>
        %parallel_loop3A_871 = arith.addi %mul3A_7, %parallel_loop3A_870 : vector<16xi32>
        %parallel_loop3A_872 = tpu.vector_load_idx %arg17[%parallel_loop3A_209, %parallel_loop3A_871] : memref<64x97xf32, #tpu.memory_space<vmem>>[vector<16xi32>, vector<16xi32>], vector<16xf32>,
        %parallel_loop3A_873 = arith.constant 94 : i32
        %parallel_loop3A_874 = vector.broadcast %parallel_loop3A_873 : i32 to vector<16xi32>
        %parallel_loop3A_875 = arith.addi %mul3A_7, %parallel_loop3A_874 : vector<16xi32>
        %parallel_loop3A_876 = tpu.vector_load_idx %arg17[%parallel_loop3A_209, %parallel_loop3A_875] : memref<64x97xf32, #tpu.memory_space<vmem>>[vector<16xi32>, vector<16xi32>], vector<16xf32>,
        %parallel_loop3A_877 = arith.constant 95 : i32
        %parallel_loop3A_878 = vector.broadcast %parallel_loop3A_877 : i32 to vector<16xi32>
        %parallel_loop3A_879 = arith.addi %mul3A_7, %parallel_loop3A_878 : vector<16xi32>
        %parallel_loop3A_880 = tpu.vector_load_idx %arg17[%parallel_loop3A_209, %parallel_loop3A_879] : memref<64x97xf32, #tpu.memory_space<vmem>>[vector<16xi32>, vector<16xi32>], vector<16xf32>,
        %parallel_loop3A_881 = arith.addf %parallel_loop3A_820, %parallel_loop3A_824 : vector<16xf32>
        %parallel_loop3A_882 = arith.addf %parallel_loop3A_828, %parallel_loop3A_832 : vector<16xf32>
        %parallel_loop3A_883 = arith.addf %parallel_loop3A_836, %parallel_loop3A_840 : vector<16xf32>
        %parallel_loop3A_884 = arith.addf %parallel_loop3A_844, %parallel_loop3A_848 : vector<16xf32>
        %parallel_loop3A_885 = arith.addf %parallel_loop3A_852, %parallel_loop3A_856 : vector<16xf32>
        %parallel_loop3A_886 = arith.addf %parallel_loop3A_860, %parallel_loop3A_864 : vector<16xf32>
        %parallel_loop3A_887 = arith.addf %parallel_loop3A_868, %parallel_loop3A_872 : vector<16xf32>
        %parallel_loop3A_888 = arith.addf %parallel_loop3A_876, %parallel_loop3A_880 : vector<16xf32>
        %parallel_loop3A_889 = arith.addf %parallel_loop3A_881, %parallel_loop3A_882 : vector<16xf32>
        %parallel_loop3A_890 = arith.addf %parallel_loop3A_883, %parallel_loop3A_884 : vector<16xf32>
        %parallel_loop3A_891 = arith.addf %parallel_loop3A_885, %parallel_loop3A_886 : vector<16xf32>
        %parallel_loop3A_892 = arith.addf %parallel_loop3A_887, %parallel_loop3A_888 : vector<16xf32>
        %parallel_loop3A_893 = arith.addf %parallel_loop3A_889, %parallel_loop3A_890 : vector<16xf32>
        %parallel_loop3A_894 = arith.addf %parallel_loop3A_891, %parallel_loop3A_892 : vector<16xf32>
        %parallel_loop3A_895 = arith.addf %parallel_loop3A_893, %parallel_loop3A_894 : vector<16xf32>
        %parallel_loop3A_896 = arith.constant 0.000000e+00 : f32
        %parallel_loop3A_897 = vector.broadcast %parallel_loop3A_896 : f32 to vector<16xf32>
        %parallel_loop3A_898 = arith.subf %parallel_loop3A_897, %parallel_loop3A_895 : vector<16xf32>
        %parallel_loop3A_899 = math.absf %parallel_loop3A_898 : vector<16xf32>
        %parallel_loop3A_900 = arith.constant 0.000000e+00 : f32
        %parallel_loop3A_901 = vector.broadcast %parallel_loop3A_900 : f32 to vector<16xf32>
        %parallel_loop3A_902 = arith.subf %parallel_loop3A_901, %parallel_loop3A_899 : vector<16xf32>
        %parallel_loop3A_903 = math.exp %parallel_loop3A_902 : vector<16xf32>
        %parallel_loop3A_904 = arith.constant 0.0102438284 : f32
        %parallel_loop3A_905 = vector.broadcast %parallel_loop3A_904 : f32 to vector<16xf32>
        %parallel_loop3A_906 = arith.mulf %parallel_loop3A_905, %parallel_loop3A_903 : vector<16xf32>
        %parallel_loop3A_907 = arith.constant -0.0532674789 : f32
        %parallel_loop3A_908 = vector.broadcast %parallel_loop3A_907 : f32 to vector<16xf32>
        %parallel_loop3A_909 = arith.addf %parallel_loop3A_906, %parallel_loop3A_908 : vector<16xf32>
        %parallel_loop3A_910 = arith.mulf %parallel_loop3A_909, %parallel_loop3A_903 : vector<16xf32>
        %parallel_loop3A_911 = arith.constant 0.131989658 : f32
        %parallel_loop3A_912 = vector.broadcast %parallel_loop3A_911 : f32 to vector<16xf32>
        %parallel_loop3A_913 = arith.addf %parallel_loop3A_910, %parallel_loop3A_912 : vector<16xf32>
        %parallel_loop3A_914 = arith.mulf %parallel_loop3A_913, %parallel_loop3A_903 : vector<16xf32>
        %parallel_loop3A_915 = arith.constant -0.223966897 : f32
        %parallel_loop3A_916 = vector.broadcast %parallel_loop3A_915 : f32 to vector<16xf32>
        %parallel_loop3A_917 = arith.addf %parallel_loop3A_914, %parallel_loop3A_916 : vector<16xf32>
        %parallel_loop3A_918 = arith.mulf %parallel_loop3A_917, %parallel_loop3A_903 : vector<16xf32>
        %parallel_loop3A_919 = arith.constant 0.327511728 : f32
        %parallel_loop3A_920 = vector.broadcast %parallel_loop3A_919 : f32 to vector<16xf32>
        %parallel_loop3A_921 = arith.addf %parallel_loop3A_918, %parallel_loop3A_920 : vector<16xf32>
        %parallel_loop3A_922 = arith.mulf %parallel_loop3A_921, %parallel_loop3A_903 : vector<16xf32>
        %parallel_loop3A_923 = arith.constant -0.499333948 : f32
        %parallel_loop3A_924 = vector.broadcast %parallel_loop3A_923 : f32 to vector<16xf32>
        %parallel_loop3A_925 = arith.addf %parallel_loop3A_922, %parallel_loop3A_924 : vector<16xf32>
        %parallel_loop3A_926 = arith.mulf %parallel_loop3A_925, %parallel_loop3A_903 : vector<16xf32>
        %parallel_loop3A_927 = arith.constant 0.999970257 : f32
        %parallel_loop3A_928 = vector.broadcast %parallel_loop3A_927 : f32 to vector<16xf32>
        %parallel_loop3A_929 = arith.addf %parallel_loop3A_926, %parallel_loop3A_928 : vector<16xf32>
        %parallel_loop3A_930 = arith.mulf %parallel_loop3A_929, %parallel_loop3A_903 : vector<16xf32>
        %parallel_loop3A_931 = arith.constant 2.21597645E-7 : f32
        %parallel_loop3A_932 = vector.broadcast %parallel_loop3A_931 : f32 to vector<16xf32>
        %parallel_loop3A_933 = arith.addf %parallel_loop3A_930, %parallel_loop3A_932 : vector<16xf32>
        %parallel_loop3A_934 = arith.constant 0.000000e+00 : f32
        %parallel_loop3A_935 = vector.broadcast %parallel_loop3A_934 : f32 to vector<16xf32>
        %parallel_loop3A_936 = arith.minimumf %parallel_loop3A_898, %parallel_loop3A_935 : vector<16xf32>
        %parallel_loop3A_937 = arith.subf %parallel_loop3A_936, %parallel_loop3A_933 : vector<16xf32>
        %parallel_loop3A_938 = arith.addf %parallel_loop3A_816, %parallel_loop3A_937 : vector<16xf32>
        scf.yield %parallel_loop3A_938 : vector<16xf32>
      } {sc.loop_unroll_factor = 2 : i64, sc.parallel_access}
      %add3A_139 = arith.constant 2 : i32
      %add3A_140 = arith.addi %mul3A_90, %add3A_139 : i32
      %lt3A = arith.constant 8 : i32
      %lt3A_141 = arith.cmpi slt, %add3A_140, %lt3A : i32
      %convert_element_type3A_142 = arith.extui %lt3A_141 : i1 to i32
      %cond3A_143 = arith.constant 0 : i32
      %cond3A_144 = arith.cmpi ne, %convert_element_type3A_142, %cond3A_143 : i32
      scf.if %cond3A_144 {
        %add3A_204 = arith.constant 2 : i32
        %add3A_205 = arith.addi %mul3A_90, %add3A_204 : i32
        %mul3A_206 = arith.constant 64 : i32
        %mul3A_207 = arith.muli %add3A_205, %mul3A_206 : i32
        %mul3A_208 = arith.constant 5 : i32
        %mul3A_209 = arith.muli %mul3A_207, %mul3A_208 : i32
        %add3A_210 = arith.constant 0 : i32
        %add3A_211 = arith.addi %mul3A_209, %add3A_210 : i32
        %mul3A_212 = arith.constant 5 : i32
        %mul3A_213 = arith.muli %mul3A_207, %mul3A_212 : i32
        %add3A_214 = arith.constant 128 : i32
        %add3A_215 = arith.addi %mul3A_213, %add3A_214 : i32
        %mul3A_216 = arith.constant 5 : i32
        %mul3A_217 = arith.muli %mul3A_207, %mul3A_216 : i32
        %add3A_218 = arith.constant 256 : i32
        %add3A_219 = arith.addi %mul3A_217, %add3A_218 : i32
        %dma_start3A_220 = tpu.memref_slice %arg8[%mul3A_207] : memref<512xi32, #tpu.memory_space<vmem>> -> memref<64xi32, #tpu.memory_space<vmem>>
        %dma_start3A_221 = arith.constant 0 : i32
        %dma_start3A_222 = arith.constant 0 : i32
        %dma_start3A_223 = tpu.memref_slice %arg5[%dma_start3A_221, %dma_start3A_222] : memref<1000000x128xf32, #tpu.memory_space<hbm>> -> memref<1000000x128xf32, #tpu.memory_space<hbm>>
        tpu.enqueue_indirect_dma source(%dma_start3A_223 : memref<1000000x128xf32, #tpu.memory_space<hbm>>) target(%arg11 : memref<64x128xf32, #tpu.memory_space<vmem>>) offsets(%dma_start3A_220 : memref<64xi32, #tpu.memory_space<vmem>>) semaphore(%arg21 : memref<!tpu.dma_semaphore, #tpu.memory_space<semaphore_mem>>)
        %dma_start3A_224 = tpu.memref_slice %arg9[%mul3A_207] : memref<512xi32, #tpu.memory_space<vmem>> -> memref<64xi32, #tpu.memory_space<vmem>>
        %dma_start3A_225 = arith.constant 0 : i32
        %dma_start3A_226 = arith.constant 0 : i32
        %dma_start3A_227 = tpu.memref_slice %arg6[%dma_start3A_225, %dma_start3A_226] : memref<1000000x128xf32, #tpu.memory_space<hbm>> -> memref<1000000x128xf32, #tpu.memory_space<hbm>>
        tpu.enqueue_indirect_dma source(%dma_start3A_227 : memref<1000000x128xf32, #tpu.memory_space<hbm>>) target(%arg12 : memref<64x128xf32, #tpu.memory_space<vmem>>) offsets(%dma_start3A_224 : memref<64xi32, #tpu.memory_space<vmem>>) semaphore(%arg21 : memref<!tpu.dma_semaphore, #tpu.memory_space<semaphore_mem>>)
        %dma_start3A_228 = arith.constant 0 : i32
        %dma_start3A_229 = arith.constant 0 : i32
        %dma_start3A_230 = tpu.memref_slice %arg13[%dma_start3A_228, %dma_start3A_229] : memref<320x128xf32, #tpu.memory_space<vmem>> -> memref<128x128xf32, #tpu.memory_space<vmem>>
        %dma_start3A_231 = tpu.memref_slice %arg10[%add3A_211] : memref<2560xi32, #tpu.memory_space<vmem>> -> memref<128xi32, #tpu.memory_space<vmem>>
        %dma_start3A_232 = arith.constant 0 : i32
        %dma_start3A_233 = arith.constant 0 : i32
        %dma_start3A_234 = tpu.memref_slice %arg6[%dma_start3A_232, %dma_start3A_233] : memref<1000000x128xf32, #tpu.memory_space<hbm>> -> memref<1000000x128xf32, #tpu.memory_space<hbm>>
        tpu.enqueue_indirect_dma source(%dma_start3A_234 : memref<1000000x128xf32, #tpu.memory_space<hbm>>) target(%dma_start3A_230 : memref<128x128xf32, #tpu.memory_space<vmem>>) offsets(%dma_start3A_231 : memref<128xi32, #tpu.memory_space<vmem>>) semaphore(%arg21 : memref<!tpu.dma_semaphore, #tpu.memory_space<semaphore_mem>>)
        %dma_start3A_235 = arith.constant 128 : i32
        %dma_start3A_236 = arith.constant 0 : i32
        %dma_start3A_237 = tpu.memref_slice %arg13[%dma_start3A_235, %dma_start3A_236] : memref<320x128xf32, #tpu.memory_space<vmem>> -> memref<128x128xf32, #tpu.memory_space<vmem>>
        %dma_start3A_238 = tpu.memref_slice %arg10[%add3A_215] : memref<2560xi32, #tpu.memory_space<vmem>> -> memref<128xi32, #tpu.memory_space<vmem>>
        %dma_start3A_239 = arith.constant 0 : i32
        %dma_start3A_240 = arith.constant 0 : i32
        %dma_start3A_241 = tpu.memref_slice %arg6[%dma_start3A_239, %dma_start3A_240] : memref<1000000x128xf32, #tpu.memory_space<hbm>> -> memref<1000000x128xf32, #tpu.memory_space<hbm>>
        tpu.enqueue_indirect_dma source(%dma_start3A_241 : memref<1000000x128xf32, #tpu.memory_space<hbm>>) target(%dma_start3A_237 : memref<128x128xf32, #tpu.memory_space<vmem>>) offsets(%dma_start3A_238 : memref<128xi32, #tpu.memory_space<vmem>>) semaphore(%arg21 : memref<!tpu.dma_semaphore, #tpu.memory_space<semaphore_mem>>)
        %dma_start3A_242 = arith.constant 256 : i32
        %dma_start3A_243 = arith.constant 0 : i32
        %dma_start3A_244 = tpu.memref_slice %arg13[%dma_start3A_242, %dma_start3A_243] : memref<320x128xf32, #tpu.memory_space<vmem>> -> memref<64x128xf32, #tpu.memory_space<vmem>>
        %dma_start3A_245 = tpu.memref_slice %arg10[%add3A_219] : memref<2560xi32, #tpu.memory_space<vmem>> -> memref<64xi32, #tpu.memory_space<vmem>>
        %dma_start3A_246 = arith.constant 0 : i32
        %dma_start3A_247 = arith.constant 0 : i32
        %dma_start3A_248 = tpu.memref_slice %arg6[%dma_start3A_246, %dma_start3A_247] : memref<1000000x128xf32, #tpu.memory_space<hbm>> -> memref<1000000x128xf32, #tpu.memory_space<hbm>>
        tpu.enqueue_indirect_dma source(%dma_start3A_248 : memref<1000000x128xf32, #tpu.memory_space<hbm>>) target(%dma_start3A_244 : memref<64x128xf32, #tpu.memory_space<vmem>>) offsets(%dma_start3A_245 : memref<64xi32, #tpu.memory_space<vmem>>) semaphore(%arg21 : memref<!tpu.dma_semaphore, #tpu.memory_space<semaphore_mem>>)
      } else {
      }
      %add3A_145 = arith.constant 1 : i32
      %add3A_146 = arith.addi %mul3A_90, %add3A_145 : i32
      %mul3A_147 = arith.constant 64 : i32
      %mul3A_148 = arith.muli %add3A_146, %mul3A_147 : i32
      %mul3A_149 = arith.constant 5 : i32
      %mul3A_150 = arith.muli %mul3A_148, %mul3A_149 : i32
      %add3A_151 = arith.constant 0 : i32
      %add3A_152 = arith.addi %mul3A_150, %add3A_151 : i32
      %mul3A_153 = arith.constant 5 : i32
      %mul3A_154 = arith.muli %mul3A_148, %mul3A_153 : i32
      %add3A_155 = arith.constant 128 : i32
      %add3A_156 = arith.addi %mul3A_154, %add3A_155 : i32
      %mul3A_157 = arith.constant 5 : i32
      %mul3A_158 = arith.muli %mul3A_148, %mul3A_157 : i32
      %add3A_159 = arith.constant 256 : i32
      %add3A_160 = arith.addi %mul3A_158, %add3A_159 : i32
      %dma_wait3A_161 = tpu.memref_slice %arg8[%mul3A_148] : memref<512xi32, #tpu.memory_space<vmem>> -> memref<64xi32, #tpu.memory_space<vmem>>
      %dma_wait3A_162 = arith.constant 0 : i32
      %dma_wait3A_163 = arith.constant 0 : i32
      %dma_wait3A_164 = tpu.memref_slice %arg5[%dma_wait3A_162, %dma_wait3A_163] : memref<1000000x128xf32, #tpu.memory_space<hbm>> -> memref<1000000x128xf32, #tpu.memory_space<hbm>>
      tpu.wait_indirect_dma semaphore(%arg22 : memref<!tpu.dma_semaphore, #tpu.memory_space<semaphore_mem>>) src(%dma_wait3A_164 : memref<1000000x128xf32, #tpu.memory_space<hbm>>) dst(%arg14 : memref<64x128xf32, #tpu.memory_space<vmem>>)
      %dma_wait3A_165 = tpu.memref_slice %arg9[%mul3A_148] : memref<512xi32, #tpu.memory_space<vmem>> -> memref<64xi32, #tpu.memory_space<vmem>>
      %dma_wait3A_166 = arith.constant 0 : i32
      %dma_wait3A_167 = arith.constant 0 : i32
      %dma_wait3A_168 = tpu.memref_slice %arg6[%dma_wait3A_166, %dma_wait3A_167] : memref<1000000x128xf32, #tpu.memory_space<hbm>> -> memref<1000000x128xf32, #tpu.memory_space<hbm>>
      tpu.wait_indirect_dma semaphore(%arg22 : memref<!tpu.dma_semaphore, #tpu.memory_space<semaphore_mem>>) src(%dma_wait3A_168 : memref<1000000x128xf32, #tpu.memory_space<hbm>>) dst(%arg15 : memref<64x128xf32, #tpu.memory_space<vmem>>)
      %dma_wait3A_169 = arith.constant 0 : i32
      %dma_wait3A_170 = arith.constant 0 : i32
      %dma_wait3A_171 = tpu.memref_slice %arg16[%dma_wait3A_169, %dma_wait3A_170] : memref<320x128xf32, #tpu.memory_space<vmem>> -> memref<128x128xf32, #tpu.memory_space<vmem>>
      %dma_wait3A_172 = tpu.memref_slice %arg10[%add3A_152] : memref<2560xi32, #tpu.memory_space<vmem>> -> memref<128xi32, #tpu.memory_space<vmem>>
      %dma_wait3A_173 = arith.constant 0 : i32
      %dma_wait3A_174 = arith.constant 0 : i32
      %dma_wait3A_175 = tpu.memref_slice %arg6[%dma_wait3A_173, %dma_wait3A_174] : memref<1000000x128xf32, #tpu.memory_space<hbm>> -> memref<1000000x128xf32, #tpu.memory_space<hbm>>
      tpu.wait_indirect_dma semaphore(%arg22 : memref<!tpu.dma_semaphore, #tpu.memory_space<semaphore_mem>>) src(%dma_wait3A_175 : memref<1000000x128xf32, #tpu.memory_space<hbm>>) dst(%dma_wait3A_171 : memref<128x128xf32, #tpu.memory_space<vmem>>)
      %dma_wait3A_176 = arith.constant 128 : i32
      %dma_wait3A_177 = arith.constant 0 : i32
      %dma_wait3A_178 = tpu.memref_slice %arg16[%dma_wait3A_176, %dma_wait3A_177] : memref<320x128xf32, #tpu.memory_space<vmem>> -> memref<128x128xf32, #tpu.memory_space<vmem>>
      %dma_wait3A_179 = tpu.memref_slice %arg10[%add3A_156] : memref<2560xi32, #tpu.memory_space<vmem>> -> memref<128xi32, #tpu.memory_space<vmem>>
      %dma_wait3A_180 = arith.constant 0 : i32
      %dma_wait3A_181 = arith.constant 0 : i32
      %dma_wait3A_182 = tpu.memref_slice %arg6[%dma_wait3A_180, %dma_wait3A_181] : memref<1000000x128xf32, #tpu.memory_space<hbm>> -> memref<1000000x128xf32, #tpu.memory_space<hbm>>
      tpu.wait_indirect_dma semaphore(%arg22 : memref<!tpu.dma_semaphore, #tpu.memory_space<semaphore_mem>>) src(%dma_wait3A_182 : memref<1000000x128xf32, #tpu.memory_space<hbm>>) dst(%dma_wait3A_178 : memref<128x128xf32, #tpu.memory_space<vmem>>)
      %dma_wait3A_183 = arith.constant 256 : i32
      %dma_wait3A_184 = arith.constant 0 : i32
      %dma_wait3A_185 = tpu.memref_slice %arg16[%dma_wait3A_183, %dma_wait3A_184] : memref<320x128xf32, #tpu.memory_space<vmem>> -> memref<64x128xf32, #tpu.memory_space<vmem>>
      %dma_wait3A_186 = tpu.memref_slice %arg10[%add3A_160] : memref<2560xi32, #tpu.memory_space<vmem>> -> memref<64xi32, #tpu.memory_space<vmem>>
      %dma_wait3A_187 = arith.constant 0 : i32
      %dma_wait3A_188 = arith.constant 0 : i32
      %dma_wait3A_189 = tpu.memref_slice %arg6[%dma_wait3A_187, %dma_wait3A_188] : memref<1000000x128xf32, #tpu.memory_space<hbm>> -> memref<1000000x128xf32, #tpu.memory_space<hbm>>
      tpu.wait_indirect_dma semaphore(%arg22 : memref<!tpu.dma_semaphore, #tpu.memory_space<semaphore_mem>>) src(%dma_wait3A_189 : memref<1000000x128xf32, #tpu.memory_space<hbm>>) dst(%dma_wait3A_185 : memref<64x128xf32, #tpu.memory_space<vmem>>)
      %parallel_loop3A_190 = arith.constant 0 : i32
      %parallel_loop3A_191 = arith.constant 64 : i32
      %parallel_loop3A_192 = arith.constant 1 : i32
      scf.for %parallel_loop3A_204 = %parallel_loop3A_190 to %parallel_loop3A_191 step %parallel_loop3A_192  : i32 {
        %parallel_loop3A_205 = arith.index_cast %parallel_loop3A_204 : i32 to index
        %parallel_loop3A_206 = arith.constant 0 : index
        %parallel_loop3A_207 = tpu.vector_load %arg14[%parallel_loop3A_205, %parallel_loop3A_206] {strides = array<i32>} : memref<64x128xf32, #tpu.memory_space<vmem>>, vector<16xf32>,
        %parallel_loop3A_208 = arith.index_cast %parallel_loop3A_204 : i32 to index
        %parallel_loop3A_209 = arith.constant 16 : index
        %parallel_loop3A_210 = tpu.vector_load %arg14[%parallel_loop3A_208, %parallel_loop3A_209] {strides = array<i32>} : memref<64x128xf32, #tpu.memory_space<vmem>>, vector<16xf32>,
        %parallel_loop3A_211 = arith.index_cast %parallel_loop3A_204 : i32 to index
        %parallel_loop3A_212 = arith.constant 32 : index
        %parallel_loop3A_213 = tpu.vector_load %arg14[%parallel_loop3A_211, %parallel_loop3A_212] {strides = array<i32>} : memref<64x128xf32, #tpu.memory_space<vmem>>, vector<16xf32>,
        %parallel_loop3A_214 = arith.index_cast %parallel_loop3A_204 : i32 to index
        %parallel_loop3A_215 = arith.constant 48 : index
        %parallel_loop3A_216 = tpu.vector_load %arg14[%parallel_loop3A_214, %parallel_loop3A_215] {strides = array<i32>} : memref<64x128xf32, #tpu.memory_space<vmem>>, vector<16xf32>,
        %parallel_loop3A_217 = arith.index_cast %parallel_loop3A_204 : i32 to index
        %parallel_loop3A_218 = arith.constant 64 : index
        %parallel_loop3A_219 = tpu.vector_load %arg14[%parallel_loop3A_217, %parallel_loop3A_218] {strides = array<i32>} : memref<64x128xf32, #tpu.memory_space<vmem>>, vector<16xf32>,
        %parallel_loop3A_220 = arith.index_cast %parallel_loop3A_204 : i32 to index
        %parallel_loop3A_221 = arith.constant 80 : index
        %parallel_loop3A_222 = tpu.vector_load %arg14[%parallel_loop3A_220, %parallel_loop3A_221] {strides = array<i32>} : memref<64x128xf32, #tpu.memory_space<vmem>>, vector<16xf32>,
        %parallel_loop3A_223 = arith.index_cast %parallel_loop3A_204 : i32 to index
        %parallel_loop3A_224 = arith.constant 96 : index
        %parallel_loop3A_225 = tpu.vector_load %arg14[%parallel_loop3A_223, %parallel_loop3A_224] {strides = array<i32>} : memref<64x128xf32, #tpu.memory_space<vmem>>, vector<16xf32>,
        %parallel_loop3A_226 = arith.index_cast %parallel_loop3A_204 : i32 to index
        %parallel_loop3A_227 = arith.constant 112 : index
        %parallel_loop3A_228 = tpu.vector_load %arg14[%parallel_loop3A_226, %parallel_loop3A_227] {strides = array<i32>} : memref<64x128xf32, #tpu.memory_space<vmem>>, vector<16xf32>,
        %parallel_loop3A_229 = arith.index_cast %parallel_loop3A_204 : i32 to index
        %parallel_loop3A_230 = arith.constant 0 : index
        %parallel_loop3A_231 = tpu.vector_load %arg15[%parallel_loop3A_229, %parallel_loop3A_230] {strides = array<i32>} : memref<64x128xf32, #tpu.memory_space<vmem>>, vector<16xf32>,
        %parallel_loop3A_232 = arith.mulf %parallel_loop3A_207, %parallel_loop3A_231 : vector<16xf32>
        %parallel_loop3A_233 = arith.index_cast %parallel_loop3A_204 : i32 to index
        %parallel_loop3A_234 = arith.constant 16 : index
        %parallel_loop3A_235 = tpu.vector_load %arg15[%parallel_loop3A_233, %parallel_loop3A_234] {strides = array<i32>} : memref<64x128xf32, #tpu.memory_space<vmem>>, vector<16xf32>,
        %parallel_loop3A_236 = arith.mulf %parallel_loop3A_210, %parallel_loop3A_235 : vector<16xf32>
        %parallel_loop3A_237 = arith.index_cast %parallel_loop3A_204 : i32 to index
        %parallel_loop3A_238 = arith.constant 32 : index
        %parallel_loop3A_239 = tpu.vector_load %arg15[%parallel_loop3A_237, %parallel_loop3A_238] {strides = array<i32>} : memref<64x128xf32, #tpu.memory_space<vmem>>, vector<16xf32>,
        %parallel_loop3A_240 = arith.mulf %parallel_loop3A_213, %parallel_loop3A_239 : vector<16xf32>
        %parallel_loop3A_241 = arith.index_cast %parallel_loop3A_204 : i32 to index
        %parallel_loop3A_242 = arith.constant 48 : index
        %parallel_loop3A_243 = tpu.vector_load %arg15[%parallel_loop3A_241, %parallel_loop3A_242] {strides = array<i32>} : memref<64x128xf32, #tpu.memory_space<vmem>>, vector<16xf32>,
        %parallel_loop3A_244 = arith.mulf %parallel_loop3A_216, %parallel_loop3A_243 : vector<16xf32>
        %parallel_loop3A_245 = arith.index_cast %parallel_loop3A_204 : i32 to index
        %parallel_loop3A_246 = arith.constant 64 : index
        %parallel_loop3A_247 = tpu.vector_load %arg15[%parallel_loop3A_245, %parallel_loop3A_246] {strides = array<i32>} : memref<64x128xf32, #tpu.memory_space<vmem>>, vector<16xf32>,
        %parallel_loop3A_248 = arith.mulf %parallel_loop3A_219, %parallel_loop3A_247 : vector<16xf32>
        %parallel_loop3A_249 = arith.index_cast %parallel_loop3A_204 : i32 to index
        %parallel_loop3A_250 = arith.constant 80 : index
        %parallel_loop3A_251 = tpu.vector_load %arg15[%parallel_loop3A_249, %parallel_loop3A_250] {strides = array<i32>} : memref<64x128xf32, #tpu.memory_space<vmem>>, vector<16xf32>,
        %parallel_loop3A_252 = arith.mulf %parallel_loop3A_222, %parallel_loop3A_251 : vector<16xf32>
        %parallel_loop3A_253 = arith.index_cast %parallel_loop3A_204 : i32 to index
        %parallel_loop3A_254 = arith.constant 96 : index
        %parallel_loop3A_255 = tpu.vector_load %arg15[%parallel_loop3A_253, %parallel_loop3A_254] {strides = array<i32>} : memref<64x128xf32, #tpu.memory_space<vmem>>, vector<16xf32>,
        %parallel_loop3A_256 = arith.mulf %parallel_loop3A_225, %parallel_loop3A_255 : vector<16xf32>
        %parallel_loop3A_257 = arith.index_cast %parallel_loop3A_204 : i32 to index
        %parallel_loop3A_258 = arith.constant 112 : index
        %parallel_loop3A_259 = tpu.vector_load %arg15[%parallel_loop3A_257, %parallel_loop3A_258] {strides = array<i32>} : memref<64x128xf32, #tpu.memory_space<vmem>>, vector<16xf32>,
        %parallel_loop3A_260 = arith.mulf %parallel_loop3A_228, %parallel_loop3A_259 : vector<16xf32>
        %parallel_loop3A_261 = arith.addf %parallel_loop3A_232, %parallel_loop3A_236 : vector<16xf32>
        %parallel_loop3A_262 = arith.addf %parallel_loop3A_240, %parallel_loop3A_244 : vector<16xf32>
        %parallel_loop3A_263 = arith.addf %parallel_loop3A_248, %parallel_loop3A_252 : vector<16xf32>
        %parallel_loop3A_264 = arith.addf %parallel_loop3A_256, %parallel_loop3A_260 : vector<16xf32>
        %parallel_loop3A_265 = arith.addf %parallel_loop3A_261, %parallel_loop3A_262 : vector<16xf32>
        %parallel_loop3A_266 = arith.addf %parallel_loop3A_263, %parallel_loop3A_264 : vector<16xf32>
        %parallel_loop3A_267 = arith.addf %parallel_loop3A_265, %parallel_loop3A_266 : vector<16xf32>
        %parallel_loop3A_268 = arith.index_cast %parallel_loop3A_204 : i32 to index
        %parallel_loop3A_269 = arith.constant 0 : index
        %parallel_loop3A_270 = tpu.vector_load %arg17[%parallel_loop3A_268, %parallel_loop3A_269] {strides = array<i32>} : memref<64x97xf32, #tpu.memory_space<vmem>>, vector<16xf32>,
        tpu.vector_store %arg17[%parallel_loop3A_268, %parallel_loop3A_269], %parallel_loop3A_267 {strides = array<i32>} : memref<64x97xf32, #tpu.memory_space<vmem>>, vector<16xf32>,
        %parallel_loop3A_271 = arith.constant 5 : i32
        %parallel_loop3A_272 = arith.muli %parallel_loop3A_271, %parallel_loop3A_204 : i32
        %parallel_loop3A_273 = arith.constant 0 : i32
        %parallel_loop3A_274 = arith.addi %parallel_loop3A_272, %parallel_loop3A_273 : i32
        %parallel_loop3A_275 = arith.index_cast %parallel_loop3A_274 : i32 to index
        %parallel_loop3A_276 = arith.constant 0 : index
        %parallel_loop3A_277 = tpu.vector_load %arg16[%parallel_loop3A_275, %parallel_loop3A_276] {strides = array<i32>} : memref<320x128xf32, #tpu.memory_space<vmem>>, vector<16xf32>,
        %parallel_loop3A_278 = arith.mulf %parallel_loop3A_207, %parallel_loop3A_277 : vector<16xf32>
        %parallel_loop3A_279 = arith.index_cast %parallel_loop3A_274 : i32 to index
        %parallel_loop3A_280 = arith.constant 16 : index
        %parallel_loop3A_281 = tpu.vector_load %arg16[%parallel_loop3A_279, %parallel_loop3A_280] {strides = array<i32>} : memref<320x128xf32, #tpu.memory_space<vmem>>, vector<16xf32>,
        %parallel_loop3A_282 = arith.mulf %parallel_loop3A_210, %parallel_loop3A_281 : vector<16xf32>
        %parallel_loop3A_283 = arith.index_cast %parallel_loop3A_274 : i32 to index
        %parallel_loop3A_284 = arith.constant 32 : index
        %parallel_loop3A_285 = tpu.vector_load %arg16[%parallel_loop3A_283, %parallel_loop3A_284] {strides = array<i32>} : memref<320x128xf32, #tpu.memory_space<vmem>>, vector<16xf32>,
        %parallel_loop3A_286 = arith.mulf %parallel_loop3A_213, %parallel_loop3A_285 : vector<16xf32>
        %parallel_loop3A_287 = arith.index_cast %parallel_loop3A_274 : i32 to index
        %parallel_loop3A_288 = arith.constant 48 : index
        %parallel_loop3A_289 = tpu.vector_load %arg16[%parallel_loop3A_287, %parallel_loop3A_288] {strides = array<i32>} : memref<320x128xf32, #tpu.memory_space<vmem>>, vector<16xf32>,
        %parallel_loop3A_290 = arith.mulf %parallel_loop3A_216, %parallel_loop3A_289 : vector<16xf32>
        %parallel_loop3A_291 = arith.index_cast %parallel_loop3A_274 : i32 to index
        %parallel_loop3A_292 = arith.constant 64 : index
        %parallel_loop3A_293 = tpu.vector_load %arg16[%parallel_loop3A_291, %parallel_loop3A_292] {strides = array<i32>} : memref<320x128xf32, #tpu.memory_space<vmem>>, vector<16xf32>,
        %parallel_loop3A_294 = arith.mulf %parallel_loop3A_219, %parallel_loop3A_293 : vector<16xf32>
        %parallel_loop3A_295 = arith.index_cast %parallel_loop3A_274 : i32 to index
        %parallel_loop3A_296 = arith.constant 80 : index
        %parallel_loop3A_297 = tpu.vector_load %arg16[%parallel_loop3A_295, %parallel_loop3A_296] {strides = array<i32>} : memref<320x128xf32, #tpu.memory_space<vmem>>, vector<16xf32>,
        %parallel_loop3A_298 = arith.mulf %parallel_loop3A_222, %parallel_loop3A_297 : vector<16xf32>
        %parallel_loop3A_299 = arith.index_cast %parallel_loop3A_274 : i32 to index
        %parallel_loop3A_300 = arith.constant 96 : index
        %parallel_loop3A_301 = tpu.vector_load %arg16[%parallel_loop3A_299, %parallel_loop3A_300] {strides = array<i32>} : memref<320x128xf32, #tpu.memory_space<vmem>>, vector<16xf32>,
        %parallel_loop3A_302 = arith.mulf %parallel_loop3A_225, %parallel_loop3A_301 : vector<16xf32>
        %parallel_loop3A_303 = arith.index_cast %parallel_loop3A_274 : i32 to index
        %parallel_loop3A_304 = arith.constant 112 : index
        %parallel_loop3A_305 = tpu.vector_load %arg16[%parallel_loop3A_303, %parallel_loop3A_304] {strides = array<i32>} : memref<320x128xf32, #tpu.memory_space<vmem>>, vector<16xf32>,
        %parallel_loop3A_306 = arith.mulf %parallel_loop3A_228, %parallel_loop3A_305 : vector<16xf32>
        %parallel_loop3A_307 = arith.addf %parallel_loop3A_278, %parallel_loop3A_282 : vector<16xf32>
        %parallel_loop3A_308 = arith.addf %parallel_loop3A_286, %parallel_loop3A_290 : vector<16xf32>
        %parallel_loop3A_309 = arith.addf %parallel_loop3A_294, %parallel_loop3A_298 : vector<16xf32>
        %parallel_loop3A_310 = arith.addf %parallel_loop3A_302, %parallel_loop3A_306 : vector<16xf32>
        %parallel_loop3A_311 = arith.addf %parallel_loop3A_307, %parallel_loop3A_308 : vector<16xf32>
        %parallel_loop3A_312 = arith.addf %parallel_loop3A_309, %parallel_loop3A_310 : vector<16xf32>
        %parallel_loop3A_313 = arith.addf %parallel_loop3A_311, %parallel_loop3A_312 : vector<16xf32>
        %parallel_loop3A_314 = arith.index_cast %parallel_loop3A_204 : i32 to index
        %parallel_loop3A_315 = arith.constant 16 : index
        %parallel_loop3A_316 = tpu.vector_load %arg17[%parallel_loop3A_314, %parallel_loop3A_315] {strides = array<i32>} : memref<64x97xf32, #tpu.memory_space<vmem>>, vector<16xf32>,
        tpu.vector_store %arg17[%parallel_loop3A_314, %parallel_loop3A_315], %parallel_loop3A_313 {strides = array<i32>} : memref<64x97xf32, #tpu.memory_space<vmem>>, vector<16xf32>,
        %parallel_loop3A_317 = arith.constant 5 : i32
        %parallel_loop3A_318 = arith.muli %parallel_loop3A_317, %parallel_loop3A_204 : i32
        %parallel_loop3A_319 = arith.constant 1 : i32
        %parallel_loop3A_320 = arith.addi %parallel_loop3A_318, %parallel_loop3A_319 : i32
        %parallel_loop3A_321 = arith.index_cast %parallel_loop3A_320 : i32 to index
        %parallel_loop3A_322 = arith.constant 0 : index
        %parallel_loop3A_323 = tpu.vector_load %arg16[%parallel_loop3A_321, %parallel_loop3A_322] {strides = array<i32>} : memref<320x128xf32, #tpu.memory_space<vmem>>, vector<16xf32>,
        %parallel_loop3A_324 = arith.mulf %parallel_loop3A_207, %parallel_loop3A_323 : vector<16xf32>
        %parallel_loop3A_325 = arith.index_cast %parallel_loop3A_320 : i32 to index
        %parallel_loop3A_326 = arith.constant 16 : index
        %parallel_loop3A_327 = tpu.vector_load %arg16[%parallel_loop3A_325, %parallel_loop3A_326] {strides = array<i32>} : memref<320x128xf32, #tpu.memory_space<vmem>>, vector<16xf32>,
        %parallel_loop3A_328 = arith.mulf %parallel_loop3A_210, %parallel_loop3A_327 : vector<16xf32>
        %parallel_loop3A_329 = arith.index_cast %parallel_loop3A_320 : i32 to index
        %parallel_loop3A_330 = arith.constant 32 : index
        %parallel_loop3A_331 = tpu.vector_load %arg16[%parallel_loop3A_329, %parallel_loop3A_330] {strides = array<i32>} : memref<320x128xf32, #tpu.memory_space<vmem>>, vector<16xf32>,
        %parallel_loop3A_332 = arith.mulf %parallel_loop3A_213, %parallel_loop3A_331 : vector<16xf32>
        %parallel_loop3A_333 = arith.index_cast %parallel_loop3A_320 : i32 to index
        %parallel_loop3A_334 = arith.constant 48 : index
        %parallel_loop3A_335 = tpu.vector_load %arg16[%parallel_loop3A_333, %parallel_loop3A_334] {strides = array<i32>} : memref<320x128xf32, #tpu.memory_space<vmem>>, vector<16xf32>,
        %parallel_loop3A_336 = arith.mulf %parallel_loop3A_216, %parallel_loop3A_335 : vector<16xf32>
        %parallel_loop3A_337 = arith.index_cast %parallel_loop3A_320 : i32 to index
        %parallel_loop3A_338 = arith.constant 64 : index
        %parallel_loop3A_339 = tpu.vector_load %arg16[%parallel_loop3A_337, %parallel_loop3A_338] {strides = array<i32>} : memref<320x128xf32, #tpu.memory_space<vmem>>, vector<16xf32>,
        %parallel_loop3A_340 = arith.mulf %parallel_loop3A_219, %parallel_loop3A_339 : vector<16xf32>
        %parallel_loop3A_341 = arith.index_cast %parallel_loop3A_320 : i32 to index
        %parallel_loop3A_342 = arith.constant 80 : index
        %parallel_loop3A_343 = tpu.vector_load %arg16[%parallel_loop3A_341, %parallel_loop3A_342] {strides = array<i32>} : memref<320x128xf32, #tpu.memory_space<vmem>>, vector<16xf32>,
        %parallel_loop3A_344 = arith.mulf %parallel_loop3A_222, %parallel_loop3A_343 : vector<16xf32>
        %parallel_loop3A_345 = arith.index_cast %parallel_loop3A_320 : i32 to index
        %parallel_loop3A_346 = arith.constant 96 : index
        %parallel_loop3A_347 = tpu.vector_load %arg16[%parallel_loop3A_345, %parallel_loop3A_346] {strides = array<i32>} : memref<320x128xf32, #tpu.memory_space<vmem>>, vector<16xf32>,
        %parallel_loop3A_348 = arith.mulf %parallel_loop3A_225, %parallel_loop3A_347 : vector<16xf32>
        %parallel_loop3A_349 = arith.index_cast %parallel_loop3A_320 : i32 to index
        %parallel_loop3A_350 = arith.constant 112 : index
        %parallel_loop3A_351 = tpu.vector_load %arg16[%parallel_loop3A_349, %parallel_loop3A_350] {strides = array<i32>} : memref<320x128xf32, #tpu.memory_space<vmem>>, vector<16xf32>,
        %parallel_loop3A_352 = arith.mulf %parallel_loop3A_228, %parallel_loop3A_351 : vector<16xf32>
        %parallel_loop3A_353 = arith.addf %parallel_loop3A_324, %parallel_loop3A_328 : vector<16xf32>
        %parallel_loop3A_354 = arith.addf %parallel_loop3A_332, %parallel_loop3A_336 : vector<16xf32>
        %parallel_loop3A_355 = arith.addf %parallel_loop3A_340, %parallel_loop3A_344 : vector<16xf32>
        %parallel_loop3A_356 = arith.addf %parallel_loop3A_348, %parallel_loop3A_352 : vector<16xf32>
        %parallel_loop3A_357 = arith.addf %parallel_loop3A_353, %parallel_loop3A_354 : vector<16xf32>
        %parallel_loop3A_358 = arith.addf %parallel_loop3A_355, %parallel_loop3A_356 : vector<16xf32>
        %parallel_loop3A_359 = arith.addf %parallel_loop3A_357, %parallel_loop3A_358 : vector<16xf32>
        %parallel_loop3A_360 = arith.index_cast %parallel_loop3A_204 : i32 to index
        %parallel_loop3A_361 = arith.constant 32 : index
        %parallel_loop3A_362 = tpu.vector_load %arg17[%parallel_loop3A_360, %parallel_loop3A_361] {strides = array<i32>} : memref<64x97xf32, #tpu.memory_space<vmem>>, vector<16xf32>,
        tpu.vector_store %arg17[%parallel_loop3A_360, %parallel_loop3A_361], %parallel_loop3A_359 {strides = array<i32>} : memref<64x97xf32, #tpu.memory_space<vmem>>, vector<16xf32>,
        %parallel_loop3A_363 = arith.constant 5 : i32
        %parallel_loop3A_364 = arith.muli %parallel_loop3A_363, %parallel_loop3A_204 : i32
        %parallel_loop3A_365 = arith.constant 2 : i32
        %parallel_loop3A_366 = arith.addi %parallel_loop3A_364, %parallel_loop3A_365 : i32
        %parallel_loop3A_367 = arith.index_cast %parallel_loop3A_366 : i32 to index
        %parallel_loop3A_368 = arith.constant 0 : index
        %parallel_loop3A_369 = tpu.vector_load %arg16[%parallel_loop3A_367, %parallel_loop3A_368] {strides = array<i32>} : memref<320x128xf32, #tpu.memory_space<vmem>>, vector<16xf32>,
        %parallel_loop3A_370 = arith.mulf %parallel_loop3A_207, %parallel_loop3A_369 : vector<16xf32>
        %parallel_loop3A_371 = arith.index_cast %parallel_loop3A_366 : i32 to index
        %parallel_loop3A_372 = arith.constant 16 : index
        %parallel_loop3A_373 = tpu.vector_load %arg16[%parallel_loop3A_371, %parallel_loop3A_372] {strides = array<i32>} : memref<320x128xf32, #tpu.memory_space<vmem>>, vector<16xf32>,
        %parallel_loop3A_374 = arith.mulf %parallel_loop3A_210, %parallel_loop3A_373 : vector<16xf32>
        %parallel_loop3A_375 = arith.index_cast %parallel_loop3A_366 : i32 to index
        %parallel_loop3A_376 = arith.constant 32 : index
        %parallel_loop3A_377 = tpu.vector_load %arg16[%parallel_loop3A_375, %parallel_loop3A_376] {strides = array<i32>} : memref<320x128xf32, #tpu.memory_space<vmem>>, vector<16xf32>,
        %parallel_loop3A_378 = arith.mulf %parallel_loop3A_213, %parallel_loop3A_377 : vector<16xf32>
        %parallel_loop3A_379 = arith.index_cast %parallel_loop3A_366 : i32 to index
        %parallel_loop3A_380 = arith.constant 48 : index
        %parallel_loop3A_381 = tpu.vector_load %arg16[%parallel_loop3A_379, %parallel_loop3A_380] {strides = array<i32>} : memref<320x128xf32, #tpu.memory_space<vmem>>, vector<16xf32>,
        %parallel_loop3A_382 = arith.mulf %parallel_loop3A_216, %parallel_loop3A_381 : vector<16xf32>
        %parallel_loop3A_383 = arith.index_cast %parallel_loop3A_366 : i32 to index
        %parallel_loop3A_384 = arith.constant 64 : index
        %parallel_loop3A_385 = tpu.vector_load %arg16[%parallel_loop3A_383, %parallel_loop3A_384] {strides = array<i32>} : memref<320x128xf32, #tpu.memory_space<vmem>>, vector<16xf32>,
        %parallel_loop3A_386 = arith.mulf %parallel_loop3A_219, %parallel_loop3A_385 : vector<16xf32>
        %parallel_loop3A_387 = arith.index_cast %parallel_loop3A_366 : i32 to index
        %parallel_loop3A_388 = arith.constant 80 : index
        %parallel_loop3A_389 = tpu.vector_load %arg16[%parallel_loop3A_387, %parallel_loop3A_388] {strides = array<i32>} : memref<320x128xf32, #tpu.memory_space<vmem>>, vector<16xf32>,
        %parallel_loop3A_390 = arith.mulf %parallel_loop3A_222, %parallel_loop3A_389 : vector<16xf32>
        %parallel_loop3A_391 = arith.index_cast %parallel_loop3A_366 : i32 to index
        %parallel_loop3A_392 = arith.constant 96 : index
        %parallel_loop3A_393 = tpu.vector_load %arg16[%parallel_loop3A_391, %parallel_loop3A_392] {strides = array<i32>} : memref<320x128xf32, #tpu.memory_space<vmem>>, vector<16xf32>,
        %parallel_loop3A_394 = arith.mulf %parallel_loop3A_225, %parallel_loop3A_393 : vector<16xf32>
        %parallel_loop3A_395 = arith.index_cast %parallel_loop3A_366 : i32 to index
        %parallel_loop3A_396 = arith.constant 112 : index
        %parallel_loop3A_397 = tpu.vector_load %arg16[%parallel_loop3A_395, %parallel_loop3A_396] {strides = array<i32>} : memref<320x128xf32, #tpu.memory_space<vmem>>, vector<16xf32>,
        %parallel_loop3A_398 = arith.mulf %parallel_loop3A_228, %parallel_loop3A_397 : vector<16xf32>
        %parallel_loop3A_399 = arith.addf %parallel_loop3A_370, %parallel_loop3A_374 : vector<16xf32>
        %parallel_loop3A_400 = arith.addf %parallel_loop3A_378, %parallel_loop3A_382 : vector<16xf32>
        %parallel_loop3A_401 = arith.addf %parallel_loop3A_386, %parallel_loop3A_390 : vector<16xf32>
        %parallel_loop3A_402 = arith.addf %parallel_loop3A_394, %parallel_loop3A_398 : vector<16xf32>
        %parallel_loop3A_403 = arith.addf %parallel_loop3A_399, %parallel_loop3A_400 : vector<16xf32>
        %parallel_loop3A_404 = arith.addf %parallel_loop3A_401, %parallel_loop3A_402 : vector<16xf32>
        %parallel_loop3A_405 = arith.addf %parallel_loop3A_403, %parallel_loop3A_404 : vector<16xf32>
        %parallel_loop3A_406 = arith.index_cast %parallel_loop3A_204 : i32 to index
        %parallel_loop3A_407 = arith.constant 48 : index
        %parallel_loop3A_408 = tpu.vector_load %arg17[%parallel_loop3A_406, %parallel_loop3A_407] {strides = array<i32>} : memref<64x97xf32, #tpu.memory_space<vmem>>, vector<16xf32>,
        tpu.vector_store %arg17[%parallel_loop3A_406, %parallel_loop3A_407], %parallel_loop3A_405 {strides = array<i32>} : memref<64x97xf32, #tpu.memory_space<vmem>>, vector<16xf32>,
        %parallel_loop3A_409 = arith.constant 5 : i32
        %parallel_loop3A_410 = arith.muli %parallel_loop3A_409, %parallel_loop3A_204 : i32
        %parallel_loop3A_411 = arith.constant 3 : i32
        %parallel_loop3A_412 = arith.addi %parallel_loop3A_410, %parallel_loop3A_411 : i32
        %parallel_loop3A_413 = arith.index_cast %parallel_loop3A_412 : i32 to index
        %parallel_loop3A_414 = arith.constant 0 : index
        %parallel_loop3A_415 = tpu.vector_load %arg16[%parallel_loop3A_413, %parallel_loop3A_414] {strides = array<i32>} : memref<320x128xf32, #tpu.memory_space<vmem>>, vector<16xf32>,
        %parallel_loop3A_416 = arith.mulf %parallel_loop3A_207, %parallel_loop3A_415 : vector<16xf32>
        %parallel_loop3A_417 = arith.index_cast %parallel_loop3A_412 : i32 to index
        %parallel_loop3A_418 = arith.constant 16 : index
        %parallel_loop3A_419 = tpu.vector_load %arg16[%parallel_loop3A_417, %parallel_loop3A_418] {strides = array<i32>} : memref<320x128xf32, #tpu.memory_space<vmem>>, vector<16xf32>,
        %parallel_loop3A_420 = arith.mulf %parallel_loop3A_210, %parallel_loop3A_419 : vector<16xf32>
        %parallel_loop3A_421 = arith.index_cast %parallel_loop3A_412 : i32 to index
        %parallel_loop3A_422 = arith.constant 32 : index
        %parallel_loop3A_423 = tpu.vector_load %arg16[%parallel_loop3A_421, %parallel_loop3A_422] {strides = array<i32>} : memref<320x128xf32, #tpu.memory_space<vmem>>, vector<16xf32>,
        %parallel_loop3A_424 = arith.mulf %parallel_loop3A_213, %parallel_loop3A_423 : vector<16xf32>
        %parallel_loop3A_425 = arith.index_cast %parallel_loop3A_412 : i32 to index
        %parallel_loop3A_426 = arith.constant 48 : index
        %parallel_loop3A_427 = tpu.vector_load %arg16[%parallel_loop3A_425, %parallel_loop3A_426] {strides = array<i32>} : memref<320x128xf32, #tpu.memory_space<vmem>>, vector<16xf32>,
        %parallel_loop3A_428 = arith.mulf %parallel_loop3A_216, %parallel_loop3A_427 : vector<16xf32>
        %parallel_loop3A_429 = arith.index_cast %parallel_loop3A_412 : i32 to index
        %parallel_loop3A_430 = arith.constant 64 : index
        %parallel_loop3A_431 = tpu.vector_load %arg16[%parallel_loop3A_429, %parallel_loop3A_430] {strides = array<i32>} : memref<320x128xf32, #tpu.memory_space<vmem>>, vector<16xf32>,
        %parallel_loop3A_432 = arith.mulf %parallel_loop3A_219, %parallel_loop3A_431 : vector<16xf32>
        %parallel_loop3A_433 = arith.index_cast %parallel_loop3A_412 : i32 to index
        %parallel_loop3A_434 = arith.constant 80 : index
        %parallel_loop3A_435 = tpu.vector_load %arg16[%parallel_loop3A_433, %parallel_loop3A_434] {strides = array<i32>} : memref<320x128xf32, #tpu.memory_space<vmem>>, vector<16xf32>,
        %parallel_loop3A_436 = arith.mulf %parallel_loop3A_222, %parallel_loop3A_435 : vector<16xf32>
        %parallel_loop3A_437 = arith.index_cast %parallel_loop3A_412 : i32 to index
        %parallel_loop3A_438 = arith.constant 96 : index
        %parallel_loop3A_439 = tpu.vector_load %arg16[%parallel_loop3A_437, %parallel_loop3A_438] {strides = array<i32>} : memref<320x128xf32, #tpu.memory_space<vmem>>, vector<16xf32>,
        %parallel_loop3A_440 = arith.mulf %parallel_loop3A_225, %parallel_loop3A_439 : vector<16xf32>
        %parallel_loop3A_441 = arith.index_cast %parallel_loop3A_412 : i32 to index
        %parallel_loop3A_442 = arith.constant 112 : index
        %parallel_loop3A_443 = tpu.vector_load %arg16[%parallel_loop3A_441, %parallel_loop3A_442] {strides = array<i32>} : memref<320x128xf32, #tpu.memory_space<vmem>>, vector<16xf32>,
        %parallel_loop3A_444 = arith.mulf %parallel_loop3A_228, %parallel_loop3A_443 : vector<16xf32>
        %parallel_loop3A_445 = arith.addf %parallel_loop3A_416, %parallel_loop3A_420 : vector<16xf32>
        %parallel_loop3A_446 = arith.addf %parallel_loop3A_424, %parallel_loop3A_428 : vector<16xf32>
        %parallel_loop3A_447 = arith.addf %parallel_loop3A_432, %parallel_loop3A_436 : vector<16xf32>
        %parallel_loop3A_448 = arith.addf %parallel_loop3A_440, %parallel_loop3A_444 : vector<16xf32>
        %parallel_loop3A_449 = arith.addf %parallel_loop3A_445, %parallel_loop3A_446 : vector<16xf32>
        %parallel_loop3A_450 = arith.addf %parallel_loop3A_447, %parallel_loop3A_448 : vector<16xf32>
        %parallel_loop3A_451 = arith.addf %parallel_loop3A_449, %parallel_loop3A_450 : vector<16xf32>
        %parallel_loop3A_452 = arith.index_cast %parallel_loop3A_204 : i32 to index
        %parallel_loop3A_453 = arith.constant 64 : index
        %parallel_loop3A_454 = tpu.vector_load %arg17[%parallel_loop3A_452, %parallel_loop3A_453] {strides = array<i32>} : memref<64x97xf32, #tpu.memory_space<vmem>>, vector<16xf32>,
        tpu.vector_store %arg17[%parallel_loop3A_452, %parallel_loop3A_453], %parallel_loop3A_451 {strides = array<i32>} : memref<64x97xf32, #tpu.memory_space<vmem>>, vector<16xf32>,
        %parallel_loop3A_455 = arith.constant 5 : i32
        %parallel_loop3A_456 = arith.muli %parallel_loop3A_455, %parallel_loop3A_204 : i32
        %parallel_loop3A_457 = arith.constant 4 : i32
        %parallel_loop3A_458 = arith.addi %parallel_loop3A_456, %parallel_loop3A_457 : i32
        %parallel_loop3A_459 = arith.index_cast %parallel_loop3A_458 : i32 to index
        %parallel_loop3A_460 = arith.constant 0 : index
        %parallel_loop3A_461 = tpu.vector_load %arg16[%parallel_loop3A_459, %parallel_loop3A_460] {strides = array<i32>} : memref<320x128xf32, #tpu.memory_space<vmem>>, vector<16xf32>,
        %parallel_loop3A_462 = arith.mulf %parallel_loop3A_207, %parallel_loop3A_461 : vector<16xf32>
        %parallel_loop3A_463 = arith.index_cast %parallel_loop3A_458 : i32 to index
        %parallel_loop3A_464 = arith.constant 16 : index
        %parallel_loop3A_465 = tpu.vector_load %arg16[%parallel_loop3A_463, %parallel_loop3A_464] {strides = array<i32>} : memref<320x128xf32, #tpu.memory_space<vmem>>, vector<16xf32>,
        %parallel_loop3A_466 = arith.mulf %parallel_loop3A_210, %parallel_loop3A_465 : vector<16xf32>
        %parallel_loop3A_467 = arith.index_cast %parallel_loop3A_458 : i32 to index
        %parallel_loop3A_468 = arith.constant 32 : index
        %parallel_loop3A_469 = tpu.vector_load %arg16[%parallel_loop3A_467, %parallel_loop3A_468] {strides = array<i32>} : memref<320x128xf32, #tpu.memory_space<vmem>>, vector<16xf32>,
        %parallel_loop3A_470 = arith.mulf %parallel_loop3A_213, %parallel_loop3A_469 : vector<16xf32>
        %parallel_loop3A_471 = arith.index_cast %parallel_loop3A_458 : i32 to index
        %parallel_loop3A_472 = arith.constant 48 : index
        %parallel_loop3A_473 = tpu.vector_load %arg16[%parallel_loop3A_471, %parallel_loop3A_472] {strides = array<i32>} : memref<320x128xf32, #tpu.memory_space<vmem>>, vector<16xf32>,
        %parallel_loop3A_474 = arith.mulf %parallel_loop3A_216, %parallel_loop3A_473 : vector<16xf32>
        %parallel_loop3A_475 = arith.index_cast %parallel_loop3A_458 : i32 to index
        %parallel_loop3A_476 = arith.constant 64 : index
        %parallel_loop3A_477 = tpu.vector_load %arg16[%parallel_loop3A_475, %parallel_loop3A_476] {strides = array<i32>} : memref<320x128xf32, #tpu.memory_space<vmem>>, vector<16xf32>,
        %parallel_loop3A_478 = arith.mulf %parallel_loop3A_219, %parallel_loop3A_477 : vector<16xf32>
        %parallel_loop3A_479 = arith.index_cast %parallel_loop3A_458 : i32 to index
        %parallel_loop3A_480 = arith.constant 80 : index
        %parallel_loop3A_481 = tpu.vector_load %arg16[%parallel_loop3A_479, %parallel_loop3A_480] {strides = array<i32>} : memref<320x128xf32, #tpu.memory_space<vmem>>, vector<16xf32>,
        %parallel_loop3A_482 = arith.mulf %parallel_loop3A_222, %parallel_loop3A_481 : vector<16xf32>
        %parallel_loop3A_483 = arith.index_cast %parallel_loop3A_458 : i32 to index
        %parallel_loop3A_484 = arith.constant 96 : index
        %parallel_loop3A_485 = tpu.vector_load %arg16[%parallel_loop3A_483, %parallel_loop3A_484] {strides = array<i32>} : memref<320x128xf32, #tpu.memory_space<vmem>>, vector<16xf32>,
        %parallel_loop3A_486 = arith.mulf %parallel_loop3A_225, %parallel_loop3A_485 : vector<16xf32>
        %parallel_loop3A_487 = arith.index_cast %parallel_loop3A_458 : i32 to index
        %parallel_loop3A_488 = arith.constant 112 : index
        %parallel_loop3A_489 = tpu.vector_load %arg16[%parallel_loop3A_487, %parallel_loop3A_488] {strides = array<i32>} : memref<320x128xf32, #tpu.memory_space<vmem>>, vector<16xf32>,
        %parallel_loop3A_490 = arith.mulf %parallel_loop3A_228, %parallel_loop3A_489 : vector<16xf32>
        %parallel_loop3A_491 = arith.addf %parallel_loop3A_462, %parallel_loop3A_466 : vector<16xf32>
        %parallel_loop3A_492 = arith.addf %parallel_loop3A_470, %parallel_loop3A_474 : vector<16xf32>
        %parallel_loop3A_493 = arith.addf %parallel_loop3A_478, %parallel_loop3A_482 : vector<16xf32>
        %parallel_loop3A_494 = arith.addf %parallel_loop3A_486, %parallel_loop3A_490 : vector<16xf32>
        %parallel_loop3A_495 = arith.addf %parallel_loop3A_491, %parallel_loop3A_492 : vector<16xf32>
        %parallel_loop3A_496 = arith.addf %parallel_loop3A_493, %parallel_loop3A_494 : vector<16xf32>
        %parallel_loop3A_497 = arith.addf %parallel_loop3A_495, %parallel_loop3A_496 : vector<16xf32>
        %parallel_loop3A_498 = arith.index_cast %parallel_loop3A_204 : i32 to index
        %parallel_loop3A_499 = arith.constant 80 : index
        %parallel_loop3A_500 = tpu.vector_load %arg17[%parallel_loop3A_498, %parallel_loop3A_499] {strides = array<i32>} : memref<64x97xf32, #tpu.memory_space<vmem>>, vector<16xf32>,
        tpu.vector_store %arg17[%parallel_loop3A_498, %parallel_loop3A_499], %parallel_loop3A_497 {strides = array<i32>} : memref<64x97xf32, #tpu.memory_space<vmem>>, vector<16xf32>,
      } {sc.loop_unroll_factor = 4 : i64, sc.parallel_access}
      %parallel_loop3A_193 = arith.constant 0 : i32
      %parallel_loop3A_194 = arith.constant 4 : i32
      %parallel_loop3A_195 = arith.constant 1 : i32
      %parallel_loop3A_196 = scf.for %parallel_loop3A_204 = %parallel_loop3A_193 to %parallel_loop3A_194 step %parallel_loop3A_195 iter_args(%parallel_loop3A_205 = %parallel_loop3A_138) -> (vector<16xf32>)  : i32 {
        %parallel_loop3A_206 = arith.constant 16 : i32
        %parallel_loop3A_207 = arith.muli %parallel_loop3A_204, %parallel_loop3A_206 : i32
        %parallel_loop3A_208 = vector.broadcast %parallel_loop3A_207 : i32 to vector<16xi32>
        %parallel_loop3A_209 = arith.addi %iota3A, %parallel_loop3A_208 : vector<16xi32>
        %parallel_loop3A_210 = arith.constant 0 : i32
        %parallel_loop3A_211 = vector.broadcast %parallel_loop3A_210 : i32 to vector<16xi32>
        %parallel_loop3A_212 = arith.addi %mul3A_7, %parallel_loop3A_211 : vector<16xi32>
        %parallel_loop3A_213 = tpu.vector_load_idx %arg17[%parallel_loop3A_209, %parallel_loop3A_212] : memref<64x97xf32, #tpu.memory_space<vmem>>[vector<16xi32>, vector<16xi32>], vector<16xf32>,
        %parallel_loop3A_214 = arith.constant 1 : i32
        %parallel_loop3A_215 = vector.broadcast %parallel_loop3A_214 : i32 to vector<16xi32>
        %parallel_loop3A_216 = arith.addi %mul3A_7, %parallel_loop3A_215 : vector<16xi32>
        %parallel_loop3A_217 = tpu.vector_load_idx %arg17[%parallel_loop3A_209, %parallel_loop3A_216] : memref<64x97xf32, #tpu.memory_space<vmem>>[vector<16xi32>, vector<16xi32>], vector<16xf32>,
        %parallel_loop3A_218 = arith.constant 2 : i32
        %parallel_loop3A_219 = vector.broadcast %parallel_loop3A_218 : i32 to vector<16xi32>
        %parallel_loop3A_220 = arith.addi %mul3A_7, %parallel_loop3A_219 : vector<16xi32>
        %parallel_loop3A_221 = tpu.vector_load_idx %arg17[%parallel_loop3A_209, %parallel_loop3A_220] : memref<64x97xf32, #tpu.memory_space<vmem>>[vector<16xi32>, vector<16xi32>], vector<16xf32>,
        %parallel_loop3A_222 = arith.constant 3 : i32
        %parallel_loop3A_223 = vector.broadcast %parallel_loop3A_222 : i32 to vector<16xi32>
        %parallel_loop3A_224 = arith.addi %mul3A_7, %parallel_loop3A_223 : vector<16xi32>
        %parallel_loop3A_225 = tpu.vector_load_idx %arg17[%parallel_loop3A_209, %parallel_loop3A_224] : memref<64x97xf32, #tpu.memory_space<vmem>>[vector<16xi32>, vector<16xi32>], vector<16xf32>,
        %parallel_loop3A_226 = arith.constant 4 : i32
        %parallel_loop3A_227 = vector.broadcast %parallel_loop3A_226 : i32 to vector<16xi32>
        %parallel_loop3A_228 = arith.addi %mul3A_7, %parallel_loop3A_227 : vector<16xi32>
        %parallel_loop3A_229 = tpu.vector_load_idx %arg17[%parallel_loop3A_209, %parallel_loop3A_228] : memref<64x97xf32, #tpu.memory_space<vmem>>[vector<16xi32>, vector<16xi32>], vector<16xf32>,
        %parallel_loop3A_230 = arith.constant 5 : i32
        %parallel_loop3A_231 = vector.broadcast %parallel_loop3A_230 : i32 to vector<16xi32>
        %parallel_loop3A_232 = arith.addi %mul3A_7, %parallel_loop3A_231 : vector<16xi32>
        %parallel_loop3A_233 = tpu.vector_load_idx %arg17[%parallel_loop3A_209, %parallel_loop3A_232] : memref<64x97xf32, #tpu.memory_space<vmem>>[vector<16xi32>, vector<16xi32>], vector<16xf32>,
        %parallel_loop3A_234 = arith.constant 6 : i32
        %parallel_loop3A_235 = vector.broadcast %parallel_loop3A_234 : i32 to vector<16xi32>
        %parallel_loop3A_236 = arith.addi %mul3A_7, %parallel_loop3A_235 : vector<16xi32>
        %parallel_loop3A_237 = tpu.vector_load_idx %arg17[%parallel_loop3A_209, %parallel_loop3A_236] : memref<64x97xf32, #tpu.memory_space<vmem>>[vector<16xi32>, vector<16xi32>], vector<16xf32>,
        %parallel_loop3A_238 = arith.constant 7 : i32
        %parallel_loop3A_239 = vector.broadcast %parallel_loop3A_238 : i32 to vector<16xi32>
        %parallel_loop3A_240 = arith.addi %mul3A_7, %parallel_loop3A_239 : vector<16xi32>
        %parallel_loop3A_241 = tpu.vector_load_idx %arg17[%parallel_loop3A_209, %parallel_loop3A_240] : memref<64x97xf32, #tpu.memory_space<vmem>>[vector<16xi32>, vector<16xi32>], vector<16xf32>,
        %parallel_loop3A_242 = arith.constant 8 : i32
        %parallel_loop3A_243 = vector.broadcast %parallel_loop3A_242 : i32 to vector<16xi32>
        %parallel_loop3A_244 = arith.addi %mul3A_7, %parallel_loop3A_243 : vector<16xi32>
        %parallel_loop3A_245 = tpu.vector_load_idx %arg17[%parallel_loop3A_209, %parallel_loop3A_244] : memref<64x97xf32, #tpu.memory_space<vmem>>[vector<16xi32>, vector<16xi32>], vector<16xf32>,
        %parallel_loop3A_246 = arith.constant 9 : i32
        %parallel_loop3A_247 = vector.broadcast %parallel_loop3A_246 : i32 to vector<16xi32>
        %parallel_loop3A_248 = arith.addi %mul3A_7, %parallel_loop3A_247 : vector<16xi32>
        %parallel_loop3A_249 = tpu.vector_load_idx %arg17[%parallel_loop3A_209, %parallel_loop3A_248] : memref<64x97xf32, #tpu.memory_space<vmem>>[vector<16xi32>, vector<16xi32>], vector<16xf32>,
        %parallel_loop3A_250 = arith.constant 10 : i32
        %parallel_loop3A_251 = vector.broadcast %parallel_loop3A_250 : i32 to vector<16xi32>
        %parallel_loop3A_252 = arith.addi %mul3A_7, %parallel_loop3A_251 : vector<16xi32>
        %parallel_loop3A_253 = tpu.vector_load_idx %arg17[%parallel_loop3A_209, %parallel_loop3A_252] : memref<64x97xf32, #tpu.memory_space<vmem>>[vector<16xi32>, vector<16xi32>], vector<16xf32>,
        %parallel_loop3A_254 = arith.constant 11 : i32
        %parallel_loop3A_255 = vector.broadcast %parallel_loop3A_254 : i32 to vector<16xi32>
        %parallel_loop3A_256 = arith.addi %mul3A_7, %parallel_loop3A_255 : vector<16xi32>
        %parallel_loop3A_257 = tpu.vector_load_idx %arg17[%parallel_loop3A_209, %parallel_loop3A_256] : memref<64x97xf32, #tpu.memory_space<vmem>>[vector<16xi32>, vector<16xi32>], vector<16xf32>,
        %parallel_loop3A_258 = arith.constant 12 : i32
        %parallel_loop3A_259 = vector.broadcast %parallel_loop3A_258 : i32 to vector<16xi32>
        %parallel_loop3A_260 = arith.addi %mul3A_7, %parallel_loop3A_259 : vector<16xi32>
        %parallel_loop3A_261 = tpu.vector_load_idx %arg17[%parallel_loop3A_209, %parallel_loop3A_260] : memref<64x97xf32, #tpu.memory_space<vmem>>[vector<16xi32>, vector<16xi32>], vector<16xf32>,
        %parallel_loop3A_262 = arith.constant 13 : i32
        %parallel_loop3A_263 = vector.broadcast %parallel_loop3A_262 : i32 to vector<16xi32>
        %parallel_loop3A_264 = arith.addi %mul3A_7, %parallel_loop3A_263 : vector<16xi32>
        %parallel_loop3A_265 = tpu.vector_load_idx %arg17[%parallel_loop3A_209, %parallel_loop3A_264] : memref<64x97xf32, #tpu.memory_space<vmem>>[vector<16xi32>, vector<16xi32>], vector<16xf32>,
        %parallel_loop3A_266 = arith.constant 14 : i32
        %parallel_loop3A_267 = vector.broadcast %parallel_loop3A_266 : i32 to vector<16xi32>
        %parallel_loop3A_268 = arith.addi %mul3A_7, %parallel_loop3A_267 : vector<16xi32>
        %parallel_loop3A_269 = tpu.vector_load_idx %arg17[%parallel_loop3A_209, %parallel_loop3A_268] : memref<64x97xf32, #tpu.memory_space<vmem>>[vector<16xi32>, vector<16xi32>], vector<16xf32>,
        %parallel_loop3A_270 = arith.constant 15 : i32
        %parallel_loop3A_271 = vector.broadcast %parallel_loop3A_270 : i32 to vector<16xi32>
        %parallel_loop3A_272 = arith.addi %mul3A_7, %parallel_loop3A_271 : vector<16xi32>
        %parallel_loop3A_273 = tpu.vector_load_idx %arg17[%parallel_loop3A_209, %parallel_loop3A_272] : memref<64x97xf32, #tpu.memory_space<vmem>>[vector<16xi32>, vector<16xi32>], vector<16xf32>,
        %parallel_loop3A_274 = arith.addf %parallel_loop3A_213, %parallel_loop3A_217 : vector<16xf32>
        %parallel_loop3A_275 = arith.addf %parallel_loop3A_221, %parallel_loop3A_225 : vector<16xf32>
        %parallel_loop3A_276 = arith.addf %parallel_loop3A_229, %parallel_loop3A_233 : vector<16xf32>
        %parallel_loop3A_277 = arith.addf %parallel_loop3A_237, %parallel_loop3A_241 : vector<16xf32>
        %parallel_loop3A_278 = arith.addf %parallel_loop3A_245, %parallel_loop3A_249 : vector<16xf32>
        %parallel_loop3A_279 = arith.addf %parallel_loop3A_253, %parallel_loop3A_257 : vector<16xf32>
        %parallel_loop3A_280 = arith.addf %parallel_loop3A_261, %parallel_loop3A_265 : vector<16xf32>
        %parallel_loop3A_281 = arith.addf %parallel_loop3A_269, %parallel_loop3A_273 : vector<16xf32>
        %parallel_loop3A_282 = arith.addf %parallel_loop3A_274, %parallel_loop3A_275 : vector<16xf32>
        %parallel_loop3A_283 = arith.addf %parallel_loop3A_276, %parallel_loop3A_277 : vector<16xf32>
        %parallel_loop3A_284 = arith.addf %parallel_loop3A_278, %parallel_loop3A_279 : vector<16xf32>
        %parallel_loop3A_285 = arith.addf %parallel_loop3A_280, %parallel_loop3A_281 : vector<16xf32>
        %parallel_loop3A_286 = arith.addf %parallel_loop3A_282, %parallel_loop3A_283 : vector<16xf32>
        %parallel_loop3A_287 = arith.addf %parallel_loop3A_284, %parallel_loop3A_285 : vector<16xf32>
        %parallel_loop3A_288 = arith.addf %parallel_loop3A_286, %parallel_loop3A_287 : vector<16xf32>
        %parallel_loop3A_289 = math.absf %parallel_loop3A_288 : vector<16xf32>
        %parallel_loop3A_290 = arith.constant 0.000000e+00 : f32
        %parallel_loop3A_291 = vector.broadcast %parallel_loop3A_290 : f32 to vector<16xf32>
        %parallel_loop3A_292 = arith.subf %parallel_loop3A_291, %parallel_loop3A_289 : vector<16xf32>
        %parallel_loop3A_293 = math.exp %parallel_loop3A_292 : vector<16xf32>
        %parallel_loop3A_294 = arith.constant 0.0102438284 : f32
        %parallel_loop3A_295 = vector.broadcast %parallel_loop3A_294 : f32 to vector<16xf32>
        %parallel_loop3A_296 = arith.mulf %parallel_loop3A_295, %parallel_loop3A_293 : vector<16xf32>
        %parallel_loop3A_297 = arith.constant -0.0532674789 : f32
        %parallel_loop3A_298 = vector.broadcast %parallel_loop3A_297 : f32 to vector<16xf32>
        %parallel_loop3A_299 = arith.addf %parallel_loop3A_296, %parallel_loop3A_298 : vector<16xf32>
        %parallel_loop3A_300 = arith.mulf %parallel_loop3A_299, %parallel_loop3A_293 : vector<16xf32>
        %parallel_loop3A_301 = arith.constant 0.131989658 : f32
        %parallel_loop3A_302 = vector.broadcast %parallel_loop3A_301 : f32 to vector<16xf32>
        %parallel_loop3A_303 = arith.addf %parallel_loop3A_300, %parallel_loop3A_302 : vector<16xf32>
        %parallel_loop3A_304 = arith.mulf %parallel_loop3A_303, %parallel_loop3A_293 : vector<16xf32>
        %parallel_loop3A_305 = arith.constant -0.223966897 : f32
        %parallel_loop3A_306 = vector.broadcast %parallel_loop3A_305 : f32 to vector<16xf32>
        %parallel_loop3A_307 = arith.addf %parallel_loop3A_304, %parallel_loop3A_306 : vector<16xf32>
        %parallel_loop3A_308 = arith.mulf %parallel_loop3A_307, %parallel_loop3A_293 : vector<16xf32>
        %parallel_loop3A_309 = arith.constant 0.327511728 : f32
        %parallel_loop3A_310 = vector.broadcast %parallel_loop3A_309 : f32 to vector<16xf32>
        %parallel_loop3A_311 = arith.addf %parallel_loop3A_308, %parallel_loop3A_310 : vector<16xf32>
        %parallel_loop3A_312 = arith.mulf %parallel_loop3A_311, %parallel_loop3A_293 : vector<16xf32>
        %parallel_loop3A_313 = arith.constant -0.499333948 : f32
        %parallel_loop3A_314 = vector.broadcast %parallel_loop3A_313 : f32 to vector<16xf32>
        %parallel_loop3A_315 = arith.addf %parallel_loop3A_312, %parallel_loop3A_314 : vector<16xf32>
        %parallel_loop3A_316 = arith.mulf %parallel_loop3A_315, %parallel_loop3A_293 : vector<16xf32>
        %parallel_loop3A_317 = arith.constant 0.999970257 : f32
        %parallel_loop3A_318 = vector.broadcast %parallel_loop3A_317 : f32 to vector<16xf32>
        %parallel_loop3A_319 = arith.addf %parallel_loop3A_316, %parallel_loop3A_318 : vector<16xf32>
        %parallel_loop3A_320 = arith.mulf %parallel_loop3A_319, %parallel_loop3A_293 : vector<16xf32>
        %parallel_loop3A_321 = arith.constant 2.21597645E-7 : f32
        %parallel_loop3A_322 = vector.broadcast %parallel_loop3A_321 : f32 to vector<16xf32>
        %parallel_loop3A_323 = arith.addf %parallel_loop3A_320, %parallel_loop3A_322 : vector<16xf32>
        %parallel_loop3A_324 = arith.constant 0.000000e+00 : f32
        %parallel_loop3A_325 = vector.broadcast %parallel_loop3A_324 : f32 to vector<16xf32>
        %parallel_loop3A_326 = arith.minimumf %parallel_loop3A_288, %parallel_loop3A_325 : vector<16xf32>
        %parallel_loop3A_327 = arith.subf %parallel_loop3A_326, %parallel_loop3A_323 : vector<16xf32>
        %parallel_loop3A_328 = arith.addf %parallel_loop3A_205, %parallel_loop3A_327 : vector<16xf32>
        %parallel_loop3A_329 = arith.constant 16 : i32
        %parallel_loop3A_330 = vector.broadcast %parallel_loop3A_329 : i32 to vector<16xi32>
        %parallel_loop3A_331 = arith.addi %mul3A_7, %parallel_loop3A_330 : vector<16xi32>
        %parallel_loop3A_332 = tpu.vector_load_idx %arg17[%parallel_loop3A_209, %parallel_loop3A_331] : memref<64x97xf32, #tpu.memory_space<vmem>>[vector<16xi32>, vector<16xi32>], vector<16xf32>,
        %parallel_loop3A_333 = arith.constant 17 : i32
        %parallel_loop3A_334 = vector.broadcast %parallel_loop3A_333 : i32 to vector<16xi32>
        %parallel_loop3A_335 = arith.addi %mul3A_7, %parallel_loop3A_334 : vector<16xi32>
        %parallel_loop3A_336 = tpu.vector_load_idx %arg17[%parallel_loop3A_209, %parallel_loop3A_335] : memref<64x97xf32, #tpu.memory_space<vmem>>[vector<16xi32>, vector<16xi32>], vector<16xf32>,
        %parallel_loop3A_337 = arith.constant 18 : i32
        %parallel_loop3A_338 = vector.broadcast %parallel_loop3A_337 : i32 to vector<16xi32>
        %parallel_loop3A_339 = arith.addi %mul3A_7, %parallel_loop3A_338 : vector<16xi32>
        %parallel_loop3A_340 = tpu.vector_load_idx %arg17[%parallel_loop3A_209, %parallel_loop3A_339] : memref<64x97xf32, #tpu.memory_space<vmem>>[vector<16xi32>, vector<16xi32>], vector<16xf32>,
        %parallel_loop3A_341 = arith.constant 19 : i32
        %parallel_loop3A_342 = vector.broadcast %parallel_loop3A_341 : i32 to vector<16xi32>
        %parallel_loop3A_343 = arith.addi %mul3A_7, %parallel_loop3A_342 : vector<16xi32>
        %parallel_loop3A_344 = tpu.vector_load_idx %arg17[%parallel_loop3A_209, %parallel_loop3A_343] : memref<64x97xf32, #tpu.memory_space<vmem>>[vector<16xi32>, vector<16xi32>], vector<16xf32>,
        %parallel_loop3A_345 = arith.constant 20 : i32
        %parallel_loop3A_346 = vector.broadcast %parallel_loop3A_345 : i32 to vector<16xi32>
        %parallel_loop3A_347 = arith.addi %mul3A_7, %parallel_loop3A_346 : vector<16xi32>
        %parallel_loop3A_348 = tpu.vector_load_idx %arg17[%parallel_loop3A_209, %parallel_loop3A_347] : memref<64x97xf32, #tpu.memory_space<vmem>>[vector<16xi32>, vector<16xi32>], vector<16xf32>,
        %parallel_loop3A_349 = arith.constant 21 : i32
        %parallel_loop3A_350 = vector.broadcast %parallel_loop3A_349 : i32 to vector<16xi32>
        %parallel_loop3A_351 = arith.addi %mul3A_7, %parallel_loop3A_350 : vector<16xi32>
        %parallel_loop3A_352 = tpu.vector_load_idx %arg17[%parallel_loop3A_209, %parallel_loop3A_351] : memref<64x97xf32, #tpu.memory_space<vmem>>[vector<16xi32>, vector<16xi32>], vector<16xf32>,
        %parallel_loop3A_353 = arith.constant 22 : i32
        %parallel_loop3A_354 = vector.broadcast %parallel_loop3A_353 : i32 to vector<16xi32>
        %parallel_loop3A_355 = arith.addi %mul3A_7, %parallel_loop3A_354 : vector<16xi32>
        %parallel_loop3A_356 = tpu.vector_load_idx %arg17[%parallel_loop3A_209, %parallel_loop3A_355] : memref<64x97xf32, #tpu.memory_space<vmem>>[vector<16xi32>, vector<16xi32>], vector<16xf32>,
        %parallel_loop3A_357 = arith.constant 23 : i32
        %parallel_loop3A_358 = vector.broadcast %parallel_loop3A_357 : i32 to vector<16xi32>
        %parallel_loop3A_359 = arith.addi %mul3A_7, %parallel_loop3A_358 : vector<16xi32>
        %parallel_loop3A_360 = tpu.vector_load_idx %arg17[%parallel_loop3A_209, %parallel_loop3A_359] : memref<64x97xf32, #tpu.memory_space<vmem>>[vector<16xi32>, vector<16xi32>], vector<16xf32>,
        %parallel_loop3A_361 = arith.constant 24 : i32
        %parallel_loop3A_362 = vector.broadcast %parallel_loop3A_361 : i32 to vector<16xi32>
        %parallel_loop3A_363 = arith.addi %mul3A_7, %parallel_loop3A_362 : vector<16xi32>
        %parallel_loop3A_364 = tpu.vector_load_idx %arg17[%parallel_loop3A_209, %parallel_loop3A_363] : memref<64x97xf32, #tpu.memory_space<vmem>>[vector<16xi32>, vector<16xi32>], vector<16xf32>,
        %parallel_loop3A_365 = arith.constant 25 : i32
        %parallel_loop3A_366 = vector.broadcast %parallel_loop3A_365 : i32 to vector<16xi32>
        %parallel_loop3A_367 = arith.addi %mul3A_7, %parallel_loop3A_366 : vector<16xi32>
        %parallel_loop3A_368 = tpu.vector_load_idx %arg17[%parallel_loop3A_209, %parallel_loop3A_367] : memref<64x97xf32, #tpu.memory_space<vmem>>[vector<16xi32>, vector<16xi32>], vector<16xf32>,
        %parallel_loop3A_369 = arith.constant 26 : i32
        %parallel_loop3A_370 = vector.broadcast %parallel_loop3A_369 : i32 to vector<16xi32>
        %parallel_loop3A_371 = arith.addi %mul3A_7, %parallel_loop3A_370 : vector<16xi32>
        %parallel_loop3A_372 = tpu.vector_load_idx %arg17[%parallel_loop3A_209, %parallel_loop3A_371] : memref<64x97xf32, #tpu.memory_space<vmem>>[vector<16xi32>, vector<16xi32>], vector<16xf32>,
        %parallel_loop3A_373 = arith.constant 27 : i32
        %parallel_loop3A_374 = vector.broadcast %parallel_loop3A_373 : i32 to vector<16xi32>
        %parallel_loop3A_375 = arith.addi %mul3A_7, %parallel_loop3A_374 : vector<16xi32>
        %parallel_loop3A_376 = tpu.vector_load_idx %arg17[%parallel_loop3A_209, %parallel_loop3A_375] : memref<64x97xf32, #tpu.memory_space<vmem>>[vector<16xi32>, vector<16xi32>], vector<16xf32>,
        %parallel_loop3A_377 = arith.constant 28 : i32
        %parallel_loop3A_378 = vector.broadcast %parallel_loop3A_377 : i32 to vector<16xi32>
        %parallel_loop3A_379 = arith.addi %mul3A_7, %parallel_loop3A_378 : vector<16xi32>
        %parallel_loop3A_380 = tpu.vector_load_idx %arg17[%parallel_loop3A_209, %parallel_loop3A_379] : memref<64x97xf32, #tpu.memory_space<vmem>>[vector<16xi32>, vector<16xi32>], vector<16xf32>,
        %parallel_loop3A_381 = arith.constant 29 : i32
        %parallel_loop3A_382 = vector.broadcast %parallel_loop3A_381 : i32 to vector<16xi32>
        %parallel_loop3A_383 = arith.addi %mul3A_7, %parallel_loop3A_382 : vector<16xi32>
        %parallel_loop3A_384 = tpu.vector_load_idx %arg17[%parallel_loop3A_209, %parallel_loop3A_383] : memref<64x97xf32, #tpu.memory_space<vmem>>[vector<16xi32>, vector<16xi32>], vector<16xf32>,
        %parallel_loop3A_385 = arith.constant 30 : i32
        %parallel_loop3A_386 = vector.broadcast %parallel_loop3A_385 : i32 to vector<16xi32>
        %parallel_loop3A_387 = arith.addi %mul3A_7, %parallel_loop3A_386 : vector<16xi32>
        %parallel_loop3A_388 = tpu.vector_load_idx %arg17[%parallel_loop3A_209, %parallel_loop3A_387] : memref<64x97xf32, #tpu.memory_space<vmem>>[vector<16xi32>, vector<16xi32>], vector<16xf32>,
        %parallel_loop3A_389 = arith.constant 31 : i32
        %parallel_loop3A_390 = vector.broadcast %parallel_loop3A_389 : i32 to vector<16xi32>
        %parallel_loop3A_391 = arith.addi %mul3A_7, %parallel_loop3A_390 : vector<16xi32>
        %parallel_loop3A_392 = tpu.vector_load_idx %arg17[%parallel_loop3A_209, %parallel_loop3A_391] : memref<64x97xf32, #tpu.memory_space<vmem>>[vector<16xi32>, vector<16xi32>], vector<16xf32>,
        %parallel_loop3A_393 = arith.addf %parallel_loop3A_332, %parallel_loop3A_336 : vector<16xf32>
        %parallel_loop3A_394 = arith.addf %parallel_loop3A_340, %parallel_loop3A_344 : vector<16xf32>
        %parallel_loop3A_395 = arith.addf %parallel_loop3A_348, %parallel_loop3A_352 : vector<16xf32>
        %parallel_loop3A_396 = arith.addf %parallel_loop3A_356, %parallel_loop3A_360 : vector<16xf32>
        %parallel_loop3A_397 = arith.addf %parallel_loop3A_364, %parallel_loop3A_368 : vector<16xf32>
        %parallel_loop3A_398 = arith.addf %parallel_loop3A_372, %parallel_loop3A_376 : vector<16xf32>
        %parallel_loop3A_399 = arith.addf %parallel_loop3A_380, %parallel_loop3A_384 : vector<16xf32>
        %parallel_loop3A_400 = arith.addf %parallel_loop3A_388, %parallel_loop3A_392 : vector<16xf32>
        %parallel_loop3A_401 = arith.addf %parallel_loop3A_393, %parallel_loop3A_394 : vector<16xf32>
        %parallel_loop3A_402 = arith.addf %parallel_loop3A_395, %parallel_loop3A_396 : vector<16xf32>
        %parallel_loop3A_403 = arith.addf %parallel_loop3A_397, %parallel_loop3A_398 : vector<16xf32>
        %parallel_loop3A_404 = arith.addf %parallel_loop3A_399, %parallel_loop3A_400 : vector<16xf32>
        %parallel_loop3A_405 = arith.addf %parallel_loop3A_401, %parallel_loop3A_402 : vector<16xf32>
        %parallel_loop3A_406 = arith.addf %parallel_loop3A_403, %parallel_loop3A_404 : vector<16xf32>
        %parallel_loop3A_407 = arith.addf %parallel_loop3A_405, %parallel_loop3A_406 : vector<16xf32>
        %parallel_loop3A_408 = arith.constant 0.000000e+00 : f32
        %parallel_loop3A_409 = vector.broadcast %parallel_loop3A_408 : f32 to vector<16xf32>
        %parallel_loop3A_410 = arith.subf %parallel_loop3A_409, %parallel_loop3A_407 : vector<16xf32>
        %parallel_loop3A_411 = math.absf %parallel_loop3A_410 : vector<16xf32>
        %parallel_loop3A_412 = arith.constant 0.000000e+00 : f32
        %parallel_loop3A_413 = vector.broadcast %parallel_loop3A_412 : f32 to vector<16xf32>
        %parallel_loop3A_414 = arith.subf %parallel_loop3A_413, %parallel_loop3A_411 : vector<16xf32>
        %parallel_loop3A_415 = math.exp %parallel_loop3A_414 : vector<16xf32>
        %parallel_loop3A_416 = arith.constant 0.0102438284 : f32
        %parallel_loop3A_417 = vector.broadcast %parallel_loop3A_416 : f32 to vector<16xf32>
        %parallel_loop3A_418 = arith.mulf %parallel_loop3A_417, %parallel_loop3A_415 : vector<16xf32>
        %parallel_loop3A_419 = arith.constant -0.0532674789 : f32
        %parallel_loop3A_420 = vector.broadcast %parallel_loop3A_419 : f32 to vector<16xf32>
        %parallel_loop3A_421 = arith.addf %parallel_loop3A_418, %parallel_loop3A_420 : vector<16xf32>
        %parallel_loop3A_422 = arith.mulf %parallel_loop3A_421, %parallel_loop3A_415 : vector<16xf32>
        %parallel_loop3A_423 = arith.constant 0.131989658 : f32
        %parallel_loop3A_424 = vector.broadcast %parallel_loop3A_423 : f32 to vector<16xf32>
        %parallel_loop3A_425 = arith.addf %parallel_loop3A_422, %parallel_loop3A_424 : vector<16xf32>
        %parallel_loop3A_426 = arith.mulf %parallel_loop3A_425, %parallel_loop3A_415 : vector<16xf32>
        %parallel_loop3A_427 = arith.constant -0.223966897 : f32
        %parallel_loop3A_428 = vector.broadcast %parallel_loop3A_427 : f32 to vector<16xf32>
        %parallel_loop3A_429 = arith.addf %parallel_loop3A_426, %parallel_loop3A_428 : vector<16xf32>
        %parallel_loop3A_430 = arith.mulf %parallel_loop3A_429, %parallel_loop3A_415 : vector<16xf32>
        %parallel_loop3A_431 = arith.constant 0.327511728 : f32
        %parallel_loop3A_432 = vector.broadcast %parallel_loop3A_431 : f32 to vector<16xf32>
        %parallel_loop3A_433 = arith.addf %parallel_loop3A_430, %parallel_loop3A_432 : vector<16xf32>
        %parallel_loop3A_434 = arith.mulf %parallel_loop3A_433, %parallel_loop3A_415 : vector<16xf32>
        %parallel_loop3A_435 = arith.constant -0.499333948 : f32
        %parallel_loop3A_436 = vector.broadcast %parallel_loop3A_435 : f32 to vector<16xf32>
        %parallel_loop3A_437 = arith.addf %parallel_loop3A_434, %parallel_loop3A_436 : vector<16xf32>
        %parallel_loop3A_438 = arith.mulf %parallel_loop3A_437, %parallel_loop3A_415 : vector<16xf32>
        %parallel_loop3A_439 = arith.constant 0.999970257 : f32
        %parallel_loop3A_440 = vector.broadcast %parallel_loop3A_439 : f32 to vector<16xf32>
        %parallel_loop3A_441 = arith.addf %parallel_loop3A_438, %parallel_loop3A_440 : vector<16xf32>
        %parallel_loop3A_442 = arith.mulf %parallel_loop3A_441, %parallel_loop3A_415 : vector<16xf32>
        %parallel_loop3A_443 = arith.constant 2.21597645E-7 : f32
        %parallel_loop3A_444 = vector.broadcast %parallel_loop3A_443 : f32 to vector<16xf32>
        %parallel_loop3A_445 = arith.addf %parallel_loop3A_442, %parallel_loop3A_444 : vector<16xf32>
        %parallel_loop3A_446 = arith.constant 0.000000e+00 : f32
        %parallel_loop3A_447 = vector.broadcast %parallel_loop3A_446 : f32 to vector<16xf32>
        %parallel_loop3A_448 = arith.minimumf %parallel_loop3A_410, %parallel_loop3A_447 : vector<16xf32>
        %parallel_loop3A_449 = arith.subf %parallel_loop3A_448, %parallel_loop3A_445 : vector<16xf32>
        %parallel_loop3A_450 = arith.addf %parallel_loop3A_328, %parallel_loop3A_449 : vector<16xf32>
        %parallel_loop3A_451 = arith.constant 32 : i32
        %parallel_loop3A_452 = vector.broadcast %parallel_loop3A_451 : i32 to vector<16xi32>
        %parallel_loop3A_453 = arith.addi %mul3A_7, %parallel_loop3A_452 : vector<16xi32>
        %parallel_loop3A_454 = tpu.vector_load_idx %arg17[%parallel_loop3A_209, %parallel_loop3A_453] : memref<64x97xf32, #tpu.memory_space<vmem>>[vector<16xi32>, vector<16xi32>], vector<16xf32>,
        %parallel_loop3A_455 = arith.constant 33 : i32
        %parallel_loop3A_456 = vector.broadcast %parallel_loop3A_455 : i32 to vector<16xi32>
        %parallel_loop3A_457 = arith.addi %mul3A_7, %parallel_loop3A_456 : vector<16xi32>
        %parallel_loop3A_458 = tpu.vector_load_idx %arg17[%parallel_loop3A_209, %parallel_loop3A_457] : memref<64x97xf32, #tpu.memory_space<vmem>>[vector<16xi32>, vector<16xi32>], vector<16xf32>,
        %parallel_loop3A_459 = arith.constant 34 : i32
        %parallel_loop3A_460 = vector.broadcast %parallel_loop3A_459 : i32 to vector<16xi32>
        %parallel_loop3A_461 = arith.addi %mul3A_7, %parallel_loop3A_460 : vector<16xi32>
        %parallel_loop3A_462 = tpu.vector_load_idx %arg17[%parallel_loop3A_209, %parallel_loop3A_461] : memref<64x97xf32, #tpu.memory_space<vmem>>[vector<16xi32>, vector<16xi32>], vector<16xf32>,
        %parallel_loop3A_463 = arith.constant 35 : i32
        %parallel_loop3A_464 = vector.broadcast %parallel_loop3A_463 : i32 to vector<16xi32>
        %parallel_loop3A_465 = arith.addi %mul3A_7, %parallel_loop3A_464 : vector<16xi32>
        %parallel_loop3A_466 = tpu.vector_load_idx %arg17[%parallel_loop3A_209, %parallel_loop3A_465] : memref<64x97xf32, #tpu.memory_space<vmem>>[vector<16xi32>, vector<16xi32>], vector<16xf32>,
        %parallel_loop3A_467 = arith.constant 36 : i32
        %parallel_loop3A_468 = vector.broadcast %parallel_loop3A_467 : i32 to vector<16xi32>
        %parallel_loop3A_469 = arith.addi %mul3A_7, %parallel_loop3A_468 : vector<16xi32>
        %parallel_loop3A_470 = tpu.vector_load_idx %arg17[%parallel_loop3A_209, %parallel_loop3A_469] : memref<64x97xf32, #tpu.memory_space<vmem>>[vector<16xi32>, vector<16xi32>], vector<16xf32>,
        %parallel_loop3A_471 = arith.constant 37 : i32
        %parallel_loop3A_472 = vector.broadcast %parallel_loop3A_471 : i32 to vector<16xi32>
        %parallel_loop3A_473 = arith.addi %mul3A_7, %parallel_loop3A_472 : vector<16xi32>
        %parallel_loop3A_474 = tpu.vector_load_idx %arg17[%parallel_loop3A_209, %parallel_loop3A_473] : memref<64x97xf32, #tpu.memory_space<vmem>>[vector<16xi32>, vector<16xi32>], vector<16xf32>,
        %parallel_loop3A_475 = arith.constant 38 : i32
        %parallel_loop3A_476 = vector.broadcast %parallel_loop3A_475 : i32 to vector<16xi32>
        %parallel_loop3A_477 = arith.addi %mul3A_7, %parallel_loop3A_476 : vector<16xi32>
        %parallel_loop3A_478 = tpu.vector_load_idx %arg17[%parallel_loop3A_209, %parallel_loop3A_477] : memref<64x97xf32, #tpu.memory_space<vmem>>[vector<16xi32>, vector<16xi32>], vector<16xf32>,
        %parallel_loop3A_479 = arith.constant 39 : i32
        %parallel_loop3A_480 = vector.broadcast %parallel_loop3A_479 : i32 to vector<16xi32>
        %parallel_loop3A_481 = arith.addi %mul3A_7, %parallel_loop3A_480 : vector<16xi32>
        %parallel_loop3A_482 = tpu.vector_load_idx %arg17[%parallel_loop3A_209, %parallel_loop3A_481] : memref<64x97xf32, #tpu.memory_space<vmem>>[vector<16xi32>, vector<16xi32>], vector<16xf32>,
        %parallel_loop3A_483 = arith.constant 40 : i32
        %parallel_loop3A_484 = vector.broadcast %parallel_loop3A_483 : i32 to vector<16xi32>
        %parallel_loop3A_485 = arith.addi %mul3A_7, %parallel_loop3A_484 : vector<16xi32>
        %parallel_loop3A_486 = tpu.vector_load_idx %arg17[%parallel_loop3A_209, %parallel_loop3A_485] : memref<64x97xf32, #tpu.memory_space<vmem>>[vector<16xi32>, vector<16xi32>], vector<16xf32>,
        %parallel_loop3A_487 = arith.constant 41 : i32
        %parallel_loop3A_488 = vector.broadcast %parallel_loop3A_487 : i32 to vector<16xi32>
        %parallel_loop3A_489 = arith.addi %mul3A_7, %parallel_loop3A_488 : vector<16xi32>
        %parallel_loop3A_490 = tpu.vector_load_idx %arg17[%parallel_loop3A_209, %parallel_loop3A_489] : memref<64x97xf32, #tpu.memory_space<vmem>>[vector<16xi32>, vector<16xi32>], vector<16xf32>,
        %parallel_loop3A_491 = arith.constant 42 : i32
        %parallel_loop3A_492 = vector.broadcast %parallel_loop3A_491 : i32 to vector<16xi32>
        %parallel_loop3A_493 = arith.addi %mul3A_7, %parallel_loop3A_492 : vector<16xi32>
        %parallel_loop3A_494 = tpu.vector_load_idx %arg17[%parallel_loop3A_209, %parallel_loop3A_493] : memref<64x97xf32, #tpu.memory_space<vmem>>[vector<16xi32>, vector<16xi32>], vector<16xf32>,
        %parallel_loop3A_495 = arith.constant 43 : i32
        %parallel_loop3A_496 = vector.broadcast %parallel_loop3A_495 : i32 to vector<16xi32>
        %parallel_loop3A_497 = arith.addi %mul3A_7, %parallel_loop3A_496 : vector<16xi32>
        %parallel_loop3A_498 = tpu.vector_load_idx %arg17[%parallel_loop3A_209, %parallel_loop3A_497] : memref<64x97xf32, #tpu.memory_space<vmem>>[vector<16xi32>, vector<16xi32>], vector<16xf32>,
        %parallel_loop3A_499 = arith.constant 44 : i32
        %parallel_loop3A_500 = vector.broadcast %parallel_loop3A_499 : i32 to vector<16xi32>
        %parallel_loop3A_501 = arith.addi %mul3A_7, %parallel_loop3A_500 : vector<16xi32>
        %parallel_loop3A_502 = tpu.vector_load_idx %arg17[%parallel_loop3A_209, %parallel_loop3A_501] : memref<64x97xf32, #tpu.memory_space<vmem>>[vector<16xi32>, vector<16xi32>], vector<16xf32>,
        %parallel_loop3A_503 = arith.constant 45 : i32
        %parallel_loop3A_504 = vector.broadcast %parallel_loop3A_503 : i32 to vector<16xi32>
        %parallel_loop3A_505 = arith.addi %mul3A_7, %parallel_loop3A_504 : vector<16xi32>
        %parallel_loop3A_506 = tpu.vector_load_idx %arg17[%parallel_loop3A_209, %parallel_loop3A_505] : memref<64x97xf32, #tpu.memory_space<vmem>>[vector<16xi32>, vector<16xi32>], vector<16xf32>,
        %parallel_loop3A_507 = arith.constant 46 : i32
        %parallel_loop3A_508 = vector.broadcast %parallel_loop3A_507 : i32 to vector<16xi32>
        %parallel_loop3A_509 = arith.addi %mul3A_7, %parallel_loop3A_508 : vector<16xi32>
        %parallel_loop3A_510 = tpu.vector_load_idx %arg17[%parallel_loop3A_209, %parallel_loop3A_509] : memref<64x97xf32, #tpu.memory_space<vmem>>[vector<16xi32>, vector<16xi32>], vector<16xf32>,
        %parallel_loop3A_511 = arith.constant 47 : i32
        %parallel_loop3A_512 = vector.broadcast %parallel_loop3A_511 : i32 to vector<16xi32>
        %parallel_loop3A_513 = arith.addi %mul3A_7, %parallel_loop3A_512 : vector<16xi32>
        %parallel_loop3A_514 = tpu.vector_load_idx %arg17[%parallel_loop3A_209, %parallel_loop3A_513] : memref<64x97xf32, #tpu.memory_space<vmem>>[vector<16xi32>, vector<16xi32>], vector<16xf32>,
        %parallel_loop3A_515 = arith.addf %parallel_loop3A_454, %parallel_loop3A_458 : vector<16xf32>
        %parallel_loop3A_516 = arith.addf %parallel_loop3A_462, %parallel_loop3A_466 : vector<16xf32>
        %parallel_loop3A_517 = arith.addf %parallel_loop3A_470, %parallel_loop3A_474 : vector<16xf32>
        %parallel_loop3A_518 = arith.addf %parallel_loop3A_478, %parallel_loop3A_482 : vector<16xf32>
        %parallel_loop3A_519 = arith.addf %parallel_loop3A_486, %parallel_loop3A_490 : vector<16xf32>
        %parallel_loop3A_520 = arith.addf %parallel_loop3A_494, %parallel_loop3A_498 : vector<16xf32>
        %parallel_loop3A_521 = arith.addf %parallel_loop3A_502, %parallel_loop3A_506 : vector<16xf32>
        %parallel_loop3A_522 = arith.addf %parallel_loop3A_510, %parallel_loop3A_514 : vector<16xf32>
        %parallel_loop3A_523 = arith.addf %parallel_loop3A_515, %parallel_loop3A_516 : vector<16xf32>
        %parallel_loop3A_524 = arith.addf %parallel_loop3A_517, %parallel_loop3A_518 : vector<16xf32>
        %parallel_loop3A_525 = arith.addf %parallel_loop3A_519, %parallel_loop3A_520 : vector<16xf32>
        %parallel_loop3A_526 = arith.addf %parallel_loop3A_521, %parallel_loop3A_522 : vector<16xf32>
        %parallel_loop3A_527 = arith.addf %parallel_loop3A_523, %parallel_loop3A_524 : vector<16xf32>
        %parallel_loop3A_528 = arith.addf %parallel_loop3A_525, %parallel_loop3A_526 : vector<16xf32>
        %parallel_loop3A_529 = arith.addf %parallel_loop3A_527, %parallel_loop3A_528 : vector<16xf32>
        %parallel_loop3A_530 = arith.constant 0.000000e+00 : f32
        %parallel_loop3A_531 = vector.broadcast %parallel_loop3A_530 : f32 to vector<16xf32>
        %parallel_loop3A_532 = arith.subf %parallel_loop3A_531, %parallel_loop3A_529 : vector<16xf32>
        %parallel_loop3A_533 = math.absf %parallel_loop3A_532 : vector<16xf32>
        %parallel_loop3A_534 = arith.constant 0.000000e+00 : f32
        %parallel_loop3A_535 = vector.broadcast %parallel_loop3A_534 : f32 to vector<16xf32>
        %parallel_loop3A_536 = arith.subf %parallel_loop3A_535, %parallel_loop3A_533 : vector<16xf32>
        %parallel_loop3A_537 = math.exp %parallel_loop3A_536 : vector<16xf32>
        %parallel_loop3A_538 = arith.constant 0.0102438284 : f32
        %parallel_loop3A_539 = vector.broadcast %parallel_loop3A_538 : f32 to vector<16xf32>
        %parallel_loop3A_540 = arith.mulf %parallel_loop3A_539, %parallel_loop3A_537 : vector<16xf32>
        %parallel_loop3A_541 = arith.constant -0.0532674789 : f32
        %parallel_loop3A_542 = vector.broadcast %parallel_loop3A_541 : f32 to vector<16xf32>
        %parallel_loop3A_543 = arith.addf %parallel_loop3A_540, %parallel_loop3A_542 : vector<16xf32>
        %parallel_loop3A_544 = arith.mulf %parallel_loop3A_543, %parallel_loop3A_537 : vector<16xf32>
        %parallel_loop3A_545 = arith.constant 0.131989658 : f32
        %parallel_loop3A_546 = vector.broadcast %parallel_loop3A_545 : f32 to vector<16xf32>
        %parallel_loop3A_547 = arith.addf %parallel_loop3A_544, %parallel_loop3A_546 : vector<16xf32>
        %parallel_loop3A_548 = arith.mulf %parallel_loop3A_547, %parallel_loop3A_537 : vector<16xf32>
        %parallel_loop3A_549 = arith.constant -0.223966897 : f32
        %parallel_loop3A_550 = vector.broadcast %parallel_loop3A_549 : f32 to vector<16xf32>
        %parallel_loop3A_551 = arith.addf %parallel_loop3A_548, %parallel_loop3A_550 : vector<16xf32>
        %parallel_loop3A_552 = arith.mulf %parallel_loop3A_551, %parallel_loop3A_537 : vector<16xf32>
        %parallel_loop3A_553 = arith.constant 0.327511728 : f32
        %parallel_loop3A_554 = vector.broadcast %parallel_loop3A_553 : f32 to vector<16xf32>
        %parallel_loop3A_555 = arith.addf %parallel_loop3A_552, %parallel_loop3A_554 : vector<16xf32>
        %parallel_loop3A_556 = arith.mulf %parallel_loop3A_555, %parallel_loop3A_537 : vector<16xf32>
        %parallel_loop3A_557 = arith.constant -0.499333948 : f32
        %parallel_loop3A_558 = vector.broadcast %parallel_loop3A_557 : f32 to vector<16xf32>
        %parallel_loop3A_559 = arith.addf %parallel_loop3A_556, %parallel_loop3A_558 : vector<16xf32>
        %parallel_loop3A_560 = arith.mulf %parallel_loop3A_559, %parallel_loop3A_537 : vector<16xf32>
        %parallel_loop3A_561 = arith.constant 0.999970257 : f32
        %parallel_loop3A_562 = vector.broadcast %parallel_loop3A_561 : f32 to vector<16xf32>
        %parallel_loop3A_563 = arith.addf %parallel_loop3A_560, %parallel_loop3A_562 : vector<16xf32>
        %parallel_loop3A_564 = arith.mulf %parallel_loop3A_563, %parallel_loop3A_537 : vector<16xf32>
        %parallel_loop3A_565 = arith.constant 2.21597645E-7 : f32
        %parallel_loop3A_566 = vector.broadcast %parallel_loop3A_565 : f32 to vector<16xf32>
        %parallel_loop3A_567 = arith.addf %parallel_loop3A_564, %parallel_loop3A_566 : vector<16xf32>
        %parallel_loop3A_568 = arith.constant 0.000000e+00 : f32
        %parallel_loop3A_569 = vector.broadcast %parallel_loop3A_568 : f32 to vector<16xf32>
        %parallel_loop3A_570 = arith.minimumf %parallel_loop3A_532, %parallel_loop3A_569 : vector<16xf32>
        %parallel_loop3A_571 = arith.subf %parallel_loop3A_570, %parallel_loop3A_567 : vector<16xf32>
        %parallel_loop3A_572 = arith.addf %parallel_loop3A_450, %parallel_loop3A_571 : vector<16xf32>
        %parallel_loop3A_573 = arith.constant 48 : i32
        %parallel_loop3A_574 = vector.broadcast %parallel_loop3A_573 : i32 to vector<16xi32>
        %parallel_loop3A_575 = arith.addi %mul3A_7, %parallel_loop3A_574 : vector<16xi32>
        %parallel_loop3A_576 = tpu.vector_load_idx %arg17[%parallel_loop3A_209, %parallel_loop3A_575] : memref<64x97xf32, #tpu.memory_space<vmem>>[vector<16xi32>, vector<16xi32>], vector<16xf32>,
        %parallel_loop3A_577 = arith.constant 49 : i32
        %parallel_loop3A_578 = vector.broadcast %parallel_loop3A_577 : i32 to vector<16xi32>
        %parallel_loop3A_579 = arith.addi %mul3A_7, %parallel_loop3A_578 : vector<16xi32>
        %parallel_loop3A_580 = tpu.vector_load_idx %arg17[%parallel_loop3A_209, %parallel_loop3A_579] : memref<64x97xf32, #tpu.memory_space<vmem>>[vector<16xi32>, vector<16xi32>], vector<16xf32>,
        %parallel_loop3A_581 = arith.constant 50 : i32
        %parallel_loop3A_582 = vector.broadcast %parallel_loop3A_581 : i32 to vector<16xi32>
        %parallel_loop3A_583 = arith.addi %mul3A_7, %parallel_loop3A_582 : vector<16xi32>
        %parallel_loop3A_584 = tpu.vector_load_idx %arg17[%parallel_loop3A_209, %parallel_loop3A_583] : memref<64x97xf32, #tpu.memory_space<vmem>>[vector<16xi32>, vector<16xi32>], vector<16xf32>,
        %parallel_loop3A_585 = arith.constant 51 : i32
        %parallel_loop3A_586 = vector.broadcast %parallel_loop3A_585 : i32 to vector<16xi32>
        %parallel_loop3A_587 = arith.addi %mul3A_7, %parallel_loop3A_586 : vector<16xi32>
        %parallel_loop3A_588 = tpu.vector_load_idx %arg17[%parallel_loop3A_209, %parallel_loop3A_587] : memref<64x97xf32, #tpu.memory_space<vmem>>[vector<16xi32>, vector<16xi32>], vector<16xf32>,
        %parallel_loop3A_589 = arith.constant 52 : i32
        %parallel_loop3A_590 = vector.broadcast %parallel_loop3A_589 : i32 to vector<16xi32>
        %parallel_loop3A_591 = arith.addi %mul3A_7, %parallel_loop3A_590 : vector<16xi32>
        %parallel_loop3A_592 = tpu.vector_load_idx %arg17[%parallel_loop3A_209, %parallel_loop3A_591] : memref<64x97xf32, #tpu.memory_space<vmem>>[vector<16xi32>, vector<16xi32>], vector<16xf32>,
        %parallel_loop3A_593 = arith.constant 53 : i32
        %parallel_loop3A_594 = vector.broadcast %parallel_loop3A_593 : i32 to vector<16xi32>
        %parallel_loop3A_595 = arith.addi %mul3A_7, %parallel_loop3A_594 : vector<16xi32>
        %parallel_loop3A_596 = tpu.vector_load_idx %arg17[%parallel_loop3A_209, %parallel_loop3A_595] : memref<64x97xf32, #tpu.memory_space<vmem>>[vector<16xi32>, vector<16xi32>], vector<16xf32>,
        %parallel_loop3A_597 = arith.constant 54 : i32
        %parallel_loop3A_598 = vector.broadcast %parallel_loop3A_597 : i32 to vector<16xi32>
        %parallel_loop3A_599 = arith.addi %mul3A_7, %parallel_loop3A_598 : vector<16xi32>
        %parallel_loop3A_600 = tpu.vector_load_idx %arg17[%parallel_loop3A_209, %parallel_loop3A_599] : memref<64x97xf32, #tpu.memory_space<vmem>>[vector<16xi32>, vector<16xi32>], vector<16xf32>,
        %parallel_loop3A_601 = arith.constant 55 : i32
        %parallel_loop3A_602 = vector.broadcast %parallel_loop3A_601 : i32 to vector<16xi32>
        %parallel_loop3A_603 = arith.addi %mul3A_7, %parallel_loop3A_602 : vector<16xi32>
        %parallel_loop3A_604 = tpu.vector_load_idx %arg17[%parallel_loop3A_209, %parallel_loop3A_603] : memref<64x97xf32, #tpu.memory_space<vmem>>[vector<16xi32>, vector<16xi32>], vector<16xf32>,
        %parallel_loop3A_605 = arith.constant 56 : i32
        %parallel_loop3A_606 = vector.broadcast %parallel_loop3A_605 : i32 to vector<16xi32>
        %parallel_loop3A_607 = arith.addi %mul3A_7, %parallel_loop3A_606 : vector<16xi32>
        %parallel_loop3A_608 = tpu.vector_load_idx %arg17[%parallel_loop3A_209, %parallel_loop3A_607] : memref<64x97xf32, #tpu.memory_space<vmem>>[vector<16xi32>, vector<16xi32>], vector<16xf32>,
        %parallel_loop3A_609 = arith.constant 57 : i32
        %parallel_loop3A_610 = vector.broadcast %parallel_loop3A_609 : i32 to vector<16xi32>
        %parallel_loop3A_611 = arith.addi %mul3A_7, %parallel_loop3A_610 : vector<16xi32>
        %parallel_loop3A_612 = tpu.vector_load_idx %arg17[%parallel_loop3A_209, %parallel_loop3A_611] : memref<64x97xf32, #tpu.memory_space<vmem>>[vector<16xi32>, vector<16xi32>], vector<16xf32>,
        %parallel_loop3A_613 = arith.constant 58 : i32
        %parallel_loop3A_614 = vector.broadcast %parallel_loop3A_613 : i32 to vector<16xi32>
        %parallel_loop3A_615 = arith.addi %mul3A_7, %parallel_loop3A_614 : vector<16xi32>
        %parallel_loop3A_616 = tpu.vector_load_idx %arg17[%parallel_loop3A_209, %parallel_loop3A_615] : memref<64x97xf32, #tpu.memory_space<vmem>>[vector<16xi32>, vector<16xi32>], vector<16xf32>,
        %parallel_loop3A_617 = arith.constant 59 : i32
        %parallel_loop3A_618 = vector.broadcast %parallel_loop3A_617 : i32 to vector<16xi32>
        %parallel_loop3A_619 = arith.addi %mul3A_7, %parallel_loop3A_618 : vector<16xi32>
        %parallel_loop3A_620 = tpu.vector_load_idx %arg17[%parallel_loop3A_209, %parallel_loop3A_619] : memref<64x97xf32, #tpu.memory_space<vmem>>[vector<16xi32>, vector<16xi32>], vector<16xf32>,
        %parallel_loop3A_621 = arith.constant 60 : i32
        %parallel_loop3A_622 = vector.broadcast %parallel_loop3A_621 : i32 to vector<16xi32>
        %parallel_loop3A_623 = arith.addi %mul3A_7, %parallel_loop3A_622 : vector<16xi32>
        %parallel_loop3A_624 = tpu.vector_load_idx %arg17[%parallel_loop3A_209, %parallel_loop3A_623] : memref<64x97xf32, #tpu.memory_space<vmem>>[vector<16xi32>, vector<16xi32>], vector<16xf32>,
        %parallel_loop3A_625 = arith.constant 61 : i32
        %parallel_loop3A_626 = vector.broadcast %parallel_loop3A_625 : i32 to vector<16xi32>
        %parallel_loop3A_627 = arith.addi %mul3A_7, %parallel_loop3A_626 : vector<16xi32>
        %parallel_loop3A_628 = tpu.vector_load_idx %arg17[%parallel_loop3A_209, %parallel_loop3A_627] : memref<64x97xf32, #tpu.memory_space<vmem>>[vector<16xi32>, vector<16xi32>], vector<16xf32>,
        %parallel_loop3A_629 = arith.constant 62 : i32
        %parallel_loop3A_630 = vector.broadcast %parallel_loop3A_629 : i32 to vector<16xi32>
        %parallel_loop3A_631 = arith.addi %mul3A_7, %parallel_loop3A_630 : vector<16xi32>
        %parallel_loop3A_632 = tpu.vector_load_idx %arg17[%parallel_loop3A_209, %parallel_loop3A_631] : memref<64x97xf32, #tpu.memory_space<vmem>>[vector<16xi32>, vector<16xi32>], vector<16xf32>,
        %parallel_loop3A_633 = arith.constant 63 : i32
        %parallel_loop3A_634 = vector.broadcast %parallel_loop3A_633 : i32 to vector<16xi32>
        %parallel_loop3A_635 = arith.addi %mul3A_7, %parallel_loop3A_634 : vector<16xi32>
        %parallel_loop3A_636 = tpu.vector_load_idx %arg17[%parallel_loop3A_209, %parallel_loop3A_635] : memref<64x97xf32, #tpu.memory_space<vmem>>[vector<16xi32>, vector<16xi32>], vector<16xf32>,
        %parallel_loop3A_637 = arith.addf %parallel_loop3A_576, %parallel_loop3A_580 : vector<16xf32>
        %parallel_loop3A_638 = arith.addf %parallel_loop3A_584, %parallel_loop3A_588 : vector<16xf32>
        %parallel_loop3A_639 = arith.addf %parallel_loop3A_592, %parallel_loop3A_596 : vector<16xf32>
        %parallel_loop3A_640 = arith.addf %parallel_loop3A_600, %parallel_loop3A_604 : vector<16xf32>
        %parallel_loop3A_641 = arith.addf %parallel_loop3A_608, %parallel_loop3A_612 : vector<16xf32>
        %parallel_loop3A_642 = arith.addf %parallel_loop3A_616, %parallel_loop3A_620 : vector<16xf32>
        %parallel_loop3A_643 = arith.addf %parallel_loop3A_624, %parallel_loop3A_628 : vector<16xf32>
        %parallel_loop3A_644 = arith.addf %parallel_loop3A_632, %parallel_loop3A_636 : vector<16xf32>
        %parallel_loop3A_645 = arith.addf %parallel_loop3A_637, %parallel_loop3A_638 : vector<16xf32>
        %parallel_loop3A_646 = arith.addf %parallel_loop3A_639, %parallel_loop3A_640 : vector<16xf32>
        %parallel_loop3A_647 = arith.addf %parallel_loop3A_641, %parallel_loop3A_642 : vector<16xf32>
        %parallel_loop3A_648 = arith.addf %parallel_loop3A_643, %parallel_loop3A_644 : vector<16xf32>
        %parallel_loop3A_649 = arith.addf %parallel_loop3A_645, %parallel_loop3A_646 : vector<16xf32>
        %parallel_loop3A_650 = arith.addf %parallel_loop3A_647, %parallel_loop3A_648 : vector<16xf32>
        %parallel_loop3A_651 = arith.addf %parallel_loop3A_649, %parallel_loop3A_650 : vector<16xf32>
        %parallel_loop3A_652 = arith.constant 0.000000e+00 : f32
        %parallel_loop3A_653 = vector.broadcast %parallel_loop3A_652 : f32 to vector<16xf32>
        %parallel_loop3A_654 = arith.subf %parallel_loop3A_653, %parallel_loop3A_651 : vector<16xf32>
        %parallel_loop3A_655 = math.absf %parallel_loop3A_654 : vector<16xf32>
        %parallel_loop3A_656 = arith.constant 0.000000e+00 : f32
        %parallel_loop3A_657 = vector.broadcast %parallel_loop3A_656 : f32 to vector<16xf32>
        %parallel_loop3A_658 = arith.subf %parallel_loop3A_657, %parallel_loop3A_655 : vector<16xf32>
        %parallel_loop3A_659 = math.exp %parallel_loop3A_658 : vector<16xf32>
        %parallel_loop3A_660 = arith.constant 0.0102438284 : f32
        %parallel_loop3A_661 = vector.broadcast %parallel_loop3A_660 : f32 to vector<16xf32>
        %parallel_loop3A_662 = arith.mulf %parallel_loop3A_661, %parallel_loop3A_659 : vector<16xf32>
        %parallel_loop3A_663 = arith.constant -0.0532674789 : f32
        %parallel_loop3A_664 = vector.broadcast %parallel_loop3A_663 : f32 to vector<16xf32>
        %parallel_loop3A_665 = arith.addf %parallel_loop3A_662, %parallel_loop3A_664 : vector<16xf32>
        %parallel_loop3A_666 = arith.mulf %parallel_loop3A_665, %parallel_loop3A_659 : vector<16xf32>
        %parallel_loop3A_667 = arith.constant 0.131989658 : f32
        %parallel_loop3A_668 = vector.broadcast %parallel_loop3A_667 : f32 to vector<16xf32>
        %parallel_loop3A_669 = arith.addf %parallel_loop3A_666, %parallel_loop3A_668 : vector<16xf32>
        %parallel_loop3A_670 = arith.mulf %parallel_loop3A_669, %parallel_loop3A_659 : vector<16xf32>
        %parallel_loop3A_671 = arith.constant -0.223966897 : f32
        %parallel_loop3A_672 = vector.broadcast %parallel_loop3A_671 : f32 to vector<16xf32>
        %parallel_loop3A_673 = arith.addf %parallel_loop3A_670, %parallel_loop3A_672 : vector<16xf32>
        %parallel_loop3A_674 = arith.mulf %parallel_loop3A_673, %parallel_loop3A_659 : vector<16xf32>
        %parallel_loop3A_675 = arith.constant 0.327511728 : f32
        %parallel_loop3A_676 = vector.broadcast %parallel_loop3A_675 : f32 to vector<16xf32>
        %parallel_loop3A_677 = arith.addf %parallel_loop3A_674, %parallel_loop3A_676 : vector<16xf32>
        %parallel_loop3A_678 = arith.mulf %parallel_loop3A_677, %parallel_loop3A_659 : vector<16xf32>
        %parallel_loop3A_679 = arith.constant -0.499333948 : f32
        %parallel_loop3A_680 = vector.broadcast %parallel_loop3A_679 : f32 to vector<16xf32>
        %parallel_loop3A_681 = arith.addf %parallel_loop3A_678, %parallel_loop3A_680 : vector<16xf32>
        %parallel_loop3A_682 = arith.mulf %parallel_loop3A_681, %parallel_loop3A_659 : vector<16xf32>
        %parallel_loop3A_683 = arith.constant 0.999970257 : f32
        %parallel_loop3A_684 = vector.broadcast %parallel_loop3A_683 : f32 to vector<16xf32>
        %parallel_loop3A_685 = arith.addf %parallel_loop3A_682, %parallel_loop3A_684 : vector<16xf32>
        %parallel_loop3A_686 = arith.mulf %parallel_loop3A_685, %parallel_loop3A_659 : vector<16xf32>
        %parallel_loop3A_687 = arith.constant 2.21597645E-7 : f32
        %parallel_loop3A_688 = vector.broadcast %parallel_loop3A_687 : f32 to vector<16xf32>
        %parallel_loop3A_689 = arith.addf %parallel_loop3A_686, %parallel_loop3A_688 : vector<16xf32>
        %parallel_loop3A_690 = arith.constant 0.000000e+00 : f32
        %parallel_loop3A_691 = vector.broadcast %parallel_loop3A_690 : f32 to vector<16xf32>
        %parallel_loop3A_692 = arith.minimumf %parallel_loop3A_654, %parallel_loop3A_691 : vector<16xf32>
        %parallel_loop3A_693 = arith.subf %parallel_loop3A_692, %parallel_loop3A_689 : vector<16xf32>
        %parallel_loop3A_694 = arith.addf %parallel_loop3A_572, %parallel_loop3A_693 : vector<16xf32>
        %parallel_loop3A_695 = arith.constant 64 : i32
        %parallel_loop3A_696 = vector.broadcast %parallel_loop3A_695 : i32 to vector<16xi32>
        %parallel_loop3A_697 = arith.addi %mul3A_7, %parallel_loop3A_696 : vector<16xi32>
        %parallel_loop3A_698 = tpu.vector_load_idx %arg17[%parallel_loop3A_209, %parallel_loop3A_697] : memref<64x97xf32, #tpu.memory_space<vmem>>[vector<16xi32>, vector<16xi32>], vector<16xf32>,
        %parallel_loop3A_699 = arith.constant 65 : i32
        %parallel_loop3A_700 = vector.broadcast %parallel_loop3A_699 : i32 to vector<16xi32>
        %parallel_loop3A_701 = arith.addi %mul3A_7, %parallel_loop3A_700 : vector<16xi32>
        %parallel_loop3A_702 = tpu.vector_load_idx %arg17[%parallel_loop3A_209, %parallel_loop3A_701] : memref<64x97xf32, #tpu.memory_space<vmem>>[vector<16xi32>, vector<16xi32>], vector<16xf32>,
        %parallel_loop3A_703 = arith.constant 66 : i32
        %parallel_loop3A_704 = vector.broadcast %parallel_loop3A_703 : i32 to vector<16xi32>
        %parallel_loop3A_705 = arith.addi %mul3A_7, %parallel_loop3A_704 : vector<16xi32>
        %parallel_loop3A_706 = tpu.vector_load_idx %arg17[%parallel_loop3A_209, %parallel_loop3A_705] : memref<64x97xf32, #tpu.memory_space<vmem>>[vector<16xi32>, vector<16xi32>], vector<16xf32>,
        %parallel_loop3A_707 = arith.constant 67 : i32
        %parallel_loop3A_708 = vector.broadcast %parallel_loop3A_707 : i32 to vector<16xi32>
        %parallel_loop3A_709 = arith.addi %mul3A_7, %parallel_loop3A_708 : vector<16xi32>
        %parallel_loop3A_710 = tpu.vector_load_idx %arg17[%parallel_loop3A_209, %parallel_loop3A_709] : memref<64x97xf32, #tpu.memory_space<vmem>>[vector<16xi32>, vector<16xi32>], vector<16xf32>,
        %parallel_loop3A_711 = arith.constant 68 : i32
        %parallel_loop3A_712 = vector.broadcast %parallel_loop3A_711 : i32 to vector<16xi32>
        %parallel_loop3A_713 = arith.addi %mul3A_7, %parallel_loop3A_712 : vector<16xi32>
        %parallel_loop3A_714 = tpu.vector_load_idx %arg17[%parallel_loop3A_209, %parallel_loop3A_713] : memref<64x97xf32, #tpu.memory_space<vmem>>[vector<16xi32>, vector<16xi32>], vector<16xf32>,
        %parallel_loop3A_715 = arith.constant 69 : i32
        %parallel_loop3A_716 = vector.broadcast %parallel_loop3A_715 : i32 to vector<16xi32>
        %parallel_loop3A_717 = arith.addi %mul3A_7, %parallel_loop3A_716 : vector<16xi32>
        %parallel_loop3A_718 = tpu.vector_load_idx %arg17[%parallel_loop3A_209, %parallel_loop3A_717] : memref<64x97xf32, #tpu.memory_space<vmem>>[vector<16xi32>, vector<16xi32>], vector<16xf32>,
        %parallel_loop3A_719 = arith.constant 70 : i32
        %parallel_loop3A_720 = vector.broadcast %parallel_loop3A_719 : i32 to vector<16xi32>
        %parallel_loop3A_721 = arith.addi %mul3A_7, %parallel_loop3A_720 : vector<16xi32>
        %parallel_loop3A_722 = tpu.vector_load_idx %arg17[%parallel_loop3A_209, %parallel_loop3A_721] : memref<64x97xf32, #tpu.memory_space<vmem>>[vector<16xi32>, vector<16xi32>], vector<16xf32>,
        %parallel_loop3A_723 = arith.constant 71 : i32
        %parallel_loop3A_724 = vector.broadcast %parallel_loop3A_723 : i32 to vector<16xi32>
        %parallel_loop3A_725 = arith.addi %mul3A_7, %parallel_loop3A_724 : vector<16xi32>
        %parallel_loop3A_726 = tpu.vector_load_idx %arg17[%parallel_loop3A_209, %parallel_loop3A_725] : memref<64x97xf32, #tpu.memory_space<vmem>>[vector<16xi32>, vector<16xi32>], vector<16xf32>,
        %parallel_loop3A_727 = arith.constant 72 : i32
        %parallel_loop3A_728 = vector.broadcast %parallel_loop3A_727 : i32 to vector<16xi32>
        %parallel_loop3A_729 = arith.addi %mul3A_7, %parallel_loop3A_728 : vector<16xi32>
        %parallel_loop3A_730 = tpu.vector_load_idx %arg17[%parallel_loop3A_209, %parallel_loop3A_729] : memref<64x97xf32, #tpu.memory_space<vmem>>[vector<16xi32>, vector<16xi32>], vector<16xf32>,
        %parallel_loop3A_731 = arith.constant 73 : i32
        %parallel_loop3A_732 = vector.broadcast %parallel_loop3A_731 : i32 to vector<16xi32>
        %parallel_loop3A_733 = arith.addi %mul3A_7, %parallel_loop3A_732 : vector<16xi32>
        %parallel_loop3A_734 = tpu.vector_load_idx %arg17[%parallel_loop3A_209, %parallel_loop3A_733] : memref<64x97xf32, #tpu.memory_space<vmem>>[vector<16xi32>, vector<16xi32>], vector<16xf32>,
        %parallel_loop3A_735 = arith.constant 74 : i32
        %parallel_loop3A_736 = vector.broadcast %parallel_loop3A_735 : i32 to vector<16xi32>
        %parallel_loop3A_737 = arith.addi %mul3A_7, %parallel_loop3A_736 : vector<16xi32>
        %parallel_loop3A_738 = tpu.vector_load_idx %arg17[%parallel_loop3A_209, %parallel_loop3A_737] : memref<64x97xf32, #tpu.memory_space<vmem>>[vector<16xi32>, vector<16xi32>], vector<16xf32>,
        %parallel_loop3A_739 = arith.constant 75 : i32
        %parallel_loop3A_740 = vector.broadcast %parallel_loop3A_739 : i32 to vector<16xi32>
        %parallel_loop3A_741 = arith.addi %mul3A_7, %parallel_loop3A_740 : vector<16xi32>
        %parallel_loop3A_742 = tpu.vector_load_idx %arg17[%parallel_loop3A_209, %parallel_loop3A_741] : memref<64x97xf32, #tpu.memory_space<vmem>>[vector<16xi32>, vector<16xi32>], vector<16xf32>,
        %parallel_loop3A_743 = arith.constant 76 : i32
        %parallel_loop3A_744 = vector.broadcast %parallel_loop3A_743 : i32 to vector<16xi32>
        %parallel_loop3A_745 = arith.addi %mul3A_7, %parallel_loop3A_744 : vector<16xi32>
        %parallel_loop3A_746 = tpu.vector_load_idx %arg17[%parallel_loop3A_209, %parallel_loop3A_745] : memref<64x97xf32, #tpu.memory_space<vmem>>[vector<16xi32>, vector<16xi32>], vector<16xf32>,
        %parallel_loop3A_747 = arith.constant 77 : i32
        %parallel_loop3A_748 = vector.broadcast %parallel_loop3A_747 : i32 to vector<16xi32>
        %parallel_loop3A_749 = arith.addi %mul3A_7, %parallel_loop3A_748 : vector<16xi32>
        %parallel_loop3A_750 = tpu.vector_load_idx %arg17[%parallel_loop3A_209, %parallel_loop3A_749] : memref<64x97xf32, #tpu.memory_space<vmem>>[vector<16xi32>, vector<16xi32>], vector<16xf32>,
        %parallel_loop3A_751 = arith.constant 78 : i32
        %parallel_loop3A_752 = vector.broadcast %parallel_loop3A_751 : i32 to vector<16xi32>
        %parallel_loop3A_753 = arith.addi %mul3A_7, %parallel_loop3A_752 : vector<16xi32>
        %parallel_loop3A_754 = tpu.vector_load_idx %arg17[%parallel_loop3A_209, %parallel_loop3A_753] : memref<64x97xf32, #tpu.memory_space<vmem>>[vector<16xi32>, vector<16xi32>], vector<16xf32>,
        %parallel_loop3A_755 = arith.constant 79 : i32
        %parallel_loop3A_756 = vector.broadcast %parallel_loop3A_755 : i32 to vector<16xi32>
        %parallel_loop3A_757 = arith.addi %mul3A_7, %parallel_loop3A_756 : vector<16xi32>
        %parallel_loop3A_758 = tpu.vector_load_idx %arg17[%parallel_loop3A_209, %parallel_loop3A_757] : memref<64x97xf32, #tpu.memory_space<vmem>>[vector<16xi32>, vector<16xi32>], vector<16xf32>,
        %parallel_loop3A_759 = arith.addf %parallel_loop3A_698, %parallel_loop3A_702 : vector<16xf32>
        %parallel_loop3A_760 = arith.addf %parallel_loop3A_706, %parallel_loop3A_710 : vector<16xf32>
        %parallel_loop3A_761 = arith.addf %parallel_loop3A_714, %parallel_loop3A_718 : vector<16xf32>
        %parallel_loop3A_762 = arith.addf %parallel_loop3A_722, %parallel_loop3A_726 : vector<16xf32>
        %parallel_loop3A_763 = arith.addf %parallel_loop3A_730, %parallel_loop3A_734 : vector<16xf32>
        %parallel_loop3A_764 = arith.addf %parallel_loop3A_738, %parallel_loop3A_742 : vector<16xf32>
        %parallel_loop3A_765 = arith.addf %parallel_loop3A_746, %parallel_loop3A_750 : vector<16xf32>
        %parallel_loop3A_766 = arith.addf %parallel_loop3A_754, %parallel_loop3A_758 : vector<16xf32>
        %parallel_loop3A_767 = arith.addf %parallel_loop3A_759, %parallel_loop3A_760 : vector<16xf32>
        %parallel_loop3A_768 = arith.addf %parallel_loop3A_761, %parallel_loop3A_762 : vector<16xf32>
        %parallel_loop3A_769 = arith.addf %parallel_loop3A_763, %parallel_loop3A_764 : vector<16xf32>
        %parallel_loop3A_770 = arith.addf %parallel_loop3A_765, %parallel_loop3A_766 : vector<16xf32>
        %parallel_loop3A_771 = arith.addf %parallel_loop3A_767, %parallel_loop3A_768 : vector<16xf32>
        %parallel_loop3A_772 = arith.addf %parallel_loop3A_769, %parallel_loop3A_770 : vector<16xf32>
        %parallel_loop3A_773 = arith.addf %parallel_loop3A_771, %parallel_loop3A_772 : vector<16xf32>
        %parallel_loop3A_774 = arith.constant 0.000000e+00 : f32
        %parallel_loop3A_775 = vector.broadcast %parallel_loop3A_774 : f32 to vector<16xf32>
        %parallel_loop3A_776 = arith.subf %parallel_loop3A_775, %parallel_loop3A_773 : vector<16xf32>
        %parallel_loop3A_777 = math.absf %parallel_loop3A_776 : vector<16xf32>
        %parallel_loop3A_778 = arith.constant 0.000000e+00 : f32
        %parallel_loop3A_779 = vector.broadcast %parallel_loop3A_778 : f32 to vector<16xf32>
        %parallel_loop3A_780 = arith.subf %parallel_loop3A_779, %parallel_loop3A_777 : vector<16xf32>
        %parallel_loop3A_781 = math.exp %parallel_loop3A_780 : vector<16xf32>
        %parallel_loop3A_782 = arith.constant 0.0102438284 : f32
        %parallel_loop3A_783 = vector.broadcast %parallel_loop3A_782 : f32 to vector<16xf32>
        %parallel_loop3A_784 = arith.mulf %parallel_loop3A_783, %parallel_loop3A_781 : vector<16xf32>
        %parallel_loop3A_785 = arith.constant -0.0532674789 : f32
        %parallel_loop3A_786 = vector.broadcast %parallel_loop3A_785 : f32 to vector<16xf32>
        %parallel_loop3A_787 = arith.addf %parallel_loop3A_784, %parallel_loop3A_786 : vector<16xf32>
        %parallel_loop3A_788 = arith.mulf %parallel_loop3A_787, %parallel_loop3A_781 : vector<16xf32>
        %parallel_loop3A_789 = arith.constant 0.131989658 : f32
        %parallel_loop3A_790 = vector.broadcast %parallel_loop3A_789 : f32 to vector<16xf32>
        %parallel_loop3A_791 = arith.addf %parallel_loop3A_788, %parallel_loop3A_790 : vector<16xf32>
        %parallel_loop3A_792 = arith.mulf %parallel_loop3A_791, %parallel_loop3A_781 : vector<16xf32>
        %parallel_loop3A_793 = arith.constant -0.223966897 : f32
        %parallel_loop3A_794 = vector.broadcast %parallel_loop3A_793 : f32 to vector<16xf32>
        %parallel_loop3A_795 = arith.addf %parallel_loop3A_792, %parallel_loop3A_794 : vector<16xf32>
        %parallel_loop3A_796 = arith.mulf %parallel_loop3A_795, %parallel_loop3A_781 : vector<16xf32>
        %parallel_loop3A_797 = arith.constant 0.327511728 : f32
        %parallel_loop3A_798 = vector.broadcast %parallel_loop3A_797 : f32 to vector<16xf32>
        %parallel_loop3A_799 = arith.addf %parallel_loop3A_796, %parallel_loop3A_798 : vector<16xf32>
        %parallel_loop3A_800 = arith.mulf %parallel_loop3A_799, %parallel_loop3A_781 : vector<16xf32>
        %parallel_loop3A_801 = arith.constant -0.499333948 : f32
        %parallel_loop3A_802 = vector.broadcast %parallel_loop3A_801 : f32 to vector<16xf32>
        %parallel_loop3A_803 = arith.addf %parallel_loop3A_800, %parallel_loop3A_802 : vector<16xf32>
        %parallel_loop3A_804 = arith.mulf %parallel_loop3A_803, %parallel_loop3A_781 : vector<16xf32>
        %parallel_loop3A_805 = arith.constant 0.999970257 : f32
        %parallel_loop3A_806 = vector.broadcast %parallel_loop3A_805 : f32 to vector<16xf32>
        %parallel_loop3A_807 = arith.addf %parallel_loop3A_804, %parallel_loop3A_806 : vector<16xf32>
        %parallel_loop3A_808 = arith.mulf %parallel_loop3A_807, %parallel_loop3A_781 : vector<16xf32>
        %parallel_loop3A_809 = arith.constant 2.21597645E-7 : f32
        %parallel_loop3A_810 = vector.broadcast %parallel_loop3A_809 : f32 to vector<16xf32>
        %parallel_loop3A_811 = arith.addf %parallel_loop3A_808, %parallel_loop3A_810 : vector<16xf32>
        %parallel_loop3A_812 = arith.constant 0.000000e+00 : f32
        %parallel_loop3A_813 = vector.broadcast %parallel_loop3A_812 : f32 to vector<16xf32>
        %parallel_loop3A_814 = arith.minimumf %parallel_loop3A_776, %parallel_loop3A_813 : vector<16xf32>
        %parallel_loop3A_815 = arith.subf %parallel_loop3A_814, %parallel_loop3A_811 : vector<16xf32>
        %parallel_loop3A_816 = arith.addf %parallel_loop3A_694, %parallel_loop3A_815 : vector<16xf32>
        %parallel_loop3A_817 = arith.constant 80 : i32
        %parallel_loop3A_818 = vector.broadcast %parallel_loop3A_817 : i32 to vector<16xi32>
        %parallel_loop3A_819 = arith.addi %mul3A_7, %parallel_loop3A_818 : vector<16xi32>
        %parallel_loop3A_820 = tpu.vector_load_idx %arg17[%parallel_loop3A_209, %parallel_loop3A_819] : memref<64x97xf32, #tpu.memory_space<vmem>>[vector<16xi32>, vector<16xi32>], vector<16xf32>,
        %parallel_loop3A_821 = arith.constant 81 : i32
        %parallel_loop3A_822 = vector.broadcast %parallel_loop3A_821 : i32 to vector<16xi32>
        %parallel_loop3A_823 = arith.addi %mul3A_7, %parallel_loop3A_822 : vector<16xi32>
        %parallel_loop3A_824 = tpu.vector_load_idx %arg17[%parallel_loop3A_209, %parallel_loop3A_823] : memref<64x97xf32, #tpu.memory_space<vmem>>[vector<16xi32>, vector<16xi32>], vector<16xf32>,
        %parallel_loop3A_825 = arith.constant 82 : i32
        %parallel_loop3A_826 = vector.broadcast %parallel_loop3A_825 : i32 to vector<16xi32>
        %parallel_loop3A_827 = arith.addi %mul3A_7, %parallel_loop3A_826 : vector<16xi32>
        %parallel_loop3A_828 = tpu.vector_load_idx %arg17[%parallel_loop3A_209, %parallel_loop3A_827] : memref<64x97xf32, #tpu.memory_space<vmem>>[vector<16xi32>, vector<16xi32>], vector<16xf32>,
        %parallel_loop3A_829 = arith.constant 83 : i32
        %parallel_loop3A_830 = vector.broadcast %parallel_loop3A_829 : i32 to vector<16xi32>
        %parallel_loop3A_831 = arith.addi %mul3A_7, %parallel_loop3A_830 : vector<16xi32>
        %parallel_loop3A_832 = tpu.vector_load_idx %arg17[%parallel_loop3A_209, %parallel_loop3A_831] : memref<64x97xf32, #tpu.memory_space<vmem>>[vector<16xi32>, vector<16xi32>], vector<16xf32>,
        %parallel_loop3A_833 = arith.constant 84 : i32
        %parallel_loop3A_834 = vector.broadcast %parallel_loop3A_833 : i32 to vector<16xi32>
        %parallel_loop3A_835 = arith.addi %mul3A_7, %parallel_loop3A_834 : vector<16xi32>
        %parallel_loop3A_836 = tpu.vector_load_idx %arg17[%parallel_loop3A_209, %parallel_loop3A_835] : memref<64x97xf32, #tpu.memory_space<vmem>>[vector<16xi32>, vector<16xi32>], vector<16xf32>,
        %parallel_loop3A_837 = arith.constant 85 : i32
        %parallel_loop3A_838 = vector.broadcast %parallel_loop3A_837 : i32 to vector<16xi32>
        %parallel_loop3A_839 = arith.addi %mul3A_7, %parallel_loop3A_838 : vector<16xi32>
        %parallel_loop3A_840 = tpu.vector_load_idx %arg17[%parallel_loop3A_209, %parallel_loop3A_839] : memref<64x97xf32, #tpu.memory_space<vmem>>[vector<16xi32>, vector<16xi32>], vector<16xf32>,
        %parallel_loop3A_841 = arith.constant 86 : i32
        %parallel_loop3A_842 = vector.broadcast %parallel_loop3A_841 : i32 to vector<16xi32>
        %parallel_loop3A_843 = arith.addi %mul3A_7, %parallel_loop3A_842 : vector<16xi32>
        %parallel_loop3A_844 = tpu.vector_load_idx %arg17[%parallel_loop3A_209, %parallel_loop3A_843] : memref<64x97xf32, #tpu.memory_space<vmem>>[vector<16xi32>, vector<16xi32>], vector<16xf32>,
        %parallel_loop3A_845 = arith.constant 87 : i32
        %parallel_loop3A_846 = vector.broadcast %parallel_loop3A_845 : i32 to vector<16xi32>
        %parallel_loop3A_847 = arith.addi %mul3A_7, %parallel_loop3A_846 : vector<16xi32>
        %parallel_loop3A_848 = tpu.vector_load_idx %arg17[%parallel_loop3A_209, %parallel_loop3A_847] : memref<64x97xf32, #tpu.memory_space<vmem>>[vector<16xi32>, vector<16xi32>], vector<16xf32>,
        %parallel_loop3A_849 = arith.constant 88 : i32
        %parallel_loop3A_850 = vector.broadcast %parallel_loop3A_849 : i32 to vector<16xi32>
        %parallel_loop3A_851 = arith.addi %mul3A_7, %parallel_loop3A_850 : vector<16xi32>
        %parallel_loop3A_852 = tpu.vector_load_idx %arg17[%parallel_loop3A_209, %parallel_loop3A_851] : memref<64x97xf32, #tpu.memory_space<vmem>>[vector<16xi32>, vector<16xi32>], vector<16xf32>,
        %parallel_loop3A_853 = arith.constant 89 : i32
        %parallel_loop3A_854 = vector.broadcast %parallel_loop3A_853 : i32 to vector<16xi32>
        %parallel_loop3A_855 = arith.addi %mul3A_7, %parallel_loop3A_854 : vector<16xi32>
        %parallel_loop3A_856 = tpu.vector_load_idx %arg17[%parallel_loop3A_209, %parallel_loop3A_855] : memref<64x97xf32, #tpu.memory_space<vmem>>[vector<16xi32>, vector<16xi32>], vector<16xf32>,
        %parallel_loop3A_857 = arith.constant 90 : i32
        %parallel_loop3A_858 = vector.broadcast %parallel_loop3A_857 : i32 to vector<16xi32>
        %parallel_loop3A_859 = arith.addi %mul3A_7, %parallel_loop3A_858 : vector<16xi32>
        %parallel_loop3A_860 = tpu.vector_load_idx %arg17[%parallel_loop3A_209, %parallel_loop3A_859] : memref<64x97xf32, #tpu.memory_space<vmem>>[vector<16xi32>, vector<16xi32>], vector<16xf32>,
        %parallel_loop3A_861 = arith.constant 91 : i32
        %parallel_loop3A_862 = vector.broadcast %parallel_loop3A_861 : i32 to vector<16xi32>
        %parallel_loop3A_863 = arith.addi %mul3A_7, %parallel_loop3A_862 : vector<16xi32>
        %parallel_loop3A_864 = tpu.vector_load_idx %arg17[%parallel_loop3A_209, %parallel_loop3A_863] : memref<64x97xf32, #tpu.memory_space<vmem>>[vector<16xi32>, vector<16xi32>], vector<16xf32>,
        %parallel_loop3A_865 = arith.constant 92 : i32
        %parallel_loop3A_866 = vector.broadcast %parallel_loop3A_865 : i32 to vector<16xi32>
        %parallel_loop3A_867 = arith.addi %mul3A_7, %parallel_loop3A_866 : vector<16xi32>
        %parallel_loop3A_868 = tpu.vector_load_idx %arg17[%parallel_loop3A_209, %parallel_loop3A_867] : memref<64x97xf32, #tpu.memory_space<vmem>>[vector<16xi32>, vector<16xi32>], vector<16xf32>,
        %parallel_loop3A_869 = arith.constant 93 : i32
        %parallel_loop3A_870 = vector.broadcast %parallel_loop3A_869 : i32 to vector<16xi32>
        %parallel_loop3A_871 = arith.addi %mul3A_7, %parallel_loop3A_870 : vector<16xi32>
        %parallel_loop3A_872 = tpu.vector_load_idx %arg17[%parallel_loop3A_209, %parallel_loop3A_871] : memref<64x97xf32, #tpu.memory_space<vmem>>[vector<16xi32>, vector<16xi32>], vector<16xf32>,
        %parallel_loop3A_873 = arith.constant 94 : i32
        %parallel_loop3A_874 = vector.broadcast %parallel_loop3A_873 : i32 to vector<16xi32>
        %parallel_loop3A_875 = arith.addi %mul3A_7, %parallel_loop3A_874 : vector<16xi32>
        %parallel_loop3A_876 = tpu.vector_load_idx %arg17[%parallel_loop3A_209, %parallel_loop3A_875] : memref<64x97xf32, #tpu.memory_space<vmem>>[vector<16xi32>, vector<16xi32>], vector<16xf32>,
        %parallel_loop3A_877 = arith.constant 95 : i32
        %parallel_loop3A_878 = vector.broadcast %parallel_loop3A_877 : i32 to vector<16xi32>
        %parallel_loop3A_879 = arith.addi %mul3A_7, %parallel_loop3A_878 : vector<16xi32>
        %parallel_loop3A_880 = tpu.vector_load_idx %arg17[%parallel_loop3A_209, %parallel_loop3A_879] : memref<64x97xf32, #tpu.memory_space<vmem>>[vector<16xi32>, vector<16xi32>], vector<16xf32>,
        %parallel_loop3A_881 = arith.addf %parallel_loop3A_820, %parallel_loop3A_824 : vector<16xf32>
        %parallel_loop3A_882 = arith.addf %parallel_loop3A_828, %parallel_loop3A_832 : vector<16xf32>
        %parallel_loop3A_883 = arith.addf %parallel_loop3A_836, %parallel_loop3A_840 : vector<16xf32>
        %parallel_loop3A_884 = arith.addf %parallel_loop3A_844, %parallel_loop3A_848 : vector<16xf32>
        %parallel_loop3A_885 = arith.addf %parallel_loop3A_852, %parallel_loop3A_856 : vector<16xf32>
        %parallel_loop3A_886 = arith.addf %parallel_loop3A_860, %parallel_loop3A_864 : vector<16xf32>
        %parallel_loop3A_887 = arith.addf %parallel_loop3A_868, %parallel_loop3A_872 : vector<16xf32>
        %parallel_loop3A_888 = arith.addf %parallel_loop3A_876, %parallel_loop3A_880 : vector<16xf32>
        %parallel_loop3A_889 = arith.addf %parallel_loop3A_881, %parallel_loop3A_882 : vector<16xf32>
        %parallel_loop3A_890 = arith.addf %parallel_loop3A_883, %parallel_loop3A_884 : vector<16xf32>
        %parallel_loop3A_891 = arith.addf %parallel_loop3A_885, %parallel_loop3A_886 : vector<16xf32>
        %parallel_loop3A_892 = arith.addf %parallel_loop3A_887, %parallel_loop3A_888 : vector<16xf32>
        %parallel_loop3A_893 = arith.addf %parallel_loop3A_889, %parallel_loop3A_890 : vector<16xf32>
        %parallel_loop3A_894 = arith.addf %parallel_loop3A_891, %parallel_loop3A_892 : vector<16xf32>
        %parallel_loop3A_895 = arith.addf %parallel_loop3A_893, %parallel_loop3A_894 : vector<16xf32>
        %parallel_loop3A_896 = arith.constant 0.000000e+00 : f32
        %parallel_loop3A_897 = vector.broadcast %parallel_loop3A_896 : f32 to vector<16xf32>
        %parallel_loop3A_898 = arith.subf %parallel_loop3A_897, %parallel_loop3A_895 : vector<16xf32>
        %parallel_loop3A_899 = math.absf %parallel_loop3A_898 : vector<16xf32>
        %parallel_loop3A_900 = arith.constant 0.000000e+00 : f32
        %parallel_loop3A_901 = vector.broadcast %parallel_loop3A_900 : f32 to vector<16xf32>
        %parallel_loop3A_902 = arith.subf %parallel_loop3A_901, %parallel_loop3A_899 : vector<16xf32>
        %parallel_loop3A_903 = math.exp %parallel_loop3A_902 : vector<16xf32>
        %parallel_loop3A_904 = arith.constant 0.0102438284 : f32
        %parallel_loop3A_905 = vector.broadcast %parallel_loop3A_904 : f32 to vector<16xf32>
        %parallel_loop3A_906 = arith.mulf %parallel_loop3A_905, %parallel_loop3A_903 : vector<16xf32>
        %parallel_loop3A_907 = arith.constant -0.0532674789 : f32
        %parallel_loop3A_908 = vector.broadcast %parallel_loop3A_907 : f32 to vector<16xf32>
        %parallel_loop3A_909 = arith.addf %parallel_loop3A_906, %parallel_loop3A_908 : vector<16xf32>
        %parallel_loop3A_910 = arith.mulf %parallel_loop3A_909, %parallel_loop3A_903 : vector<16xf32>
        %parallel_loop3A_911 = arith.constant 0.131989658 : f32
        %parallel_loop3A_912 = vector.broadcast %parallel_loop3A_911 : f32 to vector<16xf32>
        %parallel_loop3A_913 = arith.addf %parallel_loop3A_910, %parallel_loop3A_912 : vector<16xf32>
        %parallel_loop3A_914 = arith.mulf %parallel_loop3A_913, %parallel_loop3A_903 : vector<16xf32>
        %parallel_loop3A_915 = arith.constant -0.223966897 : f32
        %parallel_loop3A_916 = vector.broadcast %parallel_loop3A_915 : f32 to vector<16xf32>
        %parallel_loop3A_917 = arith.addf %parallel_loop3A_914, %parallel_loop3A_916 : vector<16xf32>
        %parallel_loop3A_918 = arith.mulf %parallel_loop3A_917, %parallel_loop3A_903 : vector<16xf32>
        %parallel_loop3A_919 = arith.constant 0.327511728 : f32
        %parallel_loop3A_920 = vector.broadcast %parallel_loop3A_919 : f32 to vector<16xf32>
        %parallel_loop3A_921 = arith.addf %parallel_loop3A_918, %parallel_loop3A_920 : vector<16xf32>
        %parallel_loop3A_922 = arith.mulf %parallel_loop3A_921, %parallel_loop3A_903 : vector<16xf32>
        %parallel_loop3A_923 = arith.constant -0.499333948 : f32
        %parallel_loop3A_924 = vector.broadcast %parallel_loop3A_923 : f32 to vector<16xf32>
        %parallel_loop3A_925 = arith.addf %parallel_loop3A_922, %parallel_loop3A_924 : vector<16xf32>
        %parallel_loop3A_926 = arith.mulf %parallel_loop3A_925, %parallel_loop3A_903 : vector<16xf32>
        %parallel_loop3A_927 = arith.constant 0.999970257 : f32
        %parallel_loop3A_928 = vector.broadcast %parallel_loop3A_927 : f32 to vector<16xf32>
        %parallel_loop3A_929 = arith.addf %parallel_loop3A_926, %parallel_loop3A_928 : vector<16xf32>
        %parallel_loop3A_930 = arith.mulf %parallel_loop3A_929, %parallel_loop3A_903 : vector<16xf32>
        %parallel_loop3A_931 = arith.constant 2.21597645E-7 : f32
        %parallel_loop3A_932 = vector.broadcast %parallel_loop3A_931 : f32 to vector<16xf32>
        %parallel_loop3A_933 = arith.addf %parallel_loop3A_930, %parallel_loop3A_932 : vector<16xf32>
        %parallel_loop3A_934 = arith.constant 0.000000e+00 : f32
        %parallel_loop3A_935 = vector.broadcast %parallel_loop3A_934 : f32 to vector<16xf32>
        %parallel_loop3A_936 = arith.minimumf %parallel_loop3A_898, %parallel_loop3A_935 : vector<16xf32>
        %parallel_loop3A_937 = arith.subf %parallel_loop3A_936, %parallel_loop3A_933 : vector<16xf32>
        %parallel_loop3A_938 = arith.addf %parallel_loop3A_816, %parallel_loop3A_937 : vector<16xf32>
        scf.yield %parallel_loop3A_938 : vector<16xf32>
      } {sc.loop_unroll_factor = 2 : i64, sc.parallel_access}
      %add3A_197 = arith.constant 3 : i32
      %add3A_198 = arith.addi %mul3A_90, %add3A_197 : i32
      %lt3A_199 = arith.constant 8 : i32
      %lt3A_200 = arith.cmpi slt, %add3A_198, %lt3A_199 : i32
      %convert_element_type3A_201 = arith.extui %lt3A_200 : i1 to i32
      %cond3A_202 = arith.constant 0 : i32
      %cond3A_203 = arith.cmpi ne, %convert_element_type3A_201, %cond3A_202 : i32
      scf.if %cond3A_203 {
        %add3A_204 = arith.constant 3 : i32
        %add3A_205 = arith.addi %mul3A_90, %add3A_204 : i32
        %mul3A_206 = arith.constant 64 : i32
        %mul3A_207 = arith.muli %add3A_205, %mul3A_206 : i32
        %mul3A_208 = arith.constant 5 : i32
        %mul3A_209 = arith.muli %mul3A_207, %mul3A_208 : i32
        %add3A_210 = arith.constant 0 : i32
        %add3A_211 = arith.addi %mul3A_209, %add3A_210 : i32
        %mul3A_212 = arith.constant 5 : i32
        %mul3A_213 = arith.muli %mul3A_207, %mul3A_212 : i32
        %add3A_214 = arith.constant 128 : i32
        %add3A_215 = arith.addi %mul3A_213, %add3A_214 : i32
        %mul3A_216 = arith.constant 5 : i32
        %mul3A_217 = arith.muli %mul3A_207, %mul3A_216 : i32
        %add3A_218 = arith.constant 256 : i32
        %add3A_219 = arith.addi %mul3A_217, %add3A_218 : i32
        %dma_start3A_220 = tpu.memref_slice %arg8[%mul3A_207] : memref<512xi32, #tpu.memory_space<vmem>> -> memref<64xi32, #tpu.memory_space<vmem>>
        %dma_start3A_221 = arith.constant 0 : i32
        %dma_start3A_222 = arith.constant 0 : i32
        %dma_start3A_223 = tpu.memref_slice %arg5[%dma_start3A_221, %dma_start3A_222] : memref<1000000x128xf32, #tpu.memory_space<hbm>> -> memref<1000000x128xf32, #tpu.memory_space<hbm>>
        tpu.enqueue_indirect_dma source(%dma_start3A_223 : memref<1000000x128xf32, #tpu.memory_space<hbm>>) target(%arg14 : memref<64x128xf32, #tpu.memory_space<vmem>>) offsets(%dma_start3A_220 : memref<64xi32, #tpu.memory_space<vmem>>) semaphore(%arg22 : memref<!tpu.dma_semaphore, #tpu.memory_space<semaphore_mem>>)
        %dma_start3A_224 = tpu.memref_slice %arg9[%mul3A_207] : memref<512xi32, #tpu.memory_space<vmem>> -> memref<64xi32, #tpu.memory_space<vmem>>
        %dma_start3A_225 = arith.constant 0 : i32
        %dma_start3A_226 = arith.constant 0 : i32
        %dma_start3A_227 = tpu.memref_slice %arg6[%dma_start3A_225, %dma_start3A_226] : memref<1000000x128xf32, #tpu.memory_space<hbm>> -> memref<1000000x128xf32, #tpu.memory_space<hbm>>
        tpu.enqueue_indirect_dma source(%dma_start3A_227 : memref<1000000x128xf32, #tpu.memory_space<hbm>>) target(%arg15 : memref<64x128xf32, #tpu.memory_space<vmem>>) offsets(%dma_start3A_224 : memref<64xi32, #tpu.memory_space<vmem>>) semaphore(%arg22 : memref<!tpu.dma_semaphore, #tpu.memory_space<semaphore_mem>>)
        %dma_start3A_228 = arith.constant 0 : i32
        %dma_start3A_229 = arith.constant 0 : i32
        %dma_start3A_230 = tpu.memref_slice %arg16[%dma_start3A_228, %dma_start3A_229] : memref<320x128xf32, #tpu.memory_space<vmem>> -> memref<128x128xf32, #tpu.memory_space<vmem>>
        %dma_start3A_231 = tpu.memref_slice %arg10[%add3A_211] : memref<2560xi32, #tpu.memory_space<vmem>> -> memref<128xi32, #tpu.memory_space<vmem>>
        %dma_start3A_232 = arith.constant 0 : i32
        %dma_start3A_233 = arith.constant 0 : i32
        %dma_start3A_234 = tpu.memref_slice %arg6[%dma_start3A_232, %dma_start3A_233] : memref<1000000x128xf32, #tpu.memory_space<hbm>> -> memref<1000000x128xf32, #tpu.memory_space<hbm>>
        tpu.enqueue_indirect_dma source(%dma_start3A_234 : memref<1000000x128xf32, #tpu.memory_space<hbm>>) target(%dma_start3A_230 : memref<128x128xf32, #tpu.memory_space<vmem>>) offsets(%dma_start3A_231 : memref<128xi32, #tpu.memory_space<vmem>>) semaphore(%arg22 : memref<!tpu.dma_semaphore, #tpu.memory_space<semaphore_mem>>)
        %dma_start3A_235 = arith.constant 128 : i32
        %dma_start3A_236 = arith.constant 0 : i32
        %dma_start3A_237 = tpu.memref_slice %arg16[%dma_start3A_235, %dma_start3A_236] : memref<320x128xf32, #tpu.memory_space<vmem>> -> memref<128x128xf32, #tpu.memory_space<vmem>>
        %dma_start3A_238 = tpu.memref_slice %arg10[%add3A_215] : memref<2560xi32, #tpu.memory_space<vmem>> -> memref<128xi32, #tpu.memory_space<vmem>>
        %dma_start3A_239 = arith.constant 0 : i32
        %dma_start3A_240 = arith.constant 0 : i32
        %dma_start3A_241 = tpu.memref_slice %arg6[%dma_start3A_239, %dma_start3A_240] : memref<1000000x128xf32, #tpu.memory_space<hbm>> -> memref<1000000x128xf32, #tpu.memory_space<hbm>>
        tpu.enqueue_indirect_dma source(%dma_start3A_241 : memref<1000000x128xf32, #tpu.memory_space<hbm>>) target(%dma_start3A_237 : memref<128x128xf32, #tpu.memory_space<vmem>>) offsets(%dma_start3A_238 : memref<128xi32, #tpu.memory_space<vmem>>) semaphore(%arg22 : memref<!tpu.dma_semaphore, #tpu.memory_space<semaphore_mem>>)
        %dma_start3A_242 = arith.constant 256 : i32
        %dma_start3A_243 = arith.constant 0 : i32
        %dma_start3A_244 = tpu.memref_slice %arg16[%dma_start3A_242, %dma_start3A_243] : memref<320x128xf32, #tpu.memory_space<vmem>> -> memref<64x128xf32, #tpu.memory_space<vmem>>
        %dma_start3A_245 = tpu.memref_slice %arg10[%add3A_219] : memref<2560xi32, #tpu.memory_space<vmem>> -> memref<64xi32, #tpu.memory_space<vmem>>
        %dma_start3A_246 = arith.constant 0 : i32
        %dma_start3A_247 = arith.constant 0 : i32
        %dma_start3A_248 = tpu.memref_slice %arg6[%dma_start3A_246, %dma_start3A_247] : memref<1000000x128xf32, #tpu.memory_space<hbm>> -> memref<1000000x128xf32, #tpu.memory_space<hbm>>
        tpu.enqueue_indirect_dma source(%dma_start3A_248 : memref<1000000x128xf32, #tpu.memory_space<hbm>>) target(%dma_start3A_244 : memref<64x128xf32, #tpu.memory_space<vmem>>) offsets(%dma_start3A_245 : memref<64xi32, #tpu.memory_space<vmem>>) semaphore(%arg22 : memref<!tpu.dma_semaphore, #tpu.memory_space<semaphore_mem>>)
      } else {
      }
      scf.yield %parallel_loop3A_196 : vector<16xf32>
    }
    %scan3A_80 = arith.constant 4 : i32
    %mul3A_81 = arith.constant -6.10351563E-5 : f32
    %mul3A_82 = vector.broadcast %mul3A_81 : f32 to vector<16xf32>
    %mul3A_83 = arith.mulf %scan3A_79, %mul3A_82 : vector<16xf32>
    %swap3A = arith.constant 0 : index
    %swap3A_84 = tpu.vector_load %arg18[%swap3A] {strides = array<i32>} : memref<16xf32, #tpu.memory_space<vmem>>, vector<16xf32>,
    tpu.vector_store %arg18[%swap3A], %mul3A_83 {strides = array<i32>} : memref<16xf32, #tpu.memory_space<vmem>>, vector<16xf32>,
    "tpu.region"() ({
      %run_scoped3A = tpu.sem_alloc : memref<!tpu.dma_semaphore, #tpu.memory_space<semaphore_mem>>
      %dma_start3A_87 = arith.constant 0 : i32
      %dma_start3A_88 = tpu.memref_slice %arg20[%arg1, %dma_start3A_87] : memref<16x16xf32, #tpu.memory_space<vmem_shared>> -> memref<1x16xf32, #tpu.memory_space<vmem_shared>>
      %dma_start3A_89 = tpu.memref_squeeze %dma_start3A_88 : memref<1x16xf32, #tpu.memory_space<vmem_shared>> -> memref<16xf32, #tpu.memory_space<vmem_shared>>
      %dma_start3A_90 = arith.constant 0 : i32
      %dma_start3A_91 = tpu.memref_slice %arg20[%arg1, %dma_start3A_90] : memref<16x16xf32, #tpu.memory_space<vmem_shared>> -> memref<1x16xf32, #tpu.memory_space<vmem_shared>>
      %dma_start3A_92 = tpu.memref_squeeze %dma_start3A_91 : memref<1x16xf32, #tpu.memory_space<vmem_shared>> -> memref<16xf32, #tpu.memory_space<vmem_shared>>
      tpu.enqueue_dma source(%arg18 : memref<16xf32, #tpu.memory_space<vmem>>) target(%dma_start3A_92 : memref<16xf32, #tpu.memory_space<vmem_shared>>) target_semaphore(%run_scoped3A : memref<!tpu.dma_semaphore, #tpu.memory_space<semaphore_mem>>)
      %dma_wait3A = arith.constant 0 : i32
      %dma_wait3A_93 = tpu.memref_slice %arg20[%arg1, %dma_wait3A] : memref<16x16xf32, #tpu.memory_space<vmem_shared>> -> memref<1x16xf32, #tpu.memory_space<vmem_shared>>
      %dma_wait3A_94 = tpu.memref_squeeze %dma_wait3A_93 : memref<1x16xf32, #tpu.memory_space<vmem_shared>> -> memref<16xf32, #tpu.memory_space<vmem_shared>>
      %dma_wait3A_95 = arith.constant 0 : i32
      %dma_wait3A_96 = tpu.memref_slice %arg20[%arg1, %dma_wait3A_95] : memref<16x16xf32, #tpu.memory_space<vmem_shared>> -> memref<1x16xf32, #tpu.memory_space<vmem_shared>>
      %dma_wait3A_97 = tpu.memref_squeeze %dma_wait3A_96 : memref<1x16xf32, #tpu.memory_space<vmem_shared>> -> memref<16xf32, #tpu.memory_space<vmem_shared>>
      tpu.wait_dma2 semaphore(%run_scoped3A : memref<!tpu.dma_semaphore, #tpu.memory_space<semaphore_mem>>) src(%arg18 : memref<16xf32, #tpu.memory_space<vmem>>) dst(%dma_wait3A_97 : memref<16xf32, #tpu.memory_space<vmem_shared>>)
      tpu.yield
    }) : () -> ()
    %barrier3A = arith.constant 0 : index
    tpu.barrier barrier_id(%barrier3A)
    %eq3A = arith.constant 0 : i32
    %eq3A_85 = arith.cmpi eq, %arg1, %eq3A : i32
    %convert_element_type3A = arith.extui %eq3A_85 : i1 to i32
    %cond3A = arith.constant 0 : i32
    %cond3A_86 = arith.cmpi ne, %convert_element_type3A, %cond3A : i32
    scf.if %cond3A_86 {
      "tpu.region"() ({
        %run_scoped3A = tpu.sem_alloc : memref<!tpu.dma_semaphore, #tpu.memory_space<semaphore_mem>>
        tpu.enqueue_dma source(%arg20 : memref<16x16xf32, #tpu.memory_space<vmem_shared>>) target(%arg19 : memref<16x16xf32, #tpu.memory_space<vmem>>) target_semaphore(%run_scoped3A : memref<!tpu.dma_semaphore, #tpu.memory_space<semaphore_mem>>)
        tpu.wait_dma2 semaphore(%run_scoped3A : memref<!tpu.dma_semaphore, #tpu.memory_space<semaphore_mem>>) src(%arg20 : memref<16x16xf32, #tpu.memory_space<vmem_shared>>) dst(%arg19 : memref<16x16xf32, #tpu.memory_space<vmem>>)
        tpu.yield
      }) : () -> ()
      %get3A = arith.constant 0 : i32
      %get3A_87 = arith.index_cast %get3A : i32 to index
      %get3A_88 = arith.constant 0 : index
      %get3A_89 = tpu.vector_load %arg19[%get3A_87, %get3A_88] {strides = array<i32>} : memref<16x16xf32, #tpu.memory_space<vmem>>, vector<16xf32>,
      %get3A_90 = arith.constant 1 : i32
      %get3A_91 = arith.index_cast %get3A_90 : i32 to index
      %get3A_92 = arith.constant 0 : index
      %get3A_93 = tpu.vector_load %arg19[%get3A_91, %get3A_92] {strides = array<i32>} : memref<16x16xf32, #tpu.memory_space<vmem>>, vector<16xf32>,
      %add3A_94 = arith.addf %get3A_89, %get3A_93 : vector<16xf32>
      %get3A_95 = arith.constant 2 : i32
      %get3A_96 = arith.index_cast %get3A_95 : i32 to index
      %get3A_97 = arith.constant 0 : index
      %get3A_98 = tpu.vector_load %arg19[%get3A_96, %get3A_97] {strides = array<i32>} : memref<16x16xf32, #tpu.memory_space<vmem>>, vector<16xf32>,
      %add3A_99 = arith.addf %add3A_94, %get3A_98 : vector<16xf32>
      %get3A_100 = arith.constant 3 : i32
      %get3A_101 = arith.index_cast %get3A_100 : i32 to index
      %get3A_102 = arith.constant 0 : index
      %get3A_103 = tpu.vector_load %arg19[%get3A_101, %get3A_102] {strides = array<i32>} : memref<16x16xf32, #tpu.memory_space<vmem>>, vector<16xf32>,
      %add3A_104 = arith.addf %add3A_99, %get3A_103 : vector<16xf32>
      %get3A_105 = arith.constant 4 : i32
      %get3A_106 = arith.index_cast %get3A_105 : i32 to index
      %get3A_107 = arith.constant 0 : index
      %get3A_108 = tpu.vector_load %arg19[%get3A_106, %get3A_107] {strides = array<i32>} : memref<16x16xf32, #tpu.memory_space<vmem>>, vector<16xf32>,
      %add3A_109 = arith.addf %add3A_104, %get3A_108 : vector<16xf32>
      %get3A_110 = arith.constant 5 : i32
      %get3A_111 = arith.index_cast %get3A_110 : i32 to index
      %get3A_112 = arith.constant 0 : index
      %get3A_113 = tpu.vector_load %arg19[%get3A_111, %get3A_112] {strides = array<i32>} : memref<16x16xf32, #tpu.memory_space<vmem>>, vector<16xf32>,
      %add3A_114 = arith.addf %add3A_109, %get3A_113 : vector<16xf32>
      %get3A_115 = arith.constant 6 : i32
      %get3A_116 = arith.index_cast %get3A_115 : i32 to index
      %get3A_117 = arith.constant 0 : index
      %get3A_118 = tpu.vector_load %arg19[%get3A_116, %get3A_117] {strides = array<i32>} : memref<16x16xf32, #tpu.memory_space<vmem>>, vector<16xf32>,
      %add3A_119 = arith.addf %add3A_114, %get3A_118 : vector<16xf32>
      %get3A_120 = arith.constant 7 : i32
      %get3A_121 = arith.index_cast %get3A_120 : i32 to index
      %get3A_122 = arith.constant 0 : index
      %get3A_123 = tpu.vector_load %arg19[%get3A_121, %get3A_122] {strides = array<i32>} : memref<16x16xf32, #tpu.memory_space<vmem>>, vector<16xf32>,
      %add3A_124 = arith.addf %add3A_119, %get3A_123 : vector<16xf32>
      %get3A_125 = arith.constant 8 : i32
      %get3A_126 = arith.index_cast %get3A_125 : i32 to index
      %get3A_127 = arith.constant 0 : index
      %get3A_128 = tpu.vector_load %arg19[%get3A_126, %get3A_127] {strides = array<i32>} : memref<16x16xf32, #tpu.memory_space<vmem>>, vector<16xf32>,
      %add3A_129 = arith.addf %add3A_124, %get3A_128 : vector<16xf32>
      %get3A_130 = arith.constant 9 : i32
      %get3A_131 = arith.index_cast %get3A_130 : i32 to index
      %get3A_132 = arith.constant 0 : index
      %get3A_133 = tpu.vector_load %arg19[%get3A_131, %get3A_132] {strides = array<i32>} : memref<16x16xf32, #tpu.memory_space<vmem>>, vector<16xf32>,
      %add3A_134 = arith.addf %add3A_129, %get3A_133 : vector<16xf32>
      %get3A_135 = arith.constant 10 : i32
      %get3A_136 = arith.index_cast %get3A_135 : i32 to index
      %get3A_137 = arith.constant 0 : index
      %get3A_138 = tpu.vector_load %arg19[%get3A_136, %get3A_137] {strides = array<i32>} : memref<16x16xf32, #tpu.memory_space<vmem>>, vector<16xf32>,
      %add3A_139 = arith.addf %add3A_134, %get3A_138 : vector<16xf32>
      %get3A_140 = arith.constant 11 : i32
      %get3A_141 = arith.index_cast %get3A_140 : i32 to index
      %get3A_142 = arith.constant 0 : index
      %get3A_143 = tpu.vector_load %arg19[%get3A_141, %get3A_142] {strides = array<i32>} : memref<16x16xf32, #tpu.memory_space<vmem>>, vector<16xf32>,
      %add3A_144 = arith.addf %add3A_139, %get3A_143 : vector<16xf32>
      %get3A_145 = arith.constant 12 : i32
      %get3A_146 = arith.index_cast %get3A_145 : i32 to index
      %get3A_147 = arith.constant 0 : index
      %get3A_148 = tpu.vector_load %arg19[%get3A_146, %get3A_147] {strides = array<i32>} : memref<16x16xf32, #tpu.memory_space<vmem>>, vector<16xf32>,
      %add3A_149 = arith.addf %add3A_144, %get3A_148 : vector<16xf32>
      %get3A_150 = arith.constant 13 : i32
      %get3A_151 = arith.index_cast %get3A_150 : i32 to index
      %get3A_152 = arith.constant 0 : index
      %get3A_153 = tpu.vector_load %arg19[%get3A_151, %get3A_152] {strides = array<i32>} : memref<16x16xf32, #tpu.memory_space<vmem>>, vector<16xf32>,
      %add3A_154 = arith.addf %add3A_149, %get3A_153 : vector<16xf32>
      %get3A_155 = arith.constant 14 : i32
      %get3A_156 = arith.index_cast %get3A_155 : i32 to index
      %get3A_157 = arith.constant 0 : index
      %get3A_158 = tpu.vector_load %arg19[%get3A_156, %get3A_157] {strides = array<i32>} : memref<16x16xf32, #tpu.memory_space<vmem>>, vector<16xf32>,
      %add3A_159 = arith.addf %add3A_154, %get3A_158 : vector<16xf32>
      %get3A_160 = arith.constant 15 : i32
      %get3A_161 = arith.index_cast %get3A_160 : i32 to index
      %get3A_162 = arith.constant 0 : index
      %get3A_163 = tpu.vector_load %arg19[%get3A_161, %get3A_162] {strides = array<i32>} : memref<16x16xf32, #tpu.memory_space<vmem>>, vector<16xf32>,
      %add3A_164 = arith.addf %add3A_159, %get3A_163 : vector<16xf32>
      %swap3A_165 = arith.constant 0 : index
      %swap3A_166 = tpu.vector_load %arg18[%swap3A_165] {strides = array<i32>} : memref<16xf32, #tpu.memory_space<vmem>>, vector<16xf32>,
      tpu.vector_store %arg18[%swap3A_165], %add3A_164 {strides = array<i32>} : memref<16xf32, #tpu.memory_space<vmem>>, vector<16xf32>,
      "tpu.region"() ({
        %run_scoped3A = tpu.sem_alloc : memref<!tpu.dma_semaphore, #tpu.memory_space<semaphore_mem>>
        %dma_start3A_167 = arith.constant 0 : i32
        %dma_start3A_168 = tpu.memref_slice %arg7[%arg0, %dma_start3A_167] : memref<2x16xf32, #tpu.memory_space<hbm>> -> memref<1x16xf32, #tpu.memory_space<hbm>>
        %dma_start3A_169 = tpu.memref_squeeze %dma_start3A_168 : memref<1x16xf32, #tpu.memory_space<hbm>> -> memref<16xf32, #tpu.memory_space<hbm>>
        %dma_start3A_170 = arith.constant 0 : i32
        %dma_start3A_171 = tpu.memref_slice %arg7[%arg0, %dma_start3A_170] : memref<2x16xf32, #tpu.memory_space<hbm>> -> memref<1x16xf32, #tpu.memory_space<hbm>>
        %dma_start3A_172 = tpu.memref_squeeze %dma_start3A_171 : memref<1x16xf32, #tpu.memory_space<hbm>> -> memref<16xf32, #tpu.memory_space<hbm>>
        tpu.enqueue_dma source(%arg18 : memref<16xf32, #tpu.memory_space<vmem>>) target(%dma_start3A_172 : memref<16xf32, #tpu.memory_space<hbm>>) target_semaphore(%run_scoped3A : memref<!tpu.dma_semaphore, #tpu.memory_space<semaphore_mem>>)
        %dma_wait3A = arith.constant 0 : i32
        %dma_wait3A_173 = tpu.memref_slice %arg7[%arg0, %dma_wait3A] : memref<2x16xf32, #tpu.memory_space<hbm>> -> memref<1x16xf32, #tpu.memory_space<hbm>>
        %dma_wait3A_174 = tpu.memref_squeeze %dma_wait3A_173 : memref<1x16xf32, #tpu.memory_space<hbm>> -> memref<16xf32, #tpu.memory_space<hbm>>
        %dma_wait3A_175 = arith.constant 0 : i32
        %dma_wait3A_176 = tpu.memref_slice %arg7[%arg0, %dma_wait3A_175] : memref<2x16xf32, #tpu.memory_space<hbm>> -> memref<1x16xf32, #tpu.memory_space<hbm>>
        %dma_wait3A_177 = tpu.memref_squeeze %dma_wait3A_176 : memref<1x16xf32, #tpu.memory_space<hbm>> -> memref<16xf32, #tpu.memory_space<hbm>>
        tpu.wait_dma2 semaphore(%run_scoped3A : memref<!tpu.dma_semaphore, #tpu.memory_space<semaphore_mem>>) src(%arg18 : memref<16xf32, #tpu.memory_space<vmem>>) dst(%dma_wait3A_177 : memref<16xf32, #tpu.memory_space<hbm>>)
        tpu.yield
      }) : () -> ()
    } else {
    }
    return
  }
}

</mosaic_0001>

<sc_bundles>
// kernel: kernel.3.cloned.1.call-start
scs
__scs_entry_jumppad:
0x0: {  	(pc) =	sbr.rel $0x88, $3  }
0x1: {  	(tag) =	ssettag $0x0;
	lr =	simm.s32 $0x1  }
0x2: {  	[smem:$0x3F9C] =	sst lr;
	_ =	strace $0xD0000000  }
0x3: {  	_ = 	snop  }
0x4: {  	_ = 	snop  }
0x5: {  	_ = 	snop  }
0x6: {  	_ = 	snop  }
0x7: {  	_ = 	snop  }
__scs_overlays_trampoline_lowered:
0x8: {  	[smem:$0x3FAB] =	sst s0  }
0x9: {  	[smem:$0x3FAC] =	sst s1  }
0xa: {  	[smem:$0x3FAD] =	sst s2  }
0xb: {  	[smem:$0x3FAE] =	sst s3  }
0xc: {  	[smem:$0x3FAF] =	sst s4  }
0xd: {  	[smem:$0x3FB0] =	sst s5  }
0xe: {  	[smem:$0x3FB1] =	sst s6  }
0xf: {  	[smem:$0x3FB2] =	sst s7  }
0x10: {  	[smem:$0x3FB3] =	sst s8  }
0x11: {  	[smem:$0x3FB4] =	sst s9;
	s0 =	simm.s32 @!p0 $0x0  }
0x12: {  	s1 =	sld [smem:$0x3F9A];
	s0 =	simm.s32 @p0 $0x1  }
0x13: {  	[smem:$0x3FB5] =	sst s0;
	s0 =	simm.s32 @!p1 $0x0  }
0x14: {  	s2 =	sld [smem:$0x3F99];
	s0 =	simm.s32 @p1 $0x1  }
0x15: {  	[smem:$0x3FB6] =	sst s0;
	s0 =	simm.s32 @!p2 $0x0  }
0x16: {  	s3 =	sld [smem:$0x3FDB];
	s0 =	simm.s32 @p2 $0x1  }
0x17: {  	s4 =	simm.s32 $0x1BF5;
	[smem:$0x3FB8] =	sst s0  }
0x18: {  	s0 =	sld [smem:$0x3F9B];
	_ =	swait.ge [sflag:s4], $0x0  }
0x19: {  	s7 =	sld [smem:$0x3F9C]  }
0x1a: {  	s8 =	sadd.s32 $0xFFFFE003, lr  }
0x1b: {  	s9 =	sadd.s32 $0xFFFFFEF7, lr;
	s5 =	simm.s32 $0xFFFFFFFF;
	p2 =	slt.u32 s8, $0xFFFFF086  }
0x1c: {  	p1 =	slt.u32 s9, $0xF7A;
	s5 =	simm.s32 @!p2 $0x0  }
0x1d: {  	s5 =	simm.s32 @p1 $0x1;
	p0 =	seq.s32 s7, s2  }
0x1e: {  	s7 =	smul.u32 @!p0 $0xF7A, s2;
	p2 =	seq.s32 @!p0 s5, $0x0  }
0x1f: {  	s9 =	smul.u32 $0xF7A, s1;
	s8 =	simm.s32 @!p0 $0x1BF5;
	p2 =	por !p2, p0  }
0x20: {  	[sflag:s8] =	ssyncset.s32 @!p0 $0xFFFFF086;
	s6 =	sadd.s32 @!p0 s3, s7;
	s7 =	simm.s32 @!p0 $0x108  }
0x21: {  	s3 =	sadd.s32 s3, s9;
	s6 =	sadd.s32 @!p0 $0x88, s6;
	s7 =	simm.s32 @p2 $0x1082  }
0x22: {  	[simem:s7], [sflag:s8] =	dma.local @!p0 [hbm:s6], $0xF7A  }
0x23: {  	s9 =	sor.u32 $0xD0000000, s2;
	s6 =	simm.s32 $0x108;
	_ =	swait.ge @!p0 [sflag:s8], $0x0  }
0x24: {  	s3 =	sadd.s32 $0x88, s3;
	s6 =	simm.s32 @!p1 $0x1082;
	[sflag:s4] =	ssyncset.s32 $0xFFFFF086  }
0x25: {  	[simem:s6], [sflag:s4] =	dma.local [hbm:s3], $0xF7A  }
0x26: {  	[smem:$0x3F9C] =	sst s1;
	(tag) =	ssettag s2;
	_ =	strace s9  }
0x27: {  	s1 =	sld [smem:$0x3FAC]  }
0x28: {  	s2 =	sld [smem:$0x3FAD]  }
0x29: {  	s4 =	sld [smem:$0x3FAF]  }
0x2a: {  	p0 =	seq.s32 s5, $0x0;
	s5 =	sld [smem:$0x3FB0]  }
0x2b: {  	s6 =	sld [smem:$0x3FB1]  }
0x2c: {  	s7 =	sld [smem:$0x3FB2]  }
0x2d: {  	s3 =	simm.s32 $0x108;
	s8 =	sld [smem:$0x3FB3]  }
0x2e: {  	s3 =	simm.s32 @!p0 $0x1082;
	s9 =	sld [smem:$0x3FB4]  }
0x2f: {  	lr =	sadd.s32 s0, s3;
	s0 =	sld [smem:$0x3FAB]  }
0x30: {  	s3 =	sld [smem:$0x3FAE]  }
0x31: {  	[smem:$0x3FB7] =	sst s10  }
0x32: {  	s10 =	sld [smem:$0x3FB5];
	_ =	sdelay $0x3  }
0x33: {  	p0 =	seq.s32 s10, $0x1;
	s10 =	sld [smem:$0x3FB7];
	_ =	sdelay $0x3  }
0x34: {  	[smem:$0x3FB7] =	sst s10  }
0x35: {  	s10 =	sld [smem:$0x3FB6];
	_ =	sdelay $0x3  }
0x36: {  	p1 =	seq.s32 s10, $0x1;
	s10 =	sld [smem:$0x3FB7];
	_ =	sdelay $0x3  }
0x37: {  	[smem:$0x3FB7] =	sst s10  }
0x38: {  	s10 =	sld [smem:$0x3FB8]  }
0x39: {  	_ = 	snop;
	(pc) =	sbr.ind lr, $3  }
0x3a: {  	_ = 	snop  }
0x3b: {  	_ = 	snop  }
0x3c: {  	p2 =	seq.s32 s10, $0x1;
	s10 =	sld [smem:$0x3FB7]  }
0x3d: {  	_ =	shalt  }
0x3e: {  	_ =	shalt  }
0x3f: {  	_ =	shalt  }
0x40: {  	_ =	shalt  }
0x41: {  	_ =	shalt  }
0x42: {  	_ =	shalt  }
0x43: {  	_ =	shalt  }
0x44: {  	_ =	shalt  }
0x45: {  	_ =	shalt  }
0x46: {  	_ =	shalt  }
0x47: {  	_ =	shalt  }
0x48: {  	_ =	shalt  }
0x49: {  	_ =	shalt  }
0x4a: {  	_ =	shalt  }
0x4b: {  	_ =	shalt  }
0x4c: {  	_ =	shalt  }
0x4d: {  	_ =	shalt  }
0x4e: {  	_ =	shalt  }
0x4f: {  	_ =	shalt  }
0x50: {  	_ =	shalt  }
0x51: {  	_ =	shalt  }
0x52: {  	_ =	shalt  }
0x53: {  	_ =	shalt  }
0x54: {  	_ =	shalt  }
0x55: {  	_ =	shalt  }
0x56: {  	_ =	shalt  }
0x57: {  	_ =	shalt  }
0x58: {  	_ =	shalt  }
0x59: {  	_ =	shalt  }
0x5a: {  	_ =	shalt  }
0x5b: {  	_ =	shalt  }
0x5c: {  	_ =	shalt  }
0x5d: {  	_ =	shalt  }
0x5e: {  	_ =	shalt  }
0x5f: {  	_ =	shalt  }
0x60: {  	_ =	shalt  }
0x61: {  	_ =	shalt  }
0x62: {  	_ =	shalt  }
0x63: {  	_ =	shalt  }
0x64: {  	_ =	shalt  }
0x65: {  	_ =	shalt  }
0x66: {  	_ =	shalt  }
0x67: {  	_ =	shalt  }
0x68: {  	_ =	shalt  }
0x69: {  	_ =	shalt  }
0x6a: {  	_ =	shalt  }
0x6b: {  	_ =	shalt  }
0x6c: {  	_ =	shalt  }
0x6d: {  	_ =	shalt  }
0x6e: {  	_ =	shalt  }
0x6f: {  	_ =	shalt  }
0x70: {  	_ =	shalt  }
0x71: {  	_ =	shalt  }
0x72: {  	_ =	shalt  }
0x73: {  	_ =	shalt  }
0x74: {  	_ =	shalt  }
0x75: {  	_ =	shalt  }
0x76: {  	_ =	shalt  }
0x77: {  	_ =	shalt  }
0x78: {  	_ =	shalt  }
0x79: {  	_ =	shalt  }
0x7a: {  	_ =	shalt  }
0x7b: {  	_ =	shalt  }
0x7c: {  	_ =	shalt  }
0x7d: {  	_ =	shalt  }
0x7e: {  	_ =	shalt  }
0x7f: {  	_ =	shalt  }
0x80: {  	_ =	shalt  }
0x81: {  	_ =	shalt  }
0x82: {  	_ =	shalt  }
0x83: {  	_ =	shalt  }
0x84: {  	_ =	shalt  }
0x85: {  	_ =	shalt  }
0x86: {  	_ =	shalt  }
0x87: {  	_ =	shalt  }
.Lfunc_end0:
.L_simem_size_0:
called_computation_lowered:
.L_overlay_start_0:
0x88: {  	s2 =	sld [smem:$0x3FD9]  }
0x89: {  	s3 =	sld [smem:$0x3FFE];
	_ =	sdelay $0x1  }
0x8a: {  	s1 =	srdreg.scid  }
0x8b: {  	s0 =	sand.u32 $0x1, s1  }
0x8c: {  	s17 =	sshll.u32 s0, $0xA;
	s2 =	sadd.s32 s3, s2  }
0x8d: {  	s2 =	sadd.s32 s2, s17  }
0x8e: {  	[smem:$0x3FC3] =	sst s2  }
0x8f: {  	_ = 	snop  }
0x90: {  	s2 =	sld [smem:$0x3FC9]  }
0x91: {  	s18 =	sld [smem:$0x3FC8]  }
0x92: {  	s4 =	sld [smem:$0x3FC6]  }
0x93: {  	s5 =	sld [smem:$0x3FC5]  }
0x94: {  	s6 =	sld [smem:$0x3FD0];
	(tm) =	ssettm $0x1  }
0x95: {  	s7 =	sld [smem:$0x3FFB];
	_ =	sdelay $0x3  }
0x96: {  	_ =	strace s7  }
0x97: {  	s7 =	sld [smem:$0x3FFC];
	_ =	sdelay $0x3  }
0x98: {  	_ =	strace s7  }
0x99: {  	s7 =	sld [smem:$0x3FFD];
	_ =	sdelay $0x3  }
0x9a: {  	_ =	strace s7  }
0x9b: {  	_ =	strace $0x8FFFFFFF  }
0x9c: {  	s19 =	sld [smem:$0x3FDB];
	_ =	sdelay $0x1  }
0x9d: {  	s8 =	simm.s32 $_scs_section_size  }
0x9e: {  	s9 =	simm.s32 $_size__tile_overlayer_lowered;
	s10 =	simm.s32 $_tile_overlayer_lowered  }
0x9f: {  	s22 =	simm.s32 $0x1BFF;
	s21 =	sshll.u32 s10, $0x1;
	s7 =	sadd.s32 s8, s19  }
0xa0: {  	s11 =	simm.s32 $0x0;
	s20 =	sshll.u32 s9, $0x1;
	s9 =	sadd.s32 s21, s7  }
0xa1: {  	[timem:s11], [sflag:s22] =	dma.local [hbm:s9], s20  }
0xa2: {  	_ =	swait.ge [sflag:s22], s20  }
0xa3: {  	s8 =	ssub.s32 $0x0, s20;
	[sflag:s22] =	ssyncset.done $0x0  }
0xa4: {  	[sflag:s22] =	ssyncadd.s32 s8;
	_ =	sdelay $0x1  }
0xa5: {  	s23 =	simm.s32 $0x1B8B  }
0xa6: {  	_ =	swait.ge [sflag:s23], $0x1  }
0xa7: {  	[sflag:s23] =	ssyncset.done $0x0  }
0xa8: {  	s25 =	simm.s32 $0x1B8E;
	s24 =	sld [smem:$0x3FFE];
	[sflag:s23] =	ssyncadd.s32 $0xFFFFFFFF  }
0xa9: {  	s26 =	simm.s32 $execute0_lowered;
	[smem:$0x3FD2] =	sst s25  }
0xaa: {  	s9 =	sshll.u32 s26, $0x1;
	_ =	strace $0x80000046;
	[dreg:$0x1] =	wrdreg $0xFFFFFFFF  }
0xab: {  	s28 =	simm.s32 $_size_execute0_lowered;
	s7 =	sadd.s32 s7, s9;
	[dreg:$0x0] =	wrdreg $0x0  }
0xac: {  	s9 =	sshll.u32 s28, $0x1;
	[dreg:$0x2] =	wrdreg s7  }
0xad: {  	[dreg:$0x3] =	wrdreg s9  }
0xae: {  	[dreg:$0x4] =	wrdreg $0xC0  }
0xaf: {  	_ =	task [dreg:s11], $0x5FFFF  }
0xb0: {  	[dreg:$0x1] =	wrdreg $0xFFFFFFFF  }
0xb1: {  	[dreg:$0x0] =	wrdreg $0x60  }
0xb2: {  	[dreg:$0x2] =	wrdreg s2  }
0xb3: {  	[dreg:$0x3] =	wrdreg s18  }
0xb4: {  	[dreg:$0x4] =	wrdreg s24  }
0xb5: {  	[dreg:$0x5] =	wrdreg s4  }
0xb6: {  	[dreg:$0x6] =	wrdreg s5  }
0xb7: {  	[dreg:$0x7] =	wrdreg s6  }
0xb8: {  	[dreg:$0x8] =	wrdreg $0x1E9100  }
0xb9: {  	[dreg:$0x9] =	wrdreg $0x9  }
0xba: {  	_ =	task.clear_ibuf [dreg:s11], $0xAFFFF;
	_ =	strace $0x90000046  }
0xbb: {  	s29 =	simm.s32 $0x9;
	_ =	strace $0x80000048  }
0xbc: {  	_ =	swait.ge [sflag:s29], $0x1  }
0xbd: {  	[sflag:s29] =	ssyncadd.s32 $0xFFFFFFFF  }
0xbe: {  	_ =	strace $0x90000048  }
0xbf: {  	_ =	sfence  }
0xc0: {  	s30 =	sld [smem:$0x0];
	_ =	sdelay $0x2  }
0xc1: {  	s31 =	sshll.u32 s1, $0xD;
	s1 =	sshrl.u32 s1, $0x2  }
0xc2: {  	s3 =	sand.u32 $0x4000, s31;
	s1 =	sadd.s32 s1, s30  }
0xc3: {  	s0 =	sor.u32 s3, s0;
	s1 =	sshll.u32 s1, $0x11  }
0xc4: {  	s0 =	sor.u32 s1, s0  }
0xc5: {  	s0 =	sadd.s32 $0x8F2B, s0  }
0xc6: {  	[sflag:s0] =	ssyncadd.remote.s32 $0x1  }
0xc7: {  	_ =	sfence.sel $0xFFFF  }
0xc8: {  	[dreg:$0x0] =	wrdreg $0xFFFFFFFF;
	(pc) =	sbr.abs _section_cstart, $3  }
0xc9: {  	[dreg:$0x1] =	wrdreg $0xFFFFFFFF  }
0xca: {  	_ =	task.clear_ibuf [dreg:s11], $0x2FFFF;
	_ =	strace $0x9FFFFFFF  }
0xcb: {  	(tm) =	ssettm $0x7FFFFFFF  }
tec
execute0_lowered:
.L_overlay_start_1:
0x0: {  	(tag) =	ssettag $0x1  }
0x1: {  	s0 =	rddreg [dreg:$0x0]  }
0x2: {  	s3 =	rddreg [dreg:$0x1]  }
0x3: {  	s5 =	rddreg [dreg:$0x2]  }
0x4: {  	s1 =	rddreg [dreg:$0x3]  }
0x5: {  	s2 =	rddreg [dreg:$0x4];
	v0 =	vlaneseq.u32  }
0x6: {  	s6 =	rddreg [dreg:$0x5];
	s4 =	simm.s32 $0x0;
	v59 =	vmul.u32 $0x68, v0  }
0x7: {  	[smem:$0x7FF] =	sst s4  }
0x8: {  	s13 =	rddreg [dreg:$0x6];
	_ =	strace $0x80000047;
	v0 =	vor.u32 $0x1, v59;
	[tilespmem:$0x1FE60] =	vst v59  }
0x9: {  	v61 =	vor.u32 $0x2, v59;
	[tilespmem:$0x1FE20] =	vst v0  }
0xa: {  	v62 =	vor.u32 $0x3, v59;
	[tilespmem:$0x1FE30] =	vst v61  }
0xb: {  	v63 =	vor.u32 $0x5, v59;
	[tilespmem:$0x1FE40] =	vst v62  }
0xc: {  	v60 =	vor.u32 $0x4, v59;
	[tilespmem:$0x1FE50] =	vst v63  }
0xd: {  	v4 =	vor.u32 $0x6, v59;
	[tilespmem:$0x1FE70] =	vst v60  }
0xe: {  	v5 =	vor.u32 $0x7, v59;
	[tilespmem:$0x1FE80] =	vst v4  }
0xf: {  	v6 =	vadd.s32 $0x8, v59;
	[tilespmem:$0x1FE90] =	vst v5  }
0x10: {  	v7 =	vadd.s32 $0x9, v59;
	[tilespmem:$0x1FEA0] =	vst v6  }
0x11: {  	v8 =	vadd.s32 $0xA, v59;
	[tilespmem:$0x1FEB0] =	vst v7  }
0x12: {  	v9 =	vadd.s32 $0xB, v59;
	[tilespmem:$0x1FEC0] =	vst v8  }
0x13: {  	v10 =	vadd.s32 $0xC, v59;
	[tilespmem:$0x1FED0] =	vst v9  }
0x14: {  	v11 =	vadd.s32 $0xD, v59;
	[tilespmem:$0x1FEE0] =	vst v10  }
0x15: {  	v12 =	vadd.s32 $0xE, v59;
	[tilespmem:$0x1FEF0] =	vst v11  }
0x16: {  	v13 =	vadd.s32 $0xF, v59;
	[tilespmem:$0x1FF00] =	vst v12  }
0x17: {  	v14 =	vadd.s32 $0x10, v59;
	[tilespmem:$0x1FF10] =	vst v13  }
0x18: {  	v15 =	vadd.s32 $0x11, v59;
	[tilespmem:$0x1FF20] =	vst v14  }
0x19: {  	v18 =	vadd.s32 $0x12, v59;
	[tilespmem:$0x1FF30] =	vst v15  }
0x1a: {  	s7 =	srdreg.scid;
	v16 =	vadd.s32 $0x13, v59;
	[tilespmem:$0x1FF40] =	vst v18  }
0x1b: {  	s12 =	stileid.u32;
	s14 =	simm.s32 $0x40;
	s17 =	simm.s32 $0x80;
	v17 =	vadd.s32 $0x14, v59;
	[tilespmem:$0x1FF50] =	vst v16  }
0x1c: {  	s23 =	simm.s32 $0xEE00;
	s28 =	simm.s32 $0x12E00;
	s30 =	simm.s32 $0x16E00;
	v19 =	vadd.s32 $0x15, v59;
	[tilespmem:$0x1FF60] =	vst v17  }
0x1d: {  	s15 =	simm.s32 $0x1;
	s16 =	simm.s32 $0x1CE00;
	s18 =	simm.s32 $0x2;
	v20 =	vadd.s32 $0x16, v59;
	[tilespmem:$0x1FF70] =	vst v19  }
0x1e: {  	s20 =	simm.s32 $0x0;
	s8 =	sand.u32 $0x1, s7;
	s25 =	sshll.u32 s12, $0x1;
	v21 =	vadd.s32 $0x17, v59;
	[tilespmem:$0x1FF80] =	vst v20  }
0x1f: {  	s29 =	sshll.u32 s12, $0x4;
	p0 =	sne.s32 s12, $0x0;
	s9 =	ssub.s32 $0x2, s8;
	v22 =	vadd.s32 $0x18, v59;
	[tilespmem:$0x1FF90] =	vst v21  }
0x20: {  	s7 =	sor.u32 s8, s25;
	s31 =	sshll.u32 s8, $0x1;
	s8 =	sadd.s32 s29, s13;
	v23 =	vadd.s32 $0x19, v59;
	[tilespmem:$0x1FFA0] =	vst v22  }
.Ltmp0:
0x21: {  	s25 =	simm.s32 $0x10E00;
	s11 =	sshll.u32 s7, $0x6;
	v24 =	vadd.s32 $0x1A, v59;
	[tilespmem:$0x1FFB0] =	vst v23;
	(pc) =	sbr.rel .LBB2_1-.Ltmp0, $4  }
0x22: {  	s10 =	sshrl.u32 s9, $0x1;
	s7 =	smul.u32 $0x140, s7;
	v25 =	vadd.s32 $0x1B, v59;
	s0 =	sadd.s32 s0, s11;
	[tilespmem:$0x1FFC0] =	vst v24  }
0x23: {  	v26 =	vadd.s32 $0x1C, v59;
	s10 =	ssub.s32 s9, s10;
	s26 =	sadd.s32 s3, s11;
	[tilespmem:$0x1FFD0] =	vst v25;
	[dreg:$0x8] =	wrdreg s0  }
0x24: {  	v27 =	vadd.s32 $0x1D, v59;
	s9 =	sadd.s32 s6, s31;
	s11 =	simm.s32 $0x3;
	[tilespmem:$0x1FFE0] =	vst v26;
	[dreg:$0x9] =	wrdreg s26  }
0x25: {  	[tilespmem:$0x1FFF0] =	vst v27;
	s7 =	sadd.s32 s5, s7;
	s10 =	smax.u32 s10, $0x1;
	s0 =	simm.s32 $0x1AE00  }
.LBB2_11:
0x26: {  	_ = 	snop  }
0x27: {  	v0 =	vmul.f32 $-6.103515630e-05, v56;
	_ =	sdelay $0x1  }
0x28: {  	s3 =	simm.s32 $0x1E800;
	[tilespmem:$0x1E800] =	vst v0  }
0x29: {  	[spmem:s8] =	stream.linear.scatter [tilespmem:s3], [sflag:$0x3], $0x10, $0x38;
	[tilespmem:$0x1E920] =	vst v63  }
0x2a: {  	_ =	swait.ge [sflag:s11], $0x10  }
0x2b: {  	[sflag:s11] =	ssyncset.done $0x0  }
0x2c: {  	[sflag:s11] =	ssyncadd.s32 $0xFFFFFFF0  }
0x2d: {  	[bflag:$0x0] =	sbarrier.arrive $0xFFFF  }
0x2e: {  	s3 =	simm.s32 @!p0 $0x1E810;
	s5 =	rddreg [dreg:$0x6]  }
0x2f: {  	[tilespmem:s3], [sflag:$0x3] =	stream.linear.gather @!p0 [spmem:s5], $0x100, $0x38;
	[tilespmem:$0x1E920] =	vst v63  }
0x30: {  	s3 =	simm.s32 @!p0 $0x3  }
0x31: {  	_ =	swait.ge @!p0 [sflag:s3], $0x100  }
0x32: {  	[sflag:s3] =	ssyncset.done @!p0 $0x0  }
0x33: {  	[sflag:s3] =	ssyncadd.s32 @!p0 $0xFFFFFF00  }
0x34: {  	v0 =	vld @!p0 [tilespmem:$0x1E810]  }
0x35: {  	v1 =	vld @!p0 [tilespmem:$0x1E820];
	_ =	sdelay $0x1  }
0x36: {  	v2 =	vld @!p0 [tilespmem:$0x1E830];
	_ =	sdelay $0x1  }
0x37: {  	v3 =	vld @!p0 [tilespmem:$0x1E840]  }
0x38: {  	v0 =	vadd.f32 @!p0 v1, v0  }
0x39: {  	v1 =	vld @!p0 [tilespmem:$0x1E850]  }
0x3a: {  	v0 =	vadd.f32 @!p0 v2, v0  }
0x3b: {  	v2 =	vld @!p0 [tilespmem:$0x1E860]  }
0x3c: {  	v0 =	vadd.f32 @!p0 v3, v0  }
0x3d: {  	v3 =	vld @!p0 [tilespmem:$0x1E870]  }
0x3e: {  	v0 =	vadd.f32 @!p0 v1, v0  }
0x3f: {  	v1 =	vld @!p0 [tilespmem:$0x1E880]  }
0x40: {  	v0 =	vadd.f32 @!p0 v2, v0  }
0x41: {  	v2 =	vld @!p0 [tilespmem:$0x1E890]  }
0x42: {  	v0 =	vadd.f32 @!p0 v3, v0  }
0x43: {  	v3 =	vld @!p0 [tilespmem:$0x1E8A0]  }
0x44: {  	v0 =	vadd.f32 @!p0 v1, v0  }
0x45: {  	v1 =	vld @!p0 [tilespmem:$0x1E8B0]  }
0x46: {  	v0 =	vadd.f32 @!p0 v2, v0  }
0x47: {  	v2 =	vld @!p0 [tilespmem:$0x1E8C0]  }
0x48: {  	v0 =	vadd.f32 @!p0 v3, v0  }
0x49: {  	v3 =	vld @!p0 [tilespmem:$0x1E8D0]  }
0x4a: {  	v0 =	vadd.f32 @!p0 v1, v0  }
0x4b: {  	v1 =	vld @!p0 [tilespmem:$0x1E8E0]  }
0x4c: {  	v0 =	vadd.f32 @!p0 v2, v0  }
0x4d: {  	v2 =	vld @!p0 [tilespmem:$0x1E8F0]  }
0x4e: {  	v0 =	vadd.f32 @!p0 v3, v0  }
0x4f: {  	v3 =	vld @!p0 [tilespmem:$0x1E900]  }
0x50: {  	v0 =	vadd.f32 @!p0 v1, v0;
	_ =	sdelay $0x1  }
0x51: {  	v0 =	vadd.f32 @!p0 v2, v0;
	_ =	sdelay $0x1  }
0x52: {  	s20 =	sadd.s32 $0x1, s20;
	v0 =	vadd.f32 @!p0 v3, v0  }
0x53: {  	p1 =	sne.s32 s20, s10  }
.Ltmp1:
0x54: {  	s6 =	simm.s32 @!p0 $0x1E800;
	s5 =	simm.s32 @!p0 $0x0;
	[tilespmem:$0x1E800] =	vst @!p0 v0;
	(pc) =	sbr.rel @!p1 .LBB2_12-.Ltmp1, $4  }
0x55: {  	[hbm4b:s9+s5] =	stream.linear.scatter @!p0 [tilespmem:s6], [sflag:$0x3], $0x10, $0x38;
	[tilespmem:$0x1E920] =	vst v63  }
0x56: {  	_ =	swait.ge @!p0 [sflag:s3], $0x10  }
0x57: {  	[sflag:s3] =	ssyncset.done @!p0 $0x0  }
0x58: {  	[sflag:s3] =	ssyncadd.s32 @!p0 $0xFFFFFFF0  }
.LBB2_1:
0x59: {  	s3 =	rddreg [dreg:$0x8]  }
0x5a: {  	[tilespmem:s4], [sflag:$0x3] =	stream.linear.gather [hbm4b:s3+s4], $0x200, $0x38;
	[tilespmem:$0x1E920] =	vst v63  }
0x5b: {  	_ =	swait.ge [sflag:s11], $0x200  }
0x5c: {  	[sflag:s11] =	ssyncset.done $0x0  }
0x5d: {  	s5 =	simm.s32 $0x200;
	s26 =	rddreg [dreg:$0x9];
	[sflag:s11] =	ssyncadd.s32 $0xFFFFFE00  }
0x5e: {  	[tilespmem:s5], [sflag:$0x3] =	stream.linear.gather [hbm4b:s26+s4], $0x200, $0x38;
	[tilespmem:$0x1E920] =	vst v63  }
0x5f: {  	_ =	swait.ge [sflag:s11], $0x200  }
0x60: {  	[sflag:s11] =	ssyncset.done $0x0  }
0x61: {  	s29 =	simm.s32 $0x400;
	[sflag:s11] =	ssyncadd.s32 $0xFFFFFE00  }
0x62: {  	[tilespmem:s29], [sflag:$0x3] =	stream.linear.gather [hbm4b:s7+s4], $0xA00, $0x38;
	[tilespmem:$0x1E920] =	vst v63  }
0x63: {  	_ =	swait.ge [sflag:s11], $0xA00  }
0x64: {  	[sflag:s11] =	ssyncset.done $0x0  }
0x65: {  	s6 =	simm.s32 $0xE00;
	[sflag:s11] =	ssyncadd.s32 $0xFFFFF600  }
0x66: {  	[tilespmem:s6], [sflag:$0x1] =	stream.indirect.gather [hbm4b:s1+s14], $0x80, s4, s14, $0xb8;
	[tilespmem:$0x1E920] =	vst v63  }
0x67: {  	s31 =	simm.s32 $0x2E00  }
0x68: {  	[tilespmem:s31], [sflag:$0x1] =	stream.indirect.gather [hbm4b:s2+s14], $0x80, s5, s14, $0xb8;
	[tilespmem:$0x1E920] =	vst v63  }
0x69: {  	s12 =	simm.s32 $0x4E00  }
0x6a: {  	[tilespmem:s12], [sflag:$0x1] =	stream.indirect.gather [hbm4b:s2+s17], $0x80, s29, s17, $0xb8;
	[tilespmem:$0x1E920] =	vst v63  }
0x6b: {  	s13 =	simm.s32 $0x480;
	s19 =	simm.s32 $0x8E00  }
0x6c: {  	[tilespmem:s19], [sflag:$0x1] =	stream.indirect.gather [hbm4b:s2+s17], $0x80, s13, s17, $0xb8;
	[tilespmem:$0x1E920] =	vst v63  }
0x6d: {  	s21 =	simm.s32 $0x500;
	s22 =	simm.s32 $0xCE00  }
0x6e: {  	[tilespmem:s22], [sflag:$0x1] =	stream.indirect.gather [hbm4b:s2+s14], $0x80, s21, s14, $0xb8;
	[tilespmem:$0x1E920] =	vst v63  }
0x6f: {  	_ = 	snop  }
0x70: {  	[tilespmem:s23], [sflag:$0x2] =	stream.indirect.gather [hbm4b:s1+s14], $0x80, s14, s14, $0xb8;
	[tilespmem:$0x1E920] =	vst v63  }
0x71: {  	s24 =	simm.s32 $0x240  }
0x72: {  	[tilespmem:s25], [sflag:$0x2] =	stream.indirect.gather [hbm4b:s2+s14], $0x80, s24, s14, $0xb8;
	[tilespmem:$0x1E920] =	vst v63  }
0x73: {  	s26 =	simm.s32 $0x540  }
0x74: {  	[tilespmem:s28], [sflag:$0x2] =	stream.indirect.gather [hbm4b:s2+s17], $0x80, s26, s17, $0xb8;
	[tilespmem:$0x1E920] =	vst v63  }
0x75: {  	s29 =	simm.s32 $0x5C0  }
0x76: {  	[tilespmem:s30], [sflag:$0x2] =	stream.indirect.gather [hbm4b:s2+s17], $0x80, s29, s17, $0xb8;
	[tilespmem:$0x1E920] =	vst v63  }
0x77: {  	s31 =	simm.s32 $0x640;
	s21 =	simm.s32 $0x0  }
0x78: {  	v0 =	vimm.f32 $0.0e+00;
	[tilespmem:s0], [sflag:$0x2] =	stream.indirect.gather [hbm4b:s2+s14], $0x80, s31, s14, $0xb8;
	[tilespmem:$0x1E920] =	vst v63  }
.LBB2_2:
0x79: {  	_ =	swait.ge [sflag:s15], $0x2000  }
0x7a: {  	[sflag:s15] =	ssyncset.done $0x0  }
0x7b: {  	[sflag:s15] =	ssyncadd.s32 $0xFFFFE000  }
0x7c: {  	_ =	swait.ge [sflag:s15], $0x2000  }
0x7d: {  	[sflag:s15] =	ssyncset.done $0x0  }
0x7e: {  	[sflag:s15] =	ssyncadd.s32 $0xFFFFE000  }
0x7f: {  	_ =	swait.ge [sflag:s15], $0x4000  }
0x80: {  	[sflag:s15] =	ssyncset.done $0x0  }
0x81: {  	[sflag:s15] =	ssyncadd.s32 $0xFFFFC000  }
0x82: {  	_ =	swait.ge [sflag:s15], $0x4000  }
0x83: {  	[sflag:s15] =	ssyncset.done $0x0  }
0x84: {  	[sflag:s15] =	ssyncadd.s32 $0xFFFFC000  }
0x85: {  	_ =	swait.ge [sflag:s15], $0x2000  }
0x86: {  	[sflag:s15] =	ssyncset.done $0x0  }
0x87: {  	s22 =	simm.s32 $0x0;
	s24 =	simm.s32 $0x0;
	[sflag:s15] =	ssyncadd.s32 $0xFFFFE000  }
.LBB2_3:
0x88: {  	s3 =	sshll.u32 s24, $0x7  }
0x89: {  	v7 =	vld [tilespmem:s3+$0xE00]  }
0x8a: {  	v8 =	vld [tilespmem:s3+$0xE10]  }
0x8b: {  	v6 =	vld [tilespmem:s3+$0xE20]  }
0x8c: {  	v4 =	vld [tilespmem:s3+$0xE30]  }
0x8d: {  	v5 =	vld [tilespmem:s3+$0xE40]  }
0x8e: {  	v2 =	vld [tilespmem:s3+$0xE50]  }
0x8f: {  	v3 =	vld [tilespmem:s3+$0xE60]  }
0x90: {  	v1 =	vld [tilespmem:s3+$0xE70]  }
0x91: {  	v9 =	vld [tilespmem:s3+$0x2E00]  }
0x92: {  	v10 =	vld [tilespmem:s3+$0x2E10]  }
0x93: {  	v11 =	vld [tilespmem:s3+$0x2E20]  }
0x94: {  	v12 =	vld [tilespmem:s3+$0x2E30]  }
0x95: {  	v13 =	vld [tilespmem:s3+$0x2E40]  }
0x96: {  	v14 =	vld [tilespmem:s3+$0x2E50]  }
0x97: {  	v15 =	vld [tilespmem:s3+$0x2E60]  }
0x98: {  	v16 =	vld [tilespmem:s3+$0x2E70];
	_ =	sdelay $0x1  }
0x99: {  	v9 =	vmul.f32 v9, v7;
	v10 =	vmul.f32 v10, v8  }
0x9a: {  	v11 =	vmul.f32 v11, v6;
	v12 =	vmul.f32 v12, v4  }
0x9b: {  	v13 =	vmul.f32 v13, v5;
	v14 =	vmul.f32 v14, v2  }
0x9c: {  	v15 =	vmul.f32 v15, v3;
	v16 =	vmul.f32 v16, v1  }
0x9d: {  	v9 =	vadd.f32 v10, v9;
	v44 =	vadd.f32 v12, v11  }
0x9e: {  	v45 =	vadd.f32 v14, v13;
	v46 =	vadd.f32 v16, v15;
	_ =	sdelay $0x1  }
0x9f: {  	v9 =	vadd.f32 v44, v9;
	v47 =	vadd.f32 v46, v45  }
0xa0: {  	s26 =	smul.u32 $0x1A0, s24  }
0xa1: {  	s5 =	smul.u32 $0xA00, s24;
	v9 =	vadd.f32 v47, v9  }
0xa2: {  	s26 =	sshra.s32 s26, $0x2  }
0xa3: {  	s31 =	sshra.s32 s5, $0x2;
	[tilespmem:s26+$0x1CE00] =	vst v9  }
0xa4: {  	v9 =	vld [tilespmem:s31+$0x4E00]  }
0xa5: {  	v48 =	vld [tilespmem:s31+$0x4E10]  }
0xa6: {  	v49 =	vld [tilespmem:s31+$0x4E20]  }
0xa7: {  	v50 =	vld [tilespmem:s31+$0x4E30]  }
0xa8: {  	v51 =	vld [tilespmem:s31+$0x4E40]  }
0xa9: {  	v52 =	vld [tilespmem:s31+$0x4E50]  }
0xaa: {  	v53 =	vld [tilespmem:s31+$0x4E60]  }
0xab: {  	v54 =	vld [tilespmem:s31+$0x4E70];
	_ =	sdelay $0x1  }
0xac: {  	v9 =	vmul.f32 v9, v7;
	v10 =	vmul.f32 v48, v8  }
0xad: {  	v11 =	vmul.f32 v49, v6;
	v12 =	vmul.f32 v50, v4  }
0xae: {  	v13 =	vmul.f32 v51, v5;
	v14 =	vmul.f32 v52, v2  }
0xaf: {  	s29 =	sor.u32 $0x1, s24;
	v15 =	vmul.f32 v53, v3;
	v16 =	vmul.f32 v54, v1  }
0xb0: {  	s6 =	sshll.u32 s29, $0x7;
	v9 =	vadd.f32 v10, v9;
	v55 =	vadd.f32 v12, v11  }
0xb1: {  	v26 =	vld [tilespmem:s6+$0x2E00];
	v56 =	vadd.f32 v14, v13;
	v57 =	vadd.f32 v16, v15  }
0xb2: {  	v27 =	vld [tilespmem:s6+$0x2E10]  }
0xb3: {  	v28 =	vld [tilespmem:s6+$0x2E20];
	v9 =	vadd.f32 v55, v9;
	v58 =	vadd.f32 v57, v56  }
0xb4: {  	v29 =	vld [tilespmem:s6+$0x2E30]  }
0xb5: {  	v30 =	vld [tilespmem:s6+$0x2E40];
	v9 =	vadd.f32 v58, v9  }
0xb6: {  	v61 =	vld [tilespmem:s6+$0x2E50]  }
0xb7: {  	v31 =	vld [tilespmem:s6+$0x2E60];
	[tilespmem:s26+$0x1CE10] =	vst v9  }
0xb8: {  	v17 =	vld [tilespmem:s31+$0x4E80]  }
0xb9: {  	v19 =	vld [tilespmem:s31+$0x4E90]  }
0xba: {  	v20 =	vld [tilespmem:s31+$0x4EA0]  }
0xbb: {  	v21 =	vld [tilespmem:s31+$0x4EB0]  }
0xbc: {  	v22 =	vld [tilespmem:s31+$0x4EC0]  }
0xbd: {  	v23 =	vld [tilespmem:s31+$0x4ED0]  }
0xbe: {  	v24 =	vld [tilespmem:s31+$0x4EE0]  }
0xbf: {  	v25 =	vld [tilespmem:s31+$0x4EF0]  }
0xc0: {  	v32 =	vld [tilespmem:s6+$0x2E70]  }
0xc1: {  	v15 =	vld [tilespmem:s6+$0xE00];
	v17 =	vmul.f32 v17, v7;
	v19 =	vmul.f32 v19, v8  }
0xc2: {  	v16 =	vld [tilespmem:s6+$0xE10];
	v20 =	vmul.f32 v20, v6;
	v21 =	vmul.f32 v21, v4  }
0xc3: {  	v13 =	vld [tilespmem:s6+$0xE20];
	v22 =	vmul.f32 v22, v5;
	v23 =	vmul.f32 v23, v2  }
0xc4: {  	v14 =	vld [tilespmem:s6+$0xE30];
	v24 =	vmul.f32 v24, v3;
	v25 =	vmul.f32 v25, v1  }
0xc5: {  	v11 =	vld [tilespmem:s6+$0xE40];
	v17 =	vadd.f32 v19, v17;
	v60 =	vadd.f32 v21, v20  }
0xc6: {  	v12 =	vld [tilespmem:s6+$0xE50];
	v62 =	vadd.f32 v23, v22;
	v63 =	vadd.f32 v25, v24  }
0xc7: {  	v10 =	vld [tilespmem:s6+$0xE70]  }
0xc8: {  	v9 =	vld [tilespmem:s6+$0xE60];
	v17 =	vadd.f32 v60, v17;
	v33 =	vadd.f32 v63, v62;
	_ =	sdelay $0x1  }
0xc9: {  	v34 =	vmul.f32 v26, v15;
	v35 =	vmul.f32 v27, v16;
	v17 =	vadd.f32 v33, v17  }
0xca: {  	v36 =	vmul.f32 v28, v13;
	v37 =	vmul.f32 v29, v14  }
0xcb: {  	v38 =	vmul.f32 v30, v11;
	v40 =	vmul.f32 v32, v10;
	[tilespmem:s26+$0x1CE20] =	vst v17  }
0xcc: {  	v39 =	vmul.f32 v31, v9;
	v20 =	vmul.f32 v61, v12;
	v41 =	vld [tilespmem:s31+$0x4F00]  }
0xcd: {  	v21 =	vadd.f32 v35, v34;
	v19 =	vadd.f32 v37, v36;
	v42 =	vld [tilespmem:s31+$0x4F10]  }
0xce: {  	v20 =	vadd.f32 v20, v38;
	v17 =	vadd.f32 v40, v39;
	v43 =	vld [tilespmem:s31+$0x4F20]  }
0xcf: {  	v44 =	vld [tilespmem:s31+$0x4F30]  }
0xd0: {  	v19 =	vadd.f32 v19, v21;
	v45 =	vld [tilespmem:s31+$0x4F40];
	v17 =	vadd.f32 v17, v20  }
0xd1: {  	s12 =	smul.u32 $0x1A0, s29;
	v46 =	vld [tilespmem:s31+$0x4F50]  }
0xd2: {  	s3 =	smul.u32 $0xA00, s29;
	s6 =	sor.u32 $0x3, s24;
	v47 =	vld [tilespmem:s31+$0x4F60];
	v17 =	vadd.f32 v17, v19  }
0xd3: {  	s29 =	sshra.s32 s12, $0x2;
	s12 =	sshll.u32 s6, $0x7;
	v48 =	vld [tilespmem:s31+$0x4F70]  }
0xd4: {  	s19 =	sshra.s32 s3, $0x2;
	v30 =	vld [tilespmem:s12+$0xE20];
	[tilespmem:s29+$0x1CE00] =	vst v17  }
0xd5: {  	v24 =	vmul.f32 v41, v7;
	v22 =	vmul.f32 v42, v8;
	v17 =	vld [tilespmem:s19+$0x4E00]  }
0xd6: {  	v23 =	vmul.f32 v43, v6;
	v25 =	vmul.f32 v44, v4;
	v49 =	vld [tilespmem:s19+$0x4E10]  }
0xd7: {  	v20 =	vmul.f32 v45, v5;
	v21 =	vmul.f32 v46, v2;
	v50 =	vld [tilespmem:s19+$0x4E20]  }
0xd8: {  	v19 =	vmul.f32 v47, v3;
	v26 =	vmul.f32 v48, v1;
	v51 =	vld [tilespmem:s19+$0x4E30]  }
0xd9: {  	v52 =	vld [tilespmem:s19+$0x4E40];
	v22 =	vadd.f32 v22, v24;
	v23 =	vadd.f32 v25, v23  }
0xda: {  	v53 =	vld [tilespmem:s19+$0x4E50];
	v20 =	vadd.f32 v21, v20;
	v19 =	vadd.f32 v26, v19  }
0xdb: {  	v54 =	vld [tilespmem:s19+$0x4E60]  }
0xdc: {  	v55 =	vld [tilespmem:s19+$0x4E70];
	v22 =	vadd.f32 v23, v22;
	v19 =	vadd.f32 v19, v20  }
0xdd: {  	v28 =	vld [tilespmem:s12+$0xE40]  }
0xde: {  	v29 =	vld [tilespmem:s12+$0xE50];
	v19 =	vadd.f32 v19, v22;
	v57 =	vmul.f32 v50, v13;
	v58 =	vmul.f32 v51, v14  }
0xdf: {  	v27 =	vld [tilespmem:s12+$0xE70];
	v17 =	vmul.f32 v17, v15;
	v56 =	vmul.f32 v49, v16  }
0xe0: {  	v60 =	vmul.f32 v52, v11;
	v24 =	vmul.f32 v53, v12;
	[tilespmem:s26+$0x1CE30] =	vst v19;
	v32 =	vadd.f32 v58, v57;
	v57 =	vld [tilespmem:s12+$0x2E70]  }
0xe1: {  	v61 =	vmul.f32 v54, v9;
	v62 =	vmul.f32 v55, v10;
	v63 =	vld [tilespmem:s31+$0x4F80]  }
0xe2: {  	v17 =	vadd.f32 v56, v17;
	v33 =	vld [tilespmem:s31+$0x4F90]  }
0xe3: {  	v34 =	vadd.f32 v24, v60;
	v19 =	vadd.f32 v62, v61;
	v35 =	vld [tilespmem:s31+$0x4FA0]  }
0xe4: {  	v36 =	vld [tilespmem:s31+$0x4FB0]  }
0xe5: {  	v37 =	vld [tilespmem:s31+$0x4FC0];
	v17 =	vadd.f32 v32, v17;
	v19 =	vadd.f32 v19, v34  }
0xe6: {  	v38 =	vld [tilespmem:s31+$0x4FD0]  }
0xe7: {  	v39 =	vld [tilespmem:s31+$0x4FE0];
	v17 =	vadd.f32 v19, v17  }
0xe8: {  	v40 =	vld [tilespmem:s31+$0x4FF0]  }
0xe9: {  	[tilespmem:s29+$0x1CE10] =	vst v17;
	v22 =	vmul.f32 v33, v8;
	v33 =	vld [tilespmem:s12+$0xE10]  }
0xea: {  	v17 =	vld [tilespmem:s19+$0x4E80]  }
0xeb: {  	v41 =	vld [tilespmem:s19+$0x4E90]  }
0xec: {  	v42 =	vld [tilespmem:s19+$0x4EA0]  }
0xed: {  	v43 =	vld [tilespmem:s19+$0x4EB0]  }
0xee: {  	v44 =	vld [tilespmem:s19+$0x4EC0]  }
0xef: {  	v25 =	vmul.f32 v63, v7;
	v31 =	vld [tilespmem:s19+$0x4ED0]  }
0xf0: {  	s3 =	sor.u32 $0x2, s24;
	v21 =	vmul.f32 v35, v6;
	v24 =	vmul.f32 v36, v4;
	v32 =	vld [tilespmem:s19+$0x4EE0]  }
0xf1: {  	s13 =	sshll.u32 s3, $0x7;
	v20 =	vmul.f32 v37, v5;
	v23 =	vmul.f32 v38, v2;
	v45 =	vld [tilespmem:s19+$0x4EF0]  }
0xf2: {  	v19 =	vmul.f32 v39, v3;
	v26 =	vmul.f32 v40, v1;
	v22 =	vadd.f32 v22, v25;
	v25 =	vld [tilespmem:s13+$0xE10]  }
0xf3: {  	v21 =	vadd.f32 v24, v21;
	v20 =	vadd.f32 v23, v20;
	v23 =	vld [tilespmem:s13+$0xE30]  }
0xf4: {  	v19 =	vadd.f32 v26, v19;
	v26 =	vld [tilespmem:s12+$0xE60]  }
0xf5: {  	v21 =	vadd.f32 v21, v22;
	v22 =	vld [tilespmem:s13+$0xE20]  }
0xf6: {  	v46 =	vmul.f32 v41, v16;
	v41 =	vld [tilespmem:s13+$0x2E00]  }
0xf7: {  	v47 =	vmul.f32 v42, v13;
	v42 =	vld [tilespmem:s13+$0x2E10]  }
0xf8: {  	v48 =	vmul.f32 v43, v14;
	v43 =	vld [tilespmem:s13+$0x2E20]  }
0xf9: {  	v49 =	vmul.f32 v44, v11;
	v44 =	vld [tilespmem:s13+$0x2E30]  }
0xfa: {  	v19 =	vadd.f32 v19, v20;
	v24 =	vmul.f32 v45, v10;
	v45 =	vld [tilespmem:s13+$0x2E40]  }
0xfb: {  	v51 =	vmul.f32 v32, v9;
	v32 =	vld [tilespmem:s12+$0xE00]  }
0xfc: {  	v50 =	vmul.f32 v31, v12;
	v19 =	vadd.f32 v19, v21;
	v31 =	vld [tilespmem:s12+$0xE30]  }
0xfd: {  	v17 =	vmul.f32 v17, v15;
	v21 =	vadd.f32 v24, v51;
	v24 =	vld [tilespmem:s13+$0xE00]  }
0xfe: {  	[tilespmem:s26+$0x1CE40] =	vst v19;
	v19 =	vld [tilespmem:s13+$0xE70]  }
0xff: {  	v17 =	vadd.f32 v46, v17;
	v46 =	vld [tilespmem:s13+$0x2E50]  }
0x100: {  	v20 =	vadd.f32 v48, v47;
	v47 =	vld [tilespmem:s13+$0x2E60]  }
0x101: {  	v48 =	vld [tilespmem:s13+$0x2E70]  }
0x102: {  	v52 =	vadd.f32 v50, v49;
	v49 =	vld [tilespmem:s12+$0x2E00]  }
0x103: {  	v50 =	vld [tilespmem:s12+$0x2E10]  }
0x104: {  	v51 =	vld [tilespmem:s12+$0x2E20]  }
0x105: {  	v35 =	vld [tilespmem:s31+$0x5000]  }
0x106: {  	v36 =	vld [tilespmem:s31+$0x5010];
	v17 =	vadd.f32 v20, v17;
	v53 =	vadd.f32 v21, v52  }
0x107: {  	v37 =	vld [tilespmem:s31+$0x5020]  }
0x108: {  	v20 =	vld [tilespmem:s13+$0xE40];
	v17 =	vadd.f32 v53, v17  }
0x109: {  	v21 =	vld [tilespmem:s13+$0xE50]  }
0x10a: {  	[tilespmem:s29+$0x1CE20] =	vst v17;
	v17 =	vld [tilespmem:s13+$0xE60]  }
0x10b: {  	v34 =	vld [tilespmem:s31+$0x5030]  }
0x10c: {  	v52 =	vld [tilespmem:s12+$0x2E30];
	v43 =	vmul.f32 v43, v22;
	v44 =	vmul.f32 v44, v23  }
0x10d: {  	v42 =	vmul.f32 v42, v25;
	v53 =	vld [tilespmem:s12+$0x2E40];
	v41 =	vmul.f32 v41, v24  }
0x10e: {  	v48 =	vmul.f32 v48, v19;
	v54 =	vadd.f32 v44, v43;
	v43 =	vld [tilespmem:s12+$0x2E50];
	v45 =	vmul.f32 v45, v20  }
0x10f: {  	v38 =	vld [tilespmem:s19+$0x4F00];
	v46 =	vmul.f32 v46, v21;
	v47 =	vmul.f32 v47, v17  }
0x110: {  	v39 =	vld [tilespmem:s19+$0x4F10];
	v41 =	vadd.f32 v42, v41  }
0x111: {  	v40 =	vld [tilespmem:s19+$0x4F20];
	v55 =	vadd.f32 v46, v45;
	v56 =	vadd.f32 v48, v47  }
0x112: {  	v46 =	vld [tilespmem:s12+$0x2E60]  }
0x113: {  	v44 =	vld [tilespmem:s19+$0x4F40];
	v41 =	vadd.f32 v54, v41;
	v58 =	vadd.f32 v56, v55  }
0x114: {  	v60 =	vmul.f32 v49, v32;
	v61 =	vmul.f32 v50, v33;
	s13 =	smul.u32 $0x1A0, s3;
	v50 =	vld [tilespmem:s19+$0x4F50]  }
0x115: {  	v62 =	vmul.f32 v51, v30;
	v63 =	vmul.f32 v52, v31;
	v18 =	vld [tilespmem:s19+$0x4F60];
	s12 =	smul.u32 $0xA00, s3;
	v41 =	vadd.f32 v58, v41  }
0x116: {  	s3 =	sshra.s32 s13, $0x2;
	v53 =	vmul.f32 v53, v28;
	v54 =	vld [tilespmem:s19+$0x4F70];
	v43 =	vmul.f32 v43, v29  }
0x117: {  	s5 =	sshra.s32 s12, $0x2;
	v48 =	vld [tilespmem:s19+$0x4F30];
	v55 =	vmul.f32 v46, v26;
	v56 =	vmul.f32 v57, v27;
	[tilespmem:s3+$0x1CE00] =	vst v41  }
0x118: {  	v45 =	vadd.f32 v61, v60;
	v42 =	vadd.f32 v63, v62;
	v57 =	vld [tilespmem:s5+$0x4E00]  }
0x119: {  	v43 =	vadd.f32 v43, v53;
	v41 =	vadd.f32 v56, v55;
	v58 =	vld [tilespmem:s5+$0x4E10]  }
0x11a: {  	v46 =	vld [tilespmem:s5+$0x4E20]  }
0x11b: {  	v42 =	vadd.f32 v42, v45;
	v60 =	vld [tilespmem:s5+$0x4E30];
	v41 =	vadd.f32 v41, v43  }
0x11c: {  	s13 =	smul.u32 $0x1A0, s6;
	v38 =	vmul.f32 v38, v15;
	v61 =	vld [tilespmem:s5+$0x4E40]  }
0x11d: {  	s6 =	smul.u32 $0xA00, s6;
	v39 =	vmul.f32 v39, v16;
	v40 =	vmul.f32 v40, v13;
	v45 =	vld [tilespmem:s5+$0x4E50];
	v41 =	vadd.f32 v41, v42  }
0x11e: {  	s12 =	sshra.s32 s13, $0x2;
	v44 =	vmul.f32 v44, v11;
	v62 =	vmul.f32 v48, v14;
	v63 =	vld [tilespmem:s5+$0x4E60]  }
0x11f: {  	s13 =	sshra.s32 s6, $0x2;
	v50 =	vmul.f32 v50, v12;
	v52 =	vmul.f32 v18, v9;
	v18 =	vld [tilespmem:s5+$0x4E70];
	[tilespmem:s12+$0x1CE00] =	vst v41  }
0x120: {  	v54 =	vmul.f32 v54, v10;
	v38 =	vadd.f32 v39, v38;
	v55 =	vadd.f32 v62, v40;
	v40 =	vld [tilespmem:s13+$0x4E00]  }
0x121: {  	v56 =	vadd.f32 v50, v44;
	v57 =	vmul.f32 v57, v24;
	v58 =	vmul.f32 v58, v25;
	v49 =	vld [tilespmem:s13+$0x4E10]  }
0x122: {  	v41 =	vadd.f32 v54, v52;
	v46 =	vmul.f32 v46, v22;
	v60 =	vmul.f32 v60, v23;
	v51 =	vld [tilespmem:s13+$0x4E20]  }
0x123: {  	v38 =	vadd.f32 v55, v38;
	v61 =	vmul.f32 v61, v20;
	v62 =	vmul.f32 v45, v21;
	v45 =	vld [tilespmem:s13+$0x4E30]  }
0x124: {  	v63 =	vmul.f32 v63, v17;
	v18 =	vmul.f32 v18, v19;
	v41 =	vadd.f32 v41, v56;
	v56 =	vld [tilespmem:s13+$0x4E40]  }
0x125: {  	v44 =	vadd.f32 v58, v57;
	v46 =	vadd.f32 v60, v46;
	v57 =	vld [tilespmem:s13+$0x4E50]  }
0x126: {  	v39 =	vadd.f32 v62, v61;
	v42 =	vadd.f32 v18, v63;
	v58 =	vld [tilespmem:s13+$0x4E60]  }
0x127: {  	v60 =	vld [tilespmem:s13+$0x4E70];
	v41 =	vadd.f32 v41, v38  }
0x128: {  	v38 =	vld [tilespmem:s31+$0x5040];
	v44 =	vadd.f32 v46, v44;
	v42 =	vadd.f32 v42, v39  }
0x129: {  	v39 =	vld [tilespmem:s31+$0x5050];
	[tilespmem:s29+$0x1CE30] =	vst v41;
	v40 =	vmul.f32 v40, v32;
	v61 =	vmul.f32 v49, v33  }
0x12a: {  	v42 =	vadd.f32 v42, v44;
	v62 =	vmul.f32 v51, v30;
	v45 =	vmul.f32 v45, v31;
	v46 =	vld [tilespmem:s19+$0x4F80]  }
0x12b: {  	v49 =	vld [tilespmem:s19+$0x4F90];
	v63 =	vmul.f32 v56, v28;
	v47 =	vmul.f32 v57, v29  }
0x12c: {  	v51 =	vld [tilespmem:s19+$0x4FA0];
	v18 =	vmul.f32 v58, v26;
	v52 =	vmul.f32 v60, v27;
	[tilespmem:s3+$0x1CE10] =	vst v42  }
0x12d: {  	v40 =	vadd.f32 v61, v40;
	v54 =	vadd.f32 v45, v62;
	v53 =	vld [tilespmem:s5+$0x4E80]  }
0x12e: {  	v55 =	vld [tilespmem:s5+$0x4E90];
	v62 =	vadd.f32 v47, v63;
	v42 =	vadd.f32 v52, v18  }
0x12f: {  	v63 =	vld [tilespmem:s5+$0x4EA0]  }
0x130: {  	v18 =	vld [tilespmem:s5+$0x4EB0];
	v40 =	vadd.f32 v54, v40;
	v56 =	vadd.f32 v42, v62  }
0x131: {  	v57 =	vld [tilespmem:s5+$0x4EC0]  }
0x132: {  	v58 =	vld [tilespmem:s5+$0x4ED0];
	v40 =	vadd.f32 v56, v40  }
0x133: {  	v60 =	vld [tilespmem:s5+$0x4EE0]  }
0x134: {  	v61 =	vld [tilespmem:s5+$0x4EF0];
	[tilespmem:s12+$0x1CE10] =	vst v40  }
0x135: {  	v40 =	vld [tilespmem:s13+$0x4E80]  }
0x136: {  	v48 =	vmul.f32 v53, v24;
	v44 =	vmul.f32 v55, v25;
	v62 =	vld [tilespmem:s13+$0x4E90]  }
0x137: {  	v43 =	vmul.f32 v63, v22;
	v47 =	vmul.f32 v18, v23;
	v63 =	vld [tilespmem:s13+$0x4EA0]  }
0x138: {  	v42 =	vmul.f32 v57, v20;
	v45 =	vmul.f32 v58, v21;
	v57 =	vld [tilespmem:s13+$0x4EB0]  }
0x139: {  	v41 =	vmul.f32 v60, v17;
	v50 =	vmul.f32 v61, v19;
	v55 =	vld [tilespmem:s13+$0x4EC0]  }
0x13a: {  	v44 =	vadd.f32 v44, v48;
	v43 =	vadd.f32 v47, v43;
	v58 =	vld [tilespmem:s13+$0x4ED0]  }
0x13b: {  	v42 =	vadd.f32 v45, v42;
	v41 =	vadd.f32 v50, v41;
	v18 =	vld [tilespmem:s13+$0x4EE0]  }
0x13c: {  	v60 =	vld [tilespmem:s13+$0x4EF0]  }
0x13d: {  	v52 =	vld [tilespmem:s19+$0x4FD0];
	v43 =	vadd.f32 v43, v44;
	v41 =	vadd.f32 v41, v42  }
0x13e: {  	v54 =	vld [tilespmem:s19+$0x4FE0];
	v40 =	vmul.f32 v40, v32;
	v61 =	vmul.f32 v62, v33  }
0x13f: {  	v56 =	vld [tilespmem:s19+$0x4FF0];
	v41 =	vadd.f32 v41, v43;
	v62 =	vmul.f32 v63, v30;
	v63 =	vmul.f32 v57, v31  }
0x140: {  	v50 =	vld [tilespmem:s19+$0x4FB0];
	v55 =	vmul.f32 v55, v28;
	v47 =	vmul.f32 v58, v29  }
0x141: {  	v42 =	vld [tilespmem:s19+$0x4FC0];
	v18 =	vmul.f32 v18, v26;
	v57 =	vmul.f32 v60, v27;
	[tilespmem:s3+$0x1CE20] =	vst v41  }
0x142: {  	v48 =	vld [tilespmem:s5+$0x4F00];
	v40 =	vadd.f32 v61, v40;
	v43 =	vadd.f32 v63, v62  }
0x143: {  	v44 =	vld [tilespmem:s5+$0x4F10];
	v47 =	vadd.f32 v47, v55;
	v41 =	vadd.f32 v57, v18  }
0x144: {  	v45 =	vld [tilespmem:s5+$0x4F20]  }
0x145: {  	v53 =	vld [tilespmem:s5+$0x4F30];
	v40 =	vadd.f32 v43, v40;
	v41 =	vadd.f32 v41, v47  }
0x146: {  	v52 =	vmul.f32 v52, v12;
	v61 =	vld [tilespmem:s5+$0x4F50]  }
0x147: {  	v54 =	vmul.f32 v54, v9;
	v58 =	vmul.f32 v49, v16;
	v63 =	vld [tilespmem:s5+$0x4F60];
	v40 =	vadd.f32 v41, v40  }
0x148: {  	v60 =	vmul.f32 v51, v13;
	v42 =	vmul.f32 v42, v11;
	v18 =	vld [tilespmem:s5+$0x4F70]  }
0x149: {  	v62 =	vmul.f32 v50, v14;
	v43 =	vmul.f32 v46, v15;
	v46 =	vld [tilespmem:s5+$0x4F40];
	[tilespmem:s12+$0x1CE20] =	vst v40  }
0x14a: {  	v57 =	vmul.f32 v56, v10;
	v42 =	vadd.f32 v52, v42;
	v48 =	vmul.f32 v48, v24;
	v47 =	vld [tilespmem:s13+$0x4F00]  }
0x14b: {  	v43 =	vadd.f32 v58, v43;
	v44 =	vmul.f32 v44, v25;
	v45 =	vmul.f32 v45, v22;
	v49 =	vld [tilespmem:s13+$0x4F10]  }
0x14c: {  	v41 =	vadd.f32 v62, v60;
	v58 =	vmul.f32 v53, v23;
	v61 =	vmul.f32 v61, v21;
	v53 =	vld [tilespmem:s13+$0x4F20]  }
0x14d: {  	v62 =	vmul.f32 v63, v17;
	v63 =	vmul.f32 v18, v19;
	v40 =	vadd.f32 v57, v54;
	v51 =	vld [tilespmem:s13+$0x4F30]  }
0x14e: {  	v41 =	vadd.f32 v41, v43;
	v60 =	vmul.f32 v46, v20;
	v18 =	vld [tilespmem:s13+$0x4F40];
	v44 =	vadd.f32 v44, v48  }
0x14f: {  	v45 =	vadd.f32 v58, v45;
	v56 =	vld [tilespmem:s13+$0x4F50];
	v40 =	vadd.f32 v40, v42  }
0x150: {  	v57 =	vld [tilespmem:s13+$0x4F60];
	v42 =	vadd.f32 v63, v62;
	v43 =	vadd.f32 v61, v60  }
0x151: {  	v58 =	vld [tilespmem:s13+$0x4F70];
	v40 =	vadd.f32 v40, v41  }
0x152: {  	v50 =	vld [tilespmem:s31+$0x5060];
	v44 =	vadd.f32 v45, v44;
	v42 =	vadd.f32 v42, v43  }
0x153: {  	v43 =	vld [tilespmem:s31+$0x5070];
	[tilespmem:s29+$0x1CE40] =	vst v40;
	v60 =	vmul.f32 v47, v32;
	v61 =	vmul.f32 v49, v33  }
0x154: {  	v62 =	vmul.f32 v53, v30;
	v63 =	vmul.f32 v51, v31;
	v47 =	vld [tilespmem:s19+$0x5000];
	v42 =	vadd.f32 v42, v44  }
0x155: {  	v18 =	vmul.f32 v18, v28;
	v48 =	vmul.f32 v56, v29;
	v51 =	vld [tilespmem:s19+$0x5010]  }
0x156: {  	v55 =	vmul.f32 v57, v26;
	v41 =	vmul.f32 v58, v27;
	v53 =	vld [tilespmem:s19+$0x5020];
	[tilespmem:s3+$0x1CE30] =	vst v42  }
0x157: {  	v40 =	vadd.f32 v61, v60;
	v44 =	vadd.f32 v63, v62;
	v56 =	vld [tilespmem:s5+$0x4F80]  }
0x158: {  	v48 =	vadd.f32 v48, v18;
	v41 =	vadd.f32 v41, v55;
	v60 =	vld [tilespmem:s5+$0x4F90]  }
0x159: {  	v61 =	vld [tilespmem:s5+$0x4FA0]  }
0x15a: {  	v57 =	vld [tilespmem:s5+$0x4FB0];
	v40 =	vadd.f32 v44, v40;
	v41 =	vadd.f32 v41, v48  }
0x15b: {  	v58 =	vld [tilespmem:s5+$0x4FC0]  }
0x15c: {  	v62 =	vld [tilespmem:s5+$0x4FD0];
	v40 =	vadd.f32 v41, v40  }
0x15d: {  	v63 =	vld [tilespmem:s5+$0x4FE0]  }
0x15e: {  	v18 =	vld [tilespmem:s5+$0x4FF0];
	[tilespmem:s12+$0x1CE30] =	vst v40  }
0x15f: {  	v40 =	vld [tilespmem:s13+$0x4F80]  }
0x160: {  	v46 =	vmul.f32 v56, v24;
	v45 =	vmul.f32 v60, v25;
	v60 =	vld [tilespmem:s13+$0x4F90]  }
0x161: {  	v42 =	vmul.f32 v61, v22;
	v49 =	vmul.f32 v57, v23;
	v61 =	vld [tilespmem:s13+$0x4FA0]  }
0x162: {  	v44 =	vmul.f32 v58, v20;
	v48 =	vmul.f32 v62, v21;
	v62 =	vld [tilespmem:s13+$0x4FB0]  }
0x163: {  	v41 =	vmul.f32 v63, v17;
	v52 =	vmul.f32 v18, v19;
	v57 =	vld [tilespmem:s13+$0x4FC0]  }
0x164: {  	v63 =	vld [tilespmem:s13+$0x4FE0];
	v45 =	vadd.f32 v45, v46;
	v42 =	vadd.f32 v49, v42  }
0x165: {  	v18 =	vld [tilespmem:s13+$0x4FF0];
	v44 =	vadd.f32 v48, v44;
	v41 =	vadd.f32 v52, v41  }
0x166: {  	v46 =	vld [tilespmem:s13+$0x4FD0]  }
0x167: {  	v54 =	vld [tilespmem:s19+$0x5050];
	v42 =	vadd.f32 v42, v45;
	v41 =	vadd.f32 v41, v44  }
0x168: {  	v56 =	vld [tilespmem:s19+$0x5060];
	v40 =	vmul.f32 v40, v32;
	v60 =	vmul.f32 v60, v33  }
0x169: {  	v58 =	vld [tilespmem:s19+$0x5070];
	v61 =	vmul.f32 v61, v30;
	v62 =	vmul.f32 v62, v31;
	v41 =	vadd.f32 v41, v42  }
0x16a: {  	v52 =	vld [tilespmem:s19+$0x5030];
	v57 =	vmul.f32 v57, v28;
	v63 =	vmul.f32 v63, v26  }
0x16b: {  	v44 =	vld [tilespmem:s19+$0x5040];
	v18 =	vmul.f32 v18, v27;
	v46 =	vmul.f32 v46, v29;
	[tilespmem:s3+$0x1CE40] =	vst v41  }
0x16c: {  	v7 =	vmul.f32 v35, v7;
	v40 =	vadd.f32 v60, v40;
	v42 =	vadd.f32 v62, v61;
	v45 =	vld [tilespmem:s5+$0x5000]  }
0x16d: {  	v8 =	vmul.f32 v36, v8;
	v41 =	vadd.f32 v18, v63;
	v46 =	vadd.f32 v46, v57;
	v48 =	vld [tilespmem:s5+$0x5010]  }
0x16e: {  	v4 =	vmul.f32 v34, v4;
	v5 =	vmul.f32 v38, v5;
	v49 =	vld [tilespmem:s5+$0x5020]  }
0x16f: {  	v2 =	vmul.f32 v39, v2;
	v62 =	vadd.f32 v42, v40;
	v18 =	vld [tilespmem:s5+$0x5030];
	v63 =	vadd.f32 v41, v46  }
0x170: {  	v3 =	vmul.f32 v50, v3;
	v1 =	vmul.f32 v43, v1;
	v34 =	vld [tilespmem:s5+$0x5040]  }
0x171: {  	v6 =	vmul.f32 v37, v6;
	v7 =	vadd.f32 v8, v7;
	v37 =	vld [tilespmem:s5+$0x5050];
	v36 =	vadd.f32 v63, v62  }
0x172: {  	v2 =	vadd.f32 v2, v5;
	v1 =	vadd.f32 v1, v3;
	v55 =	vld [tilespmem:s5+$0x5060]  }
0x173: {  	v4 =	vadd.f32 v4, v6;
	v3 =	vmul.f32 v53, v13;
	v38 =	vmul.f32 v54, v12;
	v57 =	vld [tilespmem:s5+$0x5070];
	[tilespmem:s12+$0x1CE40] =	vst v36  }
0x174: {  	v1 =	vadd.f32 v1, v2;
	v2 =	vmul.f32 v56, v9;
	v60 =	vmul.f32 v47, v15;
	v63 =	vld [tilespmem:s13+$0x5000]  }
0x175: {  	v61 =	vmul.f32 v51, v16;
	v41 =	vmul.f32 v58, v10;
	v39 =	vld [tilespmem:s13+$0x5010]  }
0x176: {  	v4 =	vadd.f32 v4, v7;
	v62 =	vmul.f32 v52, v14;
	v36 =	vmul.f32 v44, v11;
	v42 =	vld [tilespmem:s13+$0x5020]  }
0x177: {  	v5 =	vadd.f32 v61, v60;
	v2 =	vadd.f32 v41, v2;
	v43 =	vld [tilespmem:s13+$0x5030]  }
0x178: {  	v46 =	vmul.f32 v45, v24;
	v3 =	vadd.f32 v62, v3;
	v44 =	vld [tilespmem:s13+$0x5040];
	v7 =	vadd.f32 v38, v36  }
0x179: {  	v47 =	vmul.f32 v48, v25;
	v49 =	vmul.f32 v49, v22;
	v48 =	vld [tilespmem:s13+$0x5050]  }
0x17a: {  	v50 =	vmul.f32 v18, v23;
	v51 =	vld [tilespmem:s13+$0x5060];
	v3 =	vadd.f32 v3, v5;
	v2 =	vadd.f32 v2, v7  }
0x17b: {  	v1 =	vadd.f32 v1, v4;
	v53 =	vmul.f32 v34, v20;
	v54 =	vmul.f32 v37, v21;
	v52 =	vld [tilespmem:s13+$0x5070]  }
0x17c: {  	v2 =	vadd.f32 v2, v3;
	v3 =	vmul.f32 v55, v17;
	v55 =	vmul.f32 v57, v19  }
0x17d: {  	v4 =	vadd.f32 v54, v53;
	v56 =	vmul.f32 v63, v32;
	v57 =	vmul.f32 v39, v33  }
0x17e: {  	v5 =	vadd.f32 v47, v46;
	v10 =	vmul.f32 v42, v30;
	v58 =	vmul.f32 v43, v31  }
0x17f: {  	v7 =	vadd.f32 v50, v49;
	v9 =	vmul.f32 v44, v28;
	v60 =	vmul.f32 v48, v29  }
0x180: {  	v61 =	vmul.f32 v51, v26;
	v62 =	vmul.f32 v52, v27;
	v3 =	vadd.f32 v55, v3  }
0x181: {  	v8 =	vadd.f32 v57, v56;
	v10 =	vadd.f32 v58, v10  }
0x182: {  	v9 =	vadd.f32 v60, v9;
	v6 =	vadd.f32 v62, v61  }
0x183: {  	p2 =	slt.u32 s24, $0x3C;
	v5 =	vadd.f32 v7, v5;
	v3 =	vadd.f32 v3, v4  }
.Ltmp2:
0x184: {  	v63 =	vadd.f32 v10, v8;
	v6 =	vadd.f32 v6, v9;
	(pc) =	sbr.rel @p2 .LBB2_3-.Ltmp2, $4  }
0x185: {  	[tilespmem:s26+$0x1CE50] =	vst v1;
	v1 =	vadd.f32 v3, v5  }
0x186: {  	[tilespmem:s29+$0x1CE50] =	vst v2;
	v2 =	vadd.f32 v6, v63  }
0x187: {  	s31 =	sadd.s32 $0x4, s24;
	[tilespmem:s3+$0x1CE50] =	vst v1  }
0x188: {  	p1 =	por $0x1, $0x1;
	s24 =	smov.u32 s31;
	[tilespmem:s12+$0x1CE50] =	vst v2  }
.LBB2_4:
0x189: {  	v56 =	vld [tilespmem:$0x1FE50]  }
0x18a: {  	v49 =	vld [tilespmem:$0x1FE30]  }
0x18b: {  	v47 =	vld [tilespmem:$0x1FE20]  }
0x18c: {  	v18 =	vld [tilespmem:$0x1FE70]  }
0x18d: {  	v60 =	vld [tilespmem:$0x1FE80]  }
0x18e: {  	v62 =	vld [tilespmem:$0x1FE90]  }
0x18f: {  	v61 =	vld [tilespmem:$0x1FEA0]  }
0x190: {  	v11 =	vld [tilespmem:$0x1FEB0]  }
0x191: {  	v12 =	vld [tilespmem:$0x1FEC0]  }
0x192: {  	v13 =	vld [tilespmem:$0x1FED0]  }
0x193: {  	v14 =	vld [tilespmem:$0x1FEE0]  }
0x194: {  	v15 =	vld [tilespmem:$0x1FEF0]  }
0x195: {  	v16 =	vld [tilespmem:$0x1FF00]  }
0x196: {  	v17 =	vld [tilespmem:$0x1FF10]  }
0x197: {  	v19 =	vld [tilespmem:$0x1FF20]  }
0x198: {  	v20 =	vld [tilespmem:$0x1FF30]  }
0x199: {  	v21 =	vld [tilespmem:$0x1FF40]  }
0x19a: {  	v22 =	vld [tilespmem:$0x1FF50]  }
0x19b: {  	v23 =	vld [tilespmem:$0x1FF60]  }
0x19c: {  	v1 =	vmov s22;
	v24 =	vld [tilespmem:$0x1FF70]  }
0x19d: {  	v25 =	vld [tilespmem:$0x1FF80];
	v1 =	vmul.u32 $0x68, v1  }
0x19e: {  	v26 =	vld [tilespmem:$0x1FF90]  }
0x19f: {  	v27 =	vld [tilespmem:$0x1FFA0];
	v2 =	vbroadcast v1, $0x0  }
0x1a0: {  	v28 =	vld [tilespmem:$0x1FFB0]  }
0x1a1: {  	v29 =	vld [tilespmem:$0x1FFC0];
	v1 =	vadd.s32 v59, v2  }
0x1a2: {  	v51 =	vld [tilespmem:$0x1FFD0];
	v3 =	vadd.s32 v47, v2  }
0x1a3: {  	v53 =	vld [tilespmem:$0x1FFE0];
	v4 =	vadd.s32 v49, v2  }
0x1a4: {  	v63 =	vld [tilespmem:$0x1FFF0];
	v6 =	vadd.s32 v18, v2  }
0x1a5: {  	[tilespmem:$0x1F7F0] =	vst v0;
	v0 =	vld [tilespmem:$0x1FE40];
	v7 =	vadd.s32 v56, v2  }
0x1a6: {  	v8 =	vadd.s32 v60, v2;
	v1 =	vld.idx.msk [tilespmem:v1+s16+$0x0], $0xffff  }
0x1a7: {  	v9 =	vadd.s32 v62, v2;
	v3 =	vld.idx.msk [tilespmem:v3+s16+$0x0], $0xffff  }
0x1a8: {  	v10 =	vadd.s32 v61, v2;
	v4 =	vld.idx.msk [tilespmem:v4+s16+$0x0], $0xffff  }
0x1a9: {  	v11 =	vadd.s32 v11, v2;
	v6 =	vld.idx.msk [tilespmem:v6+s16+$0x0], $0xffff  }
0x1aa: {  	v12 =	vadd.s32 v12, v2;
	v7 =	vld.idx.msk [tilespmem:v7+s16+$0x0], $0xffff  }
0x1ab: {  	v13 =	vadd.s32 v13, v2;
	v8 =	vld.idx.msk [tilespmem:v8+s16+$0x0], $0xffff  }
0x1ac: {  	v14 =	vadd.s32 v14, v2;
	v9 =	vld.idx.msk [tilespmem:v9+s16+$0x0], $0xffff  }
0x1ad: {  	v15 =	vadd.s32 v15, v2;
	v10 =	vld.idx.msk [tilespmem:v10+s16+$0x0], $0xffff  }
0x1ae: {  	v16 =	vadd.s32 v16, v2;
	v11 =	vld.idx.msk [tilespmem:v11+s16+$0x0], $0xffff  }
0x1af: {  	v17 =	vadd.s32 v17, v2;
	v12 =	vld.idx.msk [tilespmem:v12+s16+$0x0], $0xffff  }
0x1b0: {  	v19 =	vadd.s32 v19, v2;
	v13 =	vld.idx.msk [tilespmem:v13+s16+$0x0], $0xffff  }
0x1b1: {  	v20 =	vadd.s32 v20, v2;
	v14 =	vld.idx.msk [tilespmem:v14+s16+$0x0], $0xffff  }
0x1b2: {  	v21 =	vadd.s32 v21, v2;
	v15 =	vld.idx.msk [tilespmem:v15+s16+$0x0], $0xffff  }
0x1b3: {  	v22 =	vadd.s32 v22, v2;
	v16 =	vld.idx.msk [tilespmem:v16+s16+$0x0], $0xffff  }
0x1b4: {  	v23 =	vadd.s32 v23, v2;
	v17 =	vld.idx.msk [tilespmem:v17+s16+$0x0], $0xffff  }
0x1b5: {  	v24 =	vadd.s32 v24, v2;
	v19 =	vld.idx.msk [tilespmem:v19+s16+$0x0], $0xffff  }
0x1b6: {  	v5 =	vadd.s32 v0, v2;
	v20 =	vld.idx.msk [tilespmem:v20+s16+$0x0], $0xffff  }
0x1b7: {  	v26 =	vadd.s32 v26, v2;
	v21 =	vld.idx.msk [tilespmem:v21+s16+$0x0], $0xffff  }
0x1b8: {  	v27 =	vadd.s32 v27, v2;
	v22 =	vld.idx.msk [tilespmem:v22+s16+$0x0], $0xffff  }
0x1b9: {  	v28 =	vadd.s32 v28, v2;
	v23 =	vld.idx.msk [tilespmem:v23+s16+$0x0], $0xffff  }
0x1ba: {  	v29 =	vadd.s32 v29, v2;
	v24 =	vld.idx.msk [tilespmem:v24+s16+$0x0], $0xffff  }
0x1bb: {  	v44 =	vadd.s32 $0x23, v59;
	v54 =	vadd.s32 v63, v2;
	v5 =	vld.idx.msk [tilespmem:v5+s16+$0x0], $0xffff  }
0x1bc: {  	v45 =	vadd.s32 $0x24, v59;
	v32 =	vadd.s32 v44, v2;
	v52 =	vadd.f32 v9, v8;
	v8 =	vld.idx.msk [tilespmem:v26+s16+$0x0], $0xffff  }
0x1bd: {  	v46 =	vadd.s32 $0x25, v59;
	v33 =	vadd.s32 v45, v2;
	v10 =	vadd.f32 v11, v10;
	v11 =	vld.idx.msk [tilespmem:v27+s16+$0x0], $0xffff  }
0x1be: {  	v48 =	vadd.s32 $0x26, v59;
	v34 =	vadd.s32 v46, v2;
	v12 =	vadd.f32 v13, v12;
	v13 =	vld.idx.msk [tilespmem:v28+s16+$0x0], $0xffff  }
0x1bf: {  	v35 =	vadd.s32 v48, v2;
	v14 =	vadd.f32 v15, v14;
	v15 =	vld.idx.msk [tilespmem:v29+s16+$0x0], $0xffff  }
0x1c0: {  	v43 =	vadd.s32 $0x22, v59;
	v25 =	vadd.s32 v25, v2;
	v6 =	vadd.f32 v7, v6;
	v7 =	vld.idx.msk [tilespmem:v54+s16+$0x0], $0xffff  }
0x1c1: {  	v39 =	vadd.s32 $0x1E, v59;
	v31 =	vadd.s32 v43, v2;
	v26 =	vld.idx.msk [tilespmem:v32+s16+$0x0], $0xffff  }
0x1c2: {  	v40 =	vadd.s32 $0x1F, v59;
	v55 =	vadd.s32 v39, v2;
	v27 =	vld.idx.msk [tilespmem:v33+s16+$0x0], $0xffff  }
0x1c3: {  	v42 =	vadd.s32 $0x21, v59;
	v57 =	vadd.s32 v40, v2;
	v16 =	vadd.f32 v17, v16;
	v17 =	vld.idx.msk [tilespmem:v34+s16+$0x0], $0xffff  }
0x1c4: {  	v41 =	vadd.s32 $0x20, v59;
	v50 =	vadd.s32 $0x27, v59;
	v30 =	vadd.s32 v42, v2;
	v32 =	vld.idx.msk [tilespmem:v35+s16+$0x0], $0xffff  }
0x1c5: {  	v58 =	vadd.s32 v41, v2;
	v1 =	vadd.f32 v3, v1;
	v3 =	vadd.f32 v5, v4;
	v4 =	vld.idx.msk [tilespmem:v25+s16+$0x0], $0xffff  }
0x1c6: {  	v9 =	vadd.s32 v53, v2;
	v25 =	vld.idx.msk [tilespmem:v31+s16+$0x0], $0xffff;
	v6 =	vadd.f32 v52, v6;
	v10 =	vadd.f32 v12, v10  }
0x1c7: {  	v28 =	vadd.s32 v50, v2;
	v12 =	vld.idx.msk [tilespmem:v55+s16+$0x0], $0xffff;
	v14 =	vadd.f32 v16, v14;
	v1 =	vadd.f32 v3, v1  }
0x1c8: {  	v53 =	vadd.s32 $0x29, v59;
	v5 =	vadd.s32 v51, v2;
	v51 =	vadd.s32 $0x28, v59;
	v16 =	vld.idx.msk [tilespmem:v57+s16+$0x0], $0xffff  }
0x1c9: {  	v37 =	vadd.s32 v51, v2;
	v10 =	vadd.f32 v14, v10;
	v14 =	vld.idx.msk [tilespmem:v30+s16+$0x0], $0xffff;
	v1 =	vadd.f32 v6, v1  }
0x1ca: {  	v29 =	vadd.s32 v53, v2;
	v6 =	vld.idx.msk [tilespmem:v58+s16+$0x0], $0xffff;
	v58 =	vadd.s32 $0x2B, v59  }
0x1cb: {  	v3 =	vld.idx.msk [tilespmem:v9+s16+$0x0], $0xffff;
	v36 =	vadd.s32 v58, v2;
	v38 =	vadd.f32 v10, v1;
	v1 =	vadd.s32 $0x2C, v59  }
0x1cc: {  	v54 =	vadd.s32 $0x2A, v59;
	v28 =	vld.idx.msk [tilespmem:v28+s16+$0x0], $0xffff;
	v33 =	vadd.s32 v1, v2  }
0x1cd: {  	v31 =	vadd.s32 v54, v2;
	v5 =	vld.idx.msk [tilespmem:v5+s16+$0x0], $0xffff;
	[tilespmem:$0x1F9A0] =	vst v1;
	v1 =	vadd.s32 $0x2D, v59;
	v30 =	vand.u32 $0x7FFFFFFF, v38  }
0x1ce: {  	v34 =	vld.idx.msk [tilespmem:v37+s16+$0x0], $0xffff;
	[tilespmem:$0x1F9D0] =	vst v1;
	v37 =	vadd.s32 v1, v2;
	v1 =	vadd.s32 $0x2E, v59;
	v30 =	vsub.f32 $0.0e+00, v30  }
0x1cf: {  	v19 =	vadd.f32 v20, v19;
	v29 =	vld.idx.msk [tilespmem:v29+s16+$0x0], $0xffff;
	[tilespmem:$0x1FA20] =	vst v1;
	v35 =	vadd.s32 v1, v2;
	v1 =	vadd.s32 $0x2F, v59  }
0x1d0: {  	[tilespmem:$0x1FA50] =	vst v1;
	v52 =	vadd.s32 v1, v2;
	v1 =	vadd.s32 $0x30, v59;
	v20 =	vld.idx.msk [tilespmem:v36+s16+$0x0], $0xffff;
	v30 =	vmul.f32 $1.442695020e+00, v30  }
0x1d1: {  	v21 =	vadd.f32 v22, v21;
	[tilespmem:$0x1FAA0] =	vst v1;
	v55 =	vadd.s32 v1, v2;
	v1 =	vadd.s32 $0x31, v59;
	v22 =	vld.idx.msk [tilespmem:v33+s16+$0x0], $0xffff  }
0x1d2: {  	[tilespmem:$0x1FAD0] =	vst v1;
	v33 =	vadd.s32 v1, v2;
	v1 =	vadd.s32 $0x32, v59;
	(erf) = vpow2.f32 v30;
	v30 =	vld.idx.msk [tilespmem:v31+s16+$0x0], $0xffff  }
0x1d3: {  	v23 =	vadd.f32 v24, v23;
	[tilespmem:$0x1FAE0] =	vst v1;
	v24 =	vld.idx.msk [tilespmem:v37+s16+$0x0], $0xffff;
	v57 =	vadd.s32 v1, v2;
	v1 =	vadd.s32 $0x33, v59  }
0x1d4: {  	[tilespmem:$0x1FAF0] =	vst v1;
	v35 =	vld.idx.msk [tilespmem:v35+s16+$0x0], $0xffff;
	v36 =	vadd.s32 v1, v2;
	v1 =	vadd.s32 $0x34, v59  }
0x1d5: {  	v8 =	vadd.f32 v8, v4;
	[tilespmem:$0x1FB00] =	vst v1;
	v31 =	vld.idx.msk [tilespmem:v52+s16+$0x0], $0xffff;
	v52 =	vadd.s32 v1, v2;
	v1 =	vadd.s32 $0x35, v59  }
0x1d6: {  	v3 =	vadd.f32 v7, v3;
	[tilespmem:$0x1FB10] =	vst v1;
	v4 =	vld.idx.msk [tilespmem:v55+s16+$0x0], $0xffff;
	v55 =	vadd.s32 v1, v2;
	v1 =	vadd.s32 $0x36, v59  }
0x1d7: {  	v5 =	vadd.f32 v5, v15;
	[tilespmem:$0x1FB20] =	vst v1;
	v7 =	vld.idx.msk [tilespmem:v33+s16+$0x0], $0xffff;
	v15 =	vadd.s32 v1, v2;
	v1 =	vadd.s32 $0x37, v59  }
0x1d8: {  	v19 =	vadd.f32 v21, v19;
	[tilespmem:$0x1FB40] =	vst v1;
	v10 =	vld.idx.msk [tilespmem:v57+s16+$0x0], $0xffff;
	v33 =	vadd.s32 v1, v2;
	v1 =	vadd.s32 $0x38, v59  }
0x1d9: {  	v16 =	vadd.f32 v16, v12;
	[tilespmem:$0x1FB80] =	vst v1;
	v12 =	vld.idx.msk [tilespmem:v36+s16+$0x0], $0xffff;
	v57 =	vadd.s32 v1, v2;
	v1 =	vadd.s32 $0x39, v59  }
0x1da: {  	v11 =	vadd.f32 v13, v11;
	[tilespmem:$0x1FBA0] =	vst v1;
	v13 =	vld.idx.msk [tilespmem:v52+s16+$0x0], $0xffff;
	v36 =	vadd.s32 v1, v2;
	v1 =	vadd.s32 $0x3A, v59  }
0x1db: {  	v23 =	vadd.f32 v8, v23;
	[tilespmem:$0x1FBB0] =	vst v1;
	v52 =	vld.idx.msk [tilespmem:v55+s16+$0x0], $0xffff;
	v37 =	vadd.s32 v1, v2;
	v1 =	vadd.s32 $0x3B, v59  }
0x1dc: {  	v3 =	vadd.f32 v16, v3;
	[tilespmem:$0x1FBC0] =	vst v1;
	v8 =	vld.idx.msk [tilespmem:v15+s16+$0x0], $0xffff;
	v15 =	vadd.s32 v1, v2;
	v1 =	vadd.s32 $0x3C, v59  }
0x1dd: {  	v5 =	vadd.f32 v5, v11;
	[tilespmem:$0x1FBD0] =	vst v1;
	v11 =	vld.idx.msk [tilespmem:v33+s16+$0x0], $0xffff;
	v55 =	vadd.s32 v1, v2;
	v1 =	vadd.s32 $0x3D, v59  }
0x1de: {  	v16 =	vadd.f32 v23, v19;
	[tilespmem:$0x1FBE0] =	vst v1;
	v9 =	vld.idx.msk [tilespmem:v57+s16+$0x0], $0xffff;
	v57 =	vadd.s32 v1, v2;
	v1 =	vadd.s32 $0x3E, v59  }
0x1df: {  	v23 =	vadd.f32 v3, v5;
	[tilespmem:$0x1FBF0] =	vst v1;
	v3 =	vld.idx.msk [tilespmem:v36+s16+$0x0], $0xffff;
	v33 =	vadd.s32 v1, v2;
	v1 =	vadd.s32 $0x3F, v59  }
0x1e0: {  	[tilespmem:$0x1FC00] =	vst v1;
	v5 =	vld.idx.msk [tilespmem:v37+s16+$0x0], $0xffff;
	v36 =	vadd.s32 v1, v2;
	v1 =	vadd.s32 $0x40, v59  }
0x1e1: {  	v6 =	vadd.f32 v14, v6;
	[tilespmem:$0x1FC10] =	vst v1;
	v14 =	vld.idx.msk [tilespmem:v15+s16+$0x0], $0xffff;
	v37 =	vadd.s32 v1, v2;
	v1 =	vadd.s32 $0x41, v59  }
0x1e2: {  	[tilespmem:$0x1FC20] =	vst v1;
	v19 =	vld.idx.msk [tilespmem:v55+s16+$0x0], $0xffff;
	v55 =	vadd.s32 v1, v2;
	v1 =	vadd.s32 $0x42, v59  }
0x1e3: {  	v25 =	vadd.f32 v26, v25;
	[tilespmem:$0x1FC30] =	vst v1;
	v21 =	vld.idx.msk [tilespmem:v57+s16+$0x0], $0xffff;
	v57 =	vadd.s32 v1, v2;
	v1 =	vadd.s32 $0x43, v59  }
0x1e4: {  	v20 =	vadd.f32 v20, v30;
	[tilespmem:$0x1FC40] =	vst v1;
	v30 =	vld.idx.msk [tilespmem:v33+s16+$0x0], $0xffff;
	v33 =	vadd.s32 v1, v2;
	v1 =	vadd.s32 $0x44, v59  }
0x1e5: {  	v22 =	vadd.f32 v24, v22;
	[tilespmem:$0x1FC50] =	vst v1;
	v24 =	vld.idx.msk [tilespmem:v36+s16+$0x0], $0xffff;
	v36 =	vadd.s32 v1, v2;
	v1 =	vadd.s32 $0x45, v59  }
0x1e6: {  	v17 =	vadd.f32 v17, v27;
	[tilespmem:$0x1FC60] =	vst v1;
	v15 =	vld.idx.msk [tilespmem:v37+s16+$0x0], $0xffff;
	v37 =	vadd.s32 v1, v2;
	v1 =	vadd.s32 $0x46, v59  }
0x1e7: {  	v25 =	vadd.f32 v25, v6;
	[tilespmem:$0x1FC70] =	vst v1;
	v6 =	vld.idx.msk [tilespmem:v55+s16+$0x0], $0xffff;
	v55 =	vadd.s32 v1, v2;
	v1 =	vadd.s32 $0x47, v59  }
0x1e8: {  	v27 =	vadd.f32 v28, v32;
	[tilespmem:$0x1FC80] =	vst v1;
	v32 =	vadd.s32 v1, v2;
	v1 =	vadd.s32 $0x48, v59  }
0x1e9: {  	v29 =	vadd.f32 v29, v34;
	v57 =	vld.idx.msk [tilespmem:v57+s16+$0x0], $0xffff;
	[tilespmem:$0x1FC90] =	vst v1;
	v34 =	vadd.s32 v1, v2;
	v1 =	vadd.s32 $0x49, v59  }
0x1ea: {  	[tilespmem:$0x1FCA0] =	vst v1  }
0x1eb: {  	v31 =	vadd.f32 v31, v35;
	v33 =	vld.idx.msk [tilespmem:v33+s16+$0x0], $0xffff;
	v35 =	vadd.s32 v1, v2;
	v1 =	vadd.s32 $0x4A, v59;
	[tilespmem:$0x1F850] =	vst v15  }
0x1ec: {  	v26 =	vld.idx.msk [tilespmem:v36+s16+$0x0], $0xffff;
	[tilespmem:$0x1FCB0] =	vst v1;
	v36 =	vadd.s32 v1, v2;
	v1 =	vadd.s32 $0x4B, v59  }
0x1ed: {  	[tilespmem:$0x1FCC0] =	vst v1  }
0x1ee: {  	v28 =	vadd.s32 v1, v2;
	v1 =	vadd.s32 $0x4C, v59;
	[tilespmem:$0x1F870] =	vst v57  }
0x1ef: {  	[tilespmem:$0x1FCD0] =	vst v1  }
0x1f0: {  	v22 =	vadd.f32 v31, v22;
	v31 =	vld.idx.msk [tilespmem:v32+s16+$0x0], $0xffff;
	v32 =	vadd.s32 v1, v2;
	v1 =	vadd.s32 $0x4D, v59;
	[tilespmem:$0x1F880] =	vst v33  }
0x1f1: {  	v16 =	vadd.f32 v23, v16;
	[tilespmem:$0x1FCE0] =	vst v1  }
0x1f2: {  	v33 =	vld.idx.msk [tilespmem:v34+s16+$0x0], $0xffff;
	v34 =	vadd.s32 v1, v2;
	v1 =	vadd.s32 $0x4E, v59;
	[tilespmem:$0x1F890] =	vst v26  }
0x1f3: {  	v57 =	vsub.f32 $0.0e+00, v16;
	[tilespmem:$0x1FCF0] =	vst v1;
	v35 =	vld.idx.msk [tilespmem:v35+s16+$0x0], $0xffff;
	v16 =	vadd.s32 v1, v2;
	v1 =	vadd.s32 $0x4F, v59  }
0x1f4: {  	[tilespmem:$0x1FD00] =	vst v1;
	v15 =	vld.idx.msk [tilespmem:v36+s16+$0x0], $0xffff;
	v36 =	vadd.s32 v1, v2;
	v1 =	vadd.s32 $0x50, v59  }
0x1f5: {  	[tilespmem:$0x1FD20] =	vst v1;
	v26 =	vld.idx.msk [tilespmem:v28+s16+$0x0], $0xffff;
	v28 =	vadd.s32 v1, v2  }
0x1f6: {  	v1 =	vadd.s32 $0x51, v59;
	[tilespmem:$0x1F8C0] =	vst v31  }
0x1f7: {  	v17 =	vadd.f32 v27, v17;
	[tilespmem:$0x1FD10] =	vst v1  }
0x1f8: {  	v20 =	vadd.f32 v20, v29;
	v29 =	vadd.s32 v1, v2;
	v1 =	vadd.s32 $0x52, v59;
	[tilespmem:$0x1F8E0] =	vst v33  }
0x1f9: {  	v17 =	vadd.f32 v17, v25;
	v23 =	vld.idx.msk [tilespmem:v32+s16+$0x0], $0xffff;
	[tilespmem:$0x1FD30] =	vst v1  }
0x1fa: {  	v20 =	vadd.f32 v22, v20;
	v32 =	vadd.s32 v1, v2;
	v1 =	vadd.s32 $0x53, v59;
	[tilespmem:$0x1F8F0] =	vst v35;
	v22 =	vld.idx.msk [tilespmem:v28+s16+$0x0], $0xffff  }
0x1fb: {  	[tilespmem:$0x1FD40] =	vst v1;
	v33 =	vadd.s32 v1, v2;
	v1 =	vadd.s32 $0x54, v59  }
0x1fc: {  	v17 =	vadd.f32 v20, v17;
	[tilespmem:$0x1FD50] =	vst v1  }
0x1fd: {  	v35 =	vld.idx.msk [tilespmem:v34+s16+$0x0], $0xffff;
	v34 =	vadd.s32 v1, v2;
	v1 =	vadd.s32 $0x55, v59;
	[tilespmem:$0x1F910] =	vst v26  }
0x1fe: {  	v25 =	vld.idx.msk [tilespmem:v55+s16+$0x0], $0xffff;
	v55 =	vsub.f32 $0.0e+00, v17;
	[tilespmem:$0x1FD60] =	vst v1  }
0x1ff: {  	v27 =	vand.u32 $0x7FFFFFFF, v57;
	[tilespmem:$0x1F9B0] =	vst v22;
	v22 =	vadd.s32 v1, v2;
	v1 =	vadd.s32 $0x56, v59  }
0x200: {  	v17 =	vsub.f32 $0.0e+00, v27;
	v26 =	vld.idx.msk [tilespmem:v29+s16+$0x0], $0xffff;
	[tilespmem:$0x1FD70] =	vst v1;
	v27 =	vadd.s32 v1, v2;
	v1 =	vadd.s32 $0x57, v59  }
0x201: {  	v31 =	vand.u32 $0x7FFFFFFF, v55;
	v28 =	vld.idx.msk [tilespmem:v32+s16+$0x0], $0xffff;
	[tilespmem:$0x1FD90] =	vst v1;
	v29 =	vadd.s32 v1, v2;
	v1 =	vadd.s32 $0x58, v59  }
0x202: {  	v20 =	vsub.f32 $0.0e+00, v31;
	v31 =	vld.idx.msk [tilespmem:v33+s16+$0x0], $0xffff;
	[tilespmem:$0x1FD80] =	vst v1;
	v32 =	vadd.s32 v1, v2;
	v1 =	vadd.s32 $0x59, v59  }
0x203: {  	v33 =	vld.idx.msk [tilespmem:v34+s16+$0x0], $0xffff;
	v34 =	vadd.s32 v1, v2  }
0x204: {  	[tilespmem:$0x1F8B0] =	vst v25  }
0x205: {  	[tilespmem:$0x1F900] =	vst v15  }
0x206: {  	[tilespmem:$0x1F930] =	vst v23  }
0x207: {  	[tilespmem:$0x1F9C0] =	vst v26  }
0x208: {  	[tilespmem:$0x1F9E0] =	vst v28;
	v34 =	vld.idx.msk [tilespmem:v34+s16+$0x0], $0xffff  }
0x209: {  	s3 =	sor.u32 $0x10, s22;
	[tilespmem:$0x1FDA0] =	vst v1;
	v1 =	vadd.s32 $0x5A, v59  }
0x20a: {  	v25 =	vmov s3;
	v17 =	vmul.f32 $1.442695020e+00, v17;
	[tilespmem:$0x1F9F0] =	vst v31;
	v15 =	vadd.s32 v1, v2;
	v26 =	vld.idx.msk [tilespmem:v29+s16+$0x0], $0xffff  }
0x20b: {  	[tilespmem:$0x1FDB0] =	vst v1;
	v1 =	vadd.s32 $0x5B, v59;
	v23 =	vld.idx.msk [tilespmem:v27+s16+$0x0], $0xffff;
	v27 =	vmul.u32 $0x68, v25  }
0x20c: {  	(erf) = vpow2.f32 v17;
	v20 =	vmul.f32 $1.442695020e+00, v20;
	[tilespmem:$0x1FDC0] =	vst v1  }
0x20d: {  	v17 =	vadd.s32 v1, v2;
	v1 =	vadd.s32 $0x5C, v59;
	[tilespmem:$0x1FA70] =	vst v34;
	v34 =	vbroadcast v27, $0x0  }
0x20e: {  	(erf) = vpow2.f32 v20;
	[tilespmem:$0x1FDD0] =	vst v1  }
0x20f: {  	v28 =	vadd.s32 v1, v2;
	v1 =	vadd.s32 $0x5D, v59;
	v20 =	vld.idx.msk [tilespmem:v15+s16+$0x0], $0xffff;
	[tilespmem:$0x1FA40] =	vst v26;
	v26 =	vadd.s32 v59, v34  }
0x210: {  	[tilespmem:$0x1FDE0] =	vst v1;
	v31 =	vadd.s32 v1, v2;
	v1 =	vadd.s32 $0x5E, v59  }
0x211: {  	v13 =	vadd.f32 v52, v13;
	[tilespmem:$0x1FDF0] =	vst v1;
	v52 =	vadd.s32 v1, v2;
	v1 =	vadd.s32 $0x5F, v59  }
0x212: {  	[tilespmem:$0x1FE00] =	vst v1;
	v2 =	vadd.s32 v1, v2;
	v1 =	vld.idx.msk [tilespmem:v17+s16+$0x0], $0xffff;
	_ =	sdelay $0x1  }
0x213: {  	[tilespmem:$0x1FA80] =	vst v20;
	v49 =	vadd.s32 v49, v34;
	v20 =	vadd.s32 v0, v34;
	v0 =	vld.idx.msk [tilespmem:v26+s16+$0x0], $0xffff;
	_ =	sdelay $0x2  }
0x214: {  	[tilespmem:$0x1FA90] =	vst v1;
	v1 =	vld.idx.msk [tilespmem:v28+s16+$0x0], $0xffff  }
0x215: {  	v28 =	vadd.s32 v47, v34;
	v47 =	vld.idx.msk [tilespmem:v2+s16+$0x0], $0xffff  }
0x216: {  	v2 =	vadd.s32 v18, v34;
	[tilespmem:$0x1FB30] =	vst v0;
	v0 =	vld.idx.msk [tilespmem:v49+s16+$0x0], $0xffff;
	_ =	sdelay $0x4  }
0x217: {  	[tilespmem:$0x1FB50] =	vst v0;
	v0 =	vld.idx.msk [tilespmem:v2+s16+$0x0], $0xffff;
	_ =	sdelay $0x4  }
0x218: {  	v26 =	vadd.s32 v56, v34;
	[tilespmem:$0x1FB60] =	vst v0;
	v0 =	vld [tilespmem:$0x1FEB0];
	_ =	sdelay $0x4  }
0x219: {  	v2 =	vadd.s32 v0, v34;
	v0 =	vld.idx.msk [tilespmem:v26+s16+$0x0], $0xffff;
	_ =	sdelay $0x3  }
0x21a: {  	v56 =	vld.idx.msk [tilespmem:v28+s16+$0x0], $0xffff  }
0x21b: {  	v28 =	vadd.s32 v60, v34;
	[tilespmem:$0x1FB70] =	vst v0;
	v0 =	vld [tilespmem:$0x1FEC0];
	_ =	sdelay $0x4  }
0x21c: {  	v60 =	vadd.s32 v0, v34;
	v0 =	vld.idx.msk [tilespmem:v28+s16+$0x0], $0xffff;
	_ =	sdelay $0x2  }
0x21d: {  	v29 =	vld.idx.msk [tilespmem:v32+s16+$0x0], $0xffff  }
0x21e: {  	v4 =	vadd.f32 v7, v4  }
0x21f: {  	v10 =	vadd.f32 v12, v10;
	v11 =	vadd.f32 v11, v8;
	[tilespmem:$0x1FB90] =	vst v0;
	v0 =	vld [tilespmem:$0x1FED0]  }
0x220: {  	v3 =	vadd.f32 v3, v9;
	v5 =	vadd.f32 v14, v5  }
0x221: {  	v14 =	vadd.f32 v21, v19;
	v27 =	vadd.f32 v24, v30  }
0x222: {  	v4 =	vadd.f32 v10, v4;
	v3 =	vadd.f32 v5, v3;
	[tilespmem:$0x1FA60] =	vst v29  }
0x223: {  	v29 =	vadd.f32 v11, v13;
	v14 =	vadd.f32 v27, v14;
	[tilespmem:$0x1FAB0] =	vst v1;
	v1 =	vld.idx.msk [tilespmem:v31+s16+$0x0], $0xffff  }
0x224: {  	v31 =	vadd.s32 v61, v34;
	v61 =	vadd.s32 v0, v34;
	v0 =	vld [tilespmem:$0x1FEE0]  }
0x225: {  	v4 =	vadd.f32 v29, v4;
	v3 =	vadd.f32 v14, v3;
	_ =	sdelay $0x1  }
0x226: {  	v3 =	vadd.f32 v3, v4;
	_ =	sdelay $0x1  }
0x227: {  	v14 =	vsub.f32 $0.0e+00, v3;
	v3 =	vadd.s32 v0, v34;
	v0 =	vld [tilespmem:$0x1FEF0];
	_ =	sdelay $0x4  }
0x228: {  	v7 =	vadd.s32 v0, v34;
	v0 =	vld [tilespmem:$0x1FF00];
	_ =	sdelay $0x3  }
0x229: {  	v25 =	vpop (erf)  }
0x22a: {  	[tilespmem:$0x1FA30] =	vst v23;
	v23 =	vmul.f32 $1.024382840e-02, v25;
	v8 =	vadd.s32 v0, v34;
	v0 =	vld [tilespmem:$0x1FF10];
	_ =	sdelay $0x1  }
0x22b: {  	v9 =	vadd.f32 $-5.326747890e-02, v23;
	_ =	sdelay $0x1  }
0x22c: {  	v9 =	vmul.f32 v9, v25  }
0x22d: {  	v10 =	vadd.s32 v0, v34;
	v0 =	vld [tilespmem:$0x1FF20]  }
0x22e: {  	v13 =	vadd.f32 $1.319896580e-01, v9  }
0x22f: {  	v32 =	vpop (erf)  }
0x230: {  	v18 =	vpop (erf);
	v13 =	vmul.f32 v13, v25  }
0x231: {  	v16 =	vld.idx.msk [tilespmem:v16+s16+$0x0], $0xffff;
	v27 =	vmul.f32 $1.024382840e-02, v18  }
0x232: {  	[tilespmem:$0x1FA00] =	vst v33;
	v33 =	vadd.f32 $-2.239668970e-01, v13;
	v13 =	vadd.s32 v0, v34;
	v0 =	vld [tilespmem:$0x1FF30]  }
0x233: {  	v30 =	vadd.f32 $-5.326747890e-02, v27  }
0x234: {  	v24 =	vmul.f32 $1.024382840e-02, v32  }
0x235: {  	v59 =	vmul.f32 v30, v18  }
0x236: {  	[tilespmem:$0x1F950] =	vst v16;
	v16 =	vadd.f32 $-5.326747890e-02, v24;
	v24 =	vld.idx.msk [tilespmem:v3+s16+$0x0], $0xffff  }
0x237: {  	v29 =	vadd.s32 v62, v34;
	v62 =	vadd.f32 $1.319896580e-01, v59;
	v3 =	vadd.s32 v0, v34;
	v0 =	vld [tilespmem:$0x1FF40];
	_ =	sdelay $0x1  }
0x238: {  	v23 =	vmul.f32 v62, v18;
	_ =	sdelay $0x1  }
0x239: {  	v12 =	vadd.f32 $-2.239668970e-01, v23;
	v23 =	vld.idx.msk [tilespmem:v61+s16+$0x0], $0xffff  }
0x23a: {  	v61 =	vadd.s32 v0, v34;
	v0 =	vld [tilespmem:$0x1FF50];
	_ =	sdelay $0x1  }
0x23b: {  	v16 =	vmul.f32 v16, v32;
	_ =	sdelay $0x1  }
0x23c: {  	v16 =	vadd.f32 $1.319896580e-01, v16  }
0x23d: {  	v62 =	vadd.s32 v0, v34;
	v0 =	vld [tilespmem:$0x1FF60]  }
0x23e: {  	v15 =	vld.idx.msk [tilespmem:v29+s16+$0x0], $0xffff;
	v16 =	vmul.f32 v16, v32  }
0x23f: {  	v21 =	vmul.f32 v33, v25;
	v49 =	vld.idx.msk [tilespmem:v20+s16+$0x0], $0xffff  }
0x240: {  	v5 =	vadd.f32 $-2.239668970e-01, v16;
	[tilespmem:$0x1FAC0] =	vst v1;
	v1 =	vld [tilespmem:$0x1FF80]  }
0x241: {  	v21 =	vadd.f32 $3.275117280e-01, v21;
	v27 =	vld.idx.msk [tilespmem:v7+s16+$0x0], $0xffff  }
0x242: {  	v11 =	vmul.f32 v5, v32;
	v7 =	vadd.s32 v0, v34;
	v0 =	vld [tilespmem:$0x1FF70]  }
0x243: {  	v9 =	vmul.f32 v21, v25;
	v19 =	vld.idx.msk [tilespmem:v2+s16+$0x0], $0xffff  }
0x244: {  	v29 =	vmul.f32 v12, v18;
	v2 =	vand.u32 $0x7FFFFFFF, v14;
	v21 =	vld.idx.msk [tilespmem:v60+s16+$0x0], $0xffff;
	v60 =	vadd.f32 $3.275117280e-01, v11  }
0x245: {  	v2 =	vsub.f32 $0.0e+00, v2;
	v20 =	vld.idx.msk [tilespmem:v3+s16+$0x0], $0xffff  }
0x246: {  	v29 =	vadd.f32 $3.275117280e-01, v29;
	v5 =	vmul.f32 v60, v32;
	v3 =	vadd.s32 v1, v34;
	v1 =	vld [tilespmem:$0x1FF90]  }
0x247: {  	v22 =	vld.idx.msk [tilespmem:v22+s16+$0x0], $0xffff;
	v2 =	vmul.f32 $1.442695020e+00, v2;
	v0 =	vadd.s32 v0, v34  }
0x248: {  	v59 =	vadd.f32 $-4.993339480e-01, v9;
	v29 =	vmul.f32 v29, v18;
	v28 =	vld.idx.msk [tilespmem:v8+s16+$0x0], $0xffff;
	v8 =	vadd.f32 $-4.993339480e-01, v5  }
0x249: {  	v16 =	vld.idx.msk [tilespmem:v31+s16+$0x0], $0xffff;
	(erf) = vpow2.f32 v2  }
0x24a: {  	v29 =	vadd.f32 $-4.993339480e-01, v29;
	v2 =	vmul.f32 v59, v25;
	v59 =	vmul.f32 v8, v32;
	v8 =	vld [tilespmem:$0x1FFE0]  }
0x24b: {  	v9 =	vadd.s32 v1, v34;
	v1 =	vld [tilespmem:$0x1FFA0]  }
0x24c: {  	v12 =	vmul.f32 v29, v18;
	v29 =	vld.idx.msk [tilespmem:v0+s16+$0x0], $0xffff  }
0x24d: {  	v0 =	vld [tilespmem:$0x1FFC0]  }
0x24e: {  	v2 =	vadd.f32 $9.999702570e-01, v2;
	v11 =	vadd.f32 $9.999702570e-01, v59;
	v59 =	vld.idx.msk [tilespmem:v3+s16+$0x0], $0xffff  }
0x24f: {  	v3 =	vld [tilespmem:$0x1FFD0]  }
0x250: {  	v2 =	vmul.f32 v2, v25;
	v30 =	vld.idx.msk [tilespmem:v10+s16+$0x0], $0xffff  }
0x251: {  	v10 =	vld [tilespmem:$0x1FFB0];
	v1 =	vadd.s32 v1, v34  }
0x252: {  	v2 =	vadd.f32 $2.215976450e-07, v2;
	v17 =	vld.idx.msk [tilespmem:v13+s16+$0x0], $0xffff;
	v0 =	vadd.s32 v0, v34  }
0x253: {  	v38 =	vmin.f32 v38, $0.0e+00;
	[tilespmem:$0x1FA10] =	vst v22;
	v22 =	vld.idx.msk [tilespmem:v61+s16+$0x0], $0xffff  }
0x254: {  	v2 =	vsub.f32 v38, v2;
	v38 =	vadd.s32 v3, v34;
	v3 =	vmul.f32 v11, v32;
	v32 =	vld.idx.msk [tilespmem:v9+s16+$0x0], $0xffff  }
0x255: {  	v9 =	vld [tilespmem:$0x1F7F0]  }
0x256: {  	v61 =	vpop (erf);
	v33 =	vld.idx.msk [tilespmem:v1+s16+$0x0], $0xffff  }
0x257: {  	v13 =	vadd.f32 $9.999702570e-01, v12;
	v11 =	vmin.f32 v57, $0.0e+00;
	v1 =	vmul.f32 $1.024382840e-02, v61;
	v57 =	vld.idx.msk [tilespmem:v0+s16+$0x0], $0xffff  }
0x258: {  	v31 =	vadd.s32 v10, v34;
	v10 =	vadd.f32 $2.215976450e-07, v3;
	v0 =	vld [tilespmem:$0x1F850]  }
0x259: {  	v18 =	vmul.f32 v13, v18;
	v1 =	vadd.f32 $-5.326747890e-02, v1  }
0x25a: {  	v25 =	vld.idx.msk [tilespmem:v62+s16+$0x0], $0xffff;
	v62 =	vadd.s32 v63, v34;
	v60 =	vsub.f32 v11, v10;
	v2 =	vadd.f32 v2, v9  }
0x25b: {  	v37 =	vld.idx.msk [tilespmem:v37+s16+$0x0], $0xffff;
	v5 =	vadd.s32 v42, v34;
	v4 =	vadd.s32 v8, v34;
	v1 =	vmul.f32 v1, v61  }
0x25c: {  	[tilespmem:$0x1F810] =	vst v40;
	v12 =	vadd.s32 v40, v34;
	v40 =	vadd.f32 $2.215976450e-07, v18;
	v8 =	vadd.f32 v60, v2;
	v2 =	vld [tilespmem:$0x1F880]  }
0x25d: {  	v63 =	vadd.f32 v6, v0;
	v0 =	vadd.f32 $1.319896580e-01, v1;
	v1 =	vld [tilespmem:$0x1F870]  }
0x25e: {  	v55 =	vmin.f32 v55, $0.0e+00;
	v36 =	vld.idx.msk [tilespmem:v36+s16+$0x0], $0xffff  }
0x25f: {  	v60 =	vsub.f32 v55, v40;
	v55 =	vld.idx.msk [tilespmem:v62+s16+$0x0], $0xffff  }
0x260: {  	v40 =	vld.idx.msk [tilespmem:v5+s16+$0x0], $0xffff  }
0x261: {  	[tilespmem:$0x1F920] =	vst v48;
	v5 =	vadd.s32 v48, v34;
	v48 =	vld [tilespmem:$0x1F950]  }
0x262: {  	v3 =	vadd.f32 v2, v1;
	v1 =	vld [tilespmem:$0x1F890]  }
0x263: {  	[tilespmem:$0x1F8A0] =	vst v45;
	v62 =	vadd.s32 v43, v34;
	v6 =	vadd.s32 v45, v34;
	v45 =	vld [tilespmem:$0x1F930]  }
0x264: {  	v11 =	vld.idx.msk [tilespmem:v4+s16+$0x0], $0xffff;
	v4 =	vadd.s32 v44, v34  }
0x265: {  	[tilespmem:$0x1F8D0] =	vst v46;
	v18 =	vld.idx.msk [tilespmem:v38+s16+$0x0], $0xffff;
	v0 =	vmul.f32 v0, v61  }
0x266: {  	[tilespmem:$0x1F940] =	vst v50;
	v2 =	vld [tilespmem:$0x1F8C0]  }
0x267: {  	[tilespmem:$0x1F960] =	vst v51;
	v38 =	vadd.s32 v46, v34;
	v0 =	vadd.f32 $-2.239668970e-01, v0;
	v37 =	vadd.f32 v37, v1;
	v1 =	vld [tilespmem:$0x1F8B0]  }
0x268: {  	v46 =	vadd.f32 v35, v45;
	v35 =	vld.idx.msk [tilespmem:v62+s16+$0x0], $0xffff;
	v62 =	vadd.s32 v50, v34;
	v50 =	vadd.f32 v36, v48  }
0x269: {  	v36 =	vld.idx.msk [tilespmem:v4+s16+$0x0], $0xffff;
	v4 =	vadd.s32 v51, v34;
	v51 =	vmul.f32 v0, v61;
	v0 =	vadd.f32 v60, v8;
	_ =	sdelay $0x1  }
0x26a: {  	[tilespmem:$0x1FE10] =	vst v0;
	v0 =	vld [tilespmem:$0x1F9A0]  }
0x26b: {  	v1 =	vadd.f32 v2, v1;
	_ =	sdelay $0x1  }
0x26c: {  	v26 =	vld.idx.msk [tilespmem:v7+s16+$0x0], $0xffff;
	v3 =	vadd.f32 v3, v63;
	v37 =	vadd.f32 v1, v37  }
0x26d: {  	v1 =	vld [tilespmem:$0x1F9C0]  }
0x26e: {  	v7 =	vadd.f32 v37, v3;
	v37 =	vadd.s32 v0, v34;
	v0 =	vld [tilespmem:$0x1F9B0];
	_ =	sdelay $0x1  }
0x26f: {  	[tilespmem:$0x1F830] =	vst v42;
	v42 =	vld [tilespmem:$0x1F8F0]  }
0x270: {  	v2 =	vld [tilespmem:$0x1F8E0];
	_ =	sdelay $0x1  }
0x271: {  	v60 =	vadd.f32 v1, v0;
	v0 =	vld [tilespmem:$0x1F9D0]  }
0x272: {  	[tilespmem:$0x1F860] =	vst v44;
	v44 =	vld [tilespmem:$0x1F910]  }
0x273: {  	[tilespmem:$0x1F840] =	vst v43;
	v43 =	vld [tilespmem:$0x1F900]  }
0x274: {  	v2 =	vadd.f32 v42, v2;
	v42 =	vld.idx.msk [tilespmem:v4+s16+$0x0], $0xffff  }
0x275: {  	v1 =	vld [tilespmem:$0x1F9F0]  }
0x276: {  	v4 =	vadd.s32 v0, v34;
	v0 =	vld [tilespmem:$0x1F9E0];
	_ =	sdelay $0x1  }
0x277: {  	v52 =	vld.idx.msk [tilespmem:v52+s16+$0x0], $0xffff;
	v43 =	vadd.f32 v44, v43  }
0x278: {  	v13 =	vld.idx.msk [tilespmem:v31+s16+$0x0], $0xffff  }
0x279: {  	v31 =	vadd.s32 v39, v34;
	v2 =	vadd.f32 v43, v2;
	v43 =	vld.idx.msk [tilespmem:v62+s16+$0x0], $0xffff  }
0x27a: {  	[tilespmem:$0x1F820] =	vst v41;
	v41 =	vadd.s32 v41, v34;
	v62 =	vadd.f32 v1, v0;
	v0 =	vld [tilespmem:$0x1FA00]  }
0x27b: {  	v1 =	vld [tilespmem:$0x1FA10];
	_ =	sdelay $0x1  }
0x27c: {  	v47 =	vadd.f32 v47, v52;
	v52 =	vld [tilespmem:$0x1FAF0]  }
0x27d: {  	v10 =	vld.idx.msk [tilespmem:v31+s16+$0x0], $0xffff  }
0x27e: {  	v31 =	vld.idx.msk [tilespmem:v41+s16+$0x0], $0xffff  }
0x27f: {  	v63 =	vadd.f32 v1, v0;
	v0 =	vld [tilespmem:$0x1FA20]  }
0x280: {  	v9 =	vld.idx.msk [tilespmem:v12+s16+$0x0], $0xffff  }
0x281: {  	[tilespmem:$0x1F800] =	vst v39;
	v39 =	vld.idx.msk [tilespmem:v38+s16+$0x0], $0xffff  }
0x282: {  	v12 =	vld.idx.msk [tilespmem:v6+s16+$0x0], $0xffff  }
0x283: {  	v1 =	vld [tilespmem:$0x1FA40]  }
0x284: {  	v6 =	vadd.s32 v0, v34;
	v0 =	vld [tilespmem:$0x1FA30]  }
0x285: {  	v41 =	vld.idx.msk [tilespmem:v5+s16+$0x0], $0xffff  }
0x286: {  	v11 =	vadd.f32 v55, v11;
	v55 =	vld [tilespmem:$0x1FC90];
	v48 =	vadd.s32 v54, v34  }
0x287: {  	[tilespmem:$0x1F970] =	vst v53;
	v45 =	vadd.s32 v53, v34;
	v53 =	vld [tilespmem:$0x1FA70];
	v46 =	vadd.f32 v50, v46;
	v50 =	vadd.f32 $3.275117280e-01, v51  }
0x288: {  	[tilespmem:$0x1F980] =	vst v54;
	v54 =	vld [tilespmem:$0x1FA80]  }
0x289: {  	v8 =	vmul.f32 v50, v61;
	v0 =	vadd.f32 v1, v0;
	v1 =	vld [tilespmem:$0x1FA50]  }
0x28a: {  	[tilespmem:$0x1F990] =	vst v58;
	v51 =	vadd.s32 v58, v34;
	v58 =	vld [tilespmem:$0x1FA90]  }
0x28b: {  	v38 =	vld.idx.msk [tilespmem:v48+s16+$0x0], $0xffff;
	v8 =	vadd.f32 $-4.993339480e-01, v8  }
0x28c: {  	v48 =	vld [tilespmem:$0x1FAA0]  }
0x28d: {  	v50 =	vld [tilespmem:$0x1FAB0];
	v8 =	vmul.f32 v8, v61  }
0x28e: {  	v3 =	vadd.f32 v46, v2;
	v2 =	vadd.s32 v1, v34;
	v1 =	vld [tilespmem:$0x1FA60]  }
0x28f: {  	v54 =	vadd.f32 v58, v54;
	v58 =	vld.idx.msk [tilespmem:v51+s16+$0x0], $0xffff;
	v8 =	vadd.f32 $9.999702570e-01, v8  }
0x290: {  	v51 =	vld [tilespmem:$0x1FAC0]  }
0x291: {  	v8 =	vmul.f32 v8, v61;
	v61 =	vld [tilespmem:$0x1FB90]  }
0x292: {  	v44 =	vld.idx.msk [tilespmem:v45+s16+$0x0], $0xffff  }
0x293: {  	v1 =	vadd.f32 v53, v1;
	v53 =	vld [tilespmem:$0x1FAD0]  }
0x294: {  	v45 =	vld [tilespmem:$0x1FB10]  }
0x295: {  	v12 =	vadd.f32 v39, v12;
	v39 =	vld [tilespmem:$0x1FE00];
	v5 =	vadd.s32 v48, v34  }
0x296: {  	v48 =	vld [tilespmem:$0x1FAE0];
	v51 =	vadd.f32 v51, v50;
	v15 =	vadd.f32 v15, v61  }
0x297: {  	v61 =	vld [tilespmem:$0x1FBC0];
	v50 =	vadd.f32 v62, v60;
	v0 =	vadd.f32 v0, v63  }
0x298: {  	v37 =	vld.idx.msk [tilespmem:v37+s16+$0x0], $0xffff;
	v53 =	vadd.s32 v53, v34  }
0x299: {  	v50 =	vadd.f32 v0, v50;
	v0 =	vld [tilespmem:$0x1FB20]  }
0x29a: {  	v3 =	vadd.f32 v3, v7;
	v7 =	vld.idx.msk [tilespmem:v5+s16+$0x0], $0xffff  }
0x29b: {  	v47 =	vadd.f32 v47, v51;
	v5 =	vadd.s32 v45, v34;
	v60 =	vld.idx.msk [tilespmem:v4+s16+$0x0], $0xffff;
	v1 =	vadd.f32 v54, v1  }
0x29c: {  	v4 =	vadd.s32 v48, v34;
	v54 =	vld [tilespmem:$0x1FB00]  }
0x29d: {  	v62 =	vadd.s32 v52, v34;
	v1 =	vadd.f32 v47, v1;
	v47 =	vld.idx.msk [tilespmem:v53+s16+$0x0], $0xffff  }
0x29e: {  	v53 =	vadd.s32 v0, v34;
	v0 =	vld [tilespmem:$0x1FB30]  }
0x29f: {  	v46 =	vld [tilespmem:$0x1FB40]  }
0x2a0: {  	v21 =	vadd.f32 v23, v21;
	v23 =	vld.idx.msk [tilespmem:v5+s16+$0x0], $0xffff  }
0x2a1: {  	v52 =	vld.idx.msk [tilespmem:v4+s16+$0x0], $0xffff  }
0x2a2: {  	v48 =	vld.idx.msk [tilespmem:v62+s16+$0x0], $0xffff  }
0x2a3: {  	v63 =	vadd.s32 v54, v34;
	v54 =	vadd.f32 v56, v0;
	v0 =	vld [tilespmem:$0x1FB50]  }
0x2a4: {  	v62 =	vld [tilespmem:$0x1FBA0]  }
0x2a5: {  	v37 =	vadd.f32 v60, v37;
	v60 =	vld [tilespmem:$0x1FD60]  }
0x2a6: {  	v6 =	vld.idx.msk [tilespmem:v6+s16+$0x0], $0xffff  }
0x2a7: {  	v56 =	vld [tilespmem:$0x1FB70]  }
0x2a8: {  	v49 =	vadd.f32 v49, v0;
	v0 =	vld [tilespmem:$0x1FB60]  }
0x2a9: {  	v2 =	vld.idx.msk [tilespmem:v2+s16+$0x0], $0xffff  }
0x2aa: {  	v24 =	vadd.f32 v27, v24;
	v27 =	vld.idx.msk [tilespmem:v53+s16+$0x0], $0xffff;
	v53 =	vadd.s32 v61, v34  }
0x2ab: {  	v61 =	vld [tilespmem:$0x1FC00]  }
0x2ac: {  	v16 =	vadd.f32 v19, v16;
	v4 =	vadd.s32 v46, v34;
	v19 =	vld.idx.msk [tilespmem:v63+s16+$0x0], $0xffff  }
0x2ad: {  	v45 =	vadd.f32 v56, v0;
	v0 =	vsub.f32 $0.0e+00, v3;
	v3 =	vld [tilespmem:$0x1FB80]  }
0x2ae: {  	v28 =	vadd.f32 v30, v28;
	v46 =	vadd.s32 v62, v34;
	v7 =	vadd.f32 v47, v7;
	v47 =	vld [tilespmem:$0x1FDA0]  }
0x2af: {  	v16 =	vadd.f32 v21, v16;
	v1 =	vadd.f32 v1, v50;
	v21 =	vld.idx.msk [tilespmem:v53+s16+$0x0], $0xffff  }
0x2b0: {  	v50 =	vadd.s32 v61, v34;
	v61 =	vld [tilespmem:$0x1FC50];
	v62 =	vadd.f32 v49, v54;
	v54 =	vadd.f32 v28, v24  }
0x2b1: {  	v49 =	vld.idx.msk [tilespmem:v4+s16+$0x0], $0xffff  }
0x2b2: {  	v16 =	vadd.f32 v54, v16;
	v54 =	vld [tilespmem:$0x1FC40];
	v3 =	vadd.s32 v3, v34  }
0x2b3: {  	v24 =	vld.idx.msk [tilespmem:v46+s16+$0x0], $0xffff  }
0x2b4: {  	v56 =	vld [tilespmem:$0x1FBB0];
	v63 =	vand.u32 $0x7FFFFFFF, v0;
	v15 =	vadd.f32 v15, v45  }
0x2b5: {  	v5 =	vsub.f32 $0.0e+00, v63;
	v63 =	vld [tilespmem:$0x1FBD0]  }
0x2b6: {  	v15 =	vadd.f32 v15, v62;
	v62 =	vld [tilespmem:$0x1FC10]  }
0x2b7: {  	v18 =	vadd.f32 v18, v57;
	v57 =	vadd.s32 v54, v34;
	v45 =	vld.idx.msk [tilespmem:v3+s16+$0x0], $0xffff  }
0x2b8: {  	v5 =	vmul.f32 $1.442695020e+00, v5;
	v3 =	vld [tilespmem:$0x1FBE0]  }
0x2b9: {  	v51 =	vadd.s32 v56, v34;
	v56 =	vld [tilespmem:$0x1FBF0]  }
0x2ba: {  	(erf) = vpow2.f32 v5;
	v5 =	vsub.f32 $0.0e+00, v1;
	v1 =	vld.idx.msk [tilespmem:v50+s16+$0x0], $0xffff;
	v4 =	vadd.s32 v63, v34  }
0x2bb: {  	v63 =	vadd.f32 v25, v22;
	v25 =	vld [tilespmem:$0x1FC20];
	v30 =	vadd.s32 v62, v34  }
0x2bc: {  	v9 =	vadd.f32 v9, v10;
	v10 =	vld.idx.msk [tilespmem:v57+s16+$0x0], $0xffff  }
0x2bd: {  	v57 =	vld [tilespmem:$0x1FCA0];
	v3 =	vadd.s32 v3, v34  }
0x2be: {  	v17 =	vadd.f32 v20, v17;
	v46 =	vld.idx.msk [tilespmem:v51+s16+$0x0], $0xffff  }
0x2bf: {  	v62 =	vadd.s32 v61, v34;
	v22 =	vld.idx.msk [tilespmem:v4+s16+$0x0], $0xffff  }
0x2c0: {  	v63 =	vadd.f32 v63, v17;
	v17 =	vld.idx.msk [tilespmem:v30+s16+$0x0], $0xffff  }
0x2c1: {  	v30 =	vld [tilespmem:$0x1FC60]  }
0x2c2: {  	v28 =	vadd.s32 v56, v34;
	v4 =	vadd.s32 v25, v34;
	v25 =	vadd.f32 v29, v26;
	v29 =	vld.idx.msk [tilespmem:v3+s16+$0x0], $0xffff  }
0x2c3: {  	v3 =	vld [tilespmem:$0x1FC30]  }
0x2c4: {  	v51 =	vadd.f32 v32, v59;
	v32 =	vld.idx.msk [tilespmem:v62+s16+$0x0], $0xffff  }
0x2c5: {  	v62 =	vld [tilespmem:$0x1FCB0]  }
0x2c6: {  	v61 =	vadd.s32 v57, v34;
	v57 =	vld [tilespmem:$0x1FD30]  }
0x2c7: {  	v28 =	vld.idx.msk [tilespmem:v28+s16+$0x0], $0xffff  }
0x2c8: {  	v25 =	vadd.f32 v51, v25;
	v51 =	vld [tilespmem:$0x1FC70];
	v3 =	vadd.s32 v3, v34  }
0x2c9: {  	v24 =	vadd.f32 v24, v45;
	v45 =	vld [tilespmem:$0x1FD90]  }
0x2ca: {  	v13 =	vadd.f32 v13, v33;
	v26 =	vld.idx.msk [tilespmem:v4+s16+$0x0], $0xffff  }
0x2cb: {  	v2 =	vadd.f32 v2, v6;
	v33 =	vld.idx.msk [tilespmem:v61+s16+$0x0], $0xffff  }
0x2cc: {  	v13 =	vadd.f32 v18, v13;
	v50 =	vand.u32 $0x7FFFFFFF, v5;
	v61 =	vld [tilespmem:$0x1FD70]  }
0x2cd: {  	v2 =	vadd.f32 v2, v37;
	v4 =	vsub.f32 $0.0e+00, v50;
	v37 =	vadd.s32 v57, v34;
	v18 =	vld.idx.msk [tilespmem:v3+s16+$0x0], $0xffff  }
0x2ce: {  	v21 =	vadd.f32 v21, v46;
	v46 =	vadd.s32 v45, v34;
	v3 =	vld [tilespmem:$0x1FC80]  }
0x2cf: {  	v57 =	vadd.f32 v49, v27;
	v49 =	vld [tilespmem:$0x1FDB0];
	v56 =	vmul.f32 $1.442695020e+00, v4  }
0x2d0: {  	v19 =	vadd.f32 v23, v19;
	v20 =	vadd.s32 v30, v34;
	v30 =	vadd.s32 v51, v34;
	v51 =	vld [tilespmem:$0x1FCF0]  }
0x2d1: {  	v54 =	vadd.f32 v25, v63;
	v63 =	vadd.s32 v62, v34;
	(erf) = vpow2.f32 v56;
	v56 =	vld [tilespmem:$0x1FD20]  }
0x2d2: {  	v23 =	vld.idx.msk [tilespmem:v37+s16+$0x0], $0xffff  }
0x2d3: {  	v19 =	vadd.f32 v57, v19;
	v57 =	vld.idx.msk [tilespmem:v46+s16+$0x0], $0xffff;
	v53 =	vadd.s32 v3, v34;
	v3 =	vadd.f32 v9, v11  }
0x2d4: {  	v11 =	vadd.s32 v55, v34;
	v55 =	vld [tilespmem:$0x1FD10]  }
0x2d5: {  	v8 =	vadd.f32 $2.215976450e-07, v8;
	v13 =	vadd.f32 v3, v13;
	v3 =	vmin.f32 v14, $0.0e+00;
	v14 =	vld.idx.msk [tilespmem:v20+s16+$0x0], $0xffff  }
0x2d6: {  	v20 =	vld.idx.msk [tilespmem:v63+s16+$0x0], $0xffff  }
0x2d7: {  	v4 =	vsub.f32 v3, v8;
	v8 =	vld.idx.msk [tilespmem:v30+s16+$0x0], $0xffff  }
0x2d8: {  	v3 =	vld [tilespmem:$0x1FCC0]  }
0x2d9: {  	v30 =	vld [tilespmem:$0x1FCD0]  }
0x2da: {  	v9 =	vadd.f32 v13, v54;
	v54 =	vld [tilespmem:$0x1FD00]  }
0x2db: {  	v13 =	vld.idx.msk [tilespmem:v53+s16+$0x0], $0xffff  }
0x2dc: {  	v11 =	vld.idx.msk [tilespmem:v11+s16+$0x0], $0xffff;
	v63 =	vadd.s32 v55, v34  }
0x2dd: {  	v38 =	vadd.f32 v58, v38;
	v55 =	vld [tilespmem:$0x1FD50];
	v25 =	vadd.s32 v3, v34  }
0x2de: {  	v53 =	vadd.f32 v44, v42;
	v44 =	vld [tilespmem:$0x1FD80];
	v3 =	vadd.f32 v16, v15;
	v15 =	vadd.s32 v30, v34  }
0x2df: {  	v16 =	vadd.f32 v40, v31;
	v30 =	vadd.f32 v36, v35;
	v40 =	vld [tilespmem:$0x1FCE0];
	v36 =	vadd.s32 v51, v34  }
0x2e0: {  	v62 =	vadd.s32 v56, v34;
	v35 =	vadd.f32 v38, v53;
	v53 =	vld [tilespmem:$0x1FD40]  }
0x2e1: {  	v1 =	vadd.f32 v1, v28;
	v28 =	vld.idx.msk [tilespmem:v63+s16+$0x0], $0xffff  }
0x2e2: {  	v6 =	vld.idx.msk [tilespmem:v25+s16+$0x0], $0xffff  }
0x2e3: {  	v50 =	vadd.f32 v43, v41;
	v58 =	vadd.s32 v55, v34;
	v15 =	vld.idx.msk [tilespmem:v15+s16+$0x0], $0xffff  }
0x2e4: {  	v21 =	vadd.f32 v21, v24;
	v63 =	vadd.s32 v61, v34;
	v36 =	vld.idx.msk [tilespmem:v36+s16+$0x0], $0xffff  }
0x2e5: {  	v12 =	vadd.f32 v50, v12;
	v31 =	vadd.s32 v40, v34;
	v40 =	vadd.s32 v54, v34;
	v25 =	vld.idx.msk [tilespmem:v62+s16+$0x0], $0xffff  }
0x2e6: {  	v50 =	vadd.s32 v47, v34;
	v16 =	vadd.f32 v30, v16;
	v54 =	vadd.f32 v48, v52;
	v52 =	vld [tilespmem:$0x1FDC0]  }
0x2e7: {  	v17 =	vadd.f32 v26, v17;
	v56 =	vadd.s32 v53, v34;
	v62 =	vadd.s32 v60, v34;
	v60 =	vld [tilespmem:$0x1FDE0]  }
0x2e8: {  	v22 =	vadd.f32 v29, v22;
	v12 =	vadd.f32 v12, v16;
	v16 =	vld.idx.msk [tilespmem:v58+s16+$0x0], $0xffff  }
0x2e9: {  	v10 =	vadd.f32 v10, v18;
	v7 =	vadd.f32 v54, v7;
	v54 =	vld.idx.msk [tilespmem:v63+s16+$0x0], $0xffff  }
0x2ea: {  	v14 =	vadd.f32 v14, v32;
	v8 =	vadd.f32 v13, v8;
	v27 =	vld.idx.msk [tilespmem:v40+s16+$0x0], $0xffff  }
0x2eb: {  	v1 =	vadd.f32 v1, v22;
	v10 =	vadd.f32 v10, v17;
	v63 =	vld.idx.msk [tilespmem:v50+s16+$0x0], $0xffff  }
0x2ec: {  	v2 =	vadd.f32 v2, v35;
	v8 =	vadd.f32 v8, v14;
	v48 =	vadd.s32 v44, v34;
	v22 =	vld.idx.msk [tilespmem:v56+s16+$0x0], $0xffff  }
0x2ed: {  	v1 =	vadd.f32 v1, v21;
	v11 =	vadd.f32 v33, v11;
	v56 =	vld [tilespmem:$0x1FDD0]  }
0x2ee: {  	v43 =	vpop (erf);
	v53 =	vadd.s32 v49, v34;
	v2 =	vadd.f32 v2, v12;
	v8 =	vadd.f32 v8, v10;
	v31 =	vld.idx.msk [tilespmem:v31+s16+$0x0], $0xffff  }
0x2ef: {  	v46 =	vmul.f32 $1.024382840e-02, v43;
	v7 =	vadd.f32 v19, v7;
	v27 =	vadd.f32 v27, v36;
	v36 =	vld [tilespmem:$0x1FDF0]  }
0x2f0: {  	v51 =	vld.idx.msk [tilespmem:v62+s16+$0x0], $0xffff;
	v55 =	vadd.s32 v52, v34;
	v6 =	vadd.f32 v6, v20;
	v62 =	vadd.s32 v60, v34  }
0x2f1: {  	v61 =	vld.idx.msk [tilespmem:v48+s16+$0x0], $0xffff;
	v47 =	vadd.f32 v28, v25;
	v52 =	vand.u32 $0x7FFFFFFF, v3;
	v7 =	vadd.f32 v1, v7  }
0x2f2: {  	v6 =	vadd.f32 v6, v11;
	v11 =	vadd.f32 $-5.326747890e-02, v46;
	v58 =	vadd.s32 v56, v34  }
0x2f3: {  	v38 =	vld.idx.msk [tilespmem:v53+s16+$0x0], $0xffff;
	v40 =	vadd.s32 v39, v34;
	v53 =	vsub.f32 $0.0e+00, v52;
	v13 =	vadd.f32 v57, v54  }
0x2f4: {  	v50 =	vpop (erf);
	v11 =	vmul.f32 v11, v43;
	v15 =	vadd.f32 v31, v15;
	v37 =	vadd.s32 v36, v34  }
0x2f5: {  	v42 =	vld.idx.msk [tilespmem:v55+s16+$0x0], $0xffff;
	v22 =	vadd.f32 v22, v23;
	v16 =	vadd.f32 v51, v16;
	v51 =	vmul.f32 $1.024382840e-02, v50  }
0x2f6: {  	v45 =	vld.idx.msk [tilespmem:v62+s16+$0x0], $0xffff;
	v49 =	vadd.f32 v63, v61;
	v11 =	vadd.f32 $1.319896580e-01, v11  }
0x2f7: {  	v55 =	vmul.f32 $1.442695020e+00, v53;
	v41 =	vadd.f32 v27, v15;
	v20 =	vadd.f32 $-5.326747890e-02, v51;
	v1 =	vld.idx.msk [tilespmem:v58+s16+$0x0], $0xffff  }
0x2f8: {  	v17 =	vld.idx.msk [tilespmem:v40+s16+$0x0], $0xffff;
	v57 =	vadd.f32 v22, v47;
	v13 =	vadd.f32 v13, v16;
	v11 =	vmul.f32 v11, v43  }
0x2f9: {  	v44 =	vadd.f32 v41, v6;
	v56 =	vmul.f32 v20, v50;
	v6 =	vsub.f32 $0.0e+00, v2;
	v48 =	vld.idx.msk [tilespmem:v37+s16+$0x0], $0xffff  }
0x2fa: {  	v14 =	vadd.f32 v42, v38;
	v58 =	vadd.f32 $-2.239668970e-01, v11  }
0x2fb: {  	(erf) = vpow2.f32 v55;
	v60 =	vadd.f32 $1.319896580e-01, v56;
	v24 =	vadd.f32 v44, v8  }
0x2fc: {  	v21 =	vand.u32 $0x7FFFFFFF, v6;
	v54 =	vadd.f32 v45, v1;
	v1 =	vsub.f32 $0.0e+00, v9  }
0x2fd: {  	v14 =	vadd.f32 v14, v49;
	v62 =	vmul.f32 v58, v43;
	v11 =	vmul.f32 v60, v50  }
0x2fe: {  	v23 =	vsub.f32 $0.0e+00, v21;
	v61 =	vand.u32 $0x7FFFFFFF, v1;
	v17 =	vadd.f32 v17, v48  }
0x2ff: {  	v11 =	vadd.f32 $-2.239668970e-01, v11;
	v15 =	vsub.f32 $0.0e+00, v61  }
0x300: {  	v20 =	vadd.f32 $3.275117280e-01, v62;
	v25 =	vmul.f32 $1.442695020e+00, v23;
	v2 =	vadd.f32 v17, v54  }
0x301: {  	v28 =	vsub.f32 $0.0e+00, v24;
	v11 =	vmul.f32 v11, v50;
	v63 =	vmul.f32 $1.442695020e+00, v15  }
0x302: {  	v15 =	vmul.f32 v20, v43;
	v22 =	vadd.f32 v2, v14;
	v2 =	vsub.f32 $0.0e+00, v7  }
0x303: {  	v9 =	vadd.f32 v13, v57;
	v31 =	vand.u32 $0x7FFFFFFF, v28;
	(erf) = vpow2.f32 v63  }
0x304: {  	v29 =	vpop (erf);
	v11 =	vadd.f32 $3.275117280e-01, v11;
	v26 =	vadd.f32 $-4.993339480e-01, v15;
	v27 =	vand.u32 $0x7FFFFFFF, v2  }
0x305: {  	v30 =	vmul.f32 $1.024382840e-02, v29;
	v9 =	vadd.f32 v22, v9;
	v13 =	vsub.f32 $0.0e+00, v27  }
0x306: {  	v11 =	vmul.f32 v11, v50;
	v15 =	vsub.f32 $0.0e+00, v31;
	(erf) = vpow2.f32 v25  }
0x307: {  	v10 =	vmul.f32 v26, v43;
	v9 =	vsub.f32 $0.0e+00, v9;
	v13 =	vmul.f32 $1.442695020e+00, v13  }
0x308: {  	v11 =	vadd.f32 $-4.993339480e-01, v11;
	v14 =	vadd.f32 $-5.326747890e-02, v30  }
0x309: {  	v10 =	vadd.f32 $9.999702570e-01, v10;
	v32 =	vand.u32 $0x7FFFFFFF, v9;
	(erf) = vpow2.f32 v13  }
0x30a: {  	v15 =	vmul.f32 $1.442695020e+00, v15;
	v11 =	vmul.f32 v11, v50;
	v33 =	vsub.f32 $0.0e+00, v32  }
0x30b: {  	v34 =	vld [tilespmem:$0x1FE10];
	v14 =	vmul.f32 v14, v29;
	v10 =	vmul.f32 v10, v43  }
0x30c: {  	v37 =	vpop (erf);
	(erf) = vpow2.f32 v15;
	v35 =	vmul.f32 $1.442695020e+00, v33  }
0x30d: {  	v11 =	vadd.f32 $9.999702570e-01, v11;
	v38 =	vmul.f32 $1.024382840e-02, v37  }
0x30e: {  	v36 =	vadd.f32 $1.319896580e-01, v14;
	v10 =	vadd.f32 $2.215976450e-07, v10;
	(erf) = vpow2.f32 v35  }
0x30f: {  	v0 =	vmin.f32 v0, $0.0e+00;
	v11 =	vmul.f32 v11, v50;
	v39 =	vadd.f32 $-5.326747890e-02, v38  }
0x310: {  	v4 =	vadd.f32 v4, v34;
	v13 =	vmul.f32 v36, v29;
	v0 =	vsub.f32 v0, v10;
	v41 =	vpop (erf)  }
0x311: {  	v11 =	vadd.f32 $2.215976450e-07, v11;
	v43 =	vmul.f32 $1.024382840e-02, v41;
	v42 =	vmul.f32 v39, v37  }
0x312: {  	v5 =	vmin.f32 v5, $0.0e+00;
	v40 =	vadd.f32 $-2.239668970e-01, v13;
	v0 =	vadd.f32 v0, v4;
	v44 =	vpop (erf)  }
0x313: {  	v10 =	vadd.f32 $-5.326747890e-02, v43;
	v4 =	vadd.f32 $1.319896580e-01, v42;
	v45 =	vmul.f32 $1.024382840e-02, v44  }
0x314: {  	v3 =	vmin.f32 v3, $0.0e+00;
	v5 =	vsub.f32 v5, v11;
	v12 =	vmul.f32 v40, v29  }
0x315: {  	v10 =	vmul.f32 v10, v41;
	v4 =	vmul.f32 v4, v37;
	v48 =	vpop (erf);
	v47 =	vadd.f32 $-5.326747890e-02, v45  }
0x316: {  	v0 =	vadd.f32 v5, v0;
	v46 =	vadd.f32 $3.275117280e-01, v12;
	v50 =	vmul.f32 $1.024382840e-02, v48  }
0x317: {  	v10 =	vadd.f32 $1.319896580e-01, v10;
	v4 =	vadd.f32 $-2.239668970e-01, v4;
	v51 =	vpop (erf);
	v12 =	vmul.f32 v47, v44  }
0x318: {  	v49 =	vmul.f32 v46, v29;
	v11 =	vadd.f32 $-5.326747890e-02, v50;
	v52 =	vmul.f32 $1.024382840e-02, v51  }
0x319: {  	v10 =	vmul.f32 v10, v41;
	v4 =	vmul.f32 v4, v37;
	v12 =	vadd.f32 $1.319896580e-01, v12  }
0x31a: {  	v5 =	vadd.f32 $-4.993339480e-01, v49;
	v11 =	vmul.f32 v11, v48;
	v18 =	vadd.f32 $-5.326747890e-02, v52  }
0x31b: {  	v10 =	vadd.f32 $-2.239668970e-01, v10;
	v4 =	vadd.f32 $3.275117280e-01, v4;
	v12 =	vmul.f32 v12, v44  }
0x31c: {  	v5 =	vmul.f32 v5, v29;
	v11 =	vadd.f32 $1.319896580e-01, v11;
	v18 =	vmul.f32 v18, v51  }
0x31d: {  	v10 =	vmul.f32 v10, v41;
	v4 =	vmul.f32 v4, v37;
	v12 =	vadd.f32 $-2.239668970e-01, v12  }
0x31e: {  	v5 =	vadd.f32 $9.999702570e-01, v5;
	v53 =	vmul.f32 v11, v48;
	v54 =	vadd.f32 $1.319896580e-01, v18  }
0x31f: {  	v10 =	vadd.f32 $3.275117280e-01, v10;
	v4 =	vadd.f32 $-4.993339480e-01, v4;
	v12 =	vmul.f32 v12, v44  }
0x320: {  	v5 =	vmul.f32 v5, v29;
	v7 =	vadd.f32 $-2.239668970e-01, v53;
	v11 =	vmul.f32 v54, v51  }
0x321: {  	v10 =	vmul.f32 v10, v41;
	v4 =	vmul.f32 v4, v37;
	v12 =	vadd.f32 $3.275117280e-01, v12  }
0x322: {  	v5 =	vadd.f32 $2.215976450e-07, v5;
	v7 =	vmul.f32 v7, v48;
	v11 =	vadd.f32 $-2.239668970e-01, v11  }
0x323: {  	v10 =	vadd.f32 $-4.993339480e-01, v10;
	v4 =	vadd.f32 $9.999702570e-01, v4;
	v12 =	vmul.f32 v12, v44  }
0x324: {  	v3 =	vsub.f32 v3, v5;
	v55 =	vadd.f32 $3.275117280e-01, v7;
	v56 =	vmul.f32 v11, v51  }
0x325: {  	v10 =	vmul.f32 v10, v41;
	v4 =	vmul.f32 v4, v37;
	v57 =	vadd.f32 $-4.993339480e-01, v12  }
0x326: {  	v0 =	vadd.f32 v3, v0;
	v3 =	vmul.f32 v55, v48;
	v58 =	vadd.f32 $3.275117280e-01, v56  }
0x327: {  	v60 =	vadd.f32 $9.999702570e-01, v10;
	v4 =	vadd.f32 $2.215976450e-07, v4;
	v61 =	vmul.f32 v57, v44  }
0x328: {  	v1 =	vmin.f32 v1, $0.0e+00;
	v3 =	vadd.f32 $-4.993339480e-01, v3;
	v5 =	vmul.f32 v58, v51  }
0x329: {  	v62 =	vmul.f32 v60, v41;
	v1 =	vsub.f32 v1, v4;
	v63 =	vadd.f32 $9.999702570e-01, v61  }
0x32a: {  	v3 =	vmul.f32 v3, v48;
	v5 =	vadd.f32 $-4.993339480e-01, v5  }
0x32b: {  	v4 =	vadd.f32 $2.215976450e-07, v62;
	v0 =	vadd.f32 v1, v0;
	v1 =	vmul.f32 v63, v44  }
0x32c: {  	v6 =	vmin.f32 v6, $0.0e+00;
	v3 =	vadd.f32 $9.999702570e-01, v3;
	v5 =	vmul.f32 v5, v51  }
0x32d: {  	v4 =	vsub.f32 v6, v4;
	v1 =	vadd.f32 $2.215976450e-07, v1  }
0x32e: {  	v2 =	vmin.f32 v2, $0.0e+00;
	v3 =	vmul.f32 v3, v48;
	v5 =	vadd.f32 $9.999702570e-01, v5  }
0x32f: {  	v0 =	vadd.f32 v4, v0;
	v1 =	vsub.f32 v2, v1  }
0x330: {  	v3 =	vadd.f32 $2.215976450e-07, v3;
	v2 =	vmul.f32 v5, v51  }
0x331: {  	p2 =	por p1, p1;
	v0 =	vadd.f32 v1, v0;
	v1 =	vmin.f32 v28, $0.0e+00  }
.Ltmp3:
0x332: {  	v2 =	vadd.f32 $2.215976450e-07, v2;
	v1 =	vsub.f32 v1, v3;
	(pc) =	sbr.rel @p2 .LBB2_4-.Ltmp3, $3  }
0x333: {  	v3 =	vmin.f32 v9, $0.0e+00  }
0x334: {  	v0 =	vadd.f32 v1, v0;
	v1 =	vsub.f32 v3, v2;
	_ =	sdelay $0x1  }
0x335: {  	s22 =	simm.s32 $0x20;
	p1 =	por $0x0, $0x0;
	v59 =	vld [tilespmem:$0x1FE60];
	v0 =	vadd.f32 v1, v0  }
0x336: {  	s22 =	sshll.u32 s21, $0x1;
	p1 =	seq.s32 s21, $0x3  }
0x337: {  	s3 =	sadd.s32 @!p1 $0x2, s22;
	s6 =	simm.s32 @!p1 $0x40  }
0x338: {  	s12 =	simm.s32 @!p1 $0xE00;
	s5 =	sshll.u32 @!p1 s3, $0x6;
	s3 =	smul.u32 @!p1 $0x500, s3  }
0x339: {  	[tilespmem:s12], [sflag:$0x1] =	stream.indirect.gather @!p1 [hbm4b:s1+s6], $0x80, s5, s6, $0xb8;
	[tilespmem:$0x1E920] =	vst v63  }
0x33a: {  	s5 =	sadd.s32 @!p1 $0x200, s5;
	s12 =	simm.s32 @!p1 $0x2E00;
	s3 =	sshra.s32 @!p1 s3, $0x2  }
0x33b: {  	[tilespmem:s12], [sflag:$0x1] =	stream.indirect.gather @!p1 [hbm4b:s2+s6], $0x80, s5, s6, $0xb8;
	[tilespmem:$0x1E920] =	vst v63  }
0x33c: {  	s13 =	simm.s32 @!p1 $0x4E00;
	s5 =	sadd.s32 @!p1 $0x400, s3;
	s12 =	simm.s32 @!p1 $0x80  }
0x33d: {  	[tilespmem:s13], [sflag:$0x1] =	stream.indirect.gather @!p1 [hbm4b:s2+s12], $0x80, s5, s12, $0xb8;
	[tilespmem:$0x1E920] =	vst v63  }
0x33e: {  	s5 =	sadd.s32 @!p1 $0x480, s3;
	s13 =	simm.s32 @!p1 $0x8E00  }
0x33f: {  	[tilespmem:s13], [sflag:$0x1] =	stream.indirect.gather @!p1 [hbm4b:s2+s12], $0x80, s5, s12, $0xb8;
	[tilespmem:$0x1E920] =	vst v63  }
0x340: {  	[tilespmem:$0x1F7F0] =	vst v0;
	s3 =	sadd.s32 @!p1 $0x500, s3;
	s5 =	simm.s32 @!p1 $0xCE00  }
0x341: {  	[tilespmem:s5], [sflag:$0x1] =	stream.indirect.gather @!p1 [hbm4b:s2+s6], $0x80, s3, s6, $0xb8;
	[tilespmem:$0x1E920] =	vst v63  }
0x342: {  	_ =	swait.ge [sflag:s18], $0x2000  }
0x343: {  	[sflag:s18] =	ssyncset.done $0x0  }
0x344: {  	[sflag:s18] =	ssyncadd.s32 $0xFFFFE000  }
0x345: {  	_ =	swait.ge [sflag:s18], $0x2000  }
0x346: {  	[sflag:s18] =	ssyncset.done $0x0  }
0x347: {  	[sflag:s18] =	ssyncadd.s32 $0xFFFFE000  }
0x348: {  	_ =	swait.ge [sflag:s18], $0x4000  }
0x349: {  	[sflag:s18] =	ssyncset.done $0x0  }
0x34a: {  	[sflag:s18] =	ssyncadd.s32 $0xFFFFC000  }
0x34b: {  	_ =	swait.ge [sflag:s18], $0x4000  }
0x34c: {  	[sflag:s18] =	ssyncset.done $0x0  }
0x34d: {  	[sflag:s18] =	ssyncadd.s32 $0xFFFFC000  }
0x34e: {  	_ =	swait.ge [sflag:s18], $0x2000  }
0x34f: {  	[sflag:s18] =	ssyncset.done $0x0  }
0x350: {  	s24 =	simm.s32 $0x0;
	s26 =	simm.s32 $0x0;
	[sflag:s18] =	ssyncadd.s32 $0xFFFFE000  }
.LBB2_6:
0x351: {  	s3 =	sshll.u32 s26, $0x7  }
0x352: {  	v40 =	vld [tilespmem:s3+$0xEE00]  }
0x353: {  	v41 =	vld [tilespmem:s3+$0xEE10]  }
0x354: {  	v39 =	vld [tilespmem:s3+$0xEE20]  }
0x355: {  	v37 =	vld [tilespmem:s3+$0xEE30]  }
0x356: {  	v38 =	vld [tilespmem:s3+$0xEE40]  }
0x357: {  	v35 =	vld [tilespmem:s3+$0xEE50]  }
0x358: {  	v36 =	vld [tilespmem:s3+$0xEE60]  }
0x359: {  	v34 =	vld [tilespmem:s3+$0xEE70]  }
0x35a: {  	v0 =	vld [tilespmem:s3+$0x10E00]  }
0x35b: {  	v1 =	vld [tilespmem:s3+$0x10E10]  }
0x35c: {  	v2 =	vld [tilespmem:s3+$0x10E20]  }
0x35d: {  	v3 =	vld [tilespmem:s3+$0x10E30]  }
0x35e: {  	v4 =	vld [tilespmem:s3+$0x10E40]  }
0x35f: {  	v5 =	vld [tilespmem:s3+$0x10E50]  }
0x360: {  	v6 =	vld [tilespmem:s3+$0x10E60]  }
0x361: {  	v7 =	vld [tilespmem:s3+$0x10E70];
	_ =	sdelay $0x1  }
0x362: {  	v0 =	vmul.f32 v0, v40;
	v1 =	vmul.f32 v1, v41  }
0x363: {  	v2 =	vmul.f32 v2, v39;
	v3 =	vmul.f32 v3, v37  }
0x364: {  	v4 =	vmul.f32 v4, v38;
	v5 =	vmul.f32 v5, v35  }
0x365: {  	v6 =	vmul.f32 v6, v36;
	v7 =	vmul.f32 v7, v34  }
0x366: {  	v0 =	vadd.f32 v1, v0;
	v12 =	vadd.f32 v3, v2  }
0x367: {  	v13 =	vadd.f32 v5, v4;
	v14 =	vadd.f32 v7, v6;
	_ =	sdelay $0x1  }
0x368: {  	v0 =	vadd.f32 v12, v0;
	v15 =	vadd.f32 v14, v13  }
0x369: {  	s29 =	smul.u32 $0x1A0, s26  }
0x36a: {  	s5 =	smul.u32 $0xA00, s26;
	v0 =	vadd.f32 v15, v0  }
0x36b: {  	s29 =	sshra.s32 s29, $0x2  }
0x36c: {  	s19 =	sshra.s32 s5, $0x2;
	[tilespmem:s29+$0x1CE00] =	vst v0  }
0x36d: {  	v0 =	vld [tilespmem:s19+$0x12E00]  }
0x36e: {  	v16 =	vld [tilespmem:s19+$0x12E10]  }
0x36f: {  	v17 =	vld [tilespmem:s19+$0x12E20]  }
0x370: {  	v18 =	vld [tilespmem:s19+$0x12E30]  }
0x371: {  	v19 =	vld [tilespmem:s19+$0x12E40]  }
0x372: {  	v20 =	vld [tilespmem:s19+$0x12E50]  }
0x373: {  	v21 =	vld [tilespmem:s19+$0x12E60]  }
0x374: {  	v22 =	vld [tilespmem:s19+$0x12E70];
	_ =	sdelay $0x1  }
0x375: {  	v0 =	vmul.f32 v0, v40;
	v1 =	vmul.f32 v16, v41  }
0x376: {  	v2 =	vmul.f32 v17, v39;
	v3 =	vmul.f32 v18, v37  }
0x377: {  	v4 =	vmul.f32 v19, v38;
	v5 =	vmul.f32 v20, v35  }
0x378: {  	s31 =	sor.u32 $0x1, s26;
	v6 =	vmul.f32 v21, v36;
	v7 =	vmul.f32 v22, v34  }
0x379: {  	s6 =	sshll.u32 s31, $0x7;
	v0 =	vadd.f32 v1, v0;
	v23 =	vadd.f32 v3, v2  }
0x37a: {  	v48 =	vld [tilespmem:s6+$0xEE00];
	v24 =	vadd.f32 v5, v4;
	v25 =	vadd.f32 v7, v6  }
0x37b: {  	v49 =	vld [tilespmem:s6+$0xEE10]  }
0x37c: {  	v46 =	vld [tilespmem:s6+$0xEE20];
	v0 =	vadd.f32 v23, v0;
	v26 =	vadd.f32 v25, v24  }
0x37d: {  	v47 =	vld [tilespmem:s6+$0xEE30]  }
0x37e: {  	v44 =	vld [tilespmem:s6+$0xEE40];
	v0 =	vadd.f32 v26, v0  }
0x37f: {  	v45 =	vld [tilespmem:s6+$0xEE50]  }
0x380: {  	v42 =	vld [tilespmem:s6+$0xEE60];
	[tilespmem:s29+$0x1CE10] =	vst v0  }
0x381: {  	v0 =	vld [tilespmem:s19+$0x12E80]  }
0x382: {  	v27 =	vld [tilespmem:s19+$0x12E90]  }
0x383: {  	v28 =	vld [tilespmem:s19+$0x12EA0]  }
0x384: {  	v29 =	vld [tilespmem:s19+$0x12EB0]  }
0x385: {  	v30 =	vld [tilespmem:s19+$0x12EC0]  }
0x386: {  	v31 =	vld [tilespmem:s19+$0x12ED0]  }
0x387: {  	v32 =	vld [tilespmem:s19+$0x12EE0]  }
0x388: {  	v33 =	vld [tilespmem:s19+$0x12EF0]  }
0x389: {  	v43 =	vld [tilespmem:s6+$0xEE70]  }
0x38a: {  	v9 =	vld [tilespmem:s6+$0x10E10];
	v0 =	vmul.f32 v0, v40;
	v1 =	vmul.f32 v27, v41  }
0x38b: {  	v11 =	vld [tilespmem:s6+$0x10E30];
	v2 =	vmul.f32 v28, v39;
	v3 =	vmul.f32 v29, v37  }
0x38c: {  	v55 =	vld [tilespmem:s6+$0x10E60];
	v4 =	vmul.f32 v30, v38;
	v5 =	vmul.f32 v31, v35  }
0x38d: {  	v56 =	vld [tilespmem:s6+$0x10E70];
	v6 =	vmul.f32 v32, v36;
	v7 =	vmul.f32 v33, v34  }
0x38e: {  	v12 =	vld [tilespmem:s6+$0x10E40];
	v0 =	vadd.f32 v1, v0;
	v51 =	vadd.f32 v3, v2  }
0x38f: {  	v10 =	vld [tilespmem:s6+$0x10E20];
	v53 =	vadd.f32 v5, v4;
	v54 =	vadd.f32 v7, v6  }
0x390: {  	v8 =	vld [tilespmem:s6+$0x10E00]  }
0x391: {  	v52 =	vld [tilespmem:s6+$0x10E50];
	s5 =	sor.u32 $0x3, s26;
	v60 =	vmul.f32 v9, v49;
	v0 =	vadd.f32 v51, v0;
	v57 =	vadd.f32 v54, v53  }
0x392: {  	s13 =	sshll.u32 s5, $0x7;
	v62 =	vmul.f32 v11, v47;
	v11 =	vmul.f32 v55, v42  }
0x393: {  	v9 =	vld [tilespmem:s13+$0xEE40];
	v63 =	vmul.f32 v12, v44;
	v12 =	vmul.f32 v56, v43;
	v0 =	vadd.f32 v57, v0  }
0x394: {  	v61 =	vmul.f32 v10, v46;
	v10 =	vld [tilespmem:s13+$0xEE50]  }
0x395: {  	v58 =	vmul.f32 v8, v48;
	[tilespmem:s29+$0x1CE20] =	vst v0;
	v0 =	vadd.f32 v12, v11;
	v11 =	vld [tilespmem:s13+$0xEE20]  }
0x396: {  	v2 =	vmul.f32 v52, v45;
	v13 =	vld [tilespmem:s19+$0x12F00]  }
0x397: {  	v3 =	vadd.f32 v60, v58;
	v14 =	vld [tilespmem:s19+$0x12F10]  }
0x398: {  	v1 =	vadd.f32 v62, v61;
	v2 =	vadd.f32 v2, v63;
	v15 =	vld [tilespmem:s19+$0x12F20]  }
0x399: {  	v16 =	vld [tilespmem:s19+$0x12F30]  }
0x39a: {  	v1 =	vadd.f32 v1, v3;
	v17 =	vld [tilespmem:s19+$0x12F40];
	v0 =	vadd.f32 v0, v2  }
0x39b: {  	s12 =	smul.u32 $0x1A0, s31;
	v18 =	vld [tilespmem:s19+$0x12F50]  }
0x39c: {  	s3 =	smul.u32 $0xA00, s31;
	v19 =	vld [tilespmem:s19+$0x12F60];
	v0 =	vadd.f32 v0, v1  }
0x39d: {  	s31 =	sshra.s32 s12, $0x2;
	v20 =	vld [tilespmem:s19+$0x12F70]  }
0x39e: {  	s3 =	sshra.s32 s3, $0x2;
	v12 =	vld [tilespmem:s13+$0xEE30];
	[tilespmem:s31+$0x1CE00] =	vst v0  }
0x39f: {  	v6 =	vmul.f32 v13, v40;
	v4 =	vmul.f32 v14, v41;
	v22 =	vld [tilespmem:s3+$0x12E20]  }
0x3a0: {  	v5 =	vmul.f32 v15, v39;
	v7 =	vmul.f32 v16, v37;
	v23 =	vld [tilespmem:s3+$0x12E30]  }
0x3a1: {  	v2 =	vmul.f32 v17, v38;
	v3 =	vmul.f32 v18, v35;
	v24 =	vld [tilespmem:s3+$0x12E40]  }
0x3a2: {  	s6 =	sor.u32 $0x2, s26;
	v1 =	vmul.f32 v19, v36;
	v8 =	vmul.f32 v20, v34;
	v25 =	vld [tilespmem:s3+$0x12E50]  }
0x3a3: {  	s12 =	sshll.u32 s6, $0x7;
	v26 =	vld [tilespmem:s3+$0x12E60];
	v4 =	vadd.f32 v4, v6;
	v5 =	vadd.f32 v7, v5  }
0x3a4: {  	v15 =	vld [tilespmem:s12+$0x10E10];
	v2 =	vadd.f32 v3, v2;
	v1 =	vadd.f32 v8, v1  }
0x3a5: {  	v0 =	vld [tilespmem:s3+$0x12E00]  }
0x3a6: {  	v21 =	vld [tilespmem:s3+$0x12E10];
	v4 =	vadd.f32 v5, v4;
	v1 =	vadd.f32 v1, v2;
	v29 =	vmul.f32 v22, v46  }
0x3a7: {  	v27 =	vld [tilespmem:s3+$0x12E70];
	v30 =	vmul.f32 v23, v47;
	v31 =	vmul.f32 v24, v44  }
0x3a8: {  	v1 =	vadd.f32 v1, v4;
	v6 =	vmul.f32 v25, v45;
	v32 =	vmul.f32 v26, v42;
	v26 =	vld [tilespmem:s12+$0x10E00]  }
0x3a9: {  	v51 =	vadd.f32 v30, v29;
	v30 =	vld [tilespmem:s13+$0x10E60]  }
0x3aa: {  	[tilespmem:s29+$0x1CE30] =	vst v1;
	v53 =	vadd.f32 v6, v31;
	v31 =	vld [tilespmem:s13+$0x10E70]  }
0x3ab: {  	v50 =	vld [tilespmem:s19+$0x12F80]  }
0x3ac: {  	v52 =	vld [tilespmem:s19+$0x12F90]  }
0x3ad: {  	v54 =	vld [tilespmem:s19+$0x12FA0]  }
0x3ae: {  	v55 =	vld [tilespmem:s19+$0x12FB0]  }
0x3af: {  	v33 =	vmul.f32 v27, v43;
	v56 =	vld [tilespmem:s19+$0x12FC0]  }
0x3b0: {  	v0 =	vmul.f32 v0, v48;
	v28 =	vmul.f32 v21, v49;
	v57 =	vld [tilespmem:s19+$0x12FD0]  }
0x3b1: {  	v1 =	vadd.f32 v33, v32;
	v58 =	vld [tilespmem:s19+$0x12FE0]  }
0x3b2: {  	v0 =	vadd.f32 v28, v0;
	v60 =	vld [tilespmem:s19+$0x12FF0]  }
0x3b3: {  	v1 =	vadd.f32 v1, v53;
	v53 =	vld [tilespmem:s12+$0xEE50]  }
0x3b4: {  	v0 =	vadd.f32 v51, v0;
	v51 =	vld [tilespmem:s12+$0xEE70]  }
0x3b5: {  	v2 =	vmul.f32 v56, v38;
	v56 =	vld [tilespmem:s12+$0xEE00]  }
0x3b6: {  	v5 =	vmul.f32 v57, v35;
	v57 =	vld [tilespmem:s12+$0xEE10]  }
0x3b7: {  	v3 =	vmul.f32 v54, v39;
	v54 =	vld [tilespmem:s12+$0xEE20]  }
0x3b8: {  	v0 =	vadd.f32 v1, v0;
	v6 =	vmul.f32 v55, v37;
	v55 =	vld [tilespmem:s12+$0xEE30]  }
0x3b9: {  	v4 =	vmul.f32 v52, v41;
	v52 =	vld [tilespmem:s12+$0xEE40]  }
0x3ba: {  	[tilespmem:s31+$0x1CE10] =	vst v0;
	v7 =	vmul.f32 v50, v40;
	v50 =	vld [tilespmem:s12+$0xEE60]  }
0x3bb: {  	v0 =	vld [tilespmem:s3+$0x12E80]  }
0x3bc: {  	v61 =	vld [tilespmem:s3+$0x12E90]  }
0x3bd: {  	v62 =	vld [tilespmem:s3+$0x12EA0]  }
0x3be: {  	v63 =	vld [tilespmem:s3+$0x12EB0]  }
0x3bf: {  	v16 =	vld [tilespmem:s3+$0x12EC0]  }
0x3c0: {  	v17 =	vld [tilespmem:s3+$0x12EF0]  }
0x3c1: {  	v14 =	vld [tilespmem:s3+$0x12EE0]  }
0x3c2: {  	v1 =	vmul.f32 v58, v36;
	v8 =	vmul.f32 v60, v34;
	v58 =	vld [tilespmem:s13+$0xEE60];
	v4 =	vadd.f32 v4, v7  }
0x3c3: {  	v13 =	vld [tilespmem:s3+$0x12ED0];
	v3 =	vadd.f32 v6, v3;
	v0 =	vmul.f32 v0, v48;
	v18 =	vmul.f32 v61, v49  }
0x3c4: {  	v2 =	vadd.f32 v5, v2;
	v19 =	vmul.f32 v62, v46;
	v21 =	vmul.f32 v16, v44;
	v16 =	vld [tilespmem:s12+$0x10E20]  }
0x3c5: {  	v1 =	vadd.f32 v8, v1;
	v20 =	vmul.f32 v63, v47;
	v6 =	vmul.f32 v17, v43;
	v17 =	vld [tilespmem:s12+$0x10E30]  }
0x3c6: {  	v3 =	vadd.f32 v3, v4;
	v23 =	vmul.f32 v14, v42;
	v14 =	vmul.f32 v26, v56;
	v26 =	vld [tilespmem:s13+$0x10E40]  }
0x3c7: {  	v1 =	vadd.f32 v1, v2;
	v0 =	vadd.f32 v18, v0;
	v18 =	vld [tilespmem:s12+$0x10E40]  }
0x3c8: {  	v22 =	vmul.f32 v13, v45;
	v2 =	vadd.f32 v20, v19;
	v19 =	vld [tilespmem:s12+$0x10E50]  }
0x3c9: {  	v1 =	vadd.f32 v1, v3;
	v20 =	vld [tilespmem:s12+$0x10E60]  }
0x3ca: {  	v24 =	vadd.f32 v22, v21;
	v21 =	vld [tilespmem:s12+$0x10E70]  }
0x3cb: {  	[tilespmem:s29+$0x1CE40] =	vst v1;
	v1 =	vld [tilespmem:s13+$0xEE00]  }
0x3cc: {  	v22 =	vld [tilespmem:s13+$0x10E00]  }
0x3cd: {  	v3 =	vadd.f32 v6, v23;
	v23 =	vld [tilespmem:s13+$0x10E10]  }
0x3ce: {  	v4 =	vld [tilespmem:s19+$0x13000]  }
0x3cf: {  	v5 =	vld [tilespmem:s19+$0x13010]  }
0x3d0: {  	v6 =	vld [tilespmem:s19+$0x13020]  }
0x3d1: {  	v25 =	vadd.f32 v3, v24;
	v3 =	vld [tilespmem:s19+$0x13030]  }
0x3d2: {  	v0 =	vadd.f32 v2, v0;
	v2 =	vld [tilespmem:s13+$0xEE10]  }
0x3d3: {  	v24 =	vld [tilespmem:s13+$0x10E20];
	v16 =	vmul.f32 v16, v54;
	v17 =	vmul.f32 v17, v55  }
0x3d4: {  	v15 =	vmul.f32 v15, v57;
	v0 =	vadd.f32 v25, v0;
	v25 =	vld [tilespmem:s13+$0x10E30]  }
0x3d5: {  	v18 =	vmul.f32 v18, v52;
	v19 =	vmul.f32 v19, v53;
	v27 =	vadd.f32 v17, v16;
	v16 =	vld [tilespmem:s13+$0x10E50]  }
0x3d6: {  	v20 =	vmul.f32 v20, v50;
	v21 =	vmul.f32 v21, v51;
	[tilespmem:s31+$0x1CE20] =	vst v0;
	v0 =	vld [tilespmem:s13+$0xEE70]  }
0x3d7: {  	v14 =	vadd.f32 v15, v14;
	v7 =	vld [tilespmem:s3+$0x12F00]  }
0x3d8: {  	v8 =	vld [tilespmem:s3+$0x12F10];
	v28 =	vadd.f32 v19, v18;
	v29 =	vadd.f32 v21, v20  }
0x3d9: {  	v13 =	vld [tilespmem:s3+$0x12F20]  }
0x3da: {  	v21 =	vld [tilespmem:s3+$0x12F30];
	v14 =	vadd.f32 v27, v14;
	v32 =	vadd.f32 v29, v28  }
0x3db: {  	v26 =	vmul.f32 v26, v9;
	v33 =	vmul.f32 v22, v1;
	s13 =	smul.u32 $0x1A0, s6;
	v17 =	vld [tilespmem:s3+$0x12F40]  }
0x3dc: {  	s6 =	smul.u32 $0xA00, s6;
	v60 =	vmul.f32 v23, v2;
	v23 =	vld [tilespmem:s3+$0x12F50];
	v61 =	vmul.f32 v24, v11;
	v14 =	vadd.f32 v32, v14  }
0x3dd: {  	v63 =	vld [tilespmem:s3+$0x12F60];
	s12 =	sshra.s32 s13, $0x2;
	v62 =	vmul.f32 v25, v12;
	v28 =	vmul.f32 v30, v58  }
0x3de: {  	v27 =	vld [tilespmem:s3+$0x12F70];
	s6 =	sshra.s32 s6, $0x2;
	v16 =	vmul.f32 v16, v10;
	v29 =	vmul.f32 v31, v0;
	[tilespmem:s12+$0x1CE00] =	vst v14  }
0x3df: {  	v18 =	vadd.f32 v60, v33;
	v15 =	vadd.f32 v62, v61;
	v30 =	vld [tilespmem:s6+$0x12E00]  }
0x3e0: {  	v16 =	vadd.f32 v16, v26;
	v14 =	vadd.f32 v29, v28;
	v31 =	vld [tilespmem:s6+$0x12E10]  }
0x3e1: {  	v19 =	vld [tilespmem:s6+$0x12E20]  }
0x3e2: {  	v15 =	vadd.f32 v15, v18;
	v32 =	vld [tilespmem:s6+$0x12E30];
	v14 =	vadd.f32 v14, v16  }
0x3e3: {  	s13 =	smul.u32 $0x1A0, s5;
	v7 =	vmul.f32 v7, v48;
	v33 =	vld [tilespmem:s6+$0x12E40]  }
0x3e4: {  	s5 =	smul.u32 $0xA00, s5;
	v8 =	vmul.f32 v8, v49;
	v13 =	vmul.f32 v13, v46;
	v60 =	vld [tilespmem:s6+$0x12E50];
	v14 =	vadd.f32 v14, v15  }
0x3e5: {  	s13 =	sshra.s32 s13, $0x2;
	v61 =	vmul.f32 v21, v47;
	v17 =	vmul.f32 v17, v44;
	v62 =	vld [tilespmem:s6+$0x12E60]  }
0x3e6: {  	s5 =	sshra.s32 s5, $0x2;
	v23 =	vmul.f32 v23, v45;
	v25 =	vmul.f32 v63, v42;
	v63 =	vld [tilespmem:s6+$0x12E70];
	[tilespmem:s13+$0x1CE00] =	vst v14  }
0x3e7: {  	v27 =	vmul.f32 v27, v43;
	v7 =	vadd.f32 v8, v7;
	v28 =	vadd.f32 v61, v13;
	v13 =	vld [tilespmem:s5+$0x12E00]  }
0x3e8: {  	v29 =	vadd.f32 v23, v17;
	v30 =	vmul.f32 v30, v56;
	v31 =	vmul.f32 v31, v57;
	v22 =	vld [tilespmem:s5+$0x12E10]  }
0x3e9: {  	v14 =	vadd.f32 v27, v25;
	v19 =	vmul.f32 v19, v54;
	v32 =	vmul.f32 v32, v55;
	v24 =	vld [tilespmem:s5+$0x12E20]  }
0x3ea: {  	v7 =	vadd.f32 v28, v7;
	v33 =	vmul.f32 v33, v52;
	v60 =	vmul.f32 v60, v53;
	v61 =	vld [tilespmem:s5+$0x12E30]  }
0x3eb: {  	v62 =	vmul.f32 v62, v50;
	v63 =	vmul.f32 v63, v51;
	v28 =	vld [tilespmem:s5+$0x12E40];
	v14 =	vadd.f32 v14, v29  }
0x3ec: {  	v17 =	vadd.f32 v31, v30;
	v19 =	vadd.f32 v32, v19;
	v29 =	vld [tilespmem:s5+$0x12E50]  }
0x3ed: {  	v8 =	vadd.f32 v60, v33;
	v15 =	vadd.f32 v63, v62;
	v30 =	vld [tilespmem:s5+$0x12E60]  }
0x3ee: {  	v31 =	vld [tilespmem:s5+$0x12E70];
	v14 =	vadd.f32 v14, v7  }
0x3ef: {  	v7 =	vld [tilespmem:s19+$0x13040];
	v17 =	vadd.f32 v19, v17;
	v15 =	vadd.f32 v15, v8  }
0x3f0: {  	v8 =	vld [tilespmem:s19+$0x13050];
	[tilespmem:s31+$0x1CE30] =	vst v14;
	v13 =	vmul.f32 v13, v1;
	v32 =	vmul.f32 v22, v2  }
0x3f1: {  	v15 =	vadd.f32 v15, v17;
	v33 =	vmul.f32 v24, v11;
	v18 =	vmul.f32 v61, v12;
	v19 =	vld [tilespmem:s3+$0x12F80]  }
0x3f2: {  	v60 =	vmul.f32 v28, v9;
	v22 =	vld [tilespmem:s3+$0x12F90];
	v20 =	vmul.f32 v29, v10  }
0x3f3: {  	v24 =	vld [tilespmem:s3+$0x12FA0];
	v61 =	vmul.f32 v30, v58;
	v62 =	vmul.f32 v31, v0;
	[tilespmem:s12+$0x1CE10] =	vst v15  }
0x3f4: {  	v13 =	vadd.f32 v32, v13;
	v25 =	vadd.f32 v18, v33;
	v63 =	vld [tilespmem:s6+$0x12E80]  }
0x3f5: {  	v26 =	vld [tilespmem:s6+$0x12E90];
	v27 =	vadd.f32 v20, v60;
	v15 =	vadd.f32 v62, v61  }
0x3f6: {  	v28 =	vld [tilespmem:s6+$0x12EA0]  }
0x3f7: {  	v29 =	vld [tilespmem:s6+$0x12EB0];
	v13 =	vadd.f32 v25, v13;
	v30 =	vadd.f32 v15, v27  }
0x3f8: {  	v31 =	vld [tilespmem:s6+$0x12EC0]  }
0x3f9: {  	v32 =	vld [tilespmem:s6+$0x12ED0];
	v13 =	vadd.f32 v30, v13  }
0x3fa: {  	v33 =	vld [tilespmem:s6+$0x12EE0]  }
0x3fb: {  	v60 =	vld [tilespmem:s6+$0x12EF0];
	[tilespmem:s13+$0x1CE10] =	vst v13  }
0x3fc: {  	v13 =	vld [tilespmem:s5+$0x12E80]  }
0x3fd: {  	v21 =	vmul.f32 v63, v56;
	v17 =	vmul.f32 v26, v57;
	v61 =	vld [tilespmem:s5+$0x12E90]  }
0x3fe: {  	v16 =	vmul.f32 v28, v54;
	v20 =	vmul.f32 v29, v55;
	v62 =	vld [tilespmem:s5+$0x12EA0]  }
0x3ff: {  	v15 =	vmul.f32 v31, v52;
	v18 =	vmul.f32 v32, v53;
	v63 =	vld [tilespmem:s5+$0x12EB0]  }
0x400: {  	v14 =	vmul.f32 v33, v50;
	v23 =	vmul.f32 v60, v51;
	v28 =	vld [tilespmem:s5+$0x12EC0]  }
0x401: {  	v17 =	vadd.f32 v17, v21;
	v16 =	vadd.f32 v20, v16;
	v20 =	vld [tilespmem:s5+$0x12ED0]  }
0x402: {  	v15 =	vadd.f32 v18, v15;
	v14 =	vadd.f32 v23, v14;
	v32 =	vld [tilespmem:s5+$0x12EE0]  }
0x403: {  	v33 =	vld [tilespmem:s5+$0x12EF0]  }
0x404: {  	v25 =	vld [tilespmem:s3+$0x12FD0];
	v16 =	vadd.f32 v16, v17;
	v14 =	vadd.f32 v14, v15  }
0x405: {  	v29 =	vld [tilespmem:s3+$0x12FF0];
	v13 =	vmul.f32 v13, v1;
	v60 =	vmul.f32 v61, v2  }
0x406: {  	v23 =	vld [tilespmem:s3+$0x12FB0];
	v14 =	vadd.f32 v14, v16;
	v61 =	vmul.f32 v62, v11;
	v62 =	vmul.f32 v63, v12  }
0x407: {  	v15 =	vld [tilespmem:s3+$0x12FC0];
	v28 =	vmul.f32 v28, v9;
	v20 =	vmul.f32 v20, v10  }
0x408: {  	v63 =	vld [tilespmem:s3+$0x12FE0];
	v30 =	vmul.f32 v32, v58;
	v31 =	vmul.f32 v33, v0;
	[tilespmem:s12+$0x1CE20] =	vst v14  }
0x409: {  	v21 =	vld [tilespmem:s6+$0x12F00];
	v13 =	vadd.f32 v60, v13;
	v16 =	vadd.f32 v62, v61  }
0x40a: {  	v17 =	vld [tilespmem:s6+$0x12F10];
	v20 =	vadd.f32 v20, v28;
	v14 =	vadd.f32 v31, v30  }
0x40b: {  	v18 =	vld [tilespmem:s6+$0x12F20]  }
0x40c: {  	v26 =	vld [tilespmem:s6+$0x12F30];
	v13 =	vadd.f32 v16, v13;
	v14 =	vadd.f32 v14, v20  }
0x40d: {  	v25 =	vmul.f32 v25, v45;
	v60 =	vld [tilespmem:s6+$0x12F50]  }
0x40e: {  	v32 =	vmul.f32 v22, v49;
	v33 =	vmul.f32 v24, v46;
	v62 =	vld [tilespmem:s6+$0x12F60];
	v13 =	vadd.f32 v14, v13  }
0x40f: {  	v61 =	vmul.f32 v23, v47;
	v16 =	vmul.f32 v19, v48;
	v19 =	vld [tilespmem:s6+$0x12F40]  }
0x410: {  	v15 =	vmul.f32 v15, v44;
	v27 =	vmul.f32 v63, v42;
	v63 =	vld [tilespmem:s6+$0x12F70];
	[tilespmem:s13+$0x1CE20] =	vst v13  }
0x411: {  	v31 =	vmul.f32 v29, v43;
	v16 =	vadd.f32 v32, v16;
	v21 =	vmul.f32 v21, v56;
	v20 =	vld [tilespmem:s5+$0x12F00]  }
0x412: {  	v14 =	vadd.f32 v61, v33;
	v17 =	vmul.f32 v17, v57;
	v18 =	vmul.f32 v18, v54;
	v22 =	vld [tilespmem:s5+$0x12F10]  }
0x413: {  	v15 =	vadd.f32 v25, v15;
	v32 =	vmul.f32 v26, v55;
	v60 =	vmul.f32 v60, v53;
	v26 =	vld [tilespmem:s5+$0x12F20]  }
0x414: {  	v61 =	vmul.f32 v62, v50;
	v13 =	vadd.f32 v31, v27;
	v14 =	vadd.f32 v14, v16;
	v24 =	vld [tilespmem:s5+$0x12F30]  }
0x415: {  	v33 =	vmul.f32 v19, v52;
	v17 =	vadd.f32 v17, v21;
	v30 =	vld [tilespmem:s5+$0x12F50];
	v62 =	vmul.f32 v63, v51  }
0x416: {  	v18 =	vadd.f32 v32, v18;
	v31 =	vld [tilespmem:s5+$0x12F60];
	v13 =	vadd.f32 v13, v15  }
0x417: {  	v32 =	vld [tilespmem:s5+$0x12F70];
	v16 =	vadd.f32 v60, v33;
	v15 =	vadd.f32 v62, v61  }
0x418: {  	v63 =	vld [tilespmem:s5+$0x12F40];
	v13 =	vadd.f32 v13, v14  }
0x419: {  	v23 =	vld [tilespmem:s19+$0x13060];
	v17 =	vadd.f32 v18, v17;
	v15 =	vadd.f32 v15, v16  }
0x41a: {  	v16 =	vld [tilespmem:s19+$0x13070];
	[tilespmem:s31+$0x1CE40] =	vst v13;
	v33 =	vmul.f32 v20, v1;
	v60 =	vmul.f32 v22, v2  }
0x41b: {  	v61 =	vmul.f32 v26, v11;
	v62 =	vmul.f32 v24, v12;
	v20 =	vld [tilespmem:s3+$0x13000];
	v15 =	vadd.f32 v15, v17  }
0x41c: {  	v21 =	vmul.f32 v30, v10;
	v28 =	vmul.f32 v31, v58;
	v24 =	vld [tilespmem:s3+$0x13010]  }
0x41d: {  	v14 =	vmul.f32 v32, v0;
	v63 =	vmul.f32 v63, v9;
	v26 =	vld [tilespmem:s3+$0x13020];
	[tilespmem:s12+$0x1CE30] =	vst v15  }
0x41e: {  	v13 =	vadd.f32 v60, v33;
	v17 =	vadd.f32 v62, v61;
	v29 =	vld [tilespmem:s6+$0x12F80]  }
0x41f: {  	v14 =	vadd.f32 v14, v28;
	v21 =	vadd.f32 v21, v63;
	v30 =	vld [tilespmem:s6+$0x12F90]  }
0x420: {  	v31 =	vld [tilespmem:s6+$0x12FA0]  }
0x421: {  	v13 =	vadd.f32 v17, v13;
	v62 =	vld [tilespmem:s6+$0x12FB0];
	v14 =	vadd.f32 v14, v21  }
0x422: {  	v63 =	vld [tilespmem:s6+$0x12FC0]  }
0x423: {  	v32 =	vld [tilespmem:s6+$0x12FD0];
	v13 =	vadd.f32 v14, v13  }
0x424: {  	v33 =	vld [tilespmem:s6+$0x12FE0]  }
0x425: {  	v60 =	vld [tilespmem:s6+$0x12FF0];
	[tilespmem:s13+$0x1CE30] =	vst v13  }
0x426: {  	v13 =	vld [tilespmem:s5+$0x12F80]  }
0x427: {  	v19 =	vmul.f32 v29, v56;
	v18 =	vmul.f32 v30, v57;
	v61 =	vld [tilespmem:s5+$0x12F90]  }
0x428: {  	v15 =	vmul.f32 v31, v54;
	v22 =	vmul.f32 v62, v55;
	v62 =	vld [tilespmem:s5+$0x12FA0]  }
0x429: {  	v17 =	vmul.f32 v63, v52;
	v21 =	vmul.f32 v32, v53;
	v63 =	vld [tilespmem:s5+$0x12FB0]  }
0x42a: {  	v14 =	vmul.f32 v33, v50;
	v25 =	vmul.f32 v60, v51;
	v30 =	vld [tilespmem:s5+$0x12FC0]  }
0x42b: {  	v33 =	vld [tilespmem:s5+$0x12FE0];
	v18 =	vadd.f32 v18, v19;
	v15 =	vadd.f32 v22, v15  }
0x42c: {  	v60 =	vld [tilespmem:s5+$0x12FF0];
	v17 =	vadd.f32 v21, v17;
	v14 =	vadd.f32 v25, v14  }
0x42d: {  	v19 =	vld [tilespmem:s5+$0x12FD0]  }
0x42e: {  	v27 =	vld [tilespmem:s3+$0x13050];
	v15 =	vadd.f32 v15, v18;
	v14 =	vadd.f32 v14, v17  }
0x42f: {  	v29 =	vld [tilespmem:s3+$0x13060];
	v13 =	vmul.f32 v13, v1;
	v61 =	vmul.f32 v61, v2  }
0x430: {  	v31 =	vld [tilespmem:s3+$0x13070];
	v62 =	vmul.f32 v62, v11;
	v63 =	vmul.f32 v63, v12;
	v14 =	vadd.f32 v14, v15  }
0x431: {  	v25 =	vld [tilespmem:s3+$0x13030];
	v30 =	vmul.f32 v30, v9;
	v32 =	vmul.f32 v33, v58  }
0x432: {  	v17 =	vld [tilespmem:s3+$0x13040];
	v33 =	vmul.f32 v60, v0;
	v19 =	vmul.f32 v19, v10;
	[tilespmem:s12+$0x1CE40] =	vst v14  }
0x433: {  	v13 =	vadd.f32 v61, v13;
	v15 =	vadd.f32 v63, v62;
	v18 =	vld [tilespmem:s6+$0x13000]  }
0x434: {  	v4 =	vmul.f32 v4, v40;
	v14 =	vadd.f32 v33, v32;
	v19 =	vadd.f32 v19, v30;
	v21 =	vld [tilespmem:s6+$0x13010]  }
0x435: {  	v5 =	vmul.f32 v5, v41;
	v6 =	vmul.f32 v6, v39;
	v22 =	vld [tilespmem:s6+$0x13020]  }
0x436: {  	v3 =	vmul.f32 v3, v37;
	v13 =	vadd.f32 v15, v13;
	v60 =	vld [tilespmem:s6+$0x13030];
	v14 =	vadd.f32 v14, v19  }
0x437: {  	v7 =	vmul.f32 v7, v38;
	v8 =	vmul.f32 v8, v35;
	v61 =	vld [tilespmem:s6+$0x13040]  }
0x438: {  	v23 =	vmul.f32 v23, v36;
	v16 =	vmul.f32 v16, v34;
	v62 =	vld [tilespmem:s6+$0x13050];
	v13 =	vadd.f32 v14, v13  }
0x439: {  	v4 =	vadd.f32 v5, v4;
	v3 =	vadd.f32 v3, v6;
	v63 =	vld [tilespmem:s6+$0x13060]  }
0x43a: {  	v7 =	vadd.f32 v8, v7;
	v35 =	vmul.f32 v26, v46;
	v34 =	vadd.f32 v16, v23;
	v30 =	vld [tilespmem:s6+$0x13070];
	[tilespmem:s13+$0x1CE40] =	vst v13  }
0x43b: {  	v3 =	vadd.f32 v3, v4;
	v39 =	vmul.f32 v27, v45;
	v41 =	vmul.f32 v29, v42;
	v37 =	vld [tilespmem:s5+$0x13000]  }
0x43c: {  	v7 =	vadd.f32 v34, v7;
	v42 =	vmul.f32 v31, v43;
	v36 =	vmul.f32 v25, v47;
	v40 =	vld [tilespmem:s5+$0x13010]  }
0x43d: {  	v32 =	vmul.f32 v20, v48;
	v33 =	vmul.f32 v24, v49;
	v43 =	vld [tilespmem:s5+$0x13020]  }
0x43e: {  	v3 =	vadd.f32 v7, v3;
	v38 =	vmul.f32 v17, v44;
	v16 =	vadd.f32 v36, v35;
	v44 =	vld [tilespmem:s5+$0x13030]  }
0x43f: {  	v8 =	vadd.f32 v33, v32;
	v46 =	vmul.f32 v18, v56;
	v47 =	vmul.f32 v21, v57;
	v45 =	vld [tilespmem:s5+$0x13040]  }
0x440: {  	v4 =	vadd.f32 v39, v38;
	v49 =	vmul.f32 v22, v54;
	v15 =	vmul.f32 v60, v55;
	v48 =	vld [tilespmem:s5+$0x13050]  }
0x441: {  	v8 =	vadd.f32 v16, v8;
	v56 =	vmul.f32 v61, v52;
	v14 =	vmul.f32 v62, v53;
	v54 =	vld [tilespmem:s5+$0x13060]  }
0x442: {  	v5 =	vmul.f32 v63, v50;
	v6 =	vmul.f32 v30, v51;
	v13 =	vadd.f32 v42, v41;
	v55 =	vld [tilespmem:s5+$0x13070]  }
0x443: {  	v57 =	vadd.f32 v47, v46;
	v7 =	vadd.f32 v14, v56  }
0x444: {  	v5 =	vadd.f32 v6, v5;
	v1 =	vmul.f32 v37, v1;
	v2 =	vmul.f32 v40, v2  }
0x445: {  	v4 =	vadd.f32 v13, v4;
	v11 =	vmul.f32 v43, v11;
	v12 =	vmul.f32 v44, v12  }
0x446: {  	v13 =	vadd.f32 v15, v49;
	v9 =	vmul.f32 v45, v9;
	v10 =	vmul.f32 v48, v10  }
0x447: {  	v5 =	vadd.f32 v5, v7;
	v60 =	vmul.f32 v54, v58;
	v0 =	vmul.f32 v55, v0  }
0x448: {  	v1 =	vadd.f32 v2, v1;
	v61 =	vadd.f32 v12, v11  }
0x449: {  	v9 =	vadd.f32 v10, v9;
	v0 =	vadd.f32 v0, v60  }
0x44a: {  	p3 =	slt.u32 s26, $0x3C;
	v4 =	vadd.f32 v4, v8;
	v62 =	vadd.f32 v13, v57  }
.Ltmp4:
0x44b: {  	v1 =	vadd.f32 v61, v1;
	v0 =	vadd.f32 v0, v9;
	(pc) =	sbr.rel @p3 .LBB2_6-.Ltmp4, $4  }
0x44c: {  	[tilespmem:s29+$0x1CE50] =	vst v3;
	v63 =	vadd.f32 v5, v62  }
0x44d: {  	[tilespmem:s31+$0x1CE50] =	vst v4;
	v0 =	vadd.f32 v0, v1  }
0x44e: {  	s31 =	sadd.s32 $0x4, s26;
	[tilespmem:s12+$0x1CE50] =	vst v63  }
0x44f: {  	p2 =	por $0x1, $0x1;
	s26 =	smov.u32 s31;
	[tilespmem:s13+$0x1CE50] =	vst v0  }
0x450: {  	v61 =	vld [tilespmem:$0x1FC20]  }
0x451: {  	v58 =	vld [tilespmem:$0x1FC30]  }
0x452: {  	v54 =	vld [tilespmem:$0x1FC60]  }
0x453: {  	v41 =	vld [tilespmem:$0x1FCE0]  }
0x454: {  	v56 =	vld [tilespmem:$0x1F7F0]  }
0x455: {  	v60 =	vld [tilespmem:$0x1FD30]  }
.LBB2_8:
0x456: {  	v62 =	vld [tilespmem:$0x1FE30]  }
0x457: {  	v4 =	vld [tilespmem:$0x1FE40]  }
0x458: {  	v55 =	vld [tilespmem:$0x1FE70]  }
0x459: {  	v6 =	vld [tilespmem:$0x1FE50]  }
0x45a: {  	v7 =	vld [tilespmem:$0x1FE80]  }
0x45b: {  	v8 =	vld [tilespmem:$0x1FE90]  }
0x45c: {  	v57 =	vld [tilespmem:$0x1FEA0]  }
0x45d: {  	v63 =	vld [tilespmem:$0x1FEB0]  }
0x45e: {  	v11 =	vld [tilespmem:$0x1FEC0]  }
0x45f: {  	v12 =	vld [tilespmem:$0x1FED0]  }
0x460: {  	v13 =	vld [tilespmem:$0x1FEE0]  }
0x461: {  	v14 =	vld [tilespmem:$0x1FEF0]  }
0x462: {  	v15 =	vld [tilespmem:$0x1FF00]  }
0x463: {  	v16 =	vld [tilespmem:$0x1FF10]  }
0x464: {  	v17 =	vld [tilespmem:$0x1FF20]  }
0x465: {  	v18 =	vld [tilespmem:$0x1FF30]  }
0x466: {  	v19 =	vld [tilespmem:$0x1FF40]  }
0x467: {  	v20 =	vld [tilespmem:$0x1FF50]  }
0x468: {  	v21 =	vld [tilespmem:$0x1FF60]  }
0x469: {  	v22 =	vld [tilespmem:$0x1FF70]  }
0x46a: {  	v23 =	vld [tilespmem:$0x1FF80]  }
0x46b: {  	v24 =	vld [tilespmem:$0x1FF90]  }
0x46c: {  	v25 =	vld [tilespmem:$0x1FFA0]  }
0x46d: {  	v26 =	vld [tilespmem:$0x1FFB0]  }
0x46e: {  	v27 =	vld [tilespmem:$0x1FFC0]  }
0x46f: {  	v28 =	vld [tilespmem:$0x1FFD0]  }
0x470: {  	v29 =	vld [tilespmem:$0x1FFE0]  }
0x471: {  	v30 =	vld [tilespmem:$0x1FFF0]  }
0x472: {  	v31 =	vld [tilespmem:$0x1F800]  }
0x473: {  	v32 =	vld [tilespmem:$0x1F810]  }
0x474: {  	v33 =	vld [tilespmem:$0x1F820]  }
0x475: {  	v34 =	vld [tilespmem:$0x1F830]  }
0x476: {  	v35 =	vld [tilespmem:$0x1F840]  }
0x477: {  	v36 =	vld [tilespmem:$0x1F860]  }
0x478: {  	v37 =	vld [tilespmem:$0x1F8A0]  }
0x479: {  	v42 =	vld [tilespmem:$0x1F8D0]  }
0x47a: {  	v43 =	vld [tilespmem:$0x1F920]  }
0x47b: {  	v44 =	vld [tilespmem:$0x1F940]  }
0x47c: {  	v0 =	vmov s24;
	v45 =	vld [tilespmem:$0x1F960]  }
0x47d: {  	v46 =	vld [tilespmem:$0x1F970];
	v0 =	vmul.u32 $0x68, v0  }
0x47e: {  	v47 =	vld [tilespmem:$0x1F990]  }
0x47f: {  	v48 =	vld [tilespmem:$0x1F9D0];
	v1 =	vbroadcast v0, $0x0  }
0x480: {  	v49 =	vld [tilespmem:$0x1FA20]  }
0x481: {  	v50 =	vld [tilespmem:$0x1FA50];
	v0 =	vadd.s32 v59, v1  }
0x482: {  	v51 =	vld [tilespmem:$0x1FAA0];
	v3 =	vadd.s32 v62, v1  }
0x483: {  	v52 =	vld [tilespmem:$0x1FAE0];
	v4 =	vadd.s32 v4, v1  }
0x484: {  	[tilespmem:$0x1F7F0] =	vst v56;
	v56 =	vld [tilespmem:$0x1FE20];
	v5 =	vadd.s32 v55, v1  }
0x485: {  	v6 =	vadd.s32 v6, v1;
	v38 =	vadd.s32 v42, v1;
	v42 =	vld [tilespmem:$0x1F980]  }
0x486: {  	v7 =	vadd.s32 v7, v1;
	v0 =	vld.idx.msk [tilespmem:v0+s16+$0x0], $0xffff  }
0x487: {  	v8 =	vadd.s32 v8, v1;
	v3 =	vld.idx.msk [tilespmem:v3+s16+$0x0], $0xffff  }
0x488: {  	v9 =	vadd.s32 v57, v1;
	v4 =	vld.idx.msk [tilespmem:v4+s16+$0x0], $0xffff  }
0x489: {  	v10 =	vadd.s32 v63, v1;
	v5 =	vld.idx.msk [tilespmem:v5+s16+$0x0], $0xffff  }
0x48a: {  	v11 =	vadd.s32 v11, v1;
	v6 =	vld.idx.msk [tilespmem:v6+s16+$0x0], $0xffff  }
0x48b: {  	v12 =	vadd.s32 v12, v1;
	v7 =	vld.idx.msk [tilespmem:v7+s16+$0x0], $0xffff  }
0x48c: {  	v13 =	vadd.s32 v13, v1;
	v8 =	vld.idx.msk [tilespmem:v8+s16+$0x0], $0xffff  }
0x48d: {  	v14 =	vadd.s32 v14, v1;
	v9 =	vld.idx.msk [tilespmem:v9+s16+$0x0], $0xffff  }
0x48e: {  	v15 =	vadd.s32 v15, v1;
	v10 =	vld.idx.msk [tilespmem:v10+s16+$0x0], $0xffff  }
0x48f: {  	v16 =	vadd.s32 v16, v1;
	v11 =	vld.idx.msk [tilespmem:v11+s16+$0x0], $0xffff  }
0x490: {  	v17 =	vadd.s32 v17, v1;
	v12 =	vld.idx.msk [tilespmem:v12+s16+$0x0], $0xffff  }
0x491: {  	v18 =	vadd.s32 v18, v1;
	v13 =	vld.idx.msk [tilespmem:v13+s16+$0x0], $0xffff  }
0x492: {  	v19 =	vadd.s32 v19, v1;
	v14 =	vld.idx.msk [tilespmem:v14+s16+$0x0], $0xffff  }
0x493: {  	v20 =	vadd.s32 v20, v1;
	v15 =	vld.idx.msk [tilespmem:v15+s16+$0x0], $0xffff  }
0x494: {  	v21 =	vadd.s32 v21, v1;
	v16 =	vld.idx.msk [tilespmem:v16+s16+$0x0], $0xffff  }
0x495: {  	v22 =	vadd.s32 v22, v1;
	v17 =	vld.idx.msk [tilespmem:v17+s16+$0x0], $0xffff  }
0x496: {  	v23 =	vadd.s32 v23, v1;
	v18 =	vld.idx.msk [tilespmem:v18+s16+$0x0], $0xffff  }
0x497: {  	v24 =	vadd.s32 v24, v1;
	v19 =	vld.idx.msk [tilespmem:v19+s16+$0x0], $0xffff  }
0x498: {  	v25 =	vadd.s32 v25, v1;
	v20 =	vld.idx.msk [tilespmem:v20+s16+$0x0], $0xffff  }
0x499: {  	v26 =	vadd.s32 v26, v1;
	v21 =	vld.idx.msk [tilespmem:v21+s16+$0x0], $0xffff  }
0x49a: {  	v27 =	vadd.s32 v27, v1;
	v22 =	vld.idx.msk [tilespmem:v22+s16+$0x0], $0xffff  }
0x49b: {  	v28 =	vadd.s32 v28, v1;
	v23 =	vld.idx.msk [tilespmem:v23+s16+$0x0], $0xffff  }
0x49c: {  	v29 =	vadd.s32 v29, v1;
	v24 =	vld.idx.msk [tilespmem:v24+s16+$0x0], $0xffff  }
0x49d: {  	v30 =	vadd.s32 v30, v1;
	v25 =	vld.idx.msk [tilespmem:v25+s16+$0x0], $0xffff  }
0x49e: {  	v31 =	vadd.s32 v31, v1;
	v26 =	vld.idx.msk [tilespmem:v26+s16+$0x0], $0xffff  }
0x49f: {  	v32 =	vadd.s32 v32, v1;
	v27 =	vld.idx.msk [tilespmem:v27+s16+$0x0], $0xffff  }
0x4a0: {  	v33 =	vadd.s32 v33, v1;
	v28 =	vld.idx.msk [tilespmem:v28+s16+$0x0], $0xffff  }
0x4a1: {  	v34 =	vadd.s32 v34, v1;
	v29 =	vld.idx.msk [tilespmem:v29+s16+$0x0], $0xffff  }
0x4a2: {  	v35 =	vadd.s32 v35, v1;
	v30 =	vld.idx.msk [tilespmem:v30+s16+$0x0], $0xffff  }
0x4a3: {  	v36 =	vadd.s32 v36, v1;
	v31 =	vld.idx.msk [tilespmem:v31+s16+$0x0], $0xffff  }
0x4a4: {  	v37 =	vadd.s32 v37, v1;
	v32 =	vld.idx.msk [tilespmem:v32+s16+$0x0], $0xffff  }
0x4a5: {  	v53 =	vld.idx.msk [tilespmem:v33+s16+$0x0], $0xffff  }
0x4a6: {  	v39 =	vadd.s32 v43, v1;
	v34 =	vld.idx.msk [tilespmem:v34+s16+$0x0], $0xffff  }
0x4a7: {  	v40 =	vadd.s32 v44, v1;
	v35 =	vld.idx.msk [tilespmem:v35+s16+$0x0], $0xffff  }
0x4a8: {  	v33 =	vld.idx.msk [tilespmem:v36+s16+$0x0], $0xffff  }
0x4a9: {  	v2 =	vadd.s32 v56, v1;
	v43 =	vld.idx.msk [tilespmem:v37+s16+$0x0], $0xffff  }
0x4aa: {  	v36 =	vadd.s32 v45, v1;
	v38 =	vld.idx.msk [tilespmem:v38+s16+$0x0], $0xffff  }
0x4ab: {  	v37 =	vadd.s32 v46, v1;
	v44 =	vld.idx.msk [tilespmem:v39+s16+$0x0], $0xffff  }
0x4ac: {  	v42 =	vadd.s32 v42, v1;
	v40 =	vld.idx.msk [tilespmem:v40+s16+$0x0], $0xffff  }
0x4ad: {  	v39 =	vadd.s32 v47, v1;
	v45 =	vld [tilespmem:$0x1F9A0]  }
0x4ae: {  	v2 =	vld.idx.msk [tilespmem:v2+s16+$0x0], $0xffff  }
0x4af: {  	v46 =	vld.idx.msk [tilespmem:v36+s16+$0x0], $0xffff  }
0x4b0: {  	v47 =	vld.idx.msk [tilespmem:v37+s16+$0x0], $0xffff  }
0x4b1: {  	v36 =	vadd.s32 v48, v1;
	v48 =	vld.idx.msk [tilespmem:v42+s16+$0x0], $0xffff  }
0x4b2: {  	v45 =	vadd.s32 v45, v1;
	v37 =	vadd.s32 v49, v1;
	v49 =	vld.idx.msk [tilespmem:v39+s16+$0x0], $0xffff;
	v30 =	vadd.f32 v30, v29  }
0x4b3: {  	v42 =	vadd.s32 v50, v1;
	v50 =	vld [tilespmem:$0x1FAD0];
	v0 =	vadd.f32 v2, v0;
	v2 =	vadd.f32 v4, v3  }
0x4b4: {  	v29 =	vld [tilespmem:$0x1FBD0];
	v4 =	vadd.f32 v6, v5;
	v6 =	vadd.f32 v8, v7  }
0x4b5: {  	v32 =	vadd.f32 v32, v31;
	v31 =	vld [tilespmem:$0x1FBE0]  }
0x4b6: {  	v39 =	vadd.s32 v51, v1;
	v8 =	vld [tilespmem:$0x1FAF0];
	v0 =	vadd.f32 v2, v0;
	v2 =	vadd.f32 v6, v4  }
0x4b7: {  	v6 =	vadd.f32 v18, v17;
	v17 =	vadd.f32 v20, v19;
	v20 =	vld [tilespmem:$0x1FB40]  }
0x4b8: {  	v45 =	vld.idx.msk [tilespmem:v45+s16+$0x0], $0xffff  }
0x4b9: {  	v51 =	vld.idx.msk [tilespmem:v36+s16+$0x0], $0xffff  }
0x4ba: {  	v3 =	vadd.s32 v52, v1;
	v52 =	vld.idx.msk [tilespmem:v37+s16+$0x0], $0xffff  }
0x4bb: {  	v5 =	vld.idx.msk [tilespmem:v39+s16+$0x0], $0xffff  }
0x4bc: {  	v36 =	vadd.f32 v16, v15;
	v15 =	vld [tilespmem:$0x1FB10]  }
0x4bd: {  	v18 =	vadd.f32 v22, v21;
	v50 =	vadd.s32 v50, v1;
	v16 =	vld [tilespmem:$0x1FB20]  }
0x4be: {  	v39 =	vadd.f32 v24, v23;
	v0 =	vadd.f32 v2, v0;
	v2 =	vadd.s32 v58, v1;
	v58 =	vld [tilespmem:$0x1FC40]  }
0x4bf: {  	v7 =	vadd.s32 v8, v1;
	v8 =	vadd.f32 v10, v9;
	v10 =	vadd.f32 v12, v11;
	v11 =	vld.idx.msk [tilespmem:v42+s16+$0x0], $0xffff  }
0x4c0: {  	v14 =	vadd.f32 v14, v13;
	v12 =	vld [tilespmem:$0x1FB00]  }
0x4c1: {  	v6 =	vadd.f32 v17, v6;
	v13 =	vld.idx.msk [tilespmem:v3+s16+$0x0], $0xffff;
	v39 =	vadd.f32 v39, v18  }
0x4c2: {  	v42 =	vld [tilespmem:$0x1FB80]  }
0x4c3: {  	v6 =	vadd.f32 v39, v6;
	v39 =	vld [tilespmem:$0x1FC00]  }
0x4c4: {  	v9 =	vld.idx.msk [tilespmem:v50+s16+$0x0], $0xffff  }
0x4c5: {  	v3 =	vadd.s32 v20, v1;
	v50 =	vadd.f32 v28, v27;
	v28 =	vld [tilespmem:$0x1FBA0]  }
0x4c6: {  	v37 =	vadd.s32 v15, v1;
	v2 =	vld.idx.msk [tilespmem:v2+s16+$0x0], $0xffff  }
0x4c7: {  	v22 =	vadd.f32 v26, v25;
	v15 =	vld.idx.msk [tilespmem:v7+s16+$0x0], $0xffff  }
0x4c8: {  	v4 =	vadd.s32 v16, v1;
	v7 =	vadd.s32 v42, v1;
	v42 =	vld [tilespmem:$0x1FBC0]  }
0x4c9: {  	v12 =	vadd.s32 v12, v1;
	v50 =	vadd.f32 v50, v22;
	v22 =	vld [tilespmem:$0x1FC50]  }
0x4ca: {  	v23 =	vld.idx.msk [tilespmem:v3+s16+$0x0], $0xffff  }
0x4cb: {  	v19 =	vld.idx.msk [tilespmem:v37+s16+$0x0], $0xffff  }
0x4cc: {  	v37 =	vld [tilespmem:$0x1FBB0]  }
0x4cd: {  	v3 =	vadd.s32 v29, v1;
	v21 =	vld.idx.msk [tilespmem:v4+s16+$0x0], $0xffff  }
0x4ce: {  	v16 =	vld.idx.msk [tilespmem:v12+s16+$0x0], $0xffff;
	v12 =	vadd.s32 v28, v1  }
0x4cf: {  	v4 =	vadd.s32 v42, v1;
	v26 =	vld.idx.msk [tilespmem:v7+s16+$0x0], $0xffff  }
0x4d0: {  	v28 =	vadd.f32 v32, v30;
	v30 =	vadd.f32 v36, v14;
	v7 =	vadd.s32 v31, v1;
	v36 =	vld [tilespmem:$0x1FBF0]  }
0x4d1: {  	v8 =	vadd.f32 v10, v8;
	v42 =	vld [tilespmem:$0x1FC10]  }
0x4d2: {  	v29 =	vld.idx.msk [tilespmem:v3+s16+$0x0], $0xffff;
	v27 =	vadd.s32 v37, v1  }
0x4d3: {  	v32 =	vadd.f32 v28, v50;
	v37 =	vadd.f32 v30, v8;
	v8 =	vadd.s32 v39, v1;
	v18 =	vld.idx.msk [tilespmem:v12+s16+$0x0], $0xffff  }
0x4d4: {  	v28 =	vld.idx.msk [tilespmem:v4+s16+$0x0], $0xffff  }
0x4d5: {  	v6 =	vadd.f32 v32, v6;
	v30 =	vld.idx.msk [tilespmem:v7+s16+$0x0], $0xffff  }
0x4d6: {  	v12 =	vadd.s32 v36, v1;
	v4 =	vadd.s32 v42, v1;
	v42 =	vadd.f32 v37, v0;
	v37 =	vld [tilespmem:$0x1FC70]  }
0x4d7: {  	v39 =	vsub.f32 $0.0e+00, v6;
	v27 =	vld.idx.msk [tilespmem:v27+s16+$0x0], $0xffff  }
0x4d8: {  	v50 =	vand.u32 $0x7FFFFFFF, v42;
	v32 =	vld.idx.msk [tilespmem:v8+s16+$0x0], $0xffff  }
0x4d9: {  	v20 =	vand.u32 $0x7FFFFFFF, v39;
	v17 =	vsub.f32 $0.0e+00, v50;
	v50 =	vld [tilespmem:$0x1FC80]  }
0x4da: {  	v0 =	vadd.s32 v61, v1;
	v24 =	vsub.f32 $0.0e+00, v20;
	v20 =	vadd.f32 v33, v35;
	v35 =	vld [tilespmem:$0x1FD40]  }
0x4db: {  	v61 =	vadd.s32 v58, v1;
	v31 =	vld.idx.msk [tilespmem:v12+s16+$0x0], $0xffff  }
0x4dc: {  	v58 =	vld.idx.msk [tilespmem:v4+s16+$0x0], $0xffff  }
0x4dd: {  	v4 =	vadd.f32 v38, v43;
	v43 =	vadd.f32 v40, v44;
	v44 =	vld [tilespmem:$0x1FCC0]  }
0x4de: {  	v25 =	vadd.s32 v54, v1;
	v38 =	vadd.s32 v41, v1;
	v41 =	vld [tilespmem:$0x1FCF0]  }
0x4df: {  	v8 =	vadd.s32 v22, v1;
	v54 =	vld.idx.msk [tilespmem:v0+s16+$0x0], $0xffff  }
0x4e0: {  	v7 =	vld.idx.msk [tilespmem:v61+s16+$0x0], $0xffff  }
0x4e1: {  	v36 =	vmul.f32 $1.442695020e+00, v17;
	v61 =	vld [tilespmem:$0x1FC90]  }
0x4e2: {  	v40 =	vadd.f32 v43, v4;
	v4 =	vld [tilespmem:$0x1FD10]  }
0x4e3: {  	v17 =	vadd.f32 v34, v53;
	(erf) = vpow2.f32 v36;
	v36 =	vld.idx.msk [tilespmem:v25+s16+$0x0], $0xffff  }
0x4e4: {  	v0 =	vadd.s32 v37, v1;
	v37 =	vld.idx.msk [tilespmem:v8+s16+$0x0], $0xffff  }
0x4e5: {  	[tilespmem:$0x1F740] =	vst v2;
	v17 =	vadd.f32 v20, v17;
	v2 =	vadd.s32 v50, v1;
	v50 =	vld [tilespmem:$0x1FCA0]  }
0x4e6: {  	v25 =	vld.idx.msk [tilespmem:v38+s16+$0x0], $0xffff  }
0x4e7: {  	v17 =	vadd.f32 v40, v17;
	v40 =	vld [tilespmem:$0x1FD90]  }
0x4e8: {  	v46 =	vadd.f32 v47, v46;
	v47 =	vadd.f32 v49, v48;
	v6 =	vadd.s32 v61, v1;
	v61 =	vld [tilespmem:$0x1FCB0]  }
0x4e9: {  	v53 =	vld.idx.msk [tilespmem:v0+s16+$0x0], $0xffff;
	v0 =	vadd.s32 v44, v1  }
0x4ea: {  	v10 =	vmul.f32 $1.442695020e+00, v24;
	v43 =	vadd.s32 v41, v1;
	v44 =	vadd.f32 v47, v46;
	v46 =	vld [tilespmem:$0x1FD00]  }
0x4eb: {  	[tilespmem:$0x1F750] =	vst v37;
	v37 =	vld.idx.msk [tilespmem:v2+s16+$0x0], $0xffff  }
0x4ec: {  	(erf) = vpow2.f32 v10;
	v10 =	vadd.s32 v50, v1;
	v50 =	vld [tilespmem:$0x1FCD0]  }
0x4ed: {  	v33 =	vadd.s32 v60, v1;
	v8 =	vld.idx.msk [tilespmem:v6+s16+$0x0], $0xffff  }
0x4ee: {  	v11 =	vadd.f32 v11, v52;
	v12 =	vadd.s32 v61, v1;
	v61 =	vadd.f32 v51, v45;
	v49 =	vld.idx.msk [tilespmem:v0+s16+$0x0], $0xffff  }
0x4ef: {  	[tilespmem:$0x1F780] =	vst v25;
	v6 =	vadd.s32 v4, v1;
	v51 =	vld.idx.msk [tilespmem:v43+s16+$0x0], $0xffff;
	v25 =	vpop (erf)  }
0x4f0: {  	v47 =	vadd.s32 v46, v1;
	v11 =	vadd.f32 v11, v61;
	v61 =	vld [tilespmem:$0x1FD20];
	v38 =	vmul.f32 $1.024382840e-02, v25  }
0x4f1: {  	v48 =	vld.idx.msk [tilespmem:v10+s16+$0x0], $0xffff  }
0x4f2: {  	v2 =	vadd.s32 v50, v1;
	v50 =	vadd.f32 $-5.326747890e-02, v38;
	v38 =	vld.idx.msk [tilespmem:v33+s16+$0x0], $0xffff  }
0x4f3: {  	v11 =	vadd.f32 v11, v44;
	v45 =	vld.idx.msk [tilespmem:v12+s16+$0x0], $0xffff  }
0x4f4: {  	v52 =	vld.idx.msk [tilespmem:v6+s16+$0x0], $0xffff  }
0x4f5: {  	v10 =	vadd.s32 v35, v1;
	v34 =	vadd.f32 v11, v17;
	v11 =	vld.idx.msk [tilespmem:v47+s16+$0x0], $0xffff  }
0x4f6: {  	v47 =	vld [tilespmem:$0x1FD60]  }
0x4f7: {  	v17 =	vld [tilespmem:$0x1FDF0]  }
0x4f8: {  	v33 =	vpop (erf);
	v0 =	vadd.s32 v61, v1;
	v61 =	vld [tilespmem:$0x1FD70]  }
0x4f9: {  	v41 =	vmul.f32 v50, v25;
	v50 =	vmul.f32 $1.024382840e-02, v33;
	v2 =	vld.idx.msk [tilespmem:v2+s16+$0x0], $0xffff  }
0x4fa: {  	v10 =	vld.idx.msk [tilespmem:v10+s16+$0x0], $0xffff  }
0x4fb: {  	v35 =	vadd.f32 $-5.326747890e-02, v50;
	v50 =	vld [tilespmem:$0x1FDD0]  }
0x4fc: {  	v24 =	vadd.f32 $1.319896580e-01, v41;
	v41 =	vld [tilespmem:$0x1FE50]  }
0x4fd: {  	[tilespmem:$0x1F760] =	vst v45;
	v45 =	vld [tilespmem:$0x1FD50]  }
0x4fe: {  	[tilespmem:$0x1F790] =	vst v52;
	v52 =	vld [tilespmem:$0x1FDA0]  }
0x4ff: {  	v14 =	vadd.s32 v40, v1;
	v22 =	vadd.s32 v47, v1;
	v47 =	vld [tilespmem:$0x1FD80]  }
0x500: {  	v11 =	vadd.f32 v11, v51;
	v51 =	vld [tilespmem:$0x1F8A0];
	v4 =	vadd.s32 v61, v1  }
0x501: {  	v24 =	vmul.f32 v24, v25;
	v60 =	vld.idx.msk [tilespmem:v0+s16+$0x0], $0xffff  }
0x502: {  	v43 =	vsub.f32 $0.0e+00, v34;
	v61 =	vld [tilespmem:$0x1FDB0]  }
0x503: {  	v44 =	vadd.f32 $-2.239668970e-01, v24;
	v24 =	vld [tilespmem:$0x1FE00];
	v46 =	vadd.s32 v45, v1  }
0x504: {  	[tilespmem:$0x1F7A0] =	vst v38;
	v6 =	vand.u32 $0x7FFFFFFF, v43;
	v38 =	vadd.s32 v52, v1;
	v45 =	vld.idx.msk [tilespmem:v14+s16+$0x0], $0xffff  }
0x505: {  	v20 =	vsub.f32 $0.0e+00, v6;
	v34 =	vadd.s32 v47, v1;
	v52 =	vld.idx.msk [tilespmem:v4+s16+$0x0], $0xffff  }
0x506: {  	v4 =	vld [tilespmem:$0x1FDC0]  }
0x507: {  	v20 =	vmul.f32 $1.442695020e+00, v20;
	v12 =	vld.idx.msk [tilespmem:v22+s16+$0x0], $0xffff;
	v22 =	vadd.s32 v61, v1  }
0x508: {  	v61 =	vadd.s32 v50, v1;
	v47 =	vld.idx.msk [tilespmem:v46+s16+$0x0], $0xffff  }
0x509: {  	s3 =	sor.u32 $0x10, s24;
	(erf) = vpow2.f32 v20;
	v50 =	vadd.s32 v24, v1;
	v20 =	vld.idx.msk [tilespmem:v38+s16+$0x0], $0xffff  }
0x50a: {  	v6 =	vmov s3;
	v14 =	vld.idx.msk [tilespmem:v34+s16+$0x0], $0xffff  }
0x50b: {  	v38 =	vadd.s32 v17, v1;
	v40 =	vadd.s32 v4, v1;
	v4 =	vmul.u32 $0x68, v6;
	v6 =	vld [tilespmem:$0x1FDE0]  }
0x50c: {  	v22 =	vld.idx.msk [tilespmem:v22+s16+$0x0], $0xffff  }
0x50d: {  	v24 =	vld.idx.msk [tilespmem:v61+s16+$0x0], $0xffff  }
0x50e: {  	v61 =	vadd.f32 v28, v27;
	v28 =	vld.idx.msk [tilespmem:v50+s16+$0x0], $0xffff;
	v34 =	vbroadcast v4, $0x0  }
0x50f: {  	v45 =	vadd.f32 v45, v52;
	v52 =	vld [tilespmem:$0x1F9A0]  }
0x510: {  	v5 =	vadd.f32 v9, v5;
	v9 =	vadd.f32 v15, v13;
	v27 =	vld.idx.msk [tilespmem:v38+s16+$0x0], $0xffff;
	v13 =	vadd.s32 v59, v34  }
0x511: {  	v59 =	vadd.s32 v56, v34;
	v56 =	vld [tilespmem:$0x1FE80]  }
0x512: {  	v4 =	vadd.s32 v62, v34;
	v62 =	vld [tilespmem:$0x1FE90]  }
0x513: {  	v15 =	vadd.f32 v19, v16;
	v16 =	vadd.s32 v55, v34;
	v17 =	vld.idx.msk [tilespmem:v40+s16+$0x0], $0xffff;
	v40 =	vadd.f32 v23, v21  }
0x514: {  	v46 =	vadd.s32 v6, v1;
	v6 =	vadd.f32 v32, v31;
	v32 =	vld [tilespmem:$0x1FE40]  }
0x515: {  	v18 =	vadd.f32 v18, v26;
	v15 =	vadd.f32 v40, v15;
	v40 =	vld.idx.msk [tilespmem:v13+s16+$0x0], $0xffff  }
0x516: {  	v29 =	vadd.f32 v30, v29;
	v55 =	vld.idx.msk [tilespmem:v59+s16+$0x0], $0xffff  }
0x517: {  	v9 =	vadd.f32 v9, v5;
	v18 =	vadd.f32 v61, v18;
	v61 =	vld.idx.msk [tilespmem:v4+s16+$0x0], $0xffff  }
0x518: {  	v38 =	vadd.f32 v6, v29;
	v13 =	vadd.s32 v41, v34;
	v41 =	vld.idx.msk [tilespmem:v16+s16+$0x0], $0xffff  }
0x519: {  	v35 =	vmul.f32 v35, v33;
	v19 =	vadd.s32 v56, v34;
	v9 =	vadd.f32 v15, v9;
	v56 =	vld [tilespmem:$0x1FEC0]  }
0x51a: {  	v59 =	vadd.f32 v38, v18;
	v4 =	vadd.s32 v62, v34;
	v62 =	vld [tilespmem:$0x1FEE0];
	v31 =	vadd.s32 v32, v34;
	v32 =	vpop (erf)  }
0x51b: {  	v35 =	vadd.f32 $1.319896580e-01, v35;
	v5 =	vmul.f32 v44, v25;
	v26 =	vld.idx.msk [tilespmem:v46+s16+$0x0], $0xffff;
	v50 =	vmul.f32 $1.024382840e-02, v32  }
0x51c: {  	v9 =	vadd.f32 v59, v9;
	v59 =	vld [tilespmem:$0x1FED0]  }
0x51d: {  	v46 =	vmul.f32 v35, v33;
	v6 =	vadd.f32 $-5.326747890e-02, v50;
	v50 =	vadd.f32 $3.275117280e-01, v5;
	v5 =	vld [tilespmem:$0x1FEF0]  }
0x51e: {  	v35 =	vadd.s32 v57, v34;
	v44 =	vld.idx.msk [tilespmem:v13+s16+$0x0], $0xffff  }
0x51f: {  	v29 =	vadd.f32 $-2.239668970e-01, v46;
	v46 =	vld.idx.msk [tilespmem:v19+s16+$0x0], $0xffff  }
0x520: {  	v38 =	vadd.s32 v63, v34;
	v18 =	vadd.s32 v62, v34;
	v62 =	vld [tilespmem:$0x1FF10]  }
0x521: {  	[tilespmem:$0x1F7B0] =	vst v40;
	v40 =	vld.idx.msk [tilespmem:v31+s16+$0x0], $0xffff  }
0x522: {  	v16 =	vmul.f32 v50, v25;
	v50 =	vld.idx.msk [tilespmem:v4+s16+$0x0], $0xffff  }
0x523: {  	v9 =	vsub.f32 $0.0e+00, v9;
	v13 =	vadd.s32 v56, v34;
	v57 =	vmul.f32 v29, v33;
	v4 =	vld.idx.msk [tilespmem:v35+s16+$0x0], $0xffff  }
0x524: {  	v35 =	vld [tilespmem:$0x1FF00]  }
0x525: {  	[tilespmem:$0x1F7C0] =	vst v55;
	v63 =	vand.u32 $0x7FFFFFFF, v9;
	v23 =	vadd.f32 $3.275117280e-01, v57;
	v57 =	vld.idx.msk [tilespmem:v38+s16+$0x0], $0xffff  }
0x526: {  	[tilespmem:$0x1F7D0] =	vst v61;
	v55 =	vmul.f32 v6, v32;
	v61 =	vadd.s32 v59, v34;
	v29 =	vsub.f32 $0.0e+00, v63;
	v63 =	vld [tilespmem:$0x1FF20]  }
0x527: {  	v38 =	vadd.f32 $-4.993339480e-01, v16;
	v6 =	vadd.s32 v5, v34;
	v5 =	vld [tilespmem:$0x1FF30]  }
0x528: {  	v21 =	vadd.f32 $1.319896580e-01, v55;
	v55 =	vmul.f32 v23, v33;
	v59 =	vld.idx.msk [tilespmem:v13+s16+$0x0], $0xffff  }
0x529: {  	[tilespmem:$0x1F7E0] =	vst v4;
	v4 =	vmul.f32 v38, v25;
	v38 =	vld.idx.msk [tilespmem:v18+s16+$0x0], $0xffff  }
0x52a: {  	v16 =	vadd.f32 $-4.993339480e-01, v55;
	v55 =	vld [tilespmem:$0x1FF50]  }
0x52b: {  	v23 =	vadd.s32 v62, v34;
	v61 =	vld.idx.msk [tilespmem:v61+s16+$0x0], $0xffff  }
0x52c: {  	v31 =	vadd.s32 v35, v34;
	v62 =	vadd.s32 v63, v34;
	v63 =	vld [tilespmem:$0x1FF60]  }
0x52d: {  	v21 =	vmul.f32 v21, v32;
	v35 =	vld.idx.msk [tilespmem:v6+s16+$0x0], $0xffff  }
0x52e: {  	v6 =	vld [tilespmem:$0x1FF40]  }
0x52f: {  	v21 =	vadd.f32 $-2.239668970e-01, v21;
	v16 =	vmul.f32 v16, v33;
	v18 =	vadd.s32 v5, v34;
	v5 =	vld [tilespmem:$0x1FF70]  }
0x530: {  	v23 =	vld.idx.msk [tilespmem:v23+s16+$0x0], $0xffff  }
0x531: {  	v13 =	vadd.f32 $9.999702570e-01, v4;
	v21 =	vmul.f32 v21, v32;
	v4 =	vadd.f32 $9.999702570e-01, v16;
	v19 =	vld.idx.msk [tilespmem:v31+s16+$0x0], $0xffff  }
0x532: {  	v62 =	vld.idx.msk [tilespmem:v62+s16+$0x0], $0xffff  }
0x533: {  	v21 =	vadd.f32 $3.275117280e-01, v21;
	v30 =	vmul.f32 v4, v33;
	v33 =	vld [tilespmem:$0x1FF90]  }
0x534: {  	v29 =	vmul.f32 $1.442695020e+00, v29;
	v56 =	vadd.s32 v55, v34;
	v4 =	vld [tilespmem:$0x1FFB0]  }
0x535: {  	v25 =	vmul.f32 v13, v25;
	v13 =	vmul.f32 v21, v32;
	v21 =	vld [tilespmem:$0x1FF80]  }
0x536: {  	(erf) = vpow2.f32 v29;
	v29 =	vadd.s32 v6, v34;
	v16 =	vld.idx.msk [tilespmem:v18+s16+$0x0], $0xffff  }
0x537: {  	v63 =	vadd.s32 v63, v34;
	v6 =	vadd.s32 v5, v34;
	v5 =	vld [tilespmem:$0x1FFC0]  }
0x538: {  	v0 =	vadd.f32 $-4.993339480e-01, v13;
	v13 =	vld [tilespmem:$0x1FFD0]  }
0x539: {  	v55 =	vmin.f32 v42, $0.0e+00;
	v42 =	vld.idx.msk [tilespmem:v56+s16+$0x0], $0xffff  }
0x53a: {  	v25 =	vadd.f32 $2.215976450e-07, v25;
	v56 =	vld [tilespmem:$0x1FFA0]  }
0x53b: {  	v18 =	vadd.s32 v21, v34;
	v21 =	vld.idx.msk [tilespmem:v29+s16+$0x0], $0xffff  }
0x53c: {  	v0 =	vmul.f32 v0, v32;
	v29 =	vadd.s32 v33, v34;
	v33 =	vsub.f32 v55, v25;
	v25 =	vld.idx.msk [tilespmem:v63+s16+$0x0], $0xffff  }
0x53d: {  	v15 =	vld.idx.msk [tilespmem:v6+s16+$0x0], $0xffff  }
0x53e: {  	v39 =	vmin.f32 v39, $0.0e+00;
	v6 =	vld [tilespmem:$0x1F7F0];
	v55 =	vadd.f32 $9.999702570e-01, v0  }
0x53f: {  	[tilespmem:$0x1F770] =	vst v2;
	v30 =	vadd.f32 $2.215976450e-07, v30;
	v2 =	vadd.s32 v13, v34;
	v13 =	vld [tilespmem:$0x1FFE0]  }
0x540: {  	v63 =	vadd.s32 v4, v34;
	v4 =	vadd.s32 v5, v34;
	v5 =	vmul.f32 v55, v32;
	v55 =	vld [tilespmem:$0x1F800]  }
0x541: {  	v30 =	vsub.f32 v39, v30;
	v39 =	vpop (erf);
	v32 =	vadd.f32 v54, v58;
	v58 =	vld [tilespmem:$0x1F810]  }
0x542: {  	v31 =	vadd.s32 v56, v34;
	v56 =	vmul.f32 $1.024382840e-02, v39;
	v54 =	vld [tilespmem:$0x1F750]  }
0x543: {  	v18 =	vld.idx.msk [tilespmem:v18+s16+$0x0], $0xffff  }
0x544: {  	v0 =	vadd.f32 $-5.326747890e-02, v56;
	v56 =	vld [tilespmem:$0x1F740]  }
0x545: {  	v33 =	vadd.f32 v33, v6;
	v29 =	vld.idx.msk [tilespmem:v29+s16+$0x0], $0xffff  }
0x546: {  	v3 =	vadd.s32 v13, v34;
	v13 =	vld.idx.msk [tilespmem:v4+s16+$0x0], $0xffff  }
0x547: {  	v6 =	vadd.f32 v30, v33;
	v30 =	vld.idx.msk [tilespmem:v31+s16+$0x0], $0xffff  }
0x548: {  	v33 =	vld [tilespmem:$0x1FFF0]  }
0x549: {  	v31 =	vld.idx.msk [tilespmem:v63+s16+$0x0], $0xffff  }
0x54a: {  	v4 =	vadd.s32 v58, v34;
	v58 =	vld [tilespmem:$0x1F760]  }
0x54b: {  	v1 =	vadd.f32 v7, v56;
	v56 =	vld [tilespmem:$0x1F830]  }
0x54c: {  	v63 =	vadd.s32 v55, v34;
	v55 =	vld [tilespmem:$0x1F820]  }
0x54d: {  	v36 =	vadd.f32 v36, v54;
	v54 =	vld [tilespmem:$0x1F770]  }
0x54e: {  	v48 =	vadd.f32 v48, v8;
	v8 =	vld.idx.msk [tilespmem:v3+s16+$0x0], $0xffff  }
0x54f: {  	v37 =	vadd.f32 v37, v53;
	v53 =	vadd.f32 v49, v58;
	v58 =	vld [tilespmem:$0x1F780]  }
0x550: {  	v3 =	vadd.s32 v56, v34;
	v56 =	vld [tilespmem:$0x1F840]  }
0x551: {  	v7 =	vld.idx.msk [tilespmem:v2+s16+$0x0], $0xffff  }
0x552: {  	v1 =	vadd.f32 v1, v32;
	v33 =	vadd.s32 v33, v34;
	v32 =	vld.idx.msk [tilespmem:v4+s16+$0x0], $0xffff  }
0x553: {  	v36 =	vadd.f32 v37, v36;
	v2 =	vadd.s32 v55, v34;
	v37 =	vadd.f32 v53, v48;
	v53 =	vld [tilespmem:$0x1F8D0]  }
0x554: {  	v4 =	vadd.s32 v51, v34;
	v55 =	vld [tilespmem:$0x1F920]  }
0x555: {  	v49 =	vadd.s32 v56, v34;
	v56 =	vadd.f32 v58, v54;
	v54 =	vld.idx.msk [tilespmem:v63+s16+$0x0], $0xffff  }
0x556: {  	v63 =	vld [tilespmem:$0x1F860]  }
0x557: {  	v33 =	vld.idx.msk [tilespmem:v33+s16+$0x0], $0xffff  }
0x558: {  	v2 =	vld.idx.msk [tilespmem:v2+s16+$0x0], $0xffff;
	v48 =	vadd.s32 v53, v34  }
0x559: {  	v20 =	vadd.f32 v20, v14;
	v14 =	vld.idx.msk [tilespmem:v4+s16+$0x0], $0xffff  }
0x55a: {  	v53 =	vadd.f32 v11, v56;
	v56 =	vld [tilespmem:$0x1F790]  }
0x55b: {  	v11 =	vld.idx.msk [tilespmem:v3+s16+$0x0], $0xffff;
	v58 =	vadd.s32 v63, v34  }
0x55c: {  	v63 =	vld [tilespmem:$0x1F7A0]  }
0x55d: {  	v22 =	vadd.f32 v17, v22;
	v17 =	vld.idx.msk [tilespmem:v48+s16+$0x0], $0xffff  }
0x55e: {  	v3 =	vadd.s32 v55, v34;
	v32 =	vadd.f32 v32, v54;
	v54 =	vld [tilespmem:$0x1FC60]  }
0x55f: {  	v51 =	vadd.f32 v56, v60;
	v60 =	vld [tilespmem:$0x1F940]  }
0x560: {  	v47 =	vadd.f32 v12, v47;
	v12 =	vld.idx.msk [tilespmem:v58+s16+$0x0], $0xffff  }
0x561: {  	v0 =	vmul.f32 v0, v39;
	v55 =	vadd.f32 v10, v63;
	v63 =	vld [tilespmem:$0x1F960]  }
0x562: {  	v58 =	vld [tilespmem:$0x1F970]  }
0x563: {  	v24 =	vadd.f32 v26, v24;
	v0 =	vadd.f32 $1.319896580e-01, v0;
	v26 =	vld.idx.msk [tilespmem:v3+s16+$0x0], $0xffff  }
0x564: {  	v10 =	vld.idx.msk [tilespmem:v49+s16+$0x0], $0xffff;
	v49 =	vadd.s32 v60, v34  }
0x565: {  	v0 =	vmul.f32 v0, v39;
	v60 =	vld [tilespmem:$0x1F980]  }
0x566: {  	v51 =	vadd.f32 v55, v51;
	v55 =	vld [tilespmem:$0x1FAF0];
	v56 =	vadd.s32 v63, v34  }
0x567: {  	v0 =	vadd.f32 $-2.239668970e-01, v0;
	v4 =	vadd.s32 v58, v34;
	v63 =	vld [tilespmem:$0x1F990]  }
0x568: {  	v58 =	vld [tilespmem:$0x1F9D0]  }
0x569: {  	v27 =	vadd.f32 v28, v27;
	v0 =	vmul.f32 v0, v39;
	v28 =	vld.idx.msk [tilespmem:v49+s16+$0x0], $0xffff  }
0x56a: {  	v49 =	vadd.s32 v52, v34;
	v52 =	vadd.f32 v53, v37;
	v53 =	vld [tilespmem:$0x1FA50]  }
0x56b: {  	v45 =	vadd.f32 v45, v47;
	v0 =	vadd.f32 $3.275117280e-01, v0;
	v48 =	vadd.s32 v60, v34;
	v47 =	vld.idx.msk [tilespmem:v56+s16+$0x0], $0xffff  }
0x56c: {  	v3 =	vadd.s32 v63, v34;
	v63 =	vadd.f32 v27, v24;
	v24 =	vld.idx.msk [tilespmem:v4+s16+$0x0], $0xffff  }
0x56d: {  	v0 =	vmul.f32 v0, v39;
	v60 =	vadd.s32 v58, v34;
	v27 =	vld [tilespmem:$0x1FA20]  }
0x56e: {  	v20 =	vadd.f32 v22, v20;
	v1 =	vadd.f32 v36, v1;
	v56 =	vld [tilespmem:$0x1FAA0]  }
0x56f: {  	v0 =	vadd.f32 $-4.993339480e-01, v0;
	v45 =	vadd.f32 v45, v51;
	v58 =	vld [tilespmem:$0x1FAD0]  }
0x570: {  	v1 =	vadd.f32 v52, v1;
	v36 =	vld.idx.msk [tilespmem:v48+s16+$0x0], $0xffff;
	v20 =	vadd.f32 v63, v20  }
0x571: {  	v55 =	vadd.s32 v55, v34;
	v37 =	vadd.s32 v53, v34;
	v22 =	vld.idx.msk [tilespmem:v3+s16+$0x0], $0xffff  }
0x572: {  	v63 =	vmul.f32 v0, v39;
	v0 =	vsub.f32 $0.0e+00, v1;
	v20 =	vadd.f32 v20, v45;
	v45 =	vld.idx.msk [tilespmem:v60+s16+$0x0], $0xffff  }
0x573: {  	v43 =	vmin.f32 v43, $0.0e+00;
	v5 =	vadd.f32 $2.215976450e-07, v5;
	v60 =	vld [tilespmem:$0x1FAE0]  }
0x574: {  	v4 =	vadd.s32 v27, v34;
	v27 =	vld.idx.msk [tilespmem:v49+s16+$0x0], $0xffff;
	v48 =	vadd.s32 v58, v34;
	v58 =	vand.u32 $0x7FFFFFFF, v0  }
0x575: {  	v1 =	vsub.f32 v43, v5;
	v3 =	vadd.s32 v56, v34;
	v56 =	vld [tilespmem:$0x1FB00];
	v43 =	vsub.f32 $0.0e+00, v58  }
0x576: {  	v5 =	vld.idx.msk [tilespmem:v37+s16+$0x0], $0xffff  }
0x577: {  	v1 =	vadd.f32 v1, v6;
	v6 =	vmul.f32 $1.442695020e+00, v43;
	v43 =	vld.idx.msk [tilespmem:v55+s16+$0x0], $0xffff  }
0x578: {  	v49 =	vadd.s32 v60, v34;
	v60 =	vld [tilespmem:$0x1FB10]  }
0x579: {  	v53 =	vld.idx.msk [tilespmem:v4+s16+$0x0], $0xffff  }
0x57a: {  	v51 =	vld.idx.msk [tilespmem:v3+s16+$0x0], $0xffff  }
0x57b: {  	v4 =	vsub.f32 $0.0e+00, v20;
	v20 =	vadd.s32 v56, v34;
	v48 =	vld.idx.msk [tilespmem:v48+s16+$0x0], $0xffff  }
0x57c: {  	v56 =	vld [tilespmem:$0x1FB40]  }
0x57d: {  	v37 =	vadd.f32 $9.999702570e-01, v63;
	v63 =	vand.u32 $0x7FFFFFFF, v4;
	v3 =	vadd.s32 v60, v34;
	v60 =	vld [tilespmem:$0x1FB20]  }
0x57e: {  	v27 =	vadd.f32 v45, v27;
	v45 =	vld [tilespmem:$0x1FCF0];
	v63 =	vsub.f32 $0.0e+00, v63  }
0x57f: {  	v49 =	vld.idx.msk [tilespmem:v49+s16+$0x0], $0xffff  }
0x580: {  	v37 =	vmul.f32 v37, v39;
	v39 =	vmul.f32 $1.442695020e+00, v63;
	v20 =	vld.idx.msk [tilespmem:v20+s16+$0x0], $0xffff  }
0x581: {  	(erf) = vpow2.f32 v6;
	v63 =	vld [tilespmem:$0x1FBA0];
	v5 =	vadd.f32 v5, v53  }
0x582: {  	(erf) = vpow2.f32 v39;
	v39 =	vld [tilespmem:$0x1F7B0];
	v58 =	vadd.s32 v60, v34  }
0x583: {  	v5 =	vadd.f32 v5, v27;
	v27 =	vld [tilespmem:$0x1FD50]  }
0x584: {  	v37 =	vadd.f32 $2.215976450e-07, v37;
	v56 =	vadd.s32 v56, v34;
	v60 =	vld [tilespmem:$0x1FB80]  }
0x585: {  	v52 =	vmin.f32 v9, $0.0e+00;
	v9 =	vld.idx.msk [tilespmem:v3+s16+$0x0], $0xffff  }
0x586: {  	v3 =	vsub.f32 v52, v37;
	v52 =	vld [tilespmem:$0x1FBC0]  }
0x587: {  	v6 =	vld.idx.msk [tilespmem:v58+s16+$0x0], $0xffff  }
0x588: {  	v58 =	vld [tilespmem:$0x1F7C0]  }
0x589: {  	v56 =	vld.idx.msk [tilespmem:v56+s16+$0x0], $0xffff;
	v55 =	vadd.s32 v60, v34  }
0x58a: {  	v53 =	vadd.f32 v43, v49;
	v43 =	vld [tilespmem:$0x1FD70]  }
0x58b: {  	v60 =	vadd.s32 v63, v34;
	v37 =	vadd.s32 v52, v34;
	v52 =	vld [tilespmem:$0x1F7E0]  }
0x58c: {  	v63 =	vld [tilespmem:$0x1FBB0]  }
0x58d: {  	v39 =	vadd.f32 v58, v39;
	v58 =	vld [tilespmem:$0x1F7D0]  }
0x58e: {  	v41 =	vadd.f32 v44, v41;
	v44 =	vadd.f32 v50, v46;
	v46 =	vld.idx.msk [tilespmem:v55+s16+$0x0], $0xffff  }
0x58f: {  	v55 =	vld [tilespmem:$0x1FBE0]  }
0x590: {  	v52 =	vadd.f32 v57, v52;
	v57 =	vld.idx.msk [tilespmem:v60+s16+$0x0], $0xffff  }
0x591: {  	v63 =	vadd.s32 v63, v34;
	v60 =	vld [tilespmem:$0x1FD30]  }
0x592: {  	v37 =	vld.idx.msk [tilespmem:v37+s16+$0x0], $0xffff  }
0x593: {  	v35 =	vadd.f32 v35, v38;
	v6 =	vadd.f32 v56, v6;
	v56 =	vld [tilespmem:$0x1FD10]  }
0x594: {  	v19 =	vadd.f32 v23, v19;
	v40 =	vadd.f32 v40, v58;
	v58 =	vld [tilespmem:$0x1FBD0]  }
0x595: {  	v50 =	vadd.s32 v55, v34;
	v55 =	vadd.f32 v61, v59;
	v61 =	vld [tilespmem:$0x1FBF0]  }
0x596: {  	v19 =	vadd.f32 v19, v35;
	v23 =	vld.idx.msk [tilespmem:v63+s16+$0x0], $0xffff;
	v39 =	vadd.f32 v40, v39  }
0x597: {  	v63 =	vld [tilespmem:$0x1FC00];
	v40 =	vadd.f32 v44, v41;
	v44 =	vadd.f32 v55, v52  }
0x598: {  	v55 =	vld [tilespmem:$0x1FC70]  }
0x599: {  	v19 =	vadd.f32 v19, v44;
	v44 =	vld [tilespmem:$0x1FCA0]  }
0x59a: {  	v59 =	vadd.s32 v61, v34;
	v61 =	vld [tilespmem:$0x1FC10]  }
0x59b: {  	v21 =	vadd.f32 v42, v21;
	v42 =	vld.idx.msk [tilespmem:v50+s16+$0x0], $0xffff  }
0x59c: {  	v16 =	vadd.f32 v16, v62;
	v58 =	vadd.s32 v58, v34;
	v38 =	vadd.s32 v63, v34;
	v63 =	vld [tilespmem:$0x1FC40]  }
0x59d: {  	v57 =	vadd.f32 v57, v46;
	v50 =	vld [tilespmem:$0x1FCB0];
	v23 =	vadd.f32 v37, v23  }
0x59e: {  	v16 =	vadd.f32 v21, v16;
	v21 =	vadd.s32 v55, v34;
	v55 =	vld [tilespmem:$0x1FCC0]  }
0x59f: {  	v23 =	vadd.f32 v23, v57;
	v57 =	vld [tilespmem:$0x1FDC0]  }
0x5a0: {  	v41 =	vadd.s32 v61, v34;
	v61 =	vld [tilespmem:$0x1FC20]  }
0x5a1: {  	v35 =	vld.idx.msk [tilespmem:v58+s16+$0x0], $0xffff  }
0x5a2: {  	v58 =	vld [tilespmem:$0x1FC30]  }
0x5a3: {  	v15 =	vadd.f32 v15, v25;
	v25 =	vld.idx.msk [tilespmem:v59+s16+$0x0], $0xffff  }
0x5a4: {  	v7 =	vadd.f32 v7, v13;
	v13 =	vld.idx.msk [tilespmem:v38+s16+$0x0], $0xffff  }
0x5a5: {  	v18 =	vadd.f32 v29, v18;
	v29 =	vadd.s32 v63, v34;
	v38 =	vld [tilespmem:$0x1FC50]  }
0x5a6: {  	v63 =	vld [tilespmem:$0x1FC90]  }
0x5a7: {  	v10 =	vadd.f32 v12, v10;
	v12 =	vadd.s32 v50, v34;
	v50 =	vld [tilespmem:$0x1FD00]  }
0x5a8: {  	v21 =	vld.idx.msk [tilespmem:v21+s16+$0x0], $0xffff  }
0x5a9: {  	v8 =	vadd.f32 v33, v8;
	v52 =	vadd.s32 v61, v34;
	v33 =	vld.idx.msk [tilespmem:v41+s16+$0x0], $0xffff  }
0x5aa: {  	v62 =	vadd.s32 v58, v34;
	v29 =	vld.idx.msk [tilespmem:v29+s16+$0x0], $0xffff  }
0x5ab: {  	v24 =	vadd.f32 v24, v47;
	v22 =	vadd.f32 v22, v36;
	v41 =	vld [tilespmem:$0x1FCE0]  }
0x5ac: {  	v30 =	vadd.f32 v31, v30;
	v31 =	vadd.s32 v38, v34;
	v12 =	vld.idx.msk [tilespmem:v12+s16+$0x0], $0xffff  }
0x5ad: {  	v47 =	vadd.f32 v22, v24;
	v38 =	vadd.s32 v54, v34;
	v22 =	vadd.s32 v50, v34;
	v50 =	vld [tilespmem:$0x1FDA0]  }
0x5ae: {  	v15 =	vadd.f32 v18, v15;
	v18 =	vld.idx.msk [tilespmem:v52+s16+$0x0], $0xffff  }
0x5af: {  	v7 =	vadd.f32 v7, v30;
	v8 =	vadd.f32 v32, v8;
	v30 =	vld.idx.msk [tilespmem:v62+s16+$0x0], $0xffff  }
0x5b0: {  	v15 =	vadd.f32 v15, v16;
	v16 =	vadd.s32 v44, v34;
	v62 =	vld [tilespmem:$0x1FC80]  }
0x5b1: {  	v7 =	vadd.f32 v8, v7;
	v8 =	vld.idx.msk [tilespmem:v31+s16+$0x0], $0xffff  }
0x5b2: {  	v2 =	vadd.f32 v11, v2;
	v9 =	vadd.f32 v9, v20;
	v11 =	vld.idx.msk [tilespmem:v38+s16+$0x0], $0xffff  }
0x5b3: {  	v14 =	vadd.f32 v17, v14;
	v52 =	vadd.f32 v28, v26;
	v26 =	vadd.s32 v55, v34;
	v55 =	vld [tilespmem:$0x1FD20]  }
0x5b4: {  	v6 =	vadd.f32 v6, v9;
	v9 =	vld.idx.msk [tilespmem:v22+s16+$0x0], $0xffff  }
0x5b5: {  	v39 =	vadd.f32 v40, v39;
	v40 =	vadd.s32 v63, v34;
	v44 =	vadd.f32 v52, v14;
	v14 =	vld.idx.msk [tilespmem:v16+s16+$0x0], $0xffff  }
0x5b6: {  	v63 =	vadd.s32 v41, v34;
	v16 =	vadd.s32 v45, v34;
	v52 =	vadd.f32 v48, v51;
	v45 =	vld [tilespmem:$0x1FD90]  }
0x5b7: {  	v48 =	vld [tilespmem:$0x1FD80]  }
0x5b8: {  	v24 =	vadd.f32 v53, v52;
	v53 =	vld [tilespmem:$0x1FDB0];
	v32 =	vadd.s32 v62, v34  }
0x5b9: {  	v62 =	vld [tilespmem:$0x1FCD0]  }
0x5ba: {  	v35 =	vadd.f32 v42, v35;
	v13 =	vadd.f32 v13, v25;
	v26 =	vld.idx.msk [tilespmem:v26+s16+$0x0], $0xffff  }
0x5bb: {  	v22 =	vadd.s32 v27, v34;
	v36 =	vld.idx.msk [tilespmem:v63+s16+$0x0], $0xffff  }
0x5bc: {  	v13 =	vadd.f32 v13, v35;
	v63 =	vld [tilespmem:$0x1FD40]  }
0x5bd: {  	v28 =	vld.idx.msk [tilespmem:v32+s16+$0x0], $0xffff  }
0x5be: {  	v13 =	vadd.f32 v13, v23;
	v6 =	vadd.f32 v6, v24;
	v46 =	vadd.s32 v45, v34;
	v32 =	vld.idx.msk [tilespmem:v40+s16+$0x0], $0xffff  }
0x5bf: {  	v42 =	vadd.f32 v5, v47;
	v5 =	vadd.f32 v19, v39;
	v19 =	vadd.s32 v48, v34;
	v40 =	vld [tilespmem:$0x1FD60]  }
0x5c0: {  	v2 =	vadd.f32 v10, v2;
	v49 =	vld.idx.msk [tilespmem:v22+s16+$0x0], $0xffff;
	v10 =	vadd.f32 v13, v6;
	v13 =	vadd.s32 v50, v34  }
0x5c1: {  	v18 =	vadd.f32 v18, v33;
	v33 =	vld [tilespmem:$0x1FDE0];
	v31 =	vadd.s32 v62, v34  }
0x5c2: {  	v16 =	vld.idx.msk [tilespmem:v16+s16+$0x0], $0xffff;
	v62 =	vadd.s32 v60, v34  }
0x5c3: {  	v24 =	vld.idx.msk [tilespmem:v46+s16+$0x0], $0xffff  }
0x5c4: {  	v19 =	vld.idx.msk [tilespmem:v19+s16+$0x0], $0xffff;
	v35 =	vadd.s32 v40, v34  }
0x5c5: {  	v13 =	vld.idx.msk [tilespmem:v13+s16+$0x0], $0xffff  }
0x5c6: {  	v7 =	vadd.f32 v7, v15;
	v20 =	vld.idx.msk [tilespmem:v31+s16+$0x0], $0xffff  }
0x5c7: {  	v2 =	vadd.f32 v44, v2;
	v38 =	vadd.s32 v55, v34;
	v22 =	vpop (erf);
	v25 =	vadd.s32 v63, v34;
	v23 =	vld.idx.msk [tilespmem:v62+s16+$0x0], $0xffff  }
0x5c8: {  	v51 =	vadd.f32 v29, v30;
	v55 =	vmul.f32 $1.024382840e-02, v22;
	v31 =	vadd.s32 v56, v34;
	v62 =	vld [tilespmem:$0x1FDD0]  }
0x5c9: {  	v44 =	vadd.s32 v43, v34;
	v8 =	vadd.f32 v11, v8;
	v2 =	vadd.f32 v42, v2;
	v52 =	vld.idx.msk [tilespmem:v35+s16+$0x0], $0xffff  }
0x5ca: {  	v18 =	vadd.f32 v51, v18;
	v48 =	vand.u32 $0x7FFFFFFF, v5;
	v63 =	vadd.f32 $-5.326747890e-02, v55;
	v35 =	vld [tilespmem:$0x1FDF0]  }
0x5cb: {  	v30 =	vadd.s32 v53, v34;
	v12 =	vadd.f32 v26, v12;
	v20 =	vadd.f32 v36, v20;
	v36 =	vld [tilespmem:$0x1FE00]  }
0x5cc: {  	v26 =	vadd.s32 v33, v34;
	v55 =	vsub.f32 $0.0e+00, v2;
	v47 =	vld.idx.msk [tilespmem:v25+s16+$0x0], $0xffff;
	v21 =	vadd.f32 v28, v21  }
0x5cd: {  	v14 =	vadd.f32 v14, v32;
	v32 =	vmul.f32 v63, v22;
	v25 =	vpop (erf);
	v17 =	vld.idx.msk [tilespmem:v31+s16+$0x0], $0xffff;
	v31 =	vadd.s32 v57, v34  }
0x5ce: {  	v9 =	vadd.f32 v9, v16;
	v56 =	vld.idx.msk [tilespmem:v44+s16+$0x0], $0xffff;
	v37 =	vmul.f32 $1.024382840e-02, v25;
	v28 =	vadd.s32 v62, v34  }
0x5cf: {  	v27 =	vld.idx.msk [tilespmem:v38+s16+$0x0], $0xffff;
	v8 =	vadd.f32 v21, v8;
	v39 =	vadd.f32 $1.319896580e-01, v32;
	v16 =	vadd.s32 v35, v34  }
0x5d0: {  	v30 =	vld.idx.msk [tilespmem:v30+s16+$0x0], $0xffff;
	v12 =	vadd.f32 v12, v14;
	v40 =	vadd.f32 $-5.326747890e-02, v37;
	v33 =	vadd.s32 v36, v34  }
0x5d1: {  	v42 =	vld.idx.msk [tilespmem:v26+s16+$0x0], $0xffff;
	v13 =	vadd.f32 v13, v19;
	v18 =	vadd.f32 v8, v18;
	v44 =	vmul.f32 v39, v22  }
0x5d2: {  	v15 =	vadd.f32 v47, v23;
	v46 =	vmul.f32 v40, v25;
	v62 =	vsub.f32 $0.0e+00, v10;
	v38 =	vld.idx.msk [tilespmem:v31+s16+$0x0], $0xffff  }
0x5d3: {  	v11 =	vadd.f32 v24, v56;
	v23 =	vsub.f32 $0.0e+00, v48;
	v57 =	vand.u32 $0x7FFFFFFF, v55;
	v28 =	vld.idx.msk [tilespmem:v28+s16+$0x0], $0xffff  }
0x5d4: {  	v63 =	vsub.f32 $0.0e+00, v57;
	v9 =	vadd.f32 v9, v20;
	v19 =	vand.u32 $0x7FFFFFFF, v62;
	v16 =	vld.idx.msk [tilespmem:v16+s16+$0x0], $0xffff  }
0x5d5: {  	v6 =	vadd.f32 $1.319896580e-01, v46;
	v23 =	vmul.f32 $1.442695020e+00, v23;
	v21 =	vsub.f32 $0.0e+00, v19;
	v47 =	vld.idx.msk [tilespmem:v33+s16+$0x0], $0xffff  }
0x5d6: {  	v9 =	vadd.f32 v9, v12;
	v43 =	vadd.f32 v17, v27  }
0x5d7: {  	(erf) = vpow2.f32 v23;
	v45 =	vadd.f32 v52, v49;
	v17 =	vadd.f32 $-2.239668970e-01, v44  }
0x5d8: {  	v50 =	vmul.f32 v6, v25;
	v6 =	vsub.f32 $0.0e+00, v7;
	v12 =	vadd.f32 v15, v43  }
0x5d9: {  	v17 =	vmul.f32 v17, v22;
	v11 =	vadd.f32 v11, v45;
	v49 =	vadd.f32 v38, v30  }
0x5da: {  	v53 =	vand.u32 $0x7FFFFFFF, v6;
	v14 =	vadd.f32 v42, v28;
	v8 =	vadd.f32 v47, v16  }
0x5db: {  	v15 =	vsub.f32 $0.0e+00, v53;
	v51 =	vadd.f32 $3.275117280e-01, v17  }
0x5dc: {  	v10 =	vmul.f32 $1.442695020e+00, v63;
	v13 =	vadd.f32 v49, v13;
	v14 =	vadd.f32 v8, v14  }
0x5dd: {  	v27 =	vmul.f32 $1.442695020e+00, v21;
	v9 =	vadd.f32 v9, v18;
	v15 =	vmul.f32 $1.442695020e+00, v15  }
0x5de: {  	v11 =	vadd.f32 v11, v12;
	v17 =	vmul.f32 v51, v22;
	v20 =	vadd.f32 v14, v13  }
0x5df: {  	v52 =	vadd.f32 $-2.239668970e-01, v50;
	v9 =	vsub.f32 $0.0e+00, v9;
	(erf) = vpow2.f32 v15  }
0x5e0: {  	(erf) = vpow2.f32 v10;
	v56 =	vadd.f32 $-4.993339480e-01, v17;
	v24 =	vpop (erf);
	v11 =	vadd.f32 v20, v11  }
0x5e1: {  	v28 =	vand.u32 $0x7FFFFFFF, v9;
	(erf) = vpow2.f32 v27;
	v26 =	vmul.f32 $1.024382840e-02, v24  }
0x5e2: {  	v16 =	vmul.f32 v52, v25;
	v2 =	vmul.f32 v56, v22;
	v11 =	vsub.f32 $0.0e+00, v11  }
0x5e3: {  	v12 =	vadd.f32 $-5.326747890e-02, v26;
	v13 =	vsub.f32 $0.0e+00, v28  }
0x5e4: {  	v16 =	vadd.f32 $3.275117280e-01, v16;
	v2 =	vadd.f32 $9.999702570e-01, v2;
	v29 =	vand.u32 $0x7FFFFFFF, v11  }
0x5e5: {  	v12 =	vmul.f32 v12, v24;
	v13 =	vmul.f32 $1.442695020e+00, v13;
	v10 =	vsub.f32 $0.0e+00, v29  }
0x5e6: {  	v23 =	vmul.f32 v16, v25;
	v2 =	vmul.f32 v2, v22  }
0x5e7: {  	v0 =	vmin.f32 v0, $0.0e+00;
	(erf) = vpow2.f32 v13;
	v10 =	vmul.f32 $1.442695020e+00, v10  }
0x5e8: {  	v4 =	vmin.f32 v4, $0.0e+00;
	v12 =	vadd.f32 $1.319896580e-01, v12;
	v31 =	vpop (erf);
	v14 =	vadd.f32 $-4.993339480e-01, v23  }
0x5e9: {  	v2 =	vadd.f32 $2.215976450e-07, v2;
	v32 =	vmul.f32 $1.024382840e-02, v31;
	v34 =	vpop (erf);
	(erf) = vpow2.f32 v10  }
0x5ea: {  	v1 =	vadd.f32 v3, v1;
	v12 =	vmul.f32 v12, v24;
	v36 =	vmul.f32 $1.024382840e-02, v34  }
0x5eb: {  	v37 =	vpop (erf);
	v30 =	vmul.f32 v14, v25;
	v0 =	vsub.f32 v0, v2;
	v33 =	vadd.f32 $-5.326747890e-02, v32  }
0x5ec: {  	v38 =	vmul.f32 $1.024382840e-02, v37;
	v12 =	vadd.f32 $-2.239668970e-01, v12;
	v2 =	vadd.f32 $-5.326747890e-02, v36  }
0x5ed: {  	v5 =	vmin.f32 v5, $0.0e+00;
	v3 =	vadd.f32 $9.999702570e-01, v30;
	v35 =	vmul.f32 v33, v31  }
0x5ee: {  	v16 =	vadd.f32 $-5.326747890e-02, v38;
	v12 =	vmul.f32 v12, v24;
	v2 =	vmul.f32 v2, v34  }
0x5ef: {  	v0 =	vadd.f32 v0, v1;
	v3 =	vmul.f32 v3, v25;
	v1 =	vadd.f32 $1.319896580e-01, v35  }
0x5f0: {  	v16 =	vmul.f32 v16, v37;
	v39 =	vadd.f32 $3.275117280e-01, v12;
	v2 =	vadd.f32 $1.319896580e-01, v2;
	v40 =	vpop (erf)  }
0x5f1: {  	v3 =	vadd.f32 $2.215976450e-07, v3;
	v1 =	vmul.f32 v1, v31;
	v43 =	vmul.f32 $1.024382840e-02, v40  }
0x5f2: {  	v16 =	vadd.f32 $1.319896580e-01, v16;
	v42 =	vmul.f32 v39, v24;
	v2 =	vmul.f32 v2, v34;
	v44 =	vpop (erf)  }
0x5f3: {  	v3 =	vsub.f32 v4, v3;
	v4 =	vadd.f32 $-5.326747890e-02, v43;
	v45 =	vmul.f32 $1.024382840e-02, v44  }
0x5f4: {  	v1 =	vadd.f32 $-2.239668970e-01, v1;
	v16 =	vmul.f32 v16, v37;
	v2 =	vadd.f32 $-2.239668970e-01, v2  }
0x5f5: {  	v0 =	vadd.f32 v3, v0;
	v4 =	vmul.f32 v4, v40;
	v18 =	vadd.f32 $-5.326747890e-02, v45  }
0x5f6: {  	v3 =	vadd.f32 $-4.993339480e-01, v42;
	v1 =	vmul.f32 v1, v31;
	v16 =	vadd.f32 $-2.239668970e-01, v16  }
0x5f7: {  	v2 =	vmul.f32 v2, v34;
	v4 =	vadd.f32 $1.319896580e-01, v4;
	v18 =	vmul.f32 v18, v44  }
0x5f8: {  	v3 =	vmul.f32 v3, v24;
	v1 =	vadd.f32 $3.275117280e-01, v1;
	v16 =	vmul.f32 v16, v37  }
0x5f9: {  	v2 =	vadd.f32 $3.275117280e-01, v2;
	v4 =	vmul.f32 v4, v40;
	v46 =	vadd.f32 $1.319896580e-01, v18  }
0x5fa: {  	v3 =	vadd.f32 $9.999702570e-01, v3;
	v1 =	vmul.f32 v1, v31;
	v16 =	vadd.f32 $3.275117280e-01, v16  }
0x5fb: {  	v2 =	vmul.f32 v2, v34;
	v4 =	vadd.f32 $-2.239668970e-01, v4;
	v15 =	vmul.f32 v46, v44  }
0x5fc: {  	v3 =	vmul.f32 v3, v24;
	v1 =	vadd.f32 $-4.993339480e-01, v1;
	v16 =	vmul.f32 v16, v37  }
0x5fd: {  	v2 =	vadd.f32 $-4.993339480e-01, v2;
	v4 =	vmul.f32 v4, v40;
	v15 =	vadd.f32 $-2.239668970e-01, v15  }
0x5fe: {  	v3 =	vadd.f32 $2.215976450e-07, v3;
	v1 =	vmul.f32 v1, v31;
	v48 =	vadd.f32 $-4.993339480e-01, v16  }
0x5ff: {  	v2 =	vmul.f32 v2, v34;
	v4 =	vadd.f32 $3.275117280e-01, v4;
	v47 =	vmul.f32 v15, v44  }
0x600: {  	v1 =	vadd.f32 $9.999702570e-01, v1;
	v3 =	vsub.f32 v5, v3  }
0x601: {  	v2 =	vadd.f32 $9.999702570e-01, v2;
	v49 =	vmul.f32 v4, v40;
	v50 =	vadd.f32 $3.275117280e-01, v47  }
0x602: {  	v51 =	vmul.f32 v48, v37;
	v1 =	vmul.f32 v1, v31;
	v0 =	vadd.f32 v3, v0  }
0x603: {  	v2 =	vmul.f32 v2, v34;
	v3 =	vadd.f32 $-4.993339480e-01, v49;
	v4 =	vmul.f32 v50, v44  }
0x604: {  	v6 =	vmin.f32 v6, $0.0e+00;
	v5 =	vadd.f32 $9.999702570e-01, v51;
	v1 =	vadd.f32 $2.215976450e-07, v1  }
0x605: {  	v2 =	vadd.f32 $2.215976450e-07, v2;
	v3 =	vmul.f32 v3, v40;
	v4 =	vadd.f32 $-4.993339480e-01, v4  }
0x606: {  	v53 =	vmin.f32 v55, $0.0e+00;
	v52 =	vmul.f32 v5, v37;
	v1 =	vsub.f32 v6, v1  }
0x607: {  	v2 =	vsub.f32 v53, v2;
	v3 =	vadd.f32 $9.999702570e-01, v3;
	v4 =	vmul.f32 v4, v44  }
0x608: {  	v0 =	vadd.f32 v1, v0;
	v1 =	vadd.f32 $2.215976450e-07, v52  }
0x609: {  	v55 =	vmin.f32 v62, $0.0e+00;
	v3 =	vmul.f32 v3, v40;
	v4 =	vadd.f32 $9.999702570e-01, v4  }
0x60a: {  	v0 =	vadd.f32 v2, v0;
	v1 =	vsub.f32 v55, v1  }
0x60b: {  	v3 =	vadd.f32 $2.215976450e-07, v3;
	v56 =	vmul.f32 v4, v44  }
0x60c: {  	p3 =	por p2, p2;
	v57 =	vmin.f32 v9, $0.0e+00;
	v0 =	vadd.f32 v1, v0  }
.Ltmp5:
0x60d: {  	v1 =	vsub.f32 v57, v3;
	v2 =	vadd.f32 $2.215976450e-07, v56;
	(pc) =	sbr.rel @p3 .LBB2_8-.Ltmp5, $3  }
0x60e: {  	v62 =	vmin.f32 v11, $0.0e+00  }
0x60f: {  	v0 =	vadd.f32 v1, v0;
	v63 =	vsub.f32 v62, v2;
	_ =	sdelay $0x1  }
0x610: {  	s24 =	simm.s32 $0x20;
	p2 =	por $0x0, $0x0;
	v59 =	vld [tilespmem:$0x1FE60];
	v56 =	vadd.f32 v63, v0  }
.Ltmp6:
0x611: {  	(pc) =	sbr.rel @p1 .LBB2_11-.Ltmp6, $1  }
0x612: {  	_ =	sdelay $0x3  }
0x613: {  	s3 =	sadd.s32 $0x3, s22  }
0x614: {  	s5 =	sshll.u32 s3, $0x6;
	s3 =	smul.u32 $0x500, s3  }
0x615: {  	[tilespmem:s23], [sflag:$0x2] =	stream.indirect.gather [hbm4b:s1+s14], $0x80, s5, s14, $0xb8;
	[tilespmem:$0x1E920] =	vst v63  }
0x616: {  	s5 =	sadd.s32 $0x200, s5;
	s3 =	sshra.s32 s3, $0x2  }
0x617: {  	[tilespmem:s25], [sflag:$0x2] =	stream.indirect.gather [hbm4b:s2+s14], $0x80, s5, s14, $0xb8;
	[tilespmem:$0x1E920] =	vst v63  }
0x618: {  	s29 =	sadd.s32 $0x400, s3  }
0x619: {  	[tilespmem:s28], [sflag:$0x2] =	stream.indirect.gather [hbm4b:s2+s17], $0x80, s29, s17, $0xb8;
	[tilespmem:$0x1E920] =	vst v63  }
.Ltmp7:
0x61a: {  	_ = 	snop;
	(pc) =	sbr.rel .LBB2_2-.Ltmp7, $4  }
0x61b: {  	s31 =	sadd.s32 $0x480, s3  }
0x61c: {  	[tilespmem:s30], [sflag:$0x2] =	stream.indirect.gather [hbm4b:s2+s17], $0x80, s31, s17, $0xb8;
	[tilespmem:$0x1E920] =	vst v63  }
0x61d: {  	s21 =	sadd.s32 $0x1, s21;
	s3 =	sadd.s32 $0x500, s3  }
0x61e: {  	v0 =	vmov v56;
	[tilespmem:s0], [sflag:$0x2] =	stream.indirect.gather [hbm4b:s2+s14], $0x80, s3, s14, $0xb8;
	[tilespmem:$0x1E920] =	vst v63  }
.LBB2_12:
0x61f: {  	_ =	sfence.sel $0x180000  }
0x620: {  	[bflag:$0x0] =	sbarrier.arrive $0xFFFF  }
0x621: {  	_ =	strace $0x90000047  }
0x622: {  	[bflag:$0x2] =	sbarrier.arrive $0xFFFF  }
0x623: {  	s0 =	rddreg [dreg:$0x7]  }
0x624: {  	s0 =	sadd.s32 @!p0 $0x100000, s0  }
0x625: {  	[sflag:s0] =	ssyncadd.tile.s32 @!p0 $0x1;
	_ =	shalt  }
.Lfunc_end2:
_tile_overlayer_lowered:
.L_overlay_start_2:
0x626: {  	(tag) =	ssettag $0x2  }
0x627: {  	s0 =	rddreg [dreg:$0x0];
	s2 =	stileid.u32  }
0x628: {  	s1 =	rddreg [dreg:$0x1];
	p0 =	sne.s32 s2, $0x0  }
0x629: {  	s3 =	rddreg [dreg:$0x2];
	[bflag:$0x3] =	sbarrier.arrive $0xFFFF;
	s2 =	simm.s32 @!p0 $0x1C03  }
0x62a: {  	[timem:s3], [sflag:s2] =	dma.local @!p0 [hbm:s0], s1  }
0x62b: {  	s0 =	simm.s32 @!p0 $0x3  }
0x62c: {  	_ =	swait.ge @!p0 [sflag:s0], s1  }
0x62d: {  	s1 =	ssub.s32 @!p0 $0x0, s1;
	[sflag:s0] =	ssyncset.done @!p0 $0x0  }
0x62e: {  	[sflag:s0] =	ssyncadd.s32 @!p0 s1  }
0x62f: {  	[bflag:$0x3] =	sbarrier.arrive $0xFFFF  }
0x630: {  	_ =	shalt  }

</sc_bundles>
